<compile_context>
chip_gen: v7x
topology: tpu7x:2x2x1
jax: 0.10.2.dev20260603
libtpu: 0.0.44.dev20260713+nightly
codegen_flags: <defaults>
</compile_context>

<pallas_src>
import functools

import jax
import jax.numpy as jnp
from jax import lax
from jax.experimental import pallas as pl
from jax.experimental.pallas import tpu as pltpu
from jax.experimental.pallas import tpu_sc as plsc

B = 4096
L = 20
DIM = 64
NC = 2
NS = 16
NW = NC * NS
RPW = B // NW
NV = DIM // 16
NBUF = 4
NRV = RPW // 16


def _sc_pool(s_t, o_t, p, W_words, W_rel):
    mesh = plsc.VectorSubcoreMesh(core_axis_name="c", subcore_axis_name="s")

    @functools.partial(
        pl.kernel,
        out_type=[jax.ShapeDtypeStruct((B, DIM), jnp.float32)] * 3,
        mesh=mesh,
        compiler_params=pltpu.CompilerParams(use_tc_tiling_on_sc=False,
                                             needs_layout_passes=False),
        scratch_types=[
            pltpu.VMEM((L, RPW), jnp.int32),
            pltpu.VMEM((RPW, DIM), jnp.float32),
            pltpu.VMEM((RPW, DIM), jnp.float32),
            pltpu.VMEM((RPW, DIM), jnp.float32),
            pltpu.VMEM((RPW, DIM), jnp.float32),
            pltpu.VMEM((RPW, DIM), jnp.float32),
            pltpu.VMEM((RPW,), jnp.float32),
            pltpu.VMEM((RPW,), jnp.int32),
            pltpu.VMEM((RPW, DIM), jnp.float32),
            pltpu.SemaphoreType.DMA,
            pltpu.SemaphoreType.DMA,
            pltpu.SemaphoreType.DMA,
            pltpu.SemaphoreType.DMA,
            pltpu.SemaphoreType.DMA,
        ],
    )
    def sc_kernel(s_hbm, o_hbm, p_hbm, ww_hbm, wr_hbm,
                  s_out, o_out, p_out,
                  idx_v, gbuf0, gbuf1, gbuf2, gbuf3, out_v, freq_v,
                  pidx_v, prow_v, sem0, sem1, sem2, sem3, psem):
        wid = lax.axis_index("s") * NC + lax.axis_index("c")
        base = wid * RPW
        bufs = (gbuf0, gbuf1, gbuf2, gbuf3)
        sems = (sem0, sem1, sem2, sem3)

        pltpu.sync_copy(p_hbm.at[pl.ds(base, RPW)], pidx_v)
        pltpu.make_async_copy(wr_hbm.at[pidx_v], prow_v, psem).start()

        def run_side(side_hbm, side_out):
            pltpu.sync_copy(side_hbm.at[:, pl.ds(base, RPW)], idx_v)

            def start(l, b):
                pltpu.make_async_copy(ww_hbm.at[idx_v.at[l]], bufs[b],
                                      sems[b]).start()

            def wait(b):
                pltpu.make_async_copy(ww_hbm.at[idx_v.at[0]], bufs[b],
                                      sems[b]).wait()

            for b in range(NBUF - 1):
                start(b, b)

            for rv in range(NRV):
                sl = pl.ds(rv * 16, 16)
                cnt = jnp.zeros((16,), jnp.int32)
                for li in range(L):
                    cnt = cnt + jnp.minimum(idx_v[li, sl], 1)
                freq_v[sl] = cnt.astype(jnp.float32)


            def zero_body(i, carry):
                for u in range(4):
                    r = i * 4 + u
                    for d in range(NV):
                        out_v[r, pl.ds(d * 16, 16)] = jnp.zeros(
                            (16,), jnp.float32)
                return carry

            lax.fori_loop(0, RPW // 4, zero_body, 0)

            def acc_body(g, carry):
                for b in range(NBUF):
                    l = g * NBUF + b
                    wait(b)
                    gb = bufs[b]

                    nxt = l + NBUF - 1

                    @pl.when(nxt < L)
                    def _():
                        start(nxt, (b + NBUF - 1) % NBUF)

                    def row_body(i, c2, gb=gb):
                        for u in range(4):
                            r = i * 4 + u
                            for d in range(NV):
                                plsc.addupdate(
                                    out_v.at[r, pl.ds(d * 16, 16)],
                                    gb[r, pl.ds(d * 16, 16)])
                        return c2

                    lax.fori_loop(0, RPW // 4, row_body, 0)
                return carry

            lax.fori_loop(0, L // NBUF, acc_body, 0)

            def scale_body(i, carry):
                for u in range(2):
                    r = i * 2 + u
                    fspl = plsc.load_gather(freq_v,
                                            [jnp.full((16,), r, jnp.int32)])
                    for d in range(NV):
                        sl = pl.ds(d * 16, 16)
                        out_v[r, sl] = out_v[r, sl] * fspl
                return carry

            lax.fori_loop(0, RPW // 2, scale_body, 0)
            pltpu.sync_copy(out_v, side_out.at[pl.ds(base, RPW)])

        run_side(s_hbm, s_out)
        run_side(o_hbm, o_out)

        pltpu.make_async_copy(wr_hbm.at[pidx_v], prow_v, psem).wait()
        pltpu.sync_copy(prow_v, p_out.at[pl.ds(base, RPW)])

    return sc_kernel(s_t, o_t, p, W_words, W_rel)


def _tc_dense(se_f, oe_f, pe_f, W2blk, b2, E2):

    def tc_kernel(se_ref, oe_ref, pe_ref, w_ref, b_ref, e_ref, out_ref):
        w2 = w_ref[...]
        b2 = b_ref[...]
        st = jnp.maximum(
            jnp.dot(se_ref[...], w2, preferred_element_type=jnp.float32)
            + b2, 0.0)
        ot = jnp.maximum(
            jnp.dot(oe_ref[...], w2, preferred_element_type=jnp.float32)
            + b2, 0.0)
        prod = st * pe_ref[...] * ot
        out_ref[...] = jnp.dot(prod, e_ref[...],
                               preferred_element_type=jnp.float32)

    return pl.pallas_call(
        tc_kernel,
        out_shape=jax.ShapeDtypeStruct((B // 2, 2), jnp.float32),
    )(se_f, oe_f, pe_f, W2blk, b2, E2)


def kernel(s, o, p, W_words, W_rel, W_lin, b_lin):
    s_t = s.T.astype(jnp.int32)
    o_t = o.T.astype(jnp.int32)
    p_i = p.astype(jnp.int32)
    s_emb, o_emb, p_emb = _sc_pool(s_t, o_t, p_i, W_words, W_rel)
    se_f = s_emb.reshape(B // 2, 2 * DIM)
    oe_f = o_emb.reshape(B // 2, 2 * DIM)
    pe_f = p_emb.reshape(B // 2, 2 * DIM)
    wt = W_lin.T
    W2blk = jnp.zeros((2 * DIM, 2 * DIM), jnp.float32)
    W2blk = W2blk.at[:DIM, :DIM].set(wt).at[DIM:, DIM:].set(wt)
    b2 = jnp.concatenate([b_lin, b_lin]).reshape(1, 2 * DIM)
    half = jnp.arange(2 * DIM) >= DIM
    E2 = jnp.stack([(~half).astype(jnp.float32),
                    half.astype(jnp.float32)], axis=1)
    pred_f = _tc_dense(se_f, oe_f, pe_f, W2blk, b2, E2)
    return pred_f.reshape(B)

# --- scband reference (transcript-rebuilt; emitter-appended) ---
"""Pipeline reference for scband-dist-mult-73169062855095 (READ-ONLY COPY).

The authoritative reference and input builder live on the scoring server;
editing this copy changes nothing except your own understanding.
"""

import jax, jax.numpy as jnp
import numpy as np

VOCAB = 100000
DIM = 64
REL_DIM = 64
N_R = 1000
B = 4096
L = 20


def setup_inputs(seed: int = 0) -> dict:
    key = jax.random.key(seed)
    k1, k2, k3, k4, k5, k6 = jax.random.split(key, 6)
    s = jax.random.randint(k1, (B, L), 0, VOCAB)
    o = jax.random.randint(k2, (B, L), 0, VOCAB)
    p = jax.random.randint(k3, (B,), 0, N_R)
    # embed_words initialized from pretrained `weights`; padding_idx=0 -> row 0 zero
    W_words = jax.random.normal(k4, (VOCAB, DIM), dtype=jnp.float32) * 0.02
    W_words = W_words.at[0].set(0.0)
    # embed_rel: xavier_normal_; padding_idx=0 -> row 0 zero
    W_rel = jax.random.normal(k5, (N_R, REL_DIM), dtype=jnp.float32) * float(np.sqrt(2.0 / (N_R + REL_DIM)))
    W_rel = W_rel.at[0].set(0.0)
    # transform_term Linear(DIM -> REL_DIM), weight normal(0, 1/sqrt(out_dim/2)) per init()
    W_lin = jax.random.normal(k6, (REL_DIM, DIM), dtype=jnp.float32) * float(1.0 / np.sqrt(REL_DIM / 2.0))
    b_lin = jnp.zeros((REL_DIM,), dtype=jnp.float32)
    return {"s": s, "o": o, "p": p, "W_words": W_words, "W_rel": W_rel, "W_lin": W_lin, "b_lin": b_lin}


def reference(s, o, p, W_words, W_rel, W_lin, b_lin):
    # freq_* = count of nonzero (non-padding) word ids per row, as float
    freq_s = jnp.sum(s != 0, axis=1).astype(jnp.float32)
    freq_o = jnp.sum(o != 0, axis=1).astype(jnp.float32)
    # embedding lookups (gather) + bag sum, then multiplied by freq (faithful to original code)
    s_embedded = jnp.take(W_words, s, axis=0).sum(axis=1) * freq_s[:, None]
    o_embedded = jnp.take(W_words, o, axis=0).sum(axis=1) * freq_o[:, None]
    p_embedded = jnp.take(W_rel, p, axis=0)
    # transform_term: Linear + ReLU (dropout is identity at inference)
    s_t = jax.nn.relu(s_embedded @ W_lin.T + b_lin)
    o_t = jax.nn.relu(o_embedded @ W_lin.T + b_lin)
    pred = jnp.sum(s_t * p_embedded * o_t, axis=1)
    return pred

if __name__ == "__main__":
    import jax
    _d = setup_inputs()
    print(jax.jit(kernel)(*tuple(_d.values())))

</pallas_src>

<mosaic_0001>
#map = affine_map<(d0, d1) -> (0, 0)>
#map1 = affine_map<(d0, d1) -> (0)>
module attributes {stable_mosaic.version = 14 : i64} {
  func.func @sc_kernel(%arg0: i32, %arg1: i32, %arg2: memref<20x4096xi32, #tpu.memory_space<hbm>>, %arg3: memref<20x4096xi32, #tpu.memory_space<hbm>>, %arg4: memref<4096xi32, #tpu.memory_space<hbm>>, %arg5: memref<100000x64xf32, #tpu.memory_space<hbm>>, %arg6: memref<1000x64xf32, #tpu.memory_space<hbm>>, %arg7: memref<4096x64xf32, #tpu.memory_space<hbm>>, %arg8: memref<4096x64xf32, #tpu.memory_space<hbm>>, %arg9: memref<4096x64xf32, #tpu.memory_space<hbm>>, %arg10: memref<20x128xi32, #tpu.memory_space<vmem>>, %arg11: memref<128x64xf32, #tpu.memory_space<vmem>>, %arg12: memref<128x64xf32, #tpu.memory_space<vmem>>, %arg13: memref<128x64xf32, #tpu.memory_space<vmem>>, %arg14: memref<128x64xf32, #tpu.memory_space<vmem>>, %arg15: memref<128x64xf32, #tpu.memory_space<vmem>>, %arg16: memref<128xf32, #tpu.memory_space<vmem>>, %arg17: memref<128xi32, #tpu.memory_space<vmem>>, %arg18: memref<128x64xf32, #tpu.memory_space<vmem>>, %arg19: memref<!tpu.dma_semaphore, #tpu.memory_space<semaphore_mem>>, %arg20: memref<!tpu.dma_semaphore, #tpu.memory_space<semaphore_mem>>, %arg21: memref<!tpu.dma_semaphore, #tpu.memory_space<semaphore_mem>>, %arg22: memref<!tpu.dma_semaphore, #tpu.memory_space<semaphore_mem>>, %arg23: memref<!tpu.dma_semaphore, #tpu.memory_space<semaphore_mem>>) attributes {dimension_semantics = [#tpu.dimension_semantics<core_parallel>, #tpu.dimension_semantics<subcore_parallel>], iteration_bounds = array<i64: 2, 16>, scalar_prefetch = 0 : i64, scratch_operands = 14 : i64, tpu.core_type = #tpu.core_type<sc_vector_subcore>, window_params = [{transform_indices = #map}, {transform_indices = #map}, {transform_indices = #map1}, {transform_indices = #map}, {transform_indices = #map}, {transform_indices = #map}, {transform_indices = #map}, {transform_indices = #map}]} {
    %mul3A = arith.constant 2 : i32
    %mul3A_0 = arith.muli %arg1, %mul3A : i32
    %add3A = arith.addi %mul3A_0, %arg0 : i32
    %mul3A_1 = arith.constant 128 : i32
    %mul3A_2 = arith.muli %add3A, %mul3A_1 : i32
    "tpu.region"() ({
      %run_scoped3A = tpu.sem_alloc : memref<!tpu.dma_semaphore, #tpu.memory_space<semaphore_mem>>
      %dma_start3A_2719 = tpu.memref_slice %arg4[%mul3A_2] : memref<4096xi32, #tpu.memory_space<hbm>> -> memref<128xi32, #tpu.memory_space<hbm>>
      %dma_start3A_2720 = tpu.memref_slice %arg4[%mul3A_2] : memref<4096xi32, #tpu.memory_space<hbm>> -> memref<128xi32, #tpu.memory_space<hbm>>
      tpu.enqueue_dma source(%dma_start3A_2720 : memref<128xi32, #tpu.memory_space<hbm>>) target(%arg17 : memref<128xi32, #tpu.memory_space<vmem>>) target_semaphore(%run_scoped3A : memref<!tpu.dma_semaphore, #tpu.memory_space<semaphore_mem>>)
      %dma_wait3A_2721 = tpu.memref_slice %arg4[%mul3A_2] : memref<4096xi32, #tpu.memory_space<hbm>> -> memref<128xi32, #tpu.memory_space<hbm>>
      %dma_wait3A_2722 = tpu.memref_slice %arg4[%mul3A_2] : memref<4096xi32, #tpu.memory_space<hbm>> -> memref<128xi32, #tpu.memory_space<hbm>>
      tpu.wait_dma2 semaphore(%run_scoped3A : memref<!tpu.dma_semaphore, #tpu.memory_space<semaphore_mem>>) src(%dma_wait3A_2722 : memref<128xi32, #tpu.memory_space<hbm>>) dst(%arg17 : memref<128xi32, #tpu.memory_space<vmem>>)
      tpu.yield
    }) : () -> ()
    %dma_start3A = arith.constant 0 : i32
    %dma_start3A_3 = arith.constant 0 : i32
    %dma_start3A_4 = tpu.memref_slice %arg6[%dma_start3A, %dma_start3A_3] : memref<1000x64xf32, #tpu.memory_space<hbm>> -> memref<1000x64xf32, #tpu.memory_space<hbm>>
    tpu.enqueue_indirect_dma source(%dma_start3A_4 : memref<1000x64xf32, #tpu.memory_space<hbm>>) target(%arg18 : memref<128x64xf32, #tpu.memory_space<vmem>>) offsets(%arg17 : memref<128xi32, #tpu.memory_space<vmem>>) semaphore(%arg23 : memref<!tpu.dma_semaphore, #tpu.memory_space<semaphore_mem>>)
    "tpu.region"() ({
      %run_scoped3A = tpu.sem_alloc : memref<!tpu.dma_semaphore, #tpu.memory_space<semaphore_mem>>
      %dma_start3A_2719 = arith.constant 0 : i32
      %dma_start3A_2720 = tpu.memref_slice %arg2[%dma_start3A_2719, %mul3A_2] : memref<20x4096xi32, #tpu.memory_space<hbm>> -> memref<20x128xi32, #tpu.memory_space<hbm>>
      %dma_start3A_2721 = arith.constant 0 : i32
      %dma_start3A_2722 = tpu.memref_slice %arg2[%dma_start3A_2721, %mul3A_2] : memref<20x4096xi32, #tpu.memory_space<hbm>> -> memref<20x128xi32, #tpu.memory_space<hbm>>
      tpu.enqueue_dma source(%dma_start3A_2722 : memref<20x128xi32, #tpu.memory_space<hbm>>) target(%arg10 : memref<20x128xi32, #tpu.memory_space<vmem>>) target_semaphore(%run_scoped3A : memref<!tpu.dma_semaphore, #tpu.memory_space<semaphore_mem>>)
      %dma_wait3A_2723 = arith.constant 0 : i32
      %dma_wait3A_2724 = tpu.memref_slice %arg2[%dma_wait3A_2723, %mul3A_2] : memref<20x4096xi32, #tpu.memory_space<hbm>> -> memref<20x128xi32, #tpu.memory_space<hbm>>
      %dma_wait3A_2725 = arith.constant 0 : i32
      %dma_wait3A_2726 = tpu.memref_slice %arg2[%dma_wait3A_2725, %mul3A_2] : memref<20x4096xi32, #tpu.memory_space<hbm>> -> memref<20x128xi32, #tpu.memory_space<hbm>>
      tpu.wait_dma2 semaphore(%run_scoped3A : memref<!tpu.dma_semaphore, #tpu.memory_space<semaphore_mem>>) src(%dma_wait3A_2726 : memref<20x128xi32, #tpu.memory_space<hbm>>) dst(%arg10 : memref<20x128xi32, #tpu.memory_space<vmem>>)
      tpu.yield
    }) : () -> ()
    %dma_start3A_5 = arith.constant 0 : i32
    %dma_start3A_6 = arith.constant 0 : i32
    %dma_start3A_7 = tpu.memref_slice %arg10[%dma_start3A_5, %dma_start3A_6] : memref<20x128xi32, #tpu.memory_space<vmem>> -> memref<1x128xi32, #tpu.memory_space<vmem>>
    %dma_start3A_8 = tpu.memref_squeeze %dma_start3A_7 : memref<1x128xi32, #tpu.memory_space<vmem>> -> memref<128xi32, #tpu.memory_space<vmem>>
    %dma_start3A_9 = arith.constant 0 : i32
    %dma_start3A_10 = arith.constant 0 : i32
    %dma_start3A_11 = tpu.memref_slice %arg5[%dma_start3A_9, %dma_start3A_10] : memref<100000x64xf32, #tpu.memory_space<hbm>> -> memref<100000x64xf32, #tpu.memory_space<hbm>>
    tpu.enqueue_indirect_dma source(%dma_start3A_11 : memref<100000x64xf32, #tpu.memory_space<hbm>>) target(%arg11 : memref<128x64xf32, #tpu.memory_space<vmem>>) offsets(%dma_start3A_8 : memref<128xi32, #tpu.memory_space<vmem>>) semaphore(%arg19 : memref<!tpu.dma_semaphore, #tpu.memory_space<semaphore_mem>>)
    %dma_start3A_12 = arith.constant 1 : i32
    %dma_start3A_13 = arith.constant 0 : i32
    %dma_start3A_14 = tpu.memref_slice %arg10[%dma_start3A_12, %dma_start3A_13] : memref<20x128xi32, #tpu.memory_space<vmem>> -> memref<1x128xi32, #tpu.memory_space<vmem>>
    %dma_start3A_15 = tpu.memref_squeeze %dma_start3A_14 : memref<1x128xi32, #tpu.memory_space<vmem>> -> memref<128xi32, #tpu.memory_space<vmem>>
    %dma_start3A_16 = arith.constant 0 : i32
    %dma_start3A_17 = arith.constant 0 : i32
    %dma_start3A_18 = tpu.memref_slice %arg5[%dma_start3A_16, %dma_start3A_17] : memref<100000x64xf32, #tpu.memory_space<hbm>> -> memref<100000x64xf32, #tpu.memory_space<hbm>>
    tpu.enqueue_indirect_dma source(%dma_start3A_18 : memref<100000x64xf32, #tpu.memory_space<hbm>>) target(%arg12 : memref<128x64xf32, #tpu.memory_space<vmem>>) offsets(%dma_start3A_15 : memref<128xi32, #tpu.memory_space<vmem>>) semaphore(%arg20 : memref<!tpu.dma_semaphore, #tpu.memory_space<semaphore_mem>>)
    %dma_start3A_19 = arith.constant 2 : i32
    %dma_start3A_20 = arith.constant 0 : i32
    %dma_start3A_21 = tpu.memref_slice %arg10[%dma_start3A_19, %dma_start3A_20] : memref<20x128xi32, #tpu.memory_space<vmem>> -> memref<1x128xi32, #tpu.memory_space<vmem>>
    %dma_start3A_22 = tpu.memref_squeeze %dma_start3A_21 : memref<1x128xi32, #tpu.memory_space<vmem>> -> memref<128xi32, #tpu.memory_space<vmem>>
    %dma_start3A_23 = arith.constant 0 : i32
    %dma_start3A_24 = arith.constant 0 : i32
    %dma_start3A_25 = tpu.memref_slice %arg5[%dma_start3A_23, %dma_start3A_24] : memref<100000x64xf32, #tpu.memory_space<hbm>> -> memref<100000x64xf32, #tpu.memory_space<hbm>>
    tpu.enqueue_indirect_dma source(%dma_start3A_25 : memref<100000x64xf32, #tpu.memory_space<hbm>>) target(%arg13 : memref<128x64xf32, #tpu.memory_space<vmem>>) offsets(%dma_start3A_22 : memref<128xi32, #tpu.memory_space<vmem>>) semaphore(%arg21 : memref<!tpu.dma_semaphore, #tpu.memory_space<semaphore_mem>>)
    %broadcast_in_dim3A = arith.constant 0 : i32
    %broadcast_in_dim3A_26 = vector.broadcast %broadcast_in_dim3A : i32 to vector<16xi32>
    %get3A = arith.constant 0 : i32
    %get3A_27 = arith.index_cast %get3A : i32 to index
    %get3A_28 = arith.constant 0 : index
    %get3A_29 = tpu.vector_load %arg10[%get3A_27, %get3A_28] {strides = array<i32>} : memref<20x128xi32, #tpu.memory_space<vmem>>, vector<16xi32>,
    %min3A = arith.constant 1 : i32
    %min3A_30 = vector.broadcast %min3A : i32 to vector<16xi32>
    %min3A_31 = arith.minsi %get3A_29, %min3A_30 : vector<16xi32>
    %add3A_32 = arith.addi %broadcast_in_dim3A_26, %min3A_31 : vector<16xi32>
    %get3A_33 = arith.constant 1 : i32
    %get3A_34 = arith.index_cast %get3A_33 : i32 to index
    %get3A_35 = arith.constant 0 : index
    %get3A_36 = tpu.vector_load %arg10[%get3A_34, %get3A_35] {strides = array<i32>} : memref<20x128xi32, #tpu.memory_space<vmem>>, vector<16xi32>,
    %min3A_37 = arith.constant 1 : i32
    %min3A_38 = vector.broadcast %min3A_37 : i32 to vector<16xi32>
    %min3A_39 = arith.minsi %get3A_36, %min3A_38 : vector<16xi32>
    %add3A_40 = arith.addi %add3A_32, %min3A_39 : vector<16xi32>
    %get3A_41 = arith.constant 2 : i32
    %get3A_42 = arith.index_cast %get3A_41 : i32 to index
    %get3A_43 = arith.constant 0 : index
    %get3A_44 = tpu.vector_load %arg10[%get3A_42, %get3A_43] {strides = array<i32>} : memref<20x128xi32, #tpu.memory_space<vmem>>, vector<16xi32>,
    %min3A_45 = arith.constant 1 : i32
    %min3A_46 = vector.broadcast %min3A_45 : i32 to vector<16xi32>
    %min3A_47 = arith.minsi %get3A_44, %min3A_46 : vector<16xi32>
    %add3A_48 = arith.addi %add3A_40, %min3A_47 : vector<16xi32>
    %get3A_49 = arith.constant 3 : i32
    %get3A_50 = arith.index_cast %get3A_49 : i32 to index
    %get3A_51 = arith.constant 0 : index
    %get3A_52 = tpu.vector_load %arg10[%get3A_50, %get3A_51] {strides = array<i32>} : memref<20x128xi32, #tpu.memory_space<vmem>>, vector<16xi32>,
    %min3A_53 = arith.constant 1 : i32
    %min3A_54 = vector.broadcast %min3A_53 : i32 to vector<16xi32>
    %min3A_55 = arith.minsi %get3A_52, %min3A_54 : vector<16xi32>
    %add3A_56 = arith.addi %add3A_48, %min3A_55 : vector<16xi32>
    %get3A_57 = arith.constant 4 : i32
    %get3A_58 = arith.index_cast %get3A_57 : i32 to index
    %get3A_59 = arith.constant 0 : index
    %get3A_60 = tpu.vector_load %arg10[%get3A_58, %get3A_59] {strides = array<i32>} : memref<20x128xi32, #tpu.memory_space<vmem>>, vector<16xi32>,
    %min3A_61 = arith.constant 1 : i32
    %min3A_62 = vector.broadcast %min3A_61 : i32 to vector<16xi32>
    %min3A_63 = arith.minsi %get3A_60, %min3A_62 : vector<16xi32>
    %add3A_64 = arith.addi %add3A_56, %min3A_63 : vector<16xi32>
    %get3A_65 = arith.constant 5 : i32
    %get3A_66 = arith.index_cast %get3A_65 : i32 to index
    %get3A_67 = arith.constant 0 : index
    %get3A_68 = tpu.vector_load %arg10[%get3A_66, %get3A_67] {strides = array<i32>} : memref<20x128xi32, #tpu.memory_space<vmem>>, vector<16xi32>,
    %min3A_69 = arith.constant 1 : i32
    %min3A_70 = vector.broadcast %min3A_69 : i32 to vector<16xi32>
    %min3A_71 = arith.minsi %get3A_68, %min3A_70 : vector<16xi32>
    %add3A_72 = arith.addi %add3A_64, %min3A_71 : vector<16xi32>
    %get3A_73 = arith.constant 6 : i32
    %get3A_74 = arith.index_cast %get3A_73 : i32 to index
    %get3A_75 = arith.constant 0 : index
    %get3A_76 = tpu.vector_load %arg10[%get3A_74, %get3A_75] {strides = array<i32>} : memref<20x128xi32, #tpu.memory_space<vmem>>, vector<16xi32>,
    %min3A_77 = arith.constant 1 : i32
    %min3A_78 = vector.broadcast %min3A_77 : i32 to vector<16xi32>
    %min3A_79 = arith.minsi %get3A_76, %min3A_78 : vector<16xi32>
    %add3A_80 = arith.addi %add3A_72, %min3A_79 : vector<16xi32>
    %get3A_81 = arith.constant 7 : i32
    %get3A_82 = arith.index_cast %get3A_81 : i32 to index
    %get3A_83 = arith.constant 0 : index
    %get3A_84 = tpu.vector_load %arg10[%get3A_82, %get3A_83] {strides = array<i32>} : memref<20x128xi32, #tpu.memory_space<vmem>>, vector<16xi32>,
    %min3A_85 = arith.constant 1 : i32
    %min3A_86 = vector.broadcast %min3A_85 : i32 to vector<16xi32>
    %min3A_87 = arith.minsi %get3A_84, %min3A_86 : vector<16xi32>
    %add3A_88 = arith.addi %add3A_80, %min3A_87 : vector<16xi32>
    %get3A_89 = arith.constant 8 : i32
    %get3A_90 = arith.index_cast %get3A_89 : i32 to index
    %get3A_91 = arith.constant 0 : index
    %get3A_92 = tpu.vector_load %arg10[%get3A_90, %get3A_91] {strides = array<i32>} : memref<20x128xi32, #tpu.memory_space<vmem>>, vector<16xi32>,
    %min3A_93 = arith.constant 1 : i32
    %min3A_94 = vector.broadcast %min3A_93 : i32 to vector<16xi32>
    %min3A_95 = arith.minsi %get3A_92, %min3A_94 : vector<16xi32>
    %add3A_96 = arith.addi %add3A_88, %min3A_95 : vector<16xi32>
    %get3A_97 = arith.constant 9 : i32
    %get3A_98 = arith.index_cast %get3A_97 : i32 to index
    %get3A_99 = arith.constant 0 : index
    %get3A_100 = tpu.vector_load %arg10[%get3A_98, %get3A_99] {strides = array<i32>} : memref<20x128xi32, #tpu.memory_space<vmem>>, vector<16xi32>,
    %min3A_101 = arith.constant 1 : i32
    %min3A_102 = vector.broadcast %min3A_101 : i32 to vector<16xi32>
    %min3A_103 = arith.minsi %get3A_100, %min3A_102 : vector<16xi32>
    %add3A_104 = arith.addi %add3A_96, %min3A_103 : vector<16xi32>
    %get3A_105 = arith.constant 10 : i32
    %get3A_106 = arith.index_cast %get3A_105 : i32 to index
    %get3A_107 = arith.constant 0 : index
    %get3A_108 = tpu.vector_load %arg10[%get3A_106, %get3A_107] {strides = array<i32>} : memref<20x128xi32, #tpu.memory_space<vmem>>, vector<16xi32>,
    %min3A_109 = arith.constant 1 : i32
    %min3A_110 = vector.broadcast %min3A_109 : i32 to vector<16xi32>
    %min3A_111 = arith.minsi %get3A_108, %min3A_110 : vector<16xi32>
    %add3A_112 = arith.addi %add3A_104, %min3A_111 : vector<16xi32>
    %get3A_113 = arith.constant 11 : i32
    %get3A_114 = arith.index_cast %get3A_113 : i32 to index
    %get3A_115 = arith.constant 0 : index
    %get3A_116 = tpu.vector_load %arg10[%get3A_114, %get3A_115] {strides = array<i32>} : memref<20x128xi32, #tpu.memory_space<vmem>>, vector<16xi32>,
    %min3A_117 = arith.constant 1 : i32
    %min3A_118 = vector.broadcast %min3A_117 : i32 to vector<16xi32>
    %min3A_119 = arith.minsi %get3A_116, %min3A_118 : vector<16xi32>
    %add3A_120 = arith.addi %add3A_112, %min3A_119 : vector<16xi32>
    %get3A_121 = arith.constant 12 : i32
    %get3A_122 = arith.index_cast %get3A_121 : i32 to index
    %get3A_123 = arith.constant 0 : index
    %get3A_124 = tpu.vector_load %arg10[%get3A_122, %get3A_123] {strides = array<i32>} : memref<20x128xi32, #tpu.memory_space<vmem>>, vector<16xi32>,
    %min3A_125 = arith.constant 1 : i32
    %min3A_126 = vector.broadcast %min3A_125 : i32 to vector<16xi32>
    %min3A_127 = arith.minsi %get3A_124, %min3A_126 : vector<16xi32>
    %add3A_128 = arith.addi %add3A_120, %min3A_127 : vector<16xi32>
    %get3A_129 = arith.constant 13 : i32
    %get3A_130 = arith.index_cast %get3A_129 : i32 to index
    %get3A_131 = arith.constant 0 : index
    %get3A_132 = tpu.vector_load %arg10[%get3A_130, %get3A_131] {strides = array<i32>} : memref<20x128xi32, #tpu.memory_space<vmem>>, vector<16xi32>,
    %min3A_133 = arith.constant 1 : i32
    %min3A_134 = vector.broadcast %min3A_133 : i32 to vector<16xi32>
    %min3A_135 = arith.minsi %get3A_132, %min3A_134 : vector<16xi32>
    %add3A_136 = arith.addi %add3A_128, %min3A_135 : vector<16xi32>
    %get3A_137 = arith.constant 14 : i32
    %get3A_138 = arith.index_cast %get3A_137 : i32 to index
    %get3A_139 = arith.constant 0 : index
    %get3A_140 = tpu.vector_load %arg10[%get3A_138, %get3A_139] {strides = array<i32>} : memref<20x128xi32, #tpu.memory_space<vmem>>, vector<16xi32>,
    %min3A_141 = arith.constant 1 : i32
    %min3A_142 = vector.broadcast %min3A_141 : i32 to vector<16xi32>
    %min3A_143 = arith.minsi %get3A_140, %min3A_142 : vector<16xi32>
    %add3A_144 = arith.addi %add3A_136, %min3A_143 : vector<16xi32>
    %get3A_145 = arith.constant 15 : i32
    %get3A_146 = arith.index_cast %get3A_145 : i32 to index
    %get3A_147 = arith.constant 0 : index
    %get3A_148 = tpu.vector_load %arg10[%get3A_146, %get3A_147] {strides = array<i32>} : memref<20x128xi32, #tpu.memory_space<vmem>>, vector<16xi32>,
    %min3A_149 = arith.constant 1 : i32
    %min3A_150 = vector.broadcast %min3A_149 : i32 to vector<16xi32>
    %min3A_151 = arith.minsi %get3A_148, %min3A_150 : vector<16xi32>
    %add3A_152 = arith.addi %add3A_144, %min3A_151 : vector<16xi32>
    %get3A_153 = arith.constant 16 : i32
    %get3A_154 = arith.index_cast %get3A_153 : i32 to index
    %get3A_155 = arith.constant 0 : index
    %get3A_156 = tpu.vector_load %arg10[%get3A_154, %get3A_155] {strides = array<i32>} : memref<20x128xi32, #tpu.memory_space<vmem>>, vector<16xi32>,
    %min3A_157 = arith.constant 1 : i32
    %min3A_158 = vector.broadcast %min3A_157 : i32 to vector<16xi32>
    %min3A_159 = arith.minsi %get3A_156, %min3A_158 : vector<16xi32>
    %add3A_160 = arith.addi %add3A_152, %min3A_159 : vector<16xi32>
    %get3A_161 = arith.constant 17 : i32
    %get3A_162 = arith.index_cast %get3A_161 : i32 to index
    %get3A_163 = arith.constant 0 : index
    %get3A_164 = tpu.vector_load %arg10[%get3A_162, %get3A_163] {strides = array<i32>} : memref<20x128xi32, #tpu.memory_space<vmem>>, vector<16xi32>,
    %min3A_165 = arith.constant 1 : i32
    %min3A_166 = vector.broadcast %min3A_165 : i32 to vector<16xi32>
    %min3A_167 = arith.minsi %get3A_164, %min3A_166 : vector<16xi32>
    %add3A_168 = arith.addi %add3A_160, %min3A_167 : vector<16xi32>
    %get3A_169 = arith.constant 18 : i32
    %get3A_170 = arith.index_cast %get3A_169 : i32 to index
    %get3A_171 = arith.constant 0 : index
    %get3A_172 = tpu.vector_load %arg10[%get3A_170, %get3A_171] {strides = array<i32>} : memref<20x128xi32, #tpu.memory_space<vmem>>, vector<16xi32>,
    %min3A_173 = arith.constant 1 : i32
    %min3A_174 = vector.broadcast %min3A_173 : i32 to vector<16xi32>
    %min3A_175 = arith.minsi %get3A_172, %min3A_174 : vector<16xi32>
    %add3A_176 = arith.addi %add3A_168, %min3A_175 : vector<16xi32>
    %get3A_177 = arith.constant 19 : i32
    %get3A_178 = arith.index_cast %get3A_177 : i32 to index
    %get3A_179 = arith.constant 0 : index
    %get3A_180 = tpu.vector_load %arg10[%get3A_178, %get3A_179] {strides = array<i32>} : memref<20x128xi32, #tpu.memory_space<vmem>>, vector<16xi32>,
    %min3A_181 = arith.constant 1 : i32
    %min3A_182 = vector.broadcast %min3A_181 : i32 to vector<16xi32>
    %min3A_183 = arith.minsi %get3A_180, %min3A_182 : vector<16xi32>
    %add3A_184 = arith.addi %add3A_176, %min3A_183 : vector<16xi32>
    %convert_element_type3A = arith.sitofp %add3A_184 : vector<16xi32> to vector<16xf32>
    %swap3A = arith.constant 0 : index
    %swap3A_185 = tpu.vector_load %arg16[%swap3A] {strides = array<i32>} : memref<128xf32, #tpu.memory_space<vmem>>, vector<16xf32>,
    tpu.vector_store %arg16[%swap3A], %convert_element_type3A {strides = array<i32>} : memref<128xf32, #tpu.memory_space<vmem>>, vector<16xf32>,
    %broadcast_in_dim3A_186 = arith.constant 0 : i32
    %broadcast_in_dim3A_187 = vector.broadcast %broadcast_in_dim3A_186 : i32 to vector<16xi32>
    %get3A_188 = arith.constant 0 : i32
    %get3A_189 = arith.index_cast %get3A_188 : i32 to index
    %get3A_190 = arith.constant 16 : index
    %get3A_191 = tpu.vector_load %arg10[%get3A_189, %get3A_190] {strides = array<i32>} : memref<20x128xi32, #tpu.memory_space<vmem>>, vector<16xi32>,
    %min3A_192 = arith.constant 1 : i32
    %min3A_193 = vector.broadcast %min3A_192 : i32 to vector<16xi32>
    %min3A_194 = arith.minsi %get3A_191, %min3A_193 : vector<16xi32>
    %add3A_195 = arith.addi %broadcast_in_dim3A_187, %min3A_194 : vector<16xi32>
    %get3A_196 = arith.constant 1 : i32
    %get3A_197 = arith.index_cast %get3A_196 : i32 to index
    %get3A_198 = arith.constant 16 : index
    %get3A_199 = tpu.vector_load %arg10[%get3A_197, %get3A_198] {strides = array<i32>} : memref<20x128xi32, #tpu.memory_space<vmem>>, vector<16xi32>,
    %min3A_200 = arith.constant 1 : i32
    %min3A_201 = vector.broadcast %min3A_200 : i32 to vector<16xi32>
    %min3A_202 = arith.minsi %get3A_199, %min3A_201 : vector<16xi32>
    %add3A_203 = arith.addi %add3A_195, %min3A_202 : vector<16xi32>
    %get3A_204 = arith.constant 2 : i32
    %get3A_205 = arith.index_cast %get3A_204 : i32 to index
    %get3A_206 = arith.constant 16 : index
    %get3A_207 = tpu.vector_load %arg10[%get3A_205, %get3A_206] {strides = array<i32>} : memref<20x128xi32, #tpu.memory_space<vmem>>, vector<16xi32>,
    %min3A_208 = arith.constant 1 : i32
    %min3A_209 = vector.broadcast %min3A_208 : i32 to vector<16xi32>
    %min3A_210 = arith.minsi %get3A_207, %min3A_209 : vector<16xi32>
    %add3A_211 = arith.addi %add3A_203, %min3A_210 : vector<16xi32>
    %get3A_212 = arith.constant 3 : i32
    %get3A_213 = arith.index_cast %get3A_212 : i32 to index
    %get3A_214 = arith.constant 16 : index
    %get3A_215 = tpu.vector_load %arg10[%get3A_213, %get3A_214] {strides = array<i32>} : memref<20x128xi32, #tpu.memory_space<vmem>>, vector<16xi32>,
    %min3A_216 = arith.constant 1 : i32
    %min3A_217 = vector.broadcast %min3A_216 : i32 to vector<16xi32>
    %min3A_218 = arith.minsi %get3A_215, %min3A_217 : vector<16xi32>
    %add3A_219 = arith.addi %add3A_211, %min3A_218 : vector<16xi32>
    %get3A_220 = arith.constant 4 : i32
    %get3A_221 = arith.index_cast %get3A_220 : i32 to index
    %get3A_222 = arith.constant 16 : index
    %get3A_223 = tpu.vector_load %arg10[%get3A_221, %get3A_222] {strides = array<i32>} : memref<20x128xi32, #tpu.memory_space<vmem>>, vector<16xi32>,
    %min3A_224 = arith.constant 1 : i32
    %min3A_225 = vector.broadcast %min3A_224 : i32 to vector<16xi32>
    %min3A_226 = arith.minsi %get3A_223, %min3A_225 : vector<16xi32>
    %add3A_227 = arith.addi %add3A_219, %min3A_226 : vector<16xi32>
    %get3A_228 = arith.constant 5 : i32
    %get3A_229 = arith.index_cast %get3A_228 : i32 to index
    %get3A_230 = arith.constant 16 : index
    %get3A_231 = tpu.vector_load %arg10[%get3A_229, %get3A_230] {strides = array<i32>} : memref<20x128xi32, #tpu.memory_space<vmem>>, vector<16xi32>,
    %min3A_232 = arith.constant 1 : i32
    %min3A_233 = vector.broadcast %min3A_232 : i32 to vector<16xi32>
    %min3A_234 = arith.minsi %get3A_231, %min3A_233 : vector<16xi32>
    %add3A_235 = arith.addi %add3A_227, %min3A_234 : vector<16xi32>
    %get3A_236 = arith.constant 6 : i32
    %get3A_237 = arith.index_cast %get3A_236 : i32 to index
    %get3A_238 = arith.constant 16 : index
    %get3A_239 = tpu.vector_load %arg10[%get3A_237, %get3A_238] {strides = array<i32>} : memref<20x128xi32, #tpu.memory_space<vmem>>, vector<16xi32>,
    %min3A_240 = arith.constant 1 : i32
    %min3A_241 = vector.broadcast %min3A_240 : i32 to vector<16xi32>
    %min3A_242 = arith.minsi %get3A_239, %min3A_241 : vector<16xi32>
    %add3A_243 = arith.addi %add3A_235, %min3A_242 : vector<16xi32>
    %get3A_244 = arith.constant 7 : i32
    %get3A_245 = arith.index_cast %get3A_244 : i32 to index
    %get3A_246 = arith.constant 16 : index
    %get3A_247 = tpu.vector_load %arg10[%get3A_245, %get3A_246] {strides = array<i32>} : memref<20x128xi32, #tpu.memory_space<vmem>>, vector<16xi32>,
    %min3A_248 = arith.constant 1 : i32
    %min3A_249 = vector.broadcast %min3A_248 : i32 to vector<16xi32>
    %min3A_250 = arith.minsi %get3A_247, %min3A_249 : vector<16xi32>
    %add3A_251 = arith.addi %add3A_243, %min3A_250 : vector<16xi32>
    %get3A_252 = arith.constant 8 : i32
    %get3A_253 = arith.index_cast %get3A_252 : i32 to index
    %get3A_254 = arith.constant 16 : index
    %get3A_255 = tpu.vector_load %arg10[%get3A_253, %get3A_254] {strides = array<i32>} : memref<20x128xi32, #tpu.memory_space<vmem>>, vector<16xi32>,
    %min3A_256 = arith.constant 1 : i32
    %min3A_257 = vector.broadcast %min3A_256 : i32 to vector<16xi32>
    %min3A_258 = arith.minsi %get3A_255, %min3A_257 : vector<16xi32>
    %add3A_259 = arith.addi %add3A_251, %min3A_258 : vector<16xi32>
    %get3A_260 = arith.constant 9 : i32
    %get3A_261 = arith.index_cast %get3A_260 : i32 to index
    %get3A_262 = arith.constant 16 : index
    %get3A_263 = tpu.vector_load %arg10[%get3A_261, %get3A_262] {strides = array<i32>} : memref<20x128xi32, #tpu.memory_space<vmem>>, vector<16xi32>,
    %min3A_264 = arith.constant 1 : i32
    %min3A_265 = vector.broadcast %min3A_264 : i32 to vector<16xi32>
    %min3A_266 = arith.minsi %get3A_263, %min3A_265 : vector<16xi32>
    %add3A_267 = arith.addi %add3A_259, %min3A_266 : vector<16xi32>
    %get3A_268 = arith.constant 10 : i32
    %get3A_269 = arith.index_cast %get3A_268 : i32 to index
    %get3A_270 = arith.constant 16 : index
    %get3A_271 = tpu.vector_load %arg10[%get3A_269, %get3A_270] {strides = array<i32>} : memref<20x128xi32, #tpu.memory_space<vmem>>, vector<16xi32>,
    %min3A_272 = arith.constant 1 : i32
    %min3A_273 = vector.broadcast %min3A_272 : i32 to vector<16xi32>
    %min3A_274 = arith.minsi %get3A_271, %min3A_273 : vector<16xi32>
    %add3A_275 = arith.addi %add3A_267, %min3A_274 : vector<16xi32>
    %get3A_276 = arith.constant 11 : i32
    %get3A_277 = arith.index_cast %get3A_276 : i32 to index
    %get3A_278 = arith.constant 16 : index
    %get3A_279 = tpu.vector_load %arg10[%get3A_277, %get3A_278] {strides = array<i32>} : memref<20x128xi32, #tpu.memory_space<vmem>>, vector<16xi32>,
    %min3A_280 = arith.constant 1 : i32
    %min3A_281 = vector.broadcast %min3A_280 : i32 to vector<16xi32>
    %min3A_282 = arith.minsi %get3A_279, %min3A_281 : vector<16xi32>
    %add3A_283 = arith.addi %add3A_275, %min3A_282 : vector<16xi32>
    %get3A_284 = arith.constant 12 : i32
    %get3A_285 = arith.index_cast %get3A_284 : i32 to index
    %get3A_286 = arith.constant 16 : index
    %get3A_287 = tpu.vector_load %arg10[%get3A_285, %get3A_286] {strides = array<i32>} : memref<20x128xi32, #tpu.memory_space<vmem>>, vector<16xi32>,
    %min3A_288 = arith.constant 1 : i32
    %min3A_289 = vector.broadcast %min3A_288 : i32 to vector<16xi32>
    %min3A_290 = arith.minsi %get3A_287, %min3A_289 : vector<16xi32>
    %add3A_291 = arith.addi %add3A_283, %min3A_290 : vector<16xi32>
    %get3A_292 = arith.constant 13 : i32
    %get3A_293 = arith.index_cast %get3A_292 : i32 to index
    %get3A_294 = arith.constant 16 : index
    %get3A_295 = tpu.vector_load %arg10[%get3A_293, %get3A_294] {strides = array<i32>} : memref<20x128xi32, #tpu.memory_space<vmem>>, vector<16xi32>,
    %min3A_296 = arith.constant 1 : i32
    %min3A_297 = vector.broadcast %min3A_296 : i32 to vector<16xi32>
    %min3A_298 = arith.minsi %get3A_295, %min3A_297 : vector<16xi32>
    %add3A_299 = arith.addi %add3A_291, %min3A_298 : vector<16xi32>
    %get3A_300 = arith.constant 14 : i32
    %get3A_301 = arith.index_cast %get3A_300 : i32 to index
    %get3A_302 = arith.constant 16 : index
    %get3A_303 = tpu.vector_load %arg10[%get3A_301, %get3A_302] {strides = array<i32>} : memref<20x128xi32, #tpu.memory_space<vmem>>, vector<16xi32>,
    %min3A_304 = arith.constant 1 : i32
    %min3A_305 = vector.broadcast %min3A_304 : i32 to vector<16xi32>
    %min3A_306 = arith.minsi %get3A_303, %min3A_305 : vector<16xi32>
    %add3A_307 = arith.addi %add3A_299, %min3A_306 : vector<16xi32>
    %get3A_308 = arith.constant 15 : i32
    %get3A_309 = arith.index_cast %get3A_308 : i32 to index
    %get3A_310 = arith.constant 16 : index
    %get3A_311 = tpu.vector_load %arg10[%get3A_309, %get3A_310] {strides = array<i32>} : memref<20x128xi32, #tpu.memory_space<vmem>>, vector<16xi32>,
    %min3A_312 = arith.constant 1 : i32
    %min3A_313 = vector.broadcast %min3A_312 : i32 to vector<16xi32>
    %min3A_314 = arith.minsi %get3A_311, %min3A_313 : vector<16xi32>
    %add3A_315 = arith.addi %add3A_307, %min3A_314 : vector<16xi32>
    %get3A_316 = arith.constant 16 : i32
    %get3A_317 = arith.index_cast %get3A_316 : i32 to index
    %get3A_318 = arith.constant 16 : index
    %get3A_319 = tpu.vector_load %arg10[%get3A_317, %get3A_318] {strides = array<i32>} : memref<20x128xi32, #tpu.memory_space<vmem>>, vector<16xi32>,
    %min3A_320 = arith.constant 1 : i32
    %min3A_321 = vector.broadcast %min3A_320 : i32 to vector<16xi32>
    %min3A_322 = arith.minsi %get3A_319, %min3A_321 : vector<16xi32>
    %add3A_323 = arith.addi %add3A_315, %min3A_322 : vector<16xi32>
    %get3A_324 = arith.constant 17 : i32
    %get3A_325 = arith.index_cast %get3A_324 : i32 to index
    %get3A_326 = arith.constant 16 : index
    %get3A_327 = tpu.vector_load %arg10[%get3A_325, %get3A_326] {strides = array<i32>} : memref<20x128xi32, #tpu.memory_space<vmem>>, vector<16xi32>,
    %min3A_328 = arith.constant 1 : i32
    %min3A_329 = vector.broadcast %min3A_328 : i32 to vector<16xi32>
    %min3A_330 = arith.minsi %get3A_327, %min3A_329 : vector<16xi32>
    %add3A_331 = arith.addi %add3A_323, %min3A_330 : vector<16xi32>
    %get3A_332 = arith.constant 18 : i32
    %get3A_333 = arith.index_cast %get3A_332 : i32 to index
    %get3A_334 = arith.constant 16 : index
    %get3A_335 = tpu.vector_load %arg10[%get3A_333, %get3A_334] {strides = array<i32>} : memref<20x128xi32, #tpu.memory_space<vmem>>, vector<16xi32>,
    %min3A_336 = arith.constant 1 : i32
    %min3A_337 = vector.broadcast %min3A_336 : i32 to vector<16xi32>
    %min3A_338 = arith.minsi %get3A_335, %min3A_337 : vector<16xi32>
    %add3A_339 = arith.addi %add3A_331, %min3A_338 : vector<16xi32>
    %get3A_340 = arith.constant 19 : i32
    %get3A_341 = arith.index_cast %get3A_340 : i32 to index
    %get3A_342 = arith.constant 16 : index
    %get3A_343 = tpu.vector_load %arg10[%get3A_341, %get3A_342] {strides = array<i32>} : memref<20x128xi32, #tpu.memory_space<vmem>>, vector<16xi32>,
    %min3A_344 = arith.constant 1 : i32
    %min3A_345 = vector.broadcast %min3A_344 : i32 to vector<16xi32>
    %min3A_346 = arith.minsi %get3A_343, %min3A_345 : vector<16xi32>
    %add3A_347 = arith.addi %add3A_339, %min3A_346 : vector<16xi32>
    %convert_element_type3A_348 = arith.sitofp %add3A_347 : vector<16xi32> to vector<16xf32>
    %swap3A_349 = arith.constant 16 : index
    %swap3A_350 = tpu.vector_load %arg16[%swap3A_349] {strides = array<i32>} : memref<128xf32, #tpu.memory_space<vmem>>, vector<16xf32>,
    tpu.vector_store %arg16[%swap3A_349], %convert_element_type3A_348 {strides = array<i32>} : memref<128xf32, #tpu.memory_space<vmem>>, vector<16xf32>,
    %broadcast_in_dim3A_351 = arith.constant 0 : i32
    %broadcast_in_dim3A_352 = vector.broadcast %broadcast_in_dim3A_351 : i32 to vector<16xi32>
    %get3A_353 = arith.constant 0 : i32
    %get3A_354 = arith.index_cast %get3A_353 : i32 to index
    %get3A_355 = arith.constant 32 : index
    %get3A_356 = tpu.vector_load %arg10[%get3A_354, %get3A_355] {strides = array<i32>} : memref<20x128xi32, #tpu.memory_space<vmem>>, vector<16xi32>,
    %min3A_357 = arith.constant 1 : i32
    %min3A_358 = vector.broadcast %min3A_357 : i32 to vector<16xi32>
    %min3A_359 = arith.minsi %get3A_356, %min3A_358 : vector<16xi32>
    %add3A_360 = arith.addi %broadcast_in_dim3A_352, %min3A_359 : vector<16xi32>
    %get3A_361 = arith.constant 1 : i32
    %get3A_362 = arith.index_cast %get3A_361 : i32 to index
    %get3A_363 = arith.constant 32 : index
    %get3A_364 = tpu.vector_load %arg10[%get3A_362, %get3A_363] {strides = array<i32>} : memref<20x128xi32, #tpu.memory_space<vmem>>, vector<16xi32>,
    %min3A_365 = arith.constant 1 : i32
    %min3A_366 = vector.broadcast %min3A_365 : i32 to vector<16xi32>
    %min3A_367 = arith.minsi %get3A_364, %min3A_366 : vector<16xi32>
    %add3A_368 = arith.addi %add3A_360, %min3A_367 : vector<16xi32>
    %get3A_369 = arith.constant 2 : i32
    %get3A_370 = arith.index_cast %get3A_369 : i32 to index
    %get3A_371 = arith.constant 32 : index
    %get3A_372 = tpu.vector_load %arg10[%get3A_370, %get3A_371] {strides = array<i32>} : memref<20x128xi32, #tpu.memory_space<vmem>>, vector<16xi32>,
    %min3A_373 = arith.constant 1 : i32
    %min3A_374 = vector.broadcast %min3A_373 : i32 to vector<16xi32>
    %min3A_375 = arith.minsi %get3A_372, %min3A_374 : vector<16xi32>
    %add3A_376 = arith.addi %add3A_368, %min3A_375 : vector<16xi32>
    %get3A_377 = arith.constant 3 : i32
    %get3A_378 = arith.index_cast %get3A_377 : i32 to index
    %get3A_379 = arith.constant 32 : index
    %get3A_380 = tpu.vector_load %arg10[%get3A_378, %get3A_379] {strides = array<i32>} : memref<20x128xi32, #tpu.memory_space<vmem>>, vector<16xi32>,
    %min3A_381 = arith.constant 1 : i32
    %min3A_382 = vector.broadcast %min3A_381 : i32 to vector<16xi32>
    %min3A_383 = arith.minsi %get3A_380, %min3A_382 : vector<16xi32>
    %add3A_384 = arith.addi %add3A_376, %min3A_383 : vector<16xi32>
    %get3A_385 = arith.constant 4 : i32
    %get3A_386 = arith.index_cast %get3A_385 : i32 to index
    %get3A_387 = arith.constant 32 : index
    %get3A_388 = tpu.vector_load %arg10[%get3A_386, %get3A_387] {strides = array<i32>} : memref<20x128xi32, #tpu.memory_space<vmem>>, vector<16xi32>,
    %min3A_389 = arith.constant 1 : i32
    %min3A_390 = vector.broadcast %min3A_389 : i32 to vector<16xi32>
    %min3A_391 = arith.minsi %get3A_388, %min3A_390 : vector<16xi32>
    %add3A_392 = arith.addi %add3A_384, %min3A_391 : vector<16xi32>
    %get3A_393 = arith.constant 5 : i32
    %get3A_394 = arith.index_cast %get3A_393 : i32 to index
    %get3A_395 = arith.constant 32 : index
    %get3A_396 = tpu.vector_load %arg10[%get3A_394, %get3A_395] {strides = array<i32>} : memref<20x128xi32, #tpu.memory_space<vmem>>, vector<16xi32>,
    %min3A_397 = arith.constant 1 : i32
    %min3A_398 = vector.broadcast %min3A_397 : i32 to vector<16xi32>
    %min3A_399 = arith.minsi %get3A_396, %min3A_398 : vector<16xi32>
    %add3A_400 = arith.addi %add3A_392, %min3A_399 : vector<16xi32>
    %get3A_401 = arith.constant 6 : i32
    %get3A_402 = arith.index_cast %get3A_401 : i32 to index
    %get3A_403 = arith.constant 32 : index
    %get3A_404 = tpu.vector_load %arg10[%get3A_402, %get3A_403] {strides = array<i32>} : memref<20x128xi32, #tpu.memory_space<vmem>>, vector<16xi32>,
    %min3A_405 = arith.constant 1 : i32
    %min3A_406 = vector.broadcast %min3A_405 : i32 to vector<16xi32>
    %min3A_407 = arith.minsi %get3A_404, %min3A_406 : vector<16xi32>
    %add3A_408 = arith.addi %add3A_400, %min3A_407 : vector<16xi32>
    %get3A_409 = arith.constant 7 : i32
    %get3A_410 = arith.index_cast %get3A_409 : i32 to index
    %get3A_411 = arith.constant 32 : index
    %get3A_412 = tpu.vector_load %arg10[%get3A_410, %get3A_411] {strides = array<i32>} : memref<20x128xi32, #tpu.memory_space<vmem>>, vector<16xi32>,
    %min3A_413 = arith.constant 1 : i32
    %min3A_414 = vector.broadcast %min3A_413 : i32 to vector<16xi32>
    %min3A_415 = arith.minsi %get3A_412, %min3A_414 : vector<16xi32>
    %add3A_416 = arith.addi %add3A_408, %min3A_415 : vector<16xi32>
    %get3A_417 = arith.constant 8 : i32
    %get3A_418 = arith.index_cast %get3A_417 : i32 to index
    %get3A_419 = arith.constant 32 : index
    %get3A_420 = tpu.vector_load %arg10[%get3A_418, %get3A_419] {strides = array<i32>} : memref<20x128xi32, #tpu.memory_space<vmem>>, vector<16xi32>,
    %min3A_421 = arith.constant 1 : i32
    %min3A_422 = vector.broadcast %min3A_421 : i32 to vector<16xi32>
    %min3A_423 = arith.minsi %get3A_420, %min3A_422 : vector<16xi32>
    %add3A_424 = arith.addi %add3A_416, %min3A_423 : vector<16xi32>
    %get3A_425 = arith.constant 9 : i32
    %get3A_426 = arith.index_cast %get3A_425 : i32 to index
    %get3A_427 = arith.constant 32 : index
    %get3A_428 = tpu.vector_load %arg10[%get3A_426, %get3A_427] {strides = array<i32>} : memref<20x128xi32, #tpu.memory_space<vmem>>, vector<16xi32>,
    %min3A_429 = arith.constant 1 : i32
    %min3A_430 = vector.broadcast %min3A_429 : i32 to vector<16xi32>
    %min3A_431 = arith.minsi %get3A_428, %min3A_430 : vector<16xi32>
    %add3A_432 = arith.addi %add3A_424, %min3A_431 : vector<16xi32>
    %get3A_433 = arith.constant 10 : i32
    %get3A_434 = arith.index_cast %get3A_433 : i32 to index
    %get3A_435 = arith.constant 32 : index
    %get3A_436 = tpu.vector_load %arg10[%get3A_434, %get3A_435] {strides = array<i32>} : memref<20x128xi32, #tpu.memory_space<vmem>>, vector<16xi32>,
    %min3A_437 = arith.constant 1 : i32
    %min3A_438 = vector.broadcast %min3A_437 : i32 to vector<16xi32>
    %min3A_439 = arith.minsi %get3A_436, %min3A_438 : vector<16xi32>
    %add3A_440 = arith.addi %add3A_432, %min3A_439 : vector<16xi32>
    %get3A_441 = arith.constant 11 : i32
    %get3A_442 = arith.index_cast %get3A_441 : i32 to index
    %get3A_443 = arith.constant 32 : index
    %get3A_444 = tpu.vector_load %arg10[%get3A_442, %get3A_443] {strides = array<i32>} : memref<20x128xi32, #tpu.memory_space<vmem>>, vector<16xi32>,
    %min3A_445 = arith.constant 1 : i32
    %min3A_446 = vector.broadcast %min3A_445 : i32 to vector<16xi32>
    %min3A_447 = arith.minsi %get3A_444, %min3A_446 : vector<16xi32>
    %add3A_448 = arith.addi %add3A_440, %min3A_447 : vector<16xi32>
    %get3A_449 = arith.constant 12 : i32
    %get3A_450 = arith.index_cast %get3A_449 : i32 to index
    %get3A_451 = arith.constant 32 : index
    %get3A_452 = tpu.vector_load %arg10[%get3A_450, %get3A_451] {strides = array<i32>} : memref<20x128xi32, #tpu.memory_space<vmem>>, vector<16xi32>,
    %min3A_453 = arith.constant 1 : i32
    %min3A_454 = vector.broadcast %min3A_453 : i32 to vector<16xi32>
    %min3A_455 = arith.minsi %get3A_452, %min3A_454 : vector<16xi32>
    %add3A_456 = arith.addi %add3A_448, %min3A_455 : vector<16xi32>
    %get3A_457 = arith.constant 13 : i32
    %get3A_458 = arith.index_cast %get3A_457 : i32 to index
    %get3A_459 = arith.constant 32 : index
    %get3A_460 = tpu.vector_load %arg10[%get3A_458, %get3A_459] {strides = array<i32>} : memref<20x128xi32, #tpu.memory_space<vmem>>, vector<16xi32>,
    %min3A_461 = arith.constant 1 : i32
    %min3A_462 = vector.broadcast %min3A_461 : i32 to vector<16xi32>
    %min3A_463 = arith.minsi %get3A_460, %min3A_462 : vector<16xi32>
    %add3A_464 = arith.addi %add3A_456, %min3A_463 : vector<16xi32>
    %get3A_465 = arith.constant 14 : i32
    %get3A_466 = arith.index_cast %get3A_465 : i32 to index
    %get3A_467 = arith.constant 32 : index
    %get3A_468 = tpu.vector_load %arg10[%get3A_466, %get3A_467] {strides = array<i32>} : memref<20x128xi32, #tpu.memory_space<vmem>>, vector<16xi32>,
    %min3A_469 = arith.constant 1 : i32
    %min3A_470 = vector.broadcast %min3A_469 : i32 to vector<16xi32>
    %min3A_471 = arith.minsi %get3A_468, %min3A_470 : vector<16xi32>
    %add3A_472 = arith.addi %add3A_464, %min3A_471 : vector<16xi32>
    %get3A_473 = arith.constant 15 : i32
    %get3A_474 = arith.index_cast %get3A_473 : i32 to index
    %get3A_475 = arith.constant 32 : index
    %get3A_476 = tpu.vector_load %arg10[%get3A_474, %get3A_475] {strides = array<i32>} : memref<20x128xi32, #tpu.memory_space<vmem>>, vector<16xi32>,
    %min3A_477 = arith.constant 1 : i32
    %min3A_478 = vector.broadcast %min3A_477 : i32 to vector<16xi32>
    %min3A_479 = arith.minsi %get3A_476, %min3A_478 : vector<16xi32>
    %add3A_480 = arith.addi %add3A_472, %min3A_479 : vector<16xi32>
    %get3A_481 = arith.constant 16 : i32
    %get3A_482 = arith.index_cast %get3A_481 : i32 to index
    %get3A_483 = arith.constant 32 : index
    %get3A_484 = tpu.vector_load %arg10[%get3A_482, %get3A_483] {strides = array<i32>} : memref<20x128xi32, #tpu.memory_space<vmem>>, vector<16xi32>,
    %min3A_485 = arith.constant 1 : i32
    %min3A_486 = vector.broadcast %min3A_485 : i32 to vector<16xi32>
    %min3A_487 = arith.minsi %get3A_484, %min3A_486 : vector<16xi32>
    %add3A_488 = arith.addi %add3A_480, %min3A_487 : vector<16xi32>
    %get3A_489 = arith.constant 17 : i32
    %get3A_490 = arith.index_cast %get3A_489 : i32 to index
    %get3A_491 = arith.constant 32 : index
    %get3A_492 = tpu.vector_load %arg10[%get3A_490, %get3A_491] {strides = array<i32>} : memref<20x128xi32, #tpu.memory_space<vmem>>, vector<16xi32>,
    %min3A_493 = arith.constant 1 : i32
    %min3A_494 = vector.broadcast %min3A_493 : i32 to vector<16xi32>
    %min3A_495 = arith.minsi %get3A_492, %min3A_494 : vector<16xi32>
    %add3A_496 = arith.addi %add3A_488, %min3A_495 : vector<16xi32>
    %get3A_497 = arith.constant 18 : i32
    %get3A_498 = arith.index_cast %get3A_497 : i32 to index
    %get3A_499 = arith.constant 32 : index
    %get3A_500 = tpu.vector_load %arg10[%get3A_498, %get3A_499] {strides = array<i32>} : memref<20x128xi32, #tpu.memory_space<vmem>>, vector<16xi32>,
    %min3A_501 = arith.constant 1 : i32
    %min3A_502 = vector.broadcast %min3A_501 : i32 to vector<16xi32>
    %min3A_503 = arith.minsi %get3A_500, %min3A_502 : vector<16xi32>
    %add3A_504 = arith.addi %add3A_496, %min3A_503 : vector<16xi32>
    %get3A_505 = arith.constant 19 : i32
    %get3A_506 = arith.index_cast %get3A_505 : i32 to index
    %get3A_507 = arith.constant 32 : index
    %get3A_508 = tpu.vector_load %arg10[%get3A_506, %get3A_507] {strides = array<i32>} : memref<20x128xi32, #tpu.memory_space<vmem>>, vector<16xi32>,
    %min3A_509 = arith.constant 1 : i32
    %min3A_510 = vector.broadcast %min3A_509 : i32 to vector<16xi32>
    %min3A_511 = arith.minsi %get3A_508, %min3A_510 : vector<16xi32>
    %add3A_512 = arith.addi %add3A_504, %min3A_511 : vector<16xi32>
    %convert_element_type3A_513 = arith.sitofp %add3A_512 : vector<16xi32> to vector<16xf32>
    %swap3A_514 = arith.constant 32 : index
    %swap3A_515 = tpu.vector_load %arg16[%swap3A_514] {strides = array<i32>} : memref<128xf32, #tpu.memory_space<vmem>>, vector<16xf32>,
    tpu.vector_store %arg16[%swap3A_514], %convert_element_type3A_513 {strides = array<i32>} : memref<128xf32, #tpu.memory_space<vmem>>, vector<16xf32>,
    %broadcast_in_dim3A_516 = arith.constant 0 : i32
    %broadcast_in_dim3A_517 = vector.broadcast %broadcast_in_dim3A_516 : i32 to vector<16xi32>
    %get3A_518 = arith.constant 0 : i32
    %get3A_519 = arith.index_cast %get3A_518 : i32 to index
    %get3A_520 = arith.constant 48 : index
    %get3A_521 = tpu.vector_load %arg10[%get3A_519, %get3A_520] {strides = array<i32>} : memref<20x128xi32, #tpu.memory_space<vmem>>, vector<16xi32>,
    %min3A_522 = arith.constant 1 : i32
    %min3A_523 = vector.broadcast %min3A_522 : i32 to vector<16xi32>
    %min3A_524 = arith.minsi %get3A_521, %min3A_523 : vector<16xi32>
    %add3A_525 = arith.addi %broadcast_in_dim3A_517, %min3A_524 : vector<16xi32>
    %get3A_526 = arith.constant 1 : i32
    %get3A_527 = arith.index_cast %get3A_526 : i32 to index
    %get3A_528 = arith.constant 48 : index
    %get3A_529 = tpu.vector_load %arg10[%get3A_527, %get3A_528] {strides = array<i32>} : memref<20x128xi32, #tpu.memory_space<vmem>>, vector<16xi32>,
    %min3A_530 = arith.constant 1 : i32
    %min3A_531 = vector.broadcast %min3A_530 : i32 to vector<16xi32>
    %min3A_532 = arith.minsi %get3A_529, %min3A_531 : vector<16xi32>
    %add3A_533 = arith.addi %add3A_525, %min3A_532 : vector<16xi32>
    %get3A_534 = arith.constant 2 : i32
    %get3A_535 = arith.index_cast %get3A_534 : i32 to index
    %get3A_536 = arith.constant 48 : index
    %get3A_537 = tpu.vector_load %arg10[%get3A_535, %get3A_536] {strides = array<i32>} : memref<20x128xi32, #tpu.memory_space<vmem>>, vector<16xi32>,
    %min3A_538 = arith.constant 1 : i32
    %min3A_539 = vector.broadcast %min3A_538 : i32 to vector<16xi32>
    %min3A_540 = arith.minsi %get3A_537, %min3A_539 : vector<16xi32>
    %add3A_541 = arith.addi %add3A_533, %min3A_540 : vector<16xi32>
    %get3A_542 = arith.constant 3 : i32
    %get3A_543 = arith.index_cast %get3A_542 : i32 to index
    %get3A_544 = arith.constant 48 : index
    %get3A_545 = tpu.vector_load %arg10[%get3A_543, %get3A_544] {strides = array<i32>} : memref<20x128xi32, #tpu.memory_space<vmem>>, vector<16xi32>,
    %min3A_546 = arith.constant 1 : i32
    %min3A_547 = vector.broadcast %min3A_546 : i32 to vector<16xi32>
    %min3A_548 = arith.minsi %get3A_545, %min3A_547 : vector<16xi32>
    %add3A_549 = arith.addi %add3A_541, %min3A_548 : vector<16xi32>
    %get3A_550 = arith.constant 4 : i32
    %get3A_551 = arith.index_cast %get3A_550 : i32 to index
    %get3A_552 = arith.constant 48 : index
    %get3A_553 = tpu.vector_load %arg10[%get3A_551, %get3A_552] {strides = array<i32>} : memref<20x128xi32, #tpu.memory_space<vmem>>, vector<16xi32>,
    %min3A_554 = arith.constant 1 : i32
    %min3A_555 = vector.broadcast %min3A_554 : i32 to vector<16xi32>
    %min3A_556 = arith.minsi %get3A_553, %min3A_555 : vector<16xi32>
    %add3A_557 = arith.addi %add3A_549, %min3A_556 : vector<16xi32>
    %get3A_558 = arith.constant 5 : i32
    %get3A_559 = arith.index_cast %get3A_558 : i32 to index
    %get3A_560 = arith.constant 48 : index
    %get3A_561 = tpu.vector_load %arg10[%get3A_559, %get3A_560] {strides = array<i32>} : memref<20x128xi32, #tpu.memory_space<vmem>>, vector<16xi32>,
    %min3A_562 = arith.constant 1 : i32
    %min3A_563 = vector.broadcast %min3A_562 : i32 to vector<16xi32>
    %min3A_564 = arith.minsi %get3A_561, %min3A_563 : vector<16xi32>
    %add3A_565 = arith.addi %add3A_557, %min3A_564 : vector<16xi32>
    %get3A_566 = arith.constant 6 : i32
    %get3A_567 = arith.index_cast %get3A_566 : i32 to index
    %get3A_568 = arith.constant 48 : index
    %get3A_569 = tpu.vector_load %arg10[%get3A_567, %get3A_568] {strides = array<i32>} : memref<20x128xi32, #tpu.memory_space<vmem>>, vector<16xi32>,
    %min3A_570 = arith.constant 1 : i32
    %min3A_571 = vector.broadcast %min3A_570 : i32 to vector<16xi32>
    %min3A_572 = arith.minsi %get3A_569, %min3A_571 : vector<16xi32>
    %add3A_573 = arith.addi %add3A_565, %min3A_572 : vector<16xi32>
    %get3A_574 = arith.constant 7 : i32
    %get3A_575 = arith.index_cast %get3A_574 : i32 to index
    %get3A_576 = arith.constant 48 : index
    %get3A_577 = tpu.vector_load %arg10[%get3A_575, %get3A_576] {strides = array<i32>} : memref<20x128xi32, #tpu.memory_space<vmem>>, vector<16xi32>,
    %min3A_578 = arith.constant 1 : i32
    %min3A_579 = vector.broadcast %min3A_578 : i32 to vector<16xi32>
    %min3A_580 = arith.minsi %get3A_577, %min3A_579 : vector<16xi32>
    %add3A_581 = arith.addi %add3A_573, %min3A_580 : vector<16xi32>
    %get3A_582 = arith.constant 8 : i32
    %get3A_583 = arith.index_cast %get3A_582 : i32 to index
    %get3A_584 = arith.constant 48 : index
    %get3A_585 = tpu.vector_load %arg10[%get3A_583, %get3A_584] {strides = array<i32>} : memref<20x128xi32, #tpu.memory_space<vmem>>, vector<16xi32>,
    %min3A_586 = arith.constant 1 : i32
    %min3A_587 = vector.broadcast %min3A_586 : i32 to vector<16xi32>
    %min3A_588 = arith.minsi %get3A_585, %min3A_587 : vector<16xi32>
    %add3A_589 = arith.addi %add3A_581, %min3A_588 : vector<16xi32>
    %get3A_590 = arith.constant 9 : i32
    %get3A_591 = arith.index_cast %get3A_590 : i32 to index
    %get3A_592 = arith.constant 48 : index
    %get3A_593 = tpu.vector_load %arg10[%get3A_591, %get3A_592] {strides = array<i32>} : memref<20x128xi32, #tpu.memory_space<vmem>>, vector<16xi32>,
    %min3A_594 = arith.constant 1 : i32
    %min3A_595 = vector.broadcast %min3A_594 : i32 to vector<16xi32>
    %min3A_596 = arith.minsi %get3A_593, %min3A_595 : vector<16xi32>
    %add3A_597 = arith.addi %add3A_589, %min3A_596 : vector<16xi32>
    %get3A_598 = arith.constant 10 : i32
    %get3A_599 = arith.index_cast %get3A_598 : i32 to index
    %get3A_600 = arith.constant 48 : index
    %get3A_601 = tpu.vector_load %arg10[%get3A_599, %get3A_600] {strides = array<i32>} : memref<20x128xi32, #tpu.memory_space<vmem>>, vector<16xi32>,
    %min3A_602 = arith.constant 1 : i32
    %min3A_603 = vector.broadcast %min3A_602 : i32 to vector<16xi32>
    %min3A_604 = arith.minsi %get3A_601, %min3A_603 : vector<16xi32>
    %add3A_605 = arith.addi %add3A_597, %min3A_604 : vector<16xi32>
    %get3A_606 = arith.constant 11 : i32
    %get3A_607 = arith.index_cast %get3A_606 : i32 to index
    %get3A_608 = arith.constant 48 : index
    %get3A_609 = tpu.vector_load %arg10[%get3A_607, %get3A_608] {strides = array<i32>} : memref<20x128xi32, #tpu.memory_space<vmem>>, vector<16xi32>,
    %min3A_610 = arith.constant 1 : i32
    %min3A_611 = vector.broadcast %min3A_610 : i32 to vector<16xi32>
    %min3A_612 = arith.minsi %get3A_609, %min3A_611 : vector<16xi32>
    %add3A_613 = arith.addi %add3A_605, %min3A_612 : vector<16xi32>
    %get3A_614 = arith.constant 12 : i32
    %get3A_615 = arith.index_cast %get3A_614 : i32 to index
    %get3A_616 = arith.constant 48 : index
    %get3A_617 = tpu.vector_load %arg10[%get3A_615, %get3A_616] {strides = array<i32>} : memref<20x128xi32, #tpu.memory_space<vmem>>, vector<16xi32>,
    %min3A_618 = arith.constant 1 : i32
    %min3A_619 = vector.broadcast %min3A_618 : i32 to vector<16xi32>
    %min3A_620 = arith.minsi %get3A_617, %min3A_619 : vector<16xi32>
    %add3A_621 = arith.addi %add3A_613, %min3A_620 : vector<16xi32>
    %get3A_622 = arith.constant 13 : i32
    %get3A_623 = arith.index_cast %get3A_622 : i32 to index
    %get3A_624 = arith.constant 48 : index
    %get3A_625 = tpu.vector_load %arg10[%get3A_623, %get3A_624] {strides = array<i32>} : memref<20x128xi32, #tpu.memory_space<vmem>>, vector<16xi32>,
    %min3A_626 = arith.constant 1 : i32
    %min3A_627 = vector.broadcast %min3A_626 : i32 to vector<16xi32>
    %min3A_628 = arith.minsi %get3A_625, %min3A_627 : vector<16xi32>
    %add3A_629 = arith.addi %add3A_621, %min3A_628 : vector<16xi32>
    %get3A_630 = arith.constant 14 : i32
    %get3A_631 = arith.index_cast %get3A_630 : i32 to index
    %get3A_632 = arith.constant 48 : index
    %get3A_633 = tpu.vector_load %arg10[%get3A_631, %get3A_632] {strides = array<i32>} : memref<20x128xi32, #tpu.memory_space<vmem>>, vector<16xi32>,
    %min3A_634 = arith.constant 1 : i32
    %min3A_635 = vector.broadcast %min3A_634 : i32 to vector<16xi32>
    %min3A_636 = arith.minsi %get3A_633, %min3A_635 : vector<16xi32>
    %add3A_637 = arith.addi %add3A_629, %min3A_636 : vector<16xi32>
    %get3A_638 = arith.constant 15 : i32
    %get3A_639 = arith.index_cast %get3A_638 : i32 to index
    %get3A_640 = arith.constant 48 : index
    %get3A_641 = tpu.vector_load %arg10[%get3A_639, %get3A_640] {strides = array<i32>} : memref<20x128xi32, #tpu.memory_space<vmem>>, vector<16xi32>,
    %min3A_642 = arith.constant 1 : i32
    %min3A_643 = vector.broadcast %min3A_642 : i32 to vector<16xi32>
    %min3A_644 = arith.minsi %get3A_641, %min3A_643 : vector<16xi32>
    %add3A_645 = arith.addi %add3A_637, %min3A_644 : vector<16xi32>
    %get3A_646 = arith.constant 16 : i32
    %get3A_647 = arith.index_cast %get3A_646 : i32 to index
    %get3A_648 = arith.constant 48 : index
    %get3A_649 = tpu.vector_load %arg10[%get3A_647, %get3A_648] {strides = array<i32>} : memref<20x128xi32, #tpu.memory_space<vmem>>, vector<16xi32>,
    %min3A_650 = arith.constant 1 : i32
    %min3A_651 = vector.broadcast %min3A_650 : i32 to vector<16xi32>
    %min3A_652 = arith.minsi %get3A_649, %min3A_651 : vector<16xi32>
    %add3A_653 = arith.addi %add3A_645, %min3A_652 : vector<16xi32>
    %get3A_654 = arith.constant 17 : i32
    %get3A_655 = arith.index_cast %get3A_654 : i32 to index
    %get3A_656 = arith.constant 48 : index
    %get3A_657 = tpu.vector_load %arg10[%get3A_655, %get3A_656] {strides = array<i32>} : memref<20x128xi32, #tpu.memory_space<vmem>>, vector<16xi32>,
    %min3A_658 = arith.constant 1 : i32
    %min3A_659 = vector.broadcast %min3A_658 : i32 to vector<16xi32>
    %min3A_660 = arith.minsi %get3A_657, %min3A_659 : vector<16xi32>
    %add3A_661 = arith.addi %add3A_653, %min3A_660 : vector<16xi32>
    %get3A_662 = arith.constant 18 : i32
    %get3A_663 = arith.index_cast %get3A_662 : i32 to index
    %get3A_664 = arith.constant 48 : index
    %get3A_665 = tpu.vector_load %arg10[%get3A_663, %get3A_664] {strides = array<i32>} : memref<20x128xi32, #tpu.memory_space<vmem>>, vector<16xi32>,
    %min3A_666 = arith.constant 1 : i32
    %min3A_667 = vector.broadcast %min3A_666 : i32 to vector<16xi32>
    %min3A_668 = arith.minsi %get3A_665, %min3A_667 : vector<16xi32>
    %add3A_669 = arith.addi %add3A_661, %min3A_668 : vector<16xi32>
    %get3A_670 = arith.constant 19 : i32
    %get3A_671 = arith.index_cast %get3A_670 : i32 to index
    %get3A_672 = arith.constant 48 : index
    %get3A_673 = tpu.vector_load %arg10[%get3A_671, %get3A_672] {strides = array<i32>} : memref<20x128xi32, #tpu.memory_space<vmem>>, vector<16xi32>,
    %min3A_674 = arith.constant 1 : i32
    %min3A_675 = vector.broadcast %min3A_674 : i32 to vector<16xi32>
    %min3A_676 = arith.minsi %get3A_673, %min3A_675 : vector<16xi32>
    %add3A_677 = arith.addi %add3A_669, %min3A_676 : vector<16xi32>
    %convert_element_type3A_678 = arith.sitofp %add3A_677 : vector<16xi32> to vector<16xf32>
    %swap3A_679 = arith.constant 48 : index
    %swap3A_680 = tpu.vector_load %arg16[%swap3A_679] {strides = array<i32>} : memref<128xf32, #tpu.memory_space<vmem>>, vector<16xf32>,
    tpu.vector_store %arg16[%swap3A_679], %convert_element_type3A_678 {strides = array<i32>} : memref<128xf32, #tpu.memory_space<vmem>>, vector<16xf32>,
    %broadcast_in_dim3A_681 = arith.constant 0 : i32
    %broadcast_in_dim3A_682 = vector.broadcast %broadcast_in_dim3A_681 : i32 to vector<16xi32>
    %get3A_683 = arith.constant 0 : i32
    %get3A_684 = arith.index_cast %get3A_683 : i32 to index
    %get3A_685 = arith.constant 64 : index
    %get3A_686 = tpu.vector_load %arg10[%get3A_684, %get3A_685] {strides = array<i32>} : memref<20x128xi32, #tpu.memory_space<vmem>>, vector<16xi32>,
    %min3A_687 = arith.constant 1 : i32
    %min3A_688 = vector.broadcast %min3A_687 : i32 to vector<16xi32>
    %min3A_689 = arith.minsi %get3A_686, %min3A_688 : vector<16xi32>
    %add3A_690 = arith.addi %broadcast_in_dim3A_682, %min3A_689 : vector<16xi32>
    %get3A_691 = arith.constant 1 : i32
    %get3A_692 = arith.index_cast %get3A_691 : i32 to index
    %get3A_693 = arith.constant 64 : index
    %get3A_694 = tpu.vector_load %arg10[%get3A_692, %get3A_693] {strides = array<i32>} : memref<20x128xi32, #tpu.memory_space<vmem>>, vector<16xi32>,
    %min3A_695 = arith.constant 1 : i32
    %min3A_696 = vector.broadcast %min3A_695 : i32 to vector<16xi32>
    %min3A_697 = arith.minsi %get3A_694, %min3A_696 : vector<16xi32>
    %add3A_698 = arith.addi %add3A_690, %min3A_697 : vector<16xi32>
    %get3A_699 = arith.constant 2 : i32
    %get3A_700 = arith.index_cast %get3A_699 : i32 to index
    %get3A_701 = arith.constant 64 : index
    %get3A_702 = tpu.vector_load %arg10[%get3A_700, %get3A_701] {strides = array<i32>} : memref<20x128xi32, #tpu.memory_space<vmem>>, vector<16xi32>,
    %min3A_703 = arith.constant 1 : i32
    %min3A_704 = vector.broadcast %min3A_703 : i32 to vector<16xi32>
    %min3A_705 = arith.minsi %get3A_702, %min3A_704 : vector<16xi32>
    %add3A_706 = arith.addi %add3A_698, %min3A_705 : vector<16xi32>
    %get3A_707 = arith.constant 3 : i32
    %get3A_708 = arith.index_cast %get3A_707 : i32 to index
    %get3A_709 = arith.constant 64 : index
    %get3A_710 = tpu.vector_load %arg10[%get3A_708, %get3A_709] {strides = array<i32>} : memref<20x128xi32, #tpu.memory_space<vmem>>, vector<16xi32>,
    %min3A_711 = arith.constant 1 : i32
    %min3A_712 = vector.broadcast %min3A_711 : i32 to vector<16xi32>
    %min3A_713 = arith.minsi %get3A_710, %min3A_712 : vector<16xi32>
    %add3A_714 = arith.addi %add3A_706, %min3A_713 : vector<16xi32>
    %get3A_715 = arith.constant 4 : i32
    %get3A_716 = arith.index_cast %get3A_715 : i32 to index
    %get3A_717 = arith.constant 64 : index
    %get3A_718 = tpu.vector_load %arg10[%get3A_716, %get3A_717] {strides = array<i32>} : memref<20x128xi32, #tpu.memory_space<vmem>>, vector<16xi32>,
    %min3A_719 = arith.constant 1 : i32
    %min3A_720 = vector.broadcast %min3A_719 : i32 to vector<16xi32>
    %min3A_721 = arith.minsi %get3A_718, %min3A_720 : vector<16xi32>
    %add3A_722 = arith.addi %add3A_714, %min3A_721 : vector<16xi32>
    %get3A_723 = arith.constant 5 : i32
    %get3A_724 = arith.index_cast %get3A_723 : i32 to index
    %get3A_725 = arith.constant 64 : index
    %get3A_726 = tpu.vector_load %arg10[%get3A_724, %get3A_725] {strides = array<i32>} : memref<20x128xi32, #tpu.memory_space<vmem>>, vector<16xi32>,
    %min3A_727 = arith.constant 1 : i32
    %min3A_728 = vector.broadcast %min3A_727 : i32 to vector<16xi32>
    %min3A_729 = arith.minsi %get3A_726, %min3A_728 : vector<16xi32>
    %add3A_730 = arith.addi %add3A_722, %min3A_729 : vector<16xi32>
    %get3A_731 = arith.constant 6 : i32
    %get3A_732 = arith.index_cast %get3A_731 : i32 to index
    %get3A_733 = arith.constant 64 : index
    %get3A_734 = tpu.vector_load %arg10[%get3A_732, %get3A_733] {strides = array<i32>} : memref<20x128xi32, #tpu.memory_space<vmem>>, vector<16xi32>,
    %min3A_735 = arith.constant 1 : i32
    %min3A_736 = vector.broadcast %min3A_735 : i32 to vector<16xi32>
    %min3A_737 = arith.minsi %get3A_734, %min3A_736 : vector<16xi32>
    %add3A_738 = arith.addi %add3A_730, %min3A_737 : vector<16xi32>
    %get3A_739 = arith.constant 7 : i32
    %get3A_740 = arith.index_cast %get3A_739 : i32 to index
    %get3A_741 = arith.constant 64 : index
    %get3A_742 = tpu.vector_load %arg10[%get3A_740, %get3A_741] {strides = array<i32>} : memref<20x128xi32, #tpu.memory_space<vmem>>, vector<16xi32>,
    %min3A_743 = arith.constant 1 : i32
    %min3A_744 = vector.broadcast %min3A_743 : i32 to vector<16xi32>
    %min3A_745 = arith.minsi %get3A_742, %min3A_744 : vector<16xi32>
    %add3A_746 = arith.addi %add3A_738, %min3A_745 : vector<16xi32>
    %get3A_747 = arith.constant 8 : i32
    %get3A_748 = arith.index_cast %get3A_747 : i32 to index
    %get3A_749 = arith.constant 64 : index
    %get3A_750 = tpu.vector_load %arg10[%get3A_748, %get3A_749] {strides = array<i32>} : memref<20x128xi32, #tpu.memory_space<vmem>>, vector<16xi32>,
    %min3A_751 = arith.constant 1 : i32
    %min3A_752 = vector.broadcast %min3A_751 : i32 to vector<16xi32>
    %min3A_753 = arith.minsi %get3A_750, %min3A_752 : vector<16xi32>
    %add3A_754 = arith.addi %add3A_746, %min3A_753 : vector<16xi32>
    %get3A_755 = arith.constant 9 : i32
    %get3A_756 = arith.index_cast %get3A_755 : i32 to index
    %get3A_757 = arith.constant 64 : index
    %get3A_758 = tpu.vector_load %arg10[%get3A_756, %get3A_757] {strides = array<i32>} : memref<20x128xi32, #tpu.memory_space<vmem>>, vector<16xi32>,
    %min3A_759 = arith.constant 1 : i32
    %min3A_760 = vector.broadcast %min3A_759 : i32 to vector<16xi32>
    %min3A_761 = arith.minsi %get3A_758, %min3A_760 : vector<16xi32>
    %add3A_762 = arith.addi %add3A_754, %min3A_761 : vector<16xi32>
    %get3A_763 = arith.constant 10 : i32
    %get3A_764 = arith.index_cast %get3A_763 : i32 to index
    %get3A_765 = arith.constant 64 : index
    %get3A_766 = tpu.vector_load %arg10[%get3A_764, %get3A_765] {strides = array<i32>} : memref<20x128xi32, #tpu.memory_space<vmem>>, vector<16xi32>,
    %min3A_767 = arith.constant 1 : i32
    %min3A_768 = vector.broadcast %min3A_767 : i32 to vector<16xi32>
    %min3A_769 = arith.minsi %get3A_766, %min3A_768 : vector<16xi32>
    %add3A_770 = arith.addi %add3A_762, %min3A_769 : vector<16xi32>
    %get3A_771 = arith.constant 11 : i32
    %get3A_772 = arith.index_cast %get3A_771 : i32 to index
    %get3A_773 = arith.constant 64 : index
    %get3A_774 = tpu.vector_load %arg10[%get3A_772, %get3A_773] {strides = array<i32>} : memref<20x128xi32, #tpu.memory_space<vmem>>, vector<16xi32>,
    %min3A_775 = arith.constant 1 : i32
    %min3A_776 = vector.broadcast %min3A_775 : i32 to vector<16xi32>
    %min3A_777 = arith.minsi %get3A_774, %min3A_776 : vector<16xi32>
    %add3A_778 = arith.addi %add3A_770, %min3A_777 : vector<16xi32>
    %get3A_779 = arith.constant 12 : i32
    %get3A_780 = arith.index_cast %get3A_779 : i32 to index
    %get3A_781 = arith.constant 64 : index
    %get3A_782 = tpu.vector_load %arg10[%get3A_780, %get3A_781] {strides = array<i32>} : memref<20x128xi32, #tpu.memory_space<vmem>>, vector<16xi32>,
    %min3A_783 = arith.constant 1 : i32
    %min3A_784 = vector.broadcast %min3A_783 : i32 to vector<16xi32>
    %min3A_785 = arith.minsi %get3A_782, %min3A_784 : vector<16xi32>
    %add3A_786 = arith.addi %add3A_778, %min3A_785 : vector<16xi32>
    %get3A_787 = arith.constant 13 : i32
    %get3A_788 = arith.index_cast %get3A_787 : i32 to index
    %get3A_789 = arith.constant 64 : index
    %get3A_790 = tpu.vector_load %arg10[%get3A_788, %get3A_789] {strides = array<i32>} : memref<20x128xi32, #tpu.memory_space<vmem>>, vector<16xi32>,
    %min3A_791 = arith.constant 1 : i32
    %min3A_792 = vector.broadcast %min3A_791 : i32 to vector<16xi32>
    %min3A_793 = arith.minsi %get3A_790, %min3A_792 : vector<16xi32>
    %add3A_794 = arith.addi %add3A_786, %min3A_793 : vector<16xi32>
    %get3A_795 = arith.constant 14 : i32
    %get3A_796 = arith.index_cast %get3A_795 : i32 to index
    %get3A_797 = arith.constant 64 : index
    %get3A_798 = tpu.vector_load %arg10[%get3A_796, %get3A_797] {strides = array<i32>} : memref<20x128xi32, #tpu.memory_space<vmem>>, vector<16xi32>,
    %min3A_799 = arith.constant 1 : i32
    %min3A_800 = vector.broadcast %min3A_799 : i32 to vector<16xi32>
    %min3A_801 = arith.minsi %get3A_798, %min3A_800 : vector<16xi32>
    %add3A_802 = arith.addi %add3A_794, %min3A_801 : vector<16xi32>
    %get3A_803 = arith.constant 15 : i32
    %get3A_804 = arith.index_cast %get3A_803 : i32 to index
    %get3A_805 = arith.constant 64 : index
    %get3A_806 = tpu.vector_load %arg10[%get3A_804, %get3A_805] {strides = array<i32>} : memref<20x128xi32, #tpu.memory_space<vmem>>, vector<16xi32>,
    %min3A_807 = arith.constant 1 : i32
    %min3A_808 = vector.broadcast %min3A_807 : i32 to vector<16xi32>
    %min3A_809 = arith.minsi %get3A_806, %min3A_808 : vector<16xi32>
    %add3A_810 = arith.addi %add3A_802, %min3A_809 : vector<16xi32>
    %get3A_811 = arith.constant 16 : i32
    %get3A_812 = arith.index_cast %get3A_811 : i32 to index
    %get3A_813 = arith.constant 64 : index
    %get3A_814 = tpu.vector_load %arg10[%get3A_812, %get3A_813] {strides = array<i32>} : memref<20x128xi32, #tpu.memory_space<vmem>>, vector<16xi32>,
    %min3A_815 = arith.constant 1 : i32
    %min3A_816 = vector.broadcast %min3A_815 : i32 to vector<16xi32>
    %min3A_817 = arith.minsi %get3A_814, %min3A_816 : vector<16xi32>
    %add3A_818 = arith.addi %add3A_810, %min3A_817 : vector<16xi32>
    %get3A_819 = arith.constant 17 : i32
    %get3A_820 = arith.index_cast %get3A_819 : i32 to index
    %get3A_821 = arith.constant 64 : index
    %get3A_822 = tpu.vector_load %arg10[%get3A_820, %get3A_821] {strides = array<i32>} : memref<20x128xi32, #tpu.memory_space<vmem>>, vector<16xi32>,
    %min3A_823 = arith.constant 1 : i32
    %min3A_824 = vector.broadcast %min3A_823 : i32 to vector<16xi32>
    %min3A_825 = arith.minsi %get3A_822, %min3A_824 : vector<16xi32>
    %add3A_826 = arith.addi %add3A_818, %min3A_825 : vector<16xi32>
    %get3A_827 = arith.constant 18 : i32
    %get3A_828 = arith.index_cast %get3A_827 : i32 to index
    %get3A_829 = arith.constant 64 : index
    %get3A_830 = tpu.vector_load %arg10[%get3A_828, %get3A_829] {strides = array<i32>} : memref<20x128xi32, #tpu.memory_space<vmem>>, vector<16xi32>,
    %min3A_831 = arith.constant 1 : i32
    %min3A_832 = vector.broadcast %min3A_831 : i32 to vector<16xi32>
    %min3A_833 = arith.minsi %get3A_830, %min3A_832 : vector<16xi32>
    %add3A_834 = arith.addi %add3A_826, %min3A_833 : vector<16xi32>
    %get3A_835 = arith.constant 19 : i32
    %get3A_836 = arith.index_cast %get3A_835 : i32 to index
    %get3A_837 = arith.constant 64 : index
    %get3A_838 = tpu.vector_load %arg10[%get3A_836, %get3A_837] {strides = array<i32>} : memref<20x128xi32, #tpu.memory_space<vmem>>, vector<16xi32>,
    %min3A_839 = arith.constant 1 : i32
    %min3A_840 = vector.broadcast %min3A_839 : i32 to vector<16xi32>
    %min3A_841 = arith.minsi %get3A_838, %min3A_840 : vector<16xi32>
    %add3A_842 = arith.addi %add3A_834, %min3A_841 : vector<16xi32>
    %convert_element_type3A_843 = arith.sitofp %add3A_842 : vector<16xi32> to vector<16xf32>
    %swap3A_844 = arith.constant 64 : index
    %swap3A_845 = tpu.vector_load %arg16[%swap3A_844] {strides = array<i32>} : memref<128xf32, #tpu.memory_space<vmem>>, vector<16xf32>,
    tpu.vector_store %arg16[%swap3A_844], %convert_element_type3A_843 {strides = array<i32>} : memref<128xf32, #tpu.memory_space<vmem>>, vector<16xf32>,
    %broadcast_in_dim3A_846 = arith.constant 0 : i32
    %broadcast_in_dim3A_847 = vector.broadcast %broadcast_in_dim3A_846 : i32 to vector<16xi32>
    %get3A_848 = arith.constant 0 : i32
    %get3A_849 = arith.index_cast %get3A_848 : i32 to index
    %get3A_850 = arith.constant 80 : index
    %get3A_851 = tpu.vector_load %arg10[%get3A_849, %get3A_850] {strides = array<i32>} : memref<20x128xi32, #tpu.memory_space<vmem>>, vector<16xi32>,
    %min3A_852 = arith.constant 1 : i32
    %min3A_853 = vector.broadcast %min3A_852 : i32 to vector<16xi32>
    %min3A_854 = arith.minsi %get3A_851, %min3A_853 : vector<16xi32>
    %add3A_855 = arith.addi %broadcast_in_dim3A_847, %min3A_854 : vector<16xi32>
    %get3A_856 = arith.constant 1 : i32
    %get3A_857 = arith.index_cast %get3A_856 : i32 to index
    %get3A_858 = arith.constant 80 : index
    %get3A_859 = tpu.vector_load %arg10[%get3A_857, %get3A_858] {strides = array<i32>} : memref<20x128xi32, #tpu.memory_space<vmem>>, vector<16xi32>,
    %min3A_860 = arith.constant 1 : i32
    %min3A_861 = vector.broadcast %min3A_860 : i32 to vector<16xi32>
    %min3A_862 = arith.minsi %get3A_859, %min3A_861 : vector<16xi32>
    %add3A_863 = arith.addi %add3A_855, %min3A_862 : vector<16xi32>
    %get3A_864 = arith.constant 2 : i32
    %get3A_865 = arith.index_cast %get3A_864 : i32 to index
    %get3A_866 = arith.constant 80 : index
    %get3A_867 = tpu.vector_load %arg10[%get3A_865, %get3A_866] {strides = array<i32>} : memref<20x128xi32, #tpu.memory_space<vmem>>, vector<16xi32>,
    %min3A_868 = arith.constant 1 : i32
    %min3A_869 = vector.broadcast %min3A_868 : i32 to vector<16xi32>
    %min3A_870 = arith.minsi %get3A_867, %min3A_869 : vector<16xi32>
    %add3A_871 = arith.addi %add3A_863, %min3A_870 : vector<16xi32>
    %get3A_872 = arith.constant 3 : i32
    %get3A_873 = arith.index_cast %get3A_872 : i32 to index
    %get3A_874 = arith.constant 80 : index
    %get3A_875 = tpu.vector_load %arg10[%get3A_873, %get3A_874] {strides = array<i32>} : memref<20x128xi32, #tpu.memory_space<vmem>>, vector<16xi32>,
    %min3A_876 = arith.constant 1 : i32
    %min3A_877 = vector.broadcast %min3A_876 : i32 to vector<16xi32>
    %min3A_878 = arith.minsi %get3A_875, %min3A_877 : vector<16xi32>
    %add3A_879 = arith.addi %add3A_871, %min3A_878 : vector<16xi32>
    %get3A_880 = arith.constant 4 : i32
    %get3A_881 = arith.index_cast %get3A_880 : i32 to index
    %get3A_882 = arith.constant 80 : index
    %get3A_883 = tpu.vector_load %arg10[%get3A_881, %get3A_882] {strides = array<i32>} : memref<20x128xi32, #tpu.memory_space<vmem>>, vector<16xi32>,
    %min3A_884 = arith.constant 1 : i32
    %min3A_885 = vector.broadcast %min3A_884 : i32 to vector<16xi32>
    %min3A_886 = arith.minsi %get3A_883, %min3A_885 : vector<16xi32>
    %add3A_887 = arith.addi %add3A_879, %min3A_886 : vector<16xi32>
    %get3A_888 = arith.constant 5 : i32
    %get3A_889 = arith.index_cast %get3A_888 : i32 to index
    %get3A_890 = arith.constant 80 : index
    %get3A_891 = tpu.vector_load %arg10[%get3A_889, %get3A_890] {strides = array<i32>} : memref<20x128xi32, #tpu.memory_space<vmem>>, vector<16xi32>,
    %min3A_892 = arith.constant 1 : i32
    %min3A_893 = vector.broadcast %min3A_892 : i32 to vector<16xi32>
    %min3A_894 = arith.minsi %get3A_891, %min3A_893 : vector<16xi32>
    %add3A_895 = arith.addi %add3A_887, %min3A_894 : vector<16xi32>
    %get3A_896 = arith.constant 6 : i32
    %get3A_897 = arith.index_cast %get3A_896 : i32 to index
    %get3A_898 = arith.constant 80 : index
    %get3A_899 = tpu.vector_load %arg10[%get3A_897, %get3A_898] {strides = array<i32>} : memref<20x128xi32, #tpu.memory_space<vmem>>, vector<16xi32>,
    %min3A_900 = arith.constant 1 : i32
    %min3A_901 = vector.broadcast %min3A_900 : i32 to vector<16xi32>
    %min3A_902 = arith.minsi %get3A_899, %min3A_901 : vector<16xi32>
    %add3A_903 = arith.addi %add3A_895, %min3A_902 : vector<16xi32>
    %get3A_904 = arith.constant 7 : i32
    %get3A_905 = arith.index_cast %get3A_904 : i32 to index
    %get3A_906 = arith.constant 80 : index
    %get3A_907 = tpu.vector_load %arg10[%get3A_905, %get3A_906] {strides = array<i32>} : memref<20x128xi32, #tpu.memory_space<vmem>>, vector<16xi32>,
    %min3A_908 = arith.constant 1 : i32
    %min3A_909 = vector.broadcast %min3A_908 : i32 to vector<16xi32>
    %min3A_910 = arith.minsi %get3A_907, %min3A_909 : vector<16xi32>
    %add3A_911 = arith.addi %add3A_903, %min3A_910 : vector<16xi32>
    %get3A_912 = arith.constant 8 : i32
    %get3A_913 = arith.index_cast %get3A_912 : i32 to index
    %get3A_914 = arith.constant 80 : index
    %get3A_915 = tpu.vector_load %arg10[%get3A_913, %get3A_914] {strides = array<i32>} : memref<20x128xi32, #tpu.memory_space<vmem>>, vector<16xi32>,
    %min3A_916 = arith.constant 1 : i32
    %min3A_917 = vector.broadcast %min3A_916 : i32 to vector<16xi32>
    %min3A_918 = arith.minsi %get3A_915, %min3A_917 : vector<16xi32>
    %add3A_919 = arith.addi %add3A_911, %min3A_918 : vector<16xi32>
    %get3A_920 = arith.constant 9 : i32
    %get3A_921 = arith.index_cast %get3A_920 : i32 to index
    %get3A_922 = arith.constant 80 : index
    %get3A_923 = tpu.vector_load %arg10[%get3A_921, %get3A_922] {strides = array<i32>} : memref<20x128xi32, #tpu.memory_space<vmem>>, vector<16xi32>,
    %min3A_924 = arith.constant 1 : i32
    %min3A_925 = vector.broadcast %min3A_924 : i32 to vector<16xi32>
    %min3A_926 = arith.minsi %get3A_923, %min3A_925 : vector<16xi32>
    %add3A_927 = arith.addi %add3A_919, %min3A_926 : vector<16xi32>
    %get3A_928 = arith.constant 10 : i32
    %get3A_929 = arith.index_cast %get3A_928 : i32 to index
    %get3A_930 = arith.constant 80 : index
    %get3A_931 = tpu.vector_load %arg10[%get3A_929, %get3A_930] {strides = array<i32>} : memref<20x128xi32, #tpu.memory_space<vmem>>, vector<16xi32>,
    %min3A_932 = arith.constant 1 : i32
    %min3A_933 = vector.broadcast %min3A_932 : i32 to vector<16xi32>
    %min3A_934 = arith.minsi %get3A_931, %min3A_933 : vector<16xi32>
    %add3A_935 = arith.addi %add3A_927, %min3A_934 : vector<16xi32>
    %get3A_936 = arith.constant 11 : i32
    %get3A_937 = arith.index_cast %get3A_936 : i32 to index
    %get3A_938 = arith.constant 80 : index
    %get3A_939 = tpu.vector_load %arg10[%get3A_937, %get3A_938] {strides = array<i32>} : memref<20x128xi32, #tpu.memory_space<vmem>>, vector<16xi32>,
    %min3A_940 = arith.constant 1 : i32
    %min3A_941 = vector.broadcast %min3A_940 : i32 to vector<16xi32>
    %min3A_942 = arith.minsi %get3A_939, %min3A_941 : vector<16xi32>
    %add3A_943 = arith.addi %add3A_935, %min3A_942 : vector<16xi32>
    %get3A_944 = arith.constant 12 : i32
    %get3A_945 = arith.index_cast %get3A_944 : i32 to index
    %get3A_946 = arith.constant 80 : index
    %get3A_947 = tpu.vector_load %arg10[%get3A_945, %get3A_946] {strides = array<i32>} : memref<20x128xi32, #tpu.memory_space<vmem>>, vector<16xi32>,
    %min3A_948 = arith.constant 1 : i32
    %min3A_949 = vector.broadcast %min3A_948 : i32 to vector<16xi32>
    %min3A_950 = arith.minsi %get3A_947, %min3A_949 : vector<16xi32>
    %add3A_951 = arith.addi %add3A_943, %min3A_950 : vector<16xi32>
    %get3A_952 = arith.constant 13 : i32
    %get3A_953 = arith.index_cast %get3A_952 : i32 to index
    %get3A_954 = arith.constant 80 : index
    %get3A_955 = tpu.vector_load %arg10[%get3A_953, %get3A_954] {strides = array<i32>} : memref<20x128xi32, #tpu.memory_space<vmem>>, vector<16xi32>,
    %min3A_956 = arith.constant 1 : i32
    %min3A_957 = vector.broadcast %min3A_956 : i32 to vector<16xi32>
    %min3A_958 = arith.minsi %get3A_955, %min3A_957 : vector<16xi32>
    %add3A_959 = arith.addi %add3A_951, %min3A_958 : vector<16xi32>
    %get3A_960 = arith.constant 14 : i32
    %get3A_961 = arith.index_cast %get3A_960 : i32 to index
    %get3A_962 = arith.constant 80 : index
    %get3A_963 = tpu.vector_load %arg10[%get3A_961, %get3A_962] {strides = array<i32>} : memref<20x128xi32, #tpu.memory_space<vmem>>, vector<16xi32>,
    %min3A_964 = arith.constant 1 : i32
    %min3A_965 = vector.broadcast %min3A_964 : i32 to vector<16xi32>
    %min3A_966 = arith.minsi %get3A_963, %min3A_965 : vector<16xi32>
    %add3A_967 = arith.addi %add3A_959, %min3A_966 : vector<16xi32>
    %get3A_968 = arith.constant 15 : i32
    %get3A_969 = arith.index_cast %get3A_968 : i32 to index
    %get3A_970 = arith.constant 80 : index
    %get3A_971 = tpu.vector_load %arg10[%get3A_969, %get3A_970] {strides = array<i32>} : memref<20x128xi32, #tpu.memory_space<vmem>>, vector<16xi32>,
    %min3A_972 = arith.constant 1 : i32
    %min3A_973 = vector.broadcast %min3A_972 : i32 to vector<16xi32>
    %min3A_974 = arith.minsi %get3A_971, %min3A_973 : vector<16xi32>
    %add3A_975 = arith.addi %add3A_967, %min3A_974 : vector<16xi32>
    %get3A_976 = arith.constant 16 : i32
    %get3A_977 = arith.index_cast %get3A_976 : i32 to index
    %get3A_978 = arith.constant 80 : index
    %get3A_979 = tpu.vector_load %arg10[%get3A_977, %get3A_978] {strides = array<i32>} : memref<20x128xi32, #tpu.memory_space<vmem>>, vector<16xi32>,
    %min3A_980 = arith.constant 1 : i32
    %min3A_981 = vector.broadcast %min3A_980 : i32 to vector<16xi32>
    %min3A_982 = arith.minsi %get3A_979, %min3A_981 : vector<16xi32>
    %add3A_983 = arith.addi %add3A_975, %min3A_982 : vector<16xi32>
    %get3A_984 = arith.constant 17 : i32
    %get3A_985 = arith.index_cast %get3A_984 : i32 to index
    %get3A_986 = arith.constant 80 : index
    %get3A_987 = tpu.vector_load %arg10[%get3A_985, %get3A_986] {strides = array<i32>} : memref<20x128xi32, #tpu.memory_space<vmem>>, vector<16xi32>,
    %min3A_988 = arith.constant 1 : i32
    %min3A_989 = vector.broadcast %min3A_988 : i32 to vector<16xi32>
    %min3A_990 = arith.minsi %get3A_987, %min3A_989 : vector<16xi32>
    %add3A_991 = arith.addi %add3A_983, %min3A_990 : vector<16xi32>
    %get3A_992 = arith.constant 18 : i32
    %get3A_993 = arith.index_cast %get3A_992 : i32 to index
    %get3A_994 = arith.constant 80 : index
    %get3A_995 = tpu.vector_load %arg10[%get3A_993, %get3A_994] {strides = array<i32>} : memref<20x128xi32, #tpu.memory_space<vmem>>, vector<16xi32>,
    %min3A_996 = arith.constant 1 : i32
    %min3A_997 = vector.broadcast %min3A_996 : i32 to vector<16xi32>
    %min3A_998 = arith.minsi %get3A_995, %min3A_997 : vector<16xi32>
    %add3A_999 = arith.addi %add3A_991, %min3A_998 : vector<16xi32>
    %get3A_1000 = arith.constant 19 : i32
    %get3A_1001 = arith.index_cast %get3A_1000 : i32 to index
    %get3A_1002 = arith.constant 80 : index
    %get3A_1003 = tpu.vector_load %arg10[%get3A_1001, %get3A_1002] {strides = array<i32>} : memref<20x128xi32, #tpu.memory_space<vmem>>, vector<16xi32>,
    %min3A_1004 = arith.constant 1 : i32
    %min3A_1005 = vector.broadcast %min3A_1004 : i32 to vector<16xi32>
    %min3A_1006 = arith.minsi %get3A_1003, %min3A_1005 : vector<16xi32>
    %add3A_1007 = arith.addi %add3A_999, %min3A_1006 : vector<16xi32>
    %convert_element_type3A_1008 = arith.sitofp %add3A_1007 : vector<16xi32> to vector<16xf32>
    %swap3A_1009 = arith.constant 80 : index
    %swap3A_1010 = tpu.vector_load %arg16[%swap3A_1009] {strides = array<i32>} : memref<128xf32, #tpu.memory_space<vmem>>, vector<16xf32>,
    tpu.vector_store %arg16[%swap3A_1009], %convert_element_type3A_1008 {strides = array<i32>} : memref<128xf32, #tpu.memory_space<vmem>>, vector<16xf32>,
    %broadcast_in_dim3A_1011 = arith.constant 0 : i32
    %broadcast_in_dim3A_1012 = vector.broadcast %broadcast_in_dim3A_1011 : i32 to vector<16xi32>
    %get3A_1013 = arith.constant 0 : i32
    %get3A_1014 = arith.index_cast %get3A_1013 : i32 to index
    %get3A_1015 = arith.constant 96 : index
    %get3A_1016 = tpu.vector_load %arg10[%get3A_1014, %get3A_1015] {strides = array<i32>} : memref<20x128xi32, #tpu.memory_space<vmem>>, vector<16xi32>,
    %min3A_1017 = arith.constant 1 : i32
    %min3A_1018 = vector.broadcast %min3A_1017 : i32 to vector<16xi32>
    %min3A_1019 = arith.minsi %get3A_1016, %min3A_1018 : vector<16xi32>
    %add3A_1020 = arith.addi %broadcast_in_dim3A_1012, %min3A_1019 : vector<16xi32>
    %get3A_1021 = arith.constant 1 : i32
    %get3A_1022 = arith.index_cast %get3A_1021 : i32 to index
    %get3A_1023 = arith.constant 96 : index
    %get3A_1024 = tpu.vector_load %arg10[%get3A_1022, %get3A_1023] {strides = array<i32>} : memref<20x128xi32, #tpu.memory_space<vmem>>, vector<16xi32>,
    %min3A_1025 = arith.constant 1 : i32
    %min3A_1026 = vector.broadcast %min3A_1025 : i32 to vector<16xi32>
    %min3A_1027 = arith.minsi %get3A_1024, %min3A_1026 : vector<16xi32>
    %add3A_1028 = arith.addi %add3A_1020, %min3A_1027 : vector<16xi32>
    %get3A_1029 = arith.constant 2 : i32
    %get3A_1030 = arith.index_cast %get3A_1029 : i32 to index
    %get3A_1031 = arith.constant 96 : index
    %get3A_1032 = tpu.vector_load %arg10[%get3A_1030, %get3A_1031] {strides = array<i32>} : memref<20x128xi32, #tpu.memory_space<vmem>>, vector<16xi32>,
    %min3A_1033 = arith.constant 1 : i32
    %min3A_1034 = vector.broadcast %min3A_1033 : i32 to vector<16xi32>
    %min3A_1035 = arith.minsi %get3A_1032, %min3A_1034 : vector<16xi32>
    %add3A_1036 = arith.addi %add3A_1028, %min3A_1035 : vector<16xi32>
    %get3A_1037 = arith.constant 3 : i32
    %get3A_1038 = arith.index_cast %get3A_1037 : i32 to index
    %get3A_1039 = arith.constant 96 : index
    %get3A_1040 = tpu.vector_load %arg10[%get3A_1038, %get3A_1039] {strides = array<i32>} : memref<20x128xi32, #tpu.memory_space<vmem>>, vector<16xi32>,
    %min3A_1041 = arith.constant 1 : i32
    %min3A_1042 = vector.broadcast %min3A_1041 : i32 to vector<16xi32>
    %min3A_1043 = arith.minsi %get3A_1040, %min3A_1042 : vector<16xi32>
    %add3A_1044 = arith.addi %add3A_1036, %min3A_1043 : vector<16xi32>
    %get3A_1045 = arith.constant 4 : i32
    %get3A_1046 = arith.index_cast %get3A_1045 : i32 to index
    %get3A_1047 = arith.constant 96 : index
    %get3A_1048 = tpu.vector_load %arg10[%get3A_1046, %get3A_1047] {strides = array<i32>} : memref<20x128xi32, #tpu.memory_space<vmem>>, vector<16xi32>,
    %min3A_1049 = arith.constant 1 : i32
    %min3A_1050 = vector.broadcast %min3A_1049 : i32 to vector<16xi32>
    %min3A_1051 = arith.minsi %get3A_1048, %min3A_1050 : vector<16xi32>
    %add3A_1052 = arith.addi %add3A_1044, %min3A_1051 : vector<16xi32>
    %get3A_1053 = arith.constant 5 : i32
    %get3A_1054 = arith.index_cast %get3A_1053 : i32 to index
    %get3A_1055 = arith.constant 96 : index
    %get3A_1056 = tpu.vector_load %arg10[%get3A_1054, %get3A_1055] {strides = array<i32>} : memref<20x128xi32, #tpu.memory_space<vmem>>, vector<16xi32>,
    %min3A_1057 = arith.constant 1 : i32
    %min3A_1058 = vector.broadcast %min3A_1057 : i32 to vector<16xi32>
    %min3A_1059 = arith.minsi %get3A_1056, %min3A_1058 : vector<16xi32>
    %add3A_1060 = arith.addi %add3A_1052, %min3A_1059 : vector<16xi32>
    %get3A_1061 = arith.constant 6 : i32
    %get3A_1062 = arith.index_cast %get3A_1061 : i32 to index
    %get3A_1063 = arith.constant 96 : index
    %get3A_1064 = tpu.vector_load %arg10[%get3A_1062, %get3A_1063] {strides = array<i32>} : memref<20x128xi32, #tpu.memory_space<vmem>>, vector<16xi32>,
    %min3A_1065 = arith.constant 1 : i32
    %min3A_1066 = vector.broadcast %min3A_1065 : i32 to vector<16xi32>
    %min3A_1067 = arith.minsi %get3A_1064, %min3A_1066 : vector<16xi32>
    %add3A_1068 = arith.addi %add3A_1060, %min3A_1067 : vector<16xi32>
    %get3A_1069 = arith.constant 7 : i32
    %get3A_1070 = arith.index_cast %get3A_1069 : i32 to index
    %get3A_1071 = arith.constant 96 : index
    %get3A_1072 = tpu.vector_load %arg10[%get3A_1070, %get3A_1071] {strides = array<i32>} : memref<20x128xi32, #tpu.memory_space<vmem>>, vector<16xi32>,
    %min3A_1073 = arith.constant 1 : i32
    %min3A_1074 = vector.broadcast %min3A_1073 : i32 to vector<16xi32>
    %min3A_1075 = arith.minsi %get3A_1072, %min3A_1074 : vector<16xi32>
    %add3A_1076 = arith.addi %add3A_1068, %min3A_1075 : vector<16xi32>
    %get3A_1077 = arith.constant 8 : i32
    %get3A_1078 = arith.index_cast %get3A_1077 : i32 to index
    %get3A_1079 = arith.constant 96 : index
    %get3A_1080 = tpu.vector_load %arg10[%get3A_1078, %get3A_1079] {strides = array<i32>} : memref<20x128xi32, #tpu.memory_space<vmem>>, vector<16xi32>,
    %min3A_1081 = arith.constant 1 : i32
    %min3A_1082 = vector.broadcast %min3A_1081 : i32 to vector<16xi32>
    %min3A_1083 = arith.minsi %get3A_1080, %min3A_1082 : vector<16xi32>
    %add3A_1084 = arith.addi %add3A_1076, %min3A_1083 : vector<16xi32>
    %get3A_1085 = arith.constant 9 : i32
    %get3A_1086 = arith.index_cast %get3A_1085 : i32 to index
    %get3A_1087 = arith.constant 96 : index
    %get3A_1088 = tpu.vector_load %arg10[%get3A_1086, %get3A_1087] {strides = array<i32>} : memref<20x128xi32, #tpu.memory_space<vmem>>, vector<16xi32>,
    %min3A_1089 = arith.constant 1 : i32
    %min3A_1090 = vector.broadcast %min3A_1089 : i32 to vector<16xi32>
    %min3A_1091 = arith.minsi %get3A_1088, %min3A_1090 : vector<16xi32>
    %add3A_1092 = arith.addi %add3A_1084, %min3A_1091 : vector<16xi32>
    %get3A_1093 = arith.constant 10 : i32
    %get3A_1094 = arith.index_cast %get3A_1093 : i32 to index
    %get3A_1095 = arith.constant 96 : index
    %get3A_1096 = tpu.vector_load %arg10[%get3A_1094, %get3A_1095] {strides = array<i32>} : memref<20x128xi32, #tpu.memory_space<vmem>>, vector<16xi32>,
    %min3A_1097 = arith.constant 1 : i32
    %min3A_1098 = vector.broadcast %min3A_1097 : i32 to vector<16xi32>
    %min3A_1099 = arith.minsi %get3A_1096, %min3A_1098 : vector<16xi32>
    %add3A_1100 = arith.addi %add3A_1092, %min3A_1099 : vector<16xi32>
    %get3A_1101 = arith.constant 11 : i32
    %get3A_1102 = arith.index_cast %get3A_1101 : i32 to index
    %get3A_1103 = arith.constant 96 : index
    %get3A_1104 = tpu.vector_load %arg10[%get3A_1102, %get3A_1103] {strides = array<i32>} : memref<20x128xi32, #tpu.memory_space<vmem>>, vector<16xi32>,
    %min3A_1105 = arith.constant 1 : i32
    %min3A_1106 = vector.broadcast %min3A_1105 : i32 to vector<16xi32>
    %min3A_1107 = arith.minsi %get3A_1104, %min3A_1106 : vector<16xi32>
    %add3A_1108 = arith.addi %add3A_1100, %min3A_1107 : vector<16xi32>
    %get3A_1109 = arith.constant 12 : i32
    %get3A_1110 = arith.index_cast %get3A_1109 : i32 to index
    %get3A_1111 = arith.constant 96 : index
    %get3A_1112 = tpu.vector_load %arg10[%get3A_1110, %get3A_1111] {strides = array<i32>} : memref<20x128xi32, #tpu.memory_space<vmem>>, vector<16xi32>,
    %min3A_1113 = arith.constant 1 : i32
    %min3A_1114 = vector.broadcast %min3A_1113 : i32 to vector<16xi32>
    %min3A_1115 = arith.minsi %get3A_1112, %min3A_1114 : vector<16xi32>
    %add3A_1116 = arith.addi %add3A_1108, %min3A_1115 : vector<16xi32>
    %get3A_1117 = arith.constant 13 : i32
    %get3A_1118 = arith.index_cast %get3A_1117 : i32 to index
    %get3A_1119 = arith.constant 96 : index
    %get3A_1120 = tpu.vector_load %arg10[%get3A_1118, %get3A_1119] {strides = array<i32>} : memref<20x128xi32, #tpu.memory_space<vmem>>, vector<16xi32>,
    %min3A_1121 = arith.constant 1 : i32
    %min3A_1122 = vector.broadcast %min3A_1121 : i32 to vector<16xi32>
    %min3A_1123 = arith.minsi %get3A_1120, %min3A_1122 : vector<16xi32>
    %add3A_1124 = arith.addi %add3A_1116, %min3A_1123 : vector<16xi32>
    %get3A_1125 = arith.constant 14 : i32
    %get3A_1126 = arith.index_cast %get3A_1125 : i32 to index
    %get3A_1127 = arith.constant 96 : index
    %get3A_1128 = tpu.vector_load %arg10[%get3A_1126, %get3A_1127] {strides = array<i32>} : memref<20x128xi32, #tpu.memory_space<vmem>>, vector<16xi32>,
    %min3A_1129 = arith.constant 1 : i32
    %min3A_1130 = vector.broadcast %min3A_1129 : i32 to vector<16xi32>
    %min3A_1131 = arith.minsi %get3A_1128, %min3A_1130 : vector<16xi32>
    %add3A_1132 = arith.addi %add3A_1124, %min3A_1131 : vector<16xi32>
    %get3A_1133 = arith.constant 15 : i32
    %get3A_1134 = arith.index_cast %get3A_1133 : i32 to index
    %get3A_1135 = arith.constant 96 : index
    %get3A_1136 = tpu.vector_load %arg10[%get3A_1134, %get3A_1135] {strides = array<i32>} : memref<20x128xi32, #tpu.memory_space<vmem>>, vector<16xi32>,
    %min3A_1137 = arith.constant 1 : i32
    %min3A_1138 = vector.broadcast %min3A_1137 : i32 to vector<16xi32>
    %min3A_1139 = arith.minsi %get3A_1136, %min3A_1138 : vector<16xi32>
    %add3A_1140 = arith.addi %add3A_1132, %min3A_1139 : vector<16xi32>
    %get3A_1141 = arith.constant 16 : i32
    %get3A_1142 = arith.index_cast %get3A_1141 : i32 to index
    %get3A_1143 = arith.constant 96 : index
    %get3A_1144 = tpu.vector_load %arg10[%get3A_1142, %get3A_1143] {strides = array<i32>} : memref<20x128xi32, #tpu.memory_space<vmem>>, vector<16xi32>,
    %min3A_1145 = arith.constant 1 : i32
    %min3A_1146 = vector.broadcast %min3A_1145 : i32 to vector<16xi32>
    %min3A_1147 = arith.minsi %get3A_1144, %min3A_1146 : vector<16xi32>
    %add3A_1148 = arith.addi %add3A_1140, %min3A_1147 : vector<16xi32>
    %get3A_1149 = arith.constant 17 : i32
    %get3A_1150 = arith.index_cast %get3A_1149 : i32 to index
    %get3A_1151 = arith.constant 96 : index
    %get3A_1152 = tpu.vector_load %arg10[%get3A_1150, %get3A_1151] {strides = array<i32>} : memref<20x128xi32, #tpu.memory_space<vmem>>, vector<16xi32>,
    %min3A_1153 = arith.constant 1 : i32
    %min3A_1154 = vector.broadcast %min3A_1153 : i32 to vector<16xi32>
    %min3A_1155 = arith.minsi %get3A_1152, %min3A_1154 : vector<16xi32>
    %add3A_1156 = arith.addi %add3A_1148, %min3A_1155 : vector<16xi32>
    %get3A_1157 = arith.constant 18 : i32
    %get3A_1158 = arith.index_cast %get3A_1157 : i32 to index
    %get3A_1159 = arith.constant 96 : index
    %get3A_1160 = tpu.vector_load %arg10[%get3A_1158, %get3A_1159] {strides = array<i32>} : memref<20x128xi32, #tpu.memory_space<vmem>>, vector<16xi32>,
    %min3A_1161 = arith.constant 1 : i32
    %min3A_1162 = vector.broadcast %min3A_1161 : i32 to vector<16xi32>
    %min3A_1163 = arith.minsi %get3A_1160, %min3A_1162 : vector<16xi32>
    %add3A_1164 = arith.addi %add3A_1156, %min3A_1163 : vector<16xi32>
    %get3A_1165 = arith.constant 19 : i32
    %get3A_1166 = arith.index_cast %get3A_1165 : i32 to index
    %get3A_1167 = arith.constant 96 : index
    %get3A_1168 = tpu.vector_load %arg10[%get3A_1166, %get3A_1167] {strides = array<i32>} : memref<20x128xi32, #tpu.memory_space<vmem>>, vector<16xi32>,
    %min3A_1169 = arith.constant 1 : i32
    %min3A_1170 = vector.broadcast %min3A_1169 : i32 to vector<16xi32>
    %min3A_1171 = arith.minsi %get3A_1168, %min3A_1170 : vector<16xi32>
    %add3A_1172 = arith.addi %add3A_1164, %min3A_1171 : vector<16xi32>
    %convert_element_type3A_1173 = arith.sitofp %add3A_1172 : vector<16xi32> to vector<16xf32>
    %swap3A_1174 = arith.constant 96 : index
    %swap3A_1175 = tpu.vector_load %arg16[%swap3A_1174] {strides = array<i32>} : memref<128xf32, #tpu.memory_space<vmem>>, vector<16xf32>,
    tpu.vector_store %arg16[%swap3A_1174], %convert_element_type3A_1173 {strides = array<i32>} : memref<128xf32, #tpu.memory_space<vmem>>, vector<16xf32>,
    %broadcast_in_dim3A_1176 = arith.constant 0 : i32
    %broadcast_in_dim3A_1177 = vector.broadcast %broadcast_in_dim3A_1176 : i32 to vector<16xi32>
    %get3A_1178 = arith.constant 0 : i32
    %get3A_1179 = arith.index_cast %get3A_1178 : i32 to index
    %get3A_1180 = arith.constant 112 : index
    %get3A_1181 = tpu.vector_load %arg10[%get3A_1179, %get3A_1180] {strides = array<i32>} : memref<20x128xi32, #tpu.memory_space<vmem>>, vector<16xi32>,
    %min3A_1182 = arith.constant 1 : i32
    %min3A_1183 = vector.broadcast %min3A_1182 : i32 to vector<16xi32>
    %min3A_1184 = arith.minsi %get3A_1181, %min3A_1183 : vector<16xi32>
    %add3A_1185 = arith.addi %broadcast_in_dim3A_1177, %min3A_1184 : vector<16xi32>
    %get3A_1186 = arith.constant 1 : i32
    %get3A_1187 = arith.index_cast %get3A_1186 : i32 to index
    %get3A_1188 = arith.constant 112 : index
    %get3A_1189 = tpu.vector_load %arg10[%get3A_1187, %get3A_1188] {strides = array<i32>} : memref<20x128xi32, #tpu.memory_space<vmem>>, vector<16xi32>,
    %min3A_1190 = arith.constant 1 : i32
    %min3A_1191 = vector.broadcast %min3A_1190 : i32 to vector<16xi32>
    %min3A_1192 = arith.minsi %get3A_1189, %min3A_1191 : vector<16xi32>
    %add3A_1193 = arith.addi %add3A_1185, %min3A_1192 : vector<16xi32>
    %get3A_1194 = arith.constant 2 : i32
    %get3A_1195 = arith.index_cast %get3A_1194 : i32 to index
    %get3A_1196 = arith.constant 112 : index
    %get3A_1197 = tpu.vector_load %arg10[%get3A_1195, %get3A_1196] {strides = array<i32>} : memref<20x128xi32, #tpu.memory_space<vmem>>, vector<16xi32>,
    %min3A_1198 = arith.constant 1 : i32
    %min3A_1199 = vector.broadcast %min3A_1198 : i32 to vector<16xi32>
    %min3A_1200 = arith.minsi %get3A_1197, %min3A_1199 : vector<16xi32>
    %add3A_1201 = arith.addi %add3A_1193, %min3A_1200 : vector<16xi32>
    %get3A_1202 = arith.constant 3 : i32
    %get3A_1203 = arith.index_cast %get3A_1202 : i32 to index
    %get3A_1204 = arith.constant 112 : index
    %get3A_1205 = tpu.vector_load %arg10[%get3A_1203, %get3A_1204] {strides = array<i32>} : memref<20x128xi32, #tpu.memory_space<vmem>>, vector<16xi32>,
    %min3A_1206 = arith.constant 1 : i32
    %min3A_1207 = vector.broadcast %min3A_1206 : i32 to vector<16xi32>
    %min3A_1208 = arith.minsi %get3A_1205, %min3A_1207 : vector<16xi32>
    %add3A_1209 = arith.addi %add3A_1201, %min3A_1208 : vector<16xi32>
    %get3A_1210 = arith.constant 4 : i32
    %get3A_1211 = arith.index_cast %get3A_1210 : i32 to index
    %get3A_1212 = arith.constant 112 : index
    %get3A_1213 = tpu.vector_load %arg10[%get3A_1211, %get3A_1212] {strides = array<i32>} : memref<20x128xi32, #tpu.memory_space<vmem>>, vector<16xi32>,
    %min3A_1214 = arith.constant 1 : i32
    %min3A_1215 = vector.broadcast %min3A_1214 : i32 to vector<16xi32>
    %min3A_1216 = arith.minsi %get3A_1213, %min3A_1215 : vector<16xi32>
    %add3A_1217 = arith.addi %add3A_1209, %min3A_1216 : vector<16xi32>
    %get3A_1218 = arith.constant 5 : i32
    %get3A_1219 = arith.index_cast %get3A_1218 : i32 to index
    %get3A_1220 = arith.constant 112 : index
    %get3A_1221 = tpu.vector_load %arg10[%get3A_1219, %get3A_1220] {strides = array<i32>} : memref<20x128xi32, #tpu.memory_space<vmem>>, vector<16xi32>,
    %min3A_1222 = arith.constant 1 : i32
    %min3A_1223 = vector.broadcast %min3A_1222 : i32 to vector<16xi32>
    %min3A_1224 = arith.minsi %get3A_1221, %min3A_1223 : vector<16xi32>
    %add3A_1225 = arith.addi %add3A_1217, %min3A_1224 : vector<16xi32>
    %get3A_1226 = arith.constant 6 : i32
    %get3A_1227 = arith.index_cast %get3A_1226 : i32 to index
    %get3A_1228 = arith.constant 112 : index
    %get3A_1229 = tpu.vector_load %arg10[%get3A_1227, %get3A_1228] {strides = array<i32>} : memref<20x128xi32, #tpu.memory_space<vmem>>, vector<16xi32>,
    %min3A_1230 = arith.constant 1 : i32
    %min3A_1231 = vector.broadcast %min3A_1230 : i32 to vector<16xi32>
    %min3A_1232 = arith.minsi %get3A_1229, %min3A_1231 : vector<16xi32>
    %add3A_1233 = arith.addi %add3A_1225, %min3A_1232 : vector<16xi32>
    %get3A_1234 = arith.constant 7 : i32
    %get3A_1235 = arith.index_cast %get3A_1234 : i32 to index
    %get3A_1236 = arith.constant 112 : index
    %get3A_1237 = tpu.vector_load %arg10[%get3A_1235, %get3A_1236] {strides = array<i32>} : memref<20x128xi32, #tpu.memory_space<vmem>>, vector<16xi32>,
    %min3A_1238 = arith.constant 1 : i32
    %min3A_1239 = vector.broadcast %min3A_1238 : i32 to vector<16xi32>
    %min3A_1240 = arith.minsi %get3A_1237, %min3A_1239 : vector<16xi32>
    %add3A_1241 = arith.addi %add3A_1233, %min3A_1240 : vector<16xi32>
    %get3A_1242 = arith.constant 8 : i32
    %get3A_1243 = arith.index_cast %get3A_1242 : i32 to index
    %get3A_1244 = arith.constant 112 : index
    %get3A_1245 = tpu.vector_load %arg10[%get3A_1243, %get3A_1244] {strides = array<i32>} : memref<20x128xi32, #tpu.memory_space<vmem>>, vector<16xi32>,
    %min3A_1246 = arith.constant 1 : i32
    %min3A_1247 = vector.broadcast %min3A_1246 : i32 to vector<16xi32>
    %min3A_1248 = arith.minsi %get3A_1245, %min3A_1247 : vector<16xi32>
    %add3A_1249 = arith.addi %add3A_1241, %min3A_1248 : vector<16xi32>
    %get3A_1250 = arith.constant 9 : i32
    %get3A_1251 = arith.index_cast %get3A_1250 : i32 to index
    %get3A_1252 = arith.constant 112 : index
    %get3A_1253 = tpu.vector_load %arg10[%get3A_1251, %get3A_1252] {strides = array<i32>} : memref<20x128xi32, #tpu.memory_space<vmem>>, vector<16xi32>,
    %min3A_1254 = arith.constant 1 : i32
    %min3A_1255 = vector.broadcast %min3A_1254 : i32 to vector<16xi32>
    %min3A_1256 = arith.minsi %get3A_1253, %min3A_1255 : vector<16xi32>
    %add3A_1257 = arith.addi %add3A_1249, %min3A_1256 : vector<16xi32>
    %get3A_1258 = arith.constant 10 : i32
    %get3A_1259 = arith.index_cast %get3A_1258 : i32 to index
    %get3A_1260 = arith.constant 112 : index
    %get3A_1261 = tpu.vector_load %arg10[%get3A_1259, %get3A_1260] {strides = array<i32>} : memref<20x128xi32, #tpu.memory_space<vmem>>, vector<16xi32>,
    %min3A_1262 = arith.constant 1 : i32
    %min3A_1263 = vector.broadcast %min3A_1262 : i32 to vector<16xi32>
    %min3A_1264 = arith.minsi %get3A_1261, %min3A_1263 : vector<16xi32>
    %add3A_1265 = arith.addi %add3A_1257, %min3A_1264 : vector<16xi32>
    %get3A_1266 = arith.constant 11 : i32
    %get3A_1267 = arith.index_cast %get3A_1266 : i32 to index
    %get3A_1268 = arith.constant 112 : index
    %get3A_1269 = tpu.vector_load %arg10[%get3A_1267, %get3A_1268] {strides = array<i32>} : memref<20x128xi32, #tpu.memory_space<vmem>>, vector<16xi32>,
    %min3A_1270 = arith.constant 1 : i32
    %min3A_1271 = vector.broadcast %min3A_1270 : i32 to vector<16xi32>
    %min3A_1272 = arith.minsi %get3A_1269, %min3A_1271 : vector<16xi32>
    %add3A_1273 = arith.addi %add3A_1265, %min3A_1272 : vector<16xi32>
    %get3A_1274 = arith.constant 12 : i32
    %get3A_1275 = arith.index_cast %get3A_1274 : i32 to index
    %get3A_1276 = arith.constant 112 : index
    %get3A_1277 = tpu.vector_load %arg10[%get3A_1275, %get3A_1276] {strides = array<i32>} : memref<20x128xi32, #tpu.memory_space<vmem>>, vector<16xi32>,
    %min3A_1278 = arith.constant 1 : i32
    %min3A_1279 = vector.broadcast %min3A_1278 : i32 to vector<16xi32>
    %min3A_1280 = arith.minsi %get3A_1277, %min3A_1279 : vector<16xi32>
    %add3A_1281 = arith.addi %add3A_1273, %min3A_1280 : vector<16xi32>
    %get3A_1282 = arith.constant 13 : i32
    %get3A_1283 = arith.index_cast %get3A_1282 : i32 to index
    %get3A_1284 = arith.constant 112 : index
    %get3A_1285 = tpu.vector_load %arg10[%get3A_1283, %get3A_1284] {strides = array<i32>} : memref<20x128xi32, #tpu.memory_space<vmem>>, vector<16xi32>,
    %min3A_1286 = arith.constant 1 : i32
    %min3A_1287 = vector.broadcast %min3A_1286 : i32 to vector<16xi32>
    %min3A_1288 = arith.minsi %get3A_1285, %min3A_1287 : vector<16xi32>
    %add3A_1289 = arith.addi %add3A_1281, %min3A_1288 : vector<16xi32>
    %get3A_1290 = arith.constant 14 : i32
    %get3A_1291 = arith.index_cast %get3A_1290 : i32 to index
    %get3A_1292 = arith.constant 112 : index
    %get3A_1293 = tpu.vector_load %arg10[%get3A_1291, %get3A_1292] {strides = array<i32>} : memref<20x128xi32, #tpu.memory_space<vmem>>, vector<16xi32>,
    %min3A_1294 = arith.constant 1 : i32
    %min3A_1295 = vector.broadcast %min3A_1294 : i32 to vector<16xi32>
    %min3A_1296 = arith.minsi %get3A_1293, %min3A_1295 : vector<16xi32>
    %add3A_1297 = arith.addi %add3A_1289, %min3A_1296 : vector<16xi32>
    %get3A_1298 = arith.constant 15 : i32
    %get3A_1299 = arith.index_cast %get3A_1298 : i32 to index
    %get3A_1300 = arith.constant 112 : index
    %get3A_1301 = tpu.vector_load %arg10[%get3A_1299, %get3A_1300] {strides = array<i32>} : memref<20x128xi32, #tpu.memory_space<vmem>>, vector<16xi32>,
    %min3A_1302 = arith.constant 1 : i32
    %min3A_1303 = vector.broadcast %min3A_1302 : i32 to vector<16xi32>
    %min3A_1304 = arith.minsi %get3A_1301, %min3A_1303 : vector<16xi32>
    %add3A_1305 = arith.addi %add3A_1297, %min3A_1304 : vector<16xi32>
    %get3A_1306 = arith.constant 16 : i32
    %get3A_1307 = arith.index_cast %get3A_1306 : i32 to index
    %get3A_1308 = arith.constant 112 : index
    %get3A_1309 = tpu.vector_load %arg10[%get3A_1307, %get3A_1308] {strides = array<i32>} : memref<20x128xi32, #tpu.memory_space<vmem>>, vector<16xi32>,
    %min3A_1310 = arith.constant 1 : i32
    %min3A_1311 = vector.broadcast %min3A_1310 : i32 to vector<16xi32>
    %min3A_1312 = arith.minsi %get3A_1309, %min3A_1311 : vector<16xi32>
    %add3A_1313 = arith.addi %add3A_1305, %min3A_1312 : vector<16xi32>
    %get3A_1314 = arith.constant 17 : i32
    %get3A_1315 = arith.index_cast %get3A_1314 : i32 to index
    %get3A_1316 = arith.constant 112 : index
    %get3A_1317 = tpu.vector_load %arg10[%get3A_1315, %get3A_1316] {strides = array<i32>} : memref<20x128xi32, #tpu.memory_space<vmem>>, vector<16xi32>,
    %min3A_1318 = arith.constant 1 : i32
    %min3A_1319 = vector.broadcast %min3A_1318 : i32 to vector<16xi32>
    %min3A_1320 = arith.minsi %get3A_1317, %min3A_1319 : vector<16xi32>
    %add3A_1321 = arith.addi %add3A_1313, %min3A_1320 : vector<16xi32>
    %get3A_1322 = arith.constant 18 : i32
    %get3A_1323 = arith.index_cast %get3A_1322 : i32 to index
    %get3A_1324 = arith.constant 112 : index
    %get3A_1325 = tpu.vector_load %arg10[%get3A_1323, %get3A_1324] {strides = array<i32>} : memref<20x128xi32, #tpu.memory_space<vmem>>, vector<16xi32>,
    %min3A_1326 = arith.constant 1 : i32
    %min3A_1327 = vector.broadcast %min3A_1326 : i32 to vector<16xi32>
    %min3A_1328 = arith.minsi %get3A_1325, %min3A_1327 : vector<16xi32>
    %add3A_1329 = arith.addi %add3A_1321, %min3A_1328 : vector<16xi32>
    %get3A_1330 = arith.constant 19 : i32
    %get3A_1331 = arith.index_cast %get3A_1330 : i32 to index
    %get3A_1332 = arith.constant 112 : index
    %get3A_1333 = tpu.vector_load %arg10[%get3A_1331, %get3A_1332] {strides = array<i32>} : memref<20x128xi32, #tpu.memory_space<vmem>>, vector<16xi32>,
    %min3A_1334 = arith.constant 1 : i32
    %min3A_1335 = vector.broadcast %min3A_1334 : i32 to vector<16xi32>
    %min3A_1336 = arith.minsi %get3A_1333, %min3A_1335 : vector<16xi32>
    %add3A_1337 = arith.addi %add3A_1329, %min3A_1336 : vector<16xi32>
    %convert_element_type3A_1338 = arith.sitofp %add3A_1337 : vector<16xi32> to vector<16xf32>
    %swap3A_1339 = arith.constant 112 : index
    %swap3A_1340 = tpu.vector_load %arg16[%swap3A_1339] {strides = array<i32>} : memref<128xf32, #tpu.memory_space<vmem>>, vector<16xf32>,
    tpu.vector_store %arg16[%swap3A_1339], %convert_element_type3A_1338 {strides = array<i32>} : memref<128xf32, #tpu.memory_space<vmem>>, vector<16xf32>,
    %scan3A = arith.constant 0 : i32
    %scan3A_1341 = arith.constant 0 : i32
    %scan3A_1342 = arith.constant 32 : i32
    %scan3A_1343 = arith.addi %scan3A_1341, %scan3A_1342 : i32
    %scan3A_1344 = arith.constant 1 : i32
    scf.for %scan3A_2719 = %scan3A_1341 to %scan3A_1343 step %scan3A_1344  : i32 {
      %mul3A_2720 = arith.constant 4 : i32
      %mul3A_2721 = arith.muli %scan3A_2719, %mul3A_2720 : i32
      %add3A_2722 = arith.constant 0 : i32
      %add3A_2723 = arith.addi %mul3A_2721, %add3A_2722 : i32
      %broadcast_in_dim3A_2724 = arith.constant 0.000000e+00 : f32
      %broadcast_in_dim3A_2725 = vector.broadcast %broadcast_in_dim3A_2724 : f32 to vector<16xf32>
      %swap3A_2726 = arith.index_cast %add3A_2723 : i32 to index
      %swap3A_2727 = arith.constant 0 : index
      %swap3A_2728 = tpu.vector_load %arg15[%swap3A_2726, %swap3A_2727] {strides = array<i32>} : memref<128x64xf32, #tpu.memory_space<vmem>>, vector<16xf32>,
      tpu.vector_store %arg15[%swap3A_2726, %swap3A_2727], %broadcast_in_dim3A_2725 {strides = array<i32>} : memref<128x64xf32, #tpu.memory_space<vmem>>, vector<16xf32>,
      %broadcast_in_dim3A_2729 = arith.constant 0.000000e+00 : f32
      %broadcast_in_dim3A_2730 = vector.broadcast %broadcast_in_dim3A_2729 : f32 to vector<16xf32>
      %swap3A_2731 = arith.index_cast %add3A_2723 : i32 to index
      %swap3A_2732 = arith.constant 16 : index
      %swap3A_2733 = tpu.vector_load %arg15[%swap3A_2731, %swap3A_2732] {strides = array<i32>} : memref<128x64xf32, #tpu.memory_space<vmem>>, vector<16xf32>,
      tpu.vector_store %arg15[%swap3A_2731, %swap3A_2732], %broadcast_in_dim3A_2730 {strides = array<i32>} : memref<128x64xf32, #tpu.memory_space<vmem>>, vector<16xf32>,
      %broadcast_in_dim3A_2734 = arith.constant 0.000000e+00 : f32
      %broadcast_in_dim3A_2735 = vector.broadcast %broadcast_in_dim3A_2734 : f32 to vector<16xf32>
      %swap3A_2736 = arith.index_cast %add3A_2723 : i32 to index
      %swap3A_2737 = arith.constant 32 : index
      %swap3A_2738 = tpu.vector_load %arg15[%swap3A_2736, %swap3A_2737] {strides = array<i32>} : memref<128x64xf32, #tpu.memory_space<vmem>>, vector<16xf32>,
      tpu.vector_store %arg15[%swap3A_2736, %swap3A_2737], %broadcast_in_dim3A_2735 {strides = array<i32>} : memref<128x64xf32, #tpu.memory_space<vmem>>, vector<16xf32>,
      %broadcast_in_dim3A_2739 = arith.constant 0.000000e+00 : f32
      %broadcast_in_dim3A_2740 = vector.broadcast %broadcast_in_dim3A_2739 : f32 to vector<16xf32>
      %swap3A_2741 = arith.index_cast %add3A_2723 : i32 to index
      %swap3A_2742 = arith.constant 48 : index
      %swap3A_2743 = tpu.vector_load %arg15[%swap3A_2741, %swap3A_2742] {strides = array<i32>} : memref<128x64xf32, #tpu.memory_space<vmem>>, vector<16xf32>,
      tpu.vector_store %arg15[%swap3A_2741, %swap3A_2742], %broadcast_in_dim3A_2740 {strides = array<i32>} : memref<128x64xf32, #tpu.memory_space<vmem>>, vector<16xf32>,
      %mul3A_2744 = arith.constant 4 : i32
      %mul3A_2745 = arith.muli %scan3A_2719, %mul3A_2744 : i32
      %add3A_2746 = arith.constant 1 : i32
      %add3A_2747 = arith.addi %mul3A_2745, %add3A_2746 : i32
      %broadcast_in_dim3A_2748 = arith.constant 0.000000e+00 : f32
      %broadcast_in_dim3A_2749 = vector.broadcast %broadcast_in_dim3A_2748 : f32 to vector<16xf32>
      %swap3A_2750 = arith.index_cast %add3A_2747 : i32 to index
      %swap3A_2751 = arith.constant 0 : index
      %swap3A_2752 = tpu.vector_load %arg15[%swap3A_2750, %swap3A_2751] {strides = array<i32>} : memref<128x64xf32, #tpu.memory_space<vmem>>, vector<16xf32>,
      tpu.vector_store %arg15[%swap3A_2750, %swap3A_2751], %broadcast_in_dim3A_2749 {strides = array<i32>} : memref<128x64xf32, #tpu.memory_space<vmem>>, vector<16xf32>,
      %broadcast_in_dim3A_2753 = arith.constant 0.000000e+00 : f32
      %broadcast_in_dim3A_2754 = vector.broadcast %broadcast_in_dim3A_2753 : f32 to vector<16xf32>
      %swap3A_2755 = arith.index_cast %add3A_2747 : i32 to index
      %swap3A_2756 = arith.constant 16 : index
      %swap3A_2757 = tpu.vector_load %arg15[%swap3A_2755, %swap3A_2756] {strides = array<i32>} : memref<128x64xf32, #tpu.memory_space<vmem>>, vector<16xf32>,
      tpu.vector_store %arg15[%swap3A_2755, %swap3A_2756], %broadcast_in_dim3A_2754 {strides = array<i32>} : memref<128x64xf32, #tpu.memory_space<vmem>>, vector<16xf32>,
      %broadcast_in_dim3A_2758 = arith.constant 0.000000e+00 : f32
      %broadcast_in_dim3A_2759 = vector.broadcast %broadcast_in_dim3A_2758 : f32 to vector<16xf32>
      %swap3A_2760 = arith.index_cast %add3A_2747 : i32 to index
      %swap3A_2761 = arith.constant 32 : index
      %swap3A_2762 = tpu.vector_load %arg15[%swap3A_2760, %swap3A_2761] {strides = array<i32>} : memref<128x64xf32, #tpu.memory_space<vmem>>, vector<16xf32>,
      tpu.vector_store %arg15[%swap3A_2760, %swap3A_2761], %broadcast_in_dim3A_2759 {strides = array<i32>} : memref<128x64xf32, #tpu.memory_space<vmem>>, vector<16xf32>,
      %broadcast_in_dim3A_2763 = arith.constant 0.000000e+00 : f32
      %broadcast_in_dim3A_2764 = vector.broadcast %broadcast_in_dim3A_2763 : f32 to vector<16xf32>
      %swap3A_2765 = arith.index_cast %add3A_2747 : i32 to index
      %swap3A_2766 = arith.constant 48 : index
      %swap3A_2767 = tpu.vector_load %arg15[%swap3A_2765, %swap3A_2766] {strides = array<i32>} : memref<128x64xf32, #tpu.memory_space<vmem>>, vector<16xf32>,
      tpu.vector_store %arg15[%swap3A_2765, %swap3A_2766], %broadcast_in_dim3A_2764 {strides = array<i32>} : memref<128x64xf32, #tpu.memory_space<vmem>>, vector<16xf32>,
      %mul3A_2768 = arith.constant 4 : i32
      %mul3A_2769 = arith.muli %scan3A_2719, %mul3A_2768 : i32
      %add3A_2770 = arith.constant 2 : i32
      %add3A_2771 = arith.addi %mul3A_2769, %add3A_2770 : i32
      %broadcast_in_dim3A_2772 = arith.constant 0.000000e+00 : f32
      %broadcast_in_dim3A_2773 = vector.broadcast %broadcast_in_dim3A_2772 : f32 to vector<16xf32>
      %swap3A_2774 = arith.index_cast %add3A_2771 : i32 to index
      %swap3A_2775 = arith.constant 0 : index
      %swap3A_2776 = tpu.vector_load %arg15[%swap3A_2774, %swap3A_2775] {strides = array<i32>} : memref<128x64xf32, #tpu.memory_space<vmem>>, vector<16xf32>,
      tpu.vector_store %arg15[%swap3A_2774, %swap3A_2775], %broadcast_in_dim3A_2773 {strides = array<i32>} : memref<128x64xf32, #tpu.memory_space<vmem>>, vector<16xf32>,
      %broadcast_in_dim3A_2777 = arith.constant 0.000000e+00 : f32
      %broadcast_in_dim3A_2778 = vector.broadcast %broadcast_in_dim3A_2777 : f32 to vector<16xf32>
      %swap3A_2779 = arith.index_cast %add3A_2771 : i32 to index
      %swap3A_2780 = arith.constant 16 : index
      %swap3A_2781 = tpu.vector_load %arg15[%swap3A_2779, %swap3A_2780] {strides = array<i32>} : memref<128x64xf32, #tpu.memory_space<vmem>>, vector<16xf32>,
      tpu.vector_store %arg15[%swap3A_2779, %swap3A_2780], %broadcast_in_dim3A_2778 {strides = array<i32>} : memref<128x64xf32, #tpu.memory_space<vmem>>, vector<16xf32>,
      %broadcast_in_dim3A_2782 = arith.constant 0.000000e+00 : f32
      %broadcast_in_dim3A_2783 = vector.broadcast %broadcast_in_dim3A_2782 : f32 to vector<16xf32>
      %swap3A_2784 = arith.index_cast %add3A_2771 : i32 to index
      %swap3A_2785 = arith.constant 32 : index
      %swap3A_2786 = tpu.vector_load %arg15[%swap3A_2784, %swap3A_2785] {strides = array<i32>} : memref<128x64xf32, #tpu.memory_space<vmem>>, vector<16xf32>,
      tpu.vector_store %arg15[%swap3A_2784, %swap3A_2785], %broadcast_in_dim3A_2783 {strides = array<i32>} : memref<128x64xf32, #tpu.memory_space<vmem>>, vector<16xf32>,
      %broadcast_in_dim3A_2787 = arith.constant 0.000000e+00 : f32
      %broadcast_in_dim3A_2788 = vector.broadcast %broadcast_in_dim3A_2787 : f32 to vector<16xf32>
      %swap3A_2789 = arith.index_cast %add3A_2771 : i32 to index
      %swap3A_2790 = arith.constant 48 : index
      %swap3A_2791 = tpu.vector_load %arg15[%swap3A_2789, %swap3A_2790] {strides = array<i32>} : memref<128x64xf32, #tpu.memory_space<vmem>>, vector<16xf32>,
      tpu.vector_store %arg15[%swap3A_2789, %swap3A_2790], %broadcast_in_dim3A_2788 {strides = array<i32>} : memref<128x64xf32, #tpu.memory_space<vmem>>, vector<16xf32>,
      %mul3A_2792 = arith.constant 4 : i32
      %mul3A_2793 = arith.muli %scan3A_2719, %mul3A_2792 : i32
      %add3A_2794 = arith.constant 3 : i32
      %add3A_2795 = arith.addi %mul3A_2793, %add3A_2794 : i32
      %broadcast_in_dim3A_2796 = arith.constant 0.000000e+00 : f32
      %broadcast_in_dim3A_2797 = vector.broadcast %broadcast_in_dim3A_2796 : f32 to vector<16xf32>
      %swap3A_2798 = arith.index_cast %add3A_2795 : i32 to index
      %swap3A_2799 = arith.constant 0 : index
      %swap3A_2800 = tpu.vector_load %arg15[%swap3A_2798, %swap3A_2799] {strides = array<i32>} : memref<128x64xf32, #tpu.memory_space<vmem>>, vector<16xf32>,
      tpu.vector_store %arg15[%swap3A_2798, %swap3A_2799], %broadcast_in_dim3A_2797 {strides = array<i32>} : memref<128x64xf32, #tpu.memory_space<vmem>>, vector<16xf32>,
      %broadcast_in_dim3A_2801 = arith.constant 0.000000e+00 : f32
      %broadcast_in_dim3A_2802 = vector.broadcast %broadcast_in_dim3A_2801 : f32 to vector<16xf32>
      %swap3A_2803 = arith.index_cast %add3A_2795 : i32 to index
      %swap3A_2804 = arith.constant 16 : index
      %swap3A_2805 = tpu.vector_load %arg15[%swap3A_2803, %swap3A_2804] {strides = array<i32>} : memref<128x64xf32, #tpu.memory_space<vmem>>, vector<16xf32>,
      tpu.vector_store %arg15[%swap3A_2803, %swap3A_2804], %broadcast_in_dim3A_2802 {strides = array<i32>} : memref<128x64xf32, #tpu.memory_space<vmem>>, vector<16xf32>,
      %broadcast_in_dim3A_2806 = arith.constant 0.000000e+00 : f32
      %broadcast_in_dim3A_2807 = vector.broadcast %broadcast_in_dim3A_2806 : f32 to vector<16xf32>
      %swap3A_2808 = arith.index_cast %add3A_2795 : i32 to index
      %swap3A_2809 = arith.constant 32 : index
      %swap3A_2810 = tpu.vector_load %arg15[%swap3A_2808, %swap3A_2809] {strides = array<i32>} : memref<128x64xf32, #tpu.memory_space<vmem>>, vector<16xf32>,
      tpu.vector_store %arg15[%swap3A_2808, %swap3A_2809], %broadcast_in_dim3A_2807 {strides = array<i32>} : memref<128x64xf32, #tpu.memory_space<vmem>>, vector<16xf32>,
      %broadcast_in_dim3A_2811 = arith.constant 0.000000e+00 : f32
      %broadcast_in_dim3A_2812 = vector.broadcast %broadcast_in_dim3A_2811 : f32 to vector<16xf32>
      %swap3A_2813 = arith.index_cast %add3A_2795 : i32 to index
      %swap3A_2814 = arith.constant 48 : index
      %swap3A_2815 = tpu.vector_load %arg15[%swap3A_2813, %swap3A_2814] {strides = array<i32>} : memref<128x64xf32, #tpu.memory_space<vmem>>, vector<16xf32>,
      tpu.vector_store %arg15[%swap3A_2813, %swap3A_2814], %broadcast_in_dim3A_2812 {strides = array<i32>} : memref<128x64xf32, #tpu.memory_space<vmem>>, vector<16xf32>,
    }
    %scan3A_1345 = arith.constant 32 : i32
    %scan3A_1346 = arith.constant 0 : i32
    %scan3A_1347 = arith.constant 0 : i32
    %scan3A_1348 = arith.constant 5 : i32
    %scan3A_1349 = arith.addi %scan3A_1347, %scan3A_1348 : i32
    %scan3A_1350 = arith.constant 1 : i32
    scf.for %scan3A_2719 = %scan3A_1347 to %scan3A_1349 step %scan3A_1350  : i32 {
      %mul3A_2720 = arith.constant 4 : i32
      %mul3A_2721 = arith.muli %scan3A_2719, %mul3A_2720 : i32
      %add3A_2722 = arith.constant 0 : i32
      %add3A_2723 = arith.addi %mul3A_2721, %add3A_2722 : i32
      %dma_wait3A_2724 = arith.constant 0 : i32
      %dma_wait3A_2725 = arith.constant 0 : i32
      %dma_wait3A_2726 = tpu.memref_slice %arg10[%dma_wait3A_2724, %dma_wait3A_2725] : memref<20x128xi32, #tpu.memory_space<vmem>> -> memref<1x128xi32, #tpu.memory_space<vmem>>
      %dma_wait3A_2727 = tpu.memref_squeeze %dma_wait3A_2726 : memref<1x128xi32, #tpu.memory_space<vmem>> -> memref<128xi32, #tpu.memory_space<vmem>>
      %dma_wait3A_2728 = arith.constant 0 : i32
      %dma_wait3A_2729 = arith.constant 0 : i32
      %dma_wait3A_2730 = tpu.memref_slice %arg5[%dma_wait3A_2728, %dma_wait3A_2729] : memref<100000x64xf32, #tpu.memory_space<hbm>> -> memref<100000x64xf32, #tpu.memory_space<hbm>>
      tpu.wait_indirect_dma semaphore(%arg19 : memref<!tpu.dma_semaphore, #tpu.memory_space<semaphore_mem>>) src(%dma_wait3A_2730 : memref<100000x64xf32, #tpu.memory_space<hbm>>) dst(%arg11 : memref<128x64xf32, #tpu.memory_space<vmem>>)
      %add3A_2731 = arith.constant 4 : i32
      %add3A_2732 = arith.addi %add3A_2723, %add3A_2731 : i32
      %sub3A = arith.constant 1 : i32
      %sub3A_2733 = arith.subi %add3A_2732, %sub3A : i32
      %lt3A = arith.constant 20 : i32
      %lt3A_2734 = arith.cmpi slt, %sub3A_2733, %lt3A : i32
      %convert_element_type3A_2735 = arith.extui %lt3A_2734 : i1 to i32
      %cond3A = arith.constant 0 : i32
      %cond3A_2736 = arith.cmpi ne, %convert_element_type3A_2735, %cond3A : i32
      scf.if %cond3A_2736 {
        %dma_start3A_2821 = arith.constant 0 : i32
        %dma_start3A_2822 = tpu.memref_slice %arg10[%sub3A_2733, %dma_start3A_2821] : memref<20x128xi32, #tpu.memory_space<vmem>> -> memref<1x128xi32, #tpu.memory_space<vmem>>
        %dma_start3A_2823 = tpu.memref_squeeze %dma_start3A_2822 : memref<1x128xi32, #tpu.memory_space<vmem>> -> memref<128xi32, #tpu.memory_space<vmem>>
        %dma_start3A_2824 = arith.constant 0 : i32
        %dma_start3A_2825 = arith.constant 0 : i32
        %dma_start3A_2826 = tpu.memref_slice %arg5[%dma_start3A_2824, %dma_start3A_2825] : memref<100000x64xf32, #tpu.memory_space<hbm>> -> memref<100000x64xf32, #tpu.memory_space<hbm>>
        tpu.enqueue_indirect_dma source(%dma_start3A_2826 : memref<100000x64xf32, #tpu.memory_space<hbm>>) target(%arg14 : memref<128x64xf32, #tpu.memory_space<vmem>>) offsets(%dma_start3A_2823 : memref<128xi32, #tpu.memory_space<vmem>>) semaphore(%arg22 : memref<!tpu.dma_semaphore, #tpu.memory_space<semaphore_mem>>)
      } else {
      }
      %scan3A_2737 = arith.constant 0 : i32
      %scan3A_2738 = arith.constant 0 : i32
      %scan3A_2739 = arith.constant 32 : i32
      %scan3A_2740 = arith.addi %scan3A_2738, %scan3A_2739 : i32
      %scan3A_2741 = arith.constant 1 : i32
      scf.for %scan3A_2821 = %scan3A_2738 to %scan3A_2740 step %scan3A_2741  : i32 {
        %mul3A_2822 = arith.constant 4 : i32
        %mul3A_2823 = arith.muli %scan3A_2821, %mul3A_2822 : i32
        %add3A_2824 = arith.constant 0 : i32
        %add3A_2825 = arith.addi %mul3A_2823, %add3A_2824 : i32
        %get3A_2826 = arith.index_cast %add3A_2825 : i32 to index
        %get3A_2827 = arith.constant 0 : index
        %get3A_2828 = tpu.vector_load %arg11[%get3A_2826, %get3A_2827] {strides = array<i32>} : memref<128x64xf32, #tpu.memory_space<vmem>>, vector<16xf32>,
        %swap3A_2829 = arith.index_cast %add3A_2825 : i32 to index
        %swap3A_2830 = arith.constant 0 : index
        %swap3A_2831 = tpu.vector_load %arg15[%swap3A_2829, %swap3A_2830] {strides = array<i32>} : memref<128x64xf32, #tpu.memory_space<vmem>>, vector<16xf32>,
        tpu.vector_store %arg15[%swap3A_2829, %swap3A_2830], %get3A_2828 {add = true, strides = array<i32>} : memref<128x64xf32, #tpu.memory_space<vmem>>, vector<16xf32>,
        %get3A_2832 = arith.index_cast %add3A_2825 : i32 to index
        %get3A_2833 = arith.constant 16 : index
        %get3A_2834 = tpu.vector_load %arg11[%get3A_2832, %get3A_2833] {strides = array<i32>} : memref<128x64xf32, #tpu.memory_space<vmem>>, vector<16xf32>,
        %swap3A_2835 = arith.index_cast %add3A_2825 : i32 to index
        %swap3A_2836 = arith.constant 16 : index
        %swap3A_2837 = tpu.vector_load %arg15[%swap3A_2835, %swap3A_2836] {strides = array<i32>} : memref<128x64xf32, #tpu.memory_space<vmem>>, vector<16xf32>,
        tpu.vector_store %arg15[%swap3A_2835, %swap3A_2836], %get3A_2834 {add = true, strides = array<i32>} : memref<128x64xf32, #tpu.memory_space<vmem>>, vector<16xf32>,
        %get3A_2838 = arith.index_cast %add3A_2825 : i32 to index
        %get3A_2839 = arith.constant 32 : index
        %get3A_2840 = tpu.vector_load %arg11[%get3A_2838, %get3A_2839] {strides = array<i32>} : memref<128x64xf32, #tpu.memory_space<vmem>>, vector<16xf32>,
        %swap3A_2841 = arith.index_cast %add3A_2825 : i32 to index
        %swap3A_2842 = arith.constant 32 : index
        %swap3A_2843 = tpu.vector_load %arg15[%swap3A_2841, %swap3A_2842] {strides = array<i32>} : memref<128x64xf32, #tpu.memory_space<vmem>>, vector<16xf32>,
        tpu.vector_store %arg15[%swap3A_2841, %swap3A_2842], %get3A_2840 {add = true, strides = array<i32>} : memref<128x64xf32, #tpu.memory_space<vmem>>, vector<16xf32>,
        %get3A_2844 = arith.index_cast %add3A_2825 : i32 to index
        %get3A_2845 = arith.constant 48 : index
        %get3A_2846 = tpu.vector_load %arg11[%get3A_2844, %get3A_2845] {strides = array<i32>} : memref<128x64xf32, #tpu.memory_space<vmem>>, vector<16xf32>,
        %swap3A_2847 = arith.index_cast %add3A_2825 : i32 to index
        %swap3A_2848 = arith.constant 48 : index
        %swap3A_2849 = tpu.vector_load %arg15[%swap3A_2847, %swap3A_2848] {strides = array<i32>} : memref<128x64xf32, #tpu.memory_space<vmem>>, vector<16xf32>,
        tpu.vector_store %arg15[%swap3A_2847, %swap3A_2848], %get3A_2846 {add = true, strides = array<i32>} : memref<128x64xf32, #tpu.memory_space<vmem>>, vector<16xf32>,
        %mul3A_2850 = arith.constant 4 : i32
        %mul3A_2851 = arith.muli %scan3A_2821, %mul3A_2850 : i32
        %add3A_2852 = arith.constant 1 : i32
        %add3A_2853 = arith.addi %mul3A_2851, %add3A_2852 : i32
        %get3A_2854 = arith.index_cast %add3A_2853 : i32 to index
        %get3A_2855 = arith.constant 0 : index
        %get3A_2856 = tpu.vector_load %arg11[%get3A_2854, %get3A_2855] {strides = array<i32>} : memref<128x64xf32, #tpu.memory_space<vmem>>, vector<16xf32>,
        %swap3A_2857 = arith.index_cast %add3A_2853 : i32 to index
        %swap3A_2858 = arith.constant 0 : index
        %swap3A_2859 = tpu.vector_load %arg15[%swap3A_2857, %swap3A_2858] {strides = array<i32>} : memref<128x64xf32, #tpu.memory_space<vmem>>, vector<16xf32>,
        tpu.vector_store %arg15[%swap3A_2857, %swap3A_2858], %get3A_2856 {add = true, strides = array<i32>} : memref<128x64xf32, #tpu.memory_space<vmem>>, vector<16xf32>,
        %get3A_2860 = arith.index_cast %add3A_2853 : i32 to index
        %get3A_2861 = arith.constant 16 : index
        %get3A_2862 = tpu.vector_load %arg11[%get3A_2860, %get3A_2861] {strides = array<i32>} : memref<128x64xf32, #tpu.memory_space<vmem>>, vector<16xf32>,
        %swap3A_2863 = arith.index_cast %add3A_2853 : i32 to index
        %swap3A_2864 = arith.constant 16 : index
        %swap3A_2865 = tpu.vector_load %arg15[%swap3A_2863, %swap3A_2864] {strides = array<i32>} : memref<128x64xf32, #tpu.memory_space<vmem>>, vector<16xf32>,
        tpu.vector_store %arg15[%swap3A_2863, %swap3A_2864], %get3A_2862 {add = true, strides = array<i32>} : memref<128x64xf32, #tpu.memory_space<vmem>>, vector<16xf32>,
        %get3A_2866 = arith.index_cast %add3A_2853 : i32 to index
        %get3A_2867 = arith.constant 32 : index
        %get3A_2868 = tpu.vector_load %arg11[%get3A_2866, %get3A_2867] {strides = array<i32>} : memref<128x64xf32, #tpu.memory_space<vmem>>, vector<16xf32>,
        %swap3A_2869 = arith.index_cast %add3A_2853 : i32 to index
        %swap3A_2870 = arith.constant 32 : index
        %swap3A_2871 = tpu.vector_load %arg15[%swap3A_2869, %swap3A_2870] {strides = array<i32>} : memref<128x64xf32, #tpu.memory_space<vmem>>, vector<16xf32>,
        tpu.vector_store %arg15[%swap3A_2869, %swap3A_2870], %get3A_2868 {add = true, strides = array<i32>} : memref<128x64xf32, #tpu.memory_space<vmem>>, vector<16xf32>,
        %get3A_2872 = arith.index_cast %add3A_2853 : i32 to index
        %get3A_2873 = arith.constant 48 : index
        %get3A_2874 = tpu.vector_load %arg11[%get3A_2872, %get3A_2873] {strides = array<i32>} : memref<128x64xf32, #tpu.memory_space<vmem>>, vector<16xf32>,
        %swap3A_2875 = arith.index_cast %add3A_2853 : i32 to index
        %swap3A_2876 = arith.constant 48 : index
        %swap3A_2877 = tpu.vector_load %arg15[%swap3A_2875, %swap3A_2876] {strides = array<i32>} : memref<128x64xf32, #tpu.memory_space<vmem>>, vector<16xf32>,
        tpu.vector_store %arg15[%swap3A_2875, %swap3A_2876], %get3A_2874 {add = true, strides = array<i32>} : memref<128x64xf32, #tpu.memory_space<vmem>>, vector<16xf32>,
        %mul3A_2878 = arith.constant 4 : i32
        %mul3A_2879 = arith.muli %scan3A_2821, %mul3A_2878 : i32
        %add3A_2880 = arith.constant 2 : i32
        %add3A_2881 = arith.addi %mul3A_2879, %add3A_2880 : i32
        %get3A_2882 = arith.index_cast %add3A_2881 : i32 to index
        %get3A_2883 = arith.constant 0 : index
        %get3A_2884 = tpu.vector_load %arg11[%get3A_2882, %get3A_2883] {strides = array<i32>} : memref<128x64xf32, #tpu.memory_space<vmem>>, vector<16xf32>,
        %swap3A_2885 = arith.index_cast %add3A_2881 : i32 to index
        %swap3A_2886 = arith.constant 0 : index
        %swap3A_2887 = tpu.vector_load %arg15[%swap3A_2885, %swap3A_2886] {strides = array<i32>} : memref<128x64xf32, #tpu.memory_space<vmem>>, vector<16xf32>,
        tpu.vector_store %arg15[%swap3A_2885, %swap3A_2886], %get3A_2884 {add = true, strides = array<i32>} : memref<128x64xf32, #tpu.memory_space<vmem>>, vector<16xf32>,
        %get3A_2888 = arith.index_cast %add3A_2881 : i32 to index
        %get3A_2889 = arith.constant 16 : index
        %get3A_2890 = tpu.vector_load %arg11[%get3A_2888, %get3A_2889] {strides = array<i32>} : memref<128x64xf32, #tpu.memory_space<vmem>>, vector<16xf32>,
        %swap3A_2891 = arith.index_cast %add3A_2881 : i32 to index
        %swap3A_2892 = arith.constant 16 : index
        %swap3A_2893 = tpu.vector_load %arg15[%swap3A_2891, %swap3A_2892] {strides = array<i32>} : memref<128x64xf32, #tpu.memory_space<vmem>>, vector<16xf32>,
        tpu.vector_store %arg15[%swap3A_2891, %swap3A_2892], %get3A_2890 {add = true, strides = array<i32>} : memref<128x64xf32, #tpu.memory_space<vmem>>, vector<16xf32>,
        %get3A_2894 = arith.index_cast %add3A_2881 : i32 to index
        %get3A_2895 = arith.constant 32 : index
        %get3A_2896 = tpu.vector_load %arg11[%get3A_2894, %get3A_2895] {strides = array<i32>} : memref<128x64xf32, #tpu.memory_space<vmem>>, vector<16xf32>,
        %swap3A_2897 = arith.index_cast %add3A_2881 : i32 to index
        %swap3A_2898 = arith.constant 32 : index
        %swap3A_2899 = tpu.vector_load %arg15[%swap3A_2897, %swap3A_2898] {strides = array<i32>} : memref<128x64xf32, #tpu.memory_space<vmem>>, vector<16xf32>,
        tpu.vector_store %arg15[%swap3A_2897, %swap3A_2898], %get3A_2896 {add = true, strides = array<i32>} : memref<128x64xf32, #tpu.memory_space<vmem>>, vector<16xf32>,
        %get3A_2900 = arith.index_cast %add3A_2881 : i32 to index
        %get3A_2901 = arith.constant 48 : index
        %get3A_2902 = tpu.vector_load %arg11[%get3A_2900, %get3A_2901] {strides = array<i32>} : memref<128x64xf32, #tpu.memory_space<vmem>>, vector<16xf32>,
        %swap3A_2903 = arith.index_cast %add3A_2881 : i32 to index
        %swap3A_2904 = arith.constant 48 : index
        %swap3A_2905 = tpu.vector_load %arg15[%swap3A_2903, %swap3A_2904] {strides = array<i32>} : memref<128x64xf32, #tpu.memory_space<vmem>>, vector<16xf32>,
        tpu.vector_store %arg15[%swap3A_2903, %swap3A_2904], %get3A_2902 {add = true, strides = array<i32>} : memref<128x64xf32, #tpu.memory_space<vmem>>, vector<16xf32>,
        %mul3A_2906 = arith.constant 4 : i32
        %mul3A_2907 = arith.muli %scan3A_2821, %mul3A_2906 : i32
        %add3A_2908 = arith.constant 3 : i32
        %add3A_2909 = arith.addi %mul3A_2907, %add3A_2908 : i32
        %get3A_2910 = arith.index_cast %add3A_2909 : i32 to index
        %get3A_2911 = arith.constant 0 : index
        %get3A_2912 = tpu.vector_load %arg11[%get3A_2910, %get3A_2911] {strides = array<i32>} : memref<128x64xf32, #tpu.memory_space<vmem>>, vector<16xf32>,
        %swap3A_2913 = arith.index_cast %add3A_2909 : i32 to index
        %swap3A_2914 = arith.constant 0 : index
        %swap3A_2915 = tpu.vector_load %arg15[%swap3A_2913, %swap3A_2914] {strides = array<i32>} : memref<128x64xf32, #tpu.memory_space<vmem>>, vector<16xf32>,
        tpu.vector_store %arg15[%swap3A_2913, %swap3A_2914], %get3A_2912 {add = true, strides = array<i32>} : memref<128x64xf32, #tpu.memory_space<vmem>>, vector<16xf32>,
        %get3A_2916 = arith.index_cast %add3A_2909 : i32 to index
        %get3A_2917 = arith.constant 16 : index
        %get3A_2918 = tpu.vector_load %arg11[%get3A_2916, %get3A_2917] {strides = array<i32>} : memref<128x64xf32, #tpu.memory_space<vmem>>, vector<16xf32>,
        %swap3A_2919 = arith.index_cast %add3A_2909 : i32 to index
        %swap3A_2920 = arith.constant 16 : index
        %swap3A_2921 = tpu.vector_load %arg15[%swap3A_2919, %swap3A_2920] {strides = array<i32>} : memref<128x64xf32, #tpu.memory_space<vmem>>, vector<16xf32>,
        tpu.vector_store %arg15[%swap3A_2919, %swap3A_2920], %get3A_2918 {add = true, strides = array<i32>} : memref<128x64xf32, #tpu.memory_space<vmem>>, vector<16xf32>,
        %get3A_2922 = arith.index_cast %add3A_2909 : i32 to index
        %get3A_2923 = arith.constant 32 : index
        %get3A_2924 = tpu.vector_load %arg11[%get3A_2922, %get3A_2923] {strides = array<i32>} : memref<128x64xf32, #tpu.memory_space<vmem>>, vector<16xf32>,
        %swap3A_2925 = arith.index_cast %add3A_2909 : i32 to index
        %swap3A_2926 = arith.constant 32 : index
        %swap3A_2927 = tpu.vector_load %arg15[%swap3A_2925, %swap3A_2926] {strides = array<i32>} : memref<128x64xf32, #tpu.memory_space<vmem>>, vector<16xf32>,
        tpu.vector_store %arg15[%swap3A_2925, %swap3A_2926], %get3A_2924 {add = true, strides = array<i32>} : memref<128x64xf32, #tpu.memory_space<vmem>>, vector<16xf32>,
        %get3A_2928 = arith.index_cast %add3A_2909 : i32 to index
        %get3A_2929 = arith.constant 48 : index
        %get3A_2930 = tpu.vector_load %arg11[%get3A_2928, %get3A_2929] {strides = array<i32>} : memref<128x64xf32, #tpu.memory_space<vmem>>, vector<16xf32>,
        %swap3A_2931 = arith.index_cast %add3A_2909 : i32 to index
        %swap3A_2932 = arith.constant 48 : index
        %swap3A_2933 = tpu.vector_load %arg15[%swap3A_2931, %swap3A_2932] {strides = array<i32>} : memref<128x64xf32, #tpu.memory_space<vmem>>, vector<16xf32>,
        tpu.vector_store %arg15[%swap3A_2931, %swap3A_2932], %get3A_2930 {add = true, strides = array<i32>} : memref<128x64xf32, #tpu.memory_space<vmem>>, vector<16xf32>,
      }
      %scan3A_2742 = arith.constant 32 : i32
      %mul3A_2743 = arith.constant 4 : i32
      %mul3A_2744 = arith.muli %scan3A_2719, %mul3A_2743 : i32
      %add3A_2745 = arith.constant 1 : i32
      %add3A_2746 = arith.addi %mul3A_2744, %add3A_2745 : i32
      %dma_wait3A_2747 = arith.constant 0 : i32
      %dma_wait3A_2748 = arith.constant 0 : i32
      %dma_wait3A_2749 = tpu.memref_slice %arg10[%dma_wait3A_2747, %dma_wait3A_2748] : memref<20x128xi32, #tpu.memory_space<vmem>> -> memref<1x128xi32, #tpu.memory_space<vmem>>
      %dma_wait3A_2750 = tpu.memref_squeeze %dma_wait3A_2749 : memref<1x128xi32, #tpu.memory_space<vmem>> -> memref<128xi32, #tpu.memory_space<vmem>>
      %dma_wait3A_2751 = arith.constant 0 : i32
      %dma_wait3A_2752 = arith.constant 0 : i32
      %dma_wait3A_2753 = tpu.memref_slice %arg5[%dma_wait3A_2751, %dma_wait3A_2752] : memref<100000x64xf32, #tpu.memory_space<hbm>> -> memref<100000x64xf32, #tpu.memory_space<hbm>>
      tpu.wait_indirect_dma semaphore(%arg20 : memref<!tpu.dma_semaphore, #tpu.memory_space<semaphore_mem>>) src(%dma_wait3A_2753 : memref<100000x64xf32, #tpu.memory_space<hbm>>) dst(%arg12 : memref<128x64xf32, #tpu.memory_space<vmem>>)
      %add3A_2754 = arith.constant 4 : i32
      %add3A_2755 = arith.addi %add3A_2746, %add3A_2754 : i32
      %sub3A_2756 = arith.constant 1 : i32
      %sub3A_2757 = arith.subi %add3A_2755, %sub3A_2756 : i32
      %lt3A_2758 = arith.constant 20 : i32
      %lt3A_2759 = arith.cmpi slt, %sub3A_2757, %lt3A_2758 : i32
      %convert_element_type3A_2760 = arith.extui %lt3A_2759 : i1 to i32
      %cond3A_2761 = arith.constant 0 : i32
      %cond3A_2762 = arith.cmpi ne, %convert_element_type3A_2760, %cond3A_2761 : i32
      scf.if %cond3A_2762 {
        %dma_start3A_2821 = arith.constant 0 : i32
        %dma_start3A_2822 = tpu.memref_slice %arg10[%sub3A_2757, %dma_start3A_2821] : memref<20x128xi32, #tpu.memory_space<vmem>> -> memref<1x128xi32, #tpu.memory_space<vmem>>
        %dma_start3A_2823 = tpu.memref_squeeze %dma_start3A_2822 : memref<1x128xi32, #tpu.memory_space<vmem>> -> memref<128xi32, #tpu.memory_space<vmem>>
        %dma_start3A_2824 = arith.constant 0 : i32
        %dma_start3A_2825 = arith.constant 0 : i32
        %dma_start3A_2826 = tpu.memref_slice %arg5[%dma_start3A_2824, %dma_start3A_2825] : memref<100000x64xf32, #tpu.memory_space<hbm>> -> memref<100000x64xf32, #tpu.memory_space<hbm>>
        tpu.enqueue_indirect_dma source(%dma_start3A_2826 : memref<100000x64xf32, #tpu.memory_space<hbm>>) target(%arg11 : memref<128x64xf32, #tpu.memory_space<vmem>>) offsets(%dma_start3A_2823 : memref<128xi32, #tpu.memory_space<vmem>>) semaphore(%arg19 : memref<!tpu.dma_semaphore, #tpu.memory_space<semaphore_mem>>)
      } else {
      }
      %scan3A_2763 = arith.constant 0 : i32
      %scan3A_2764 = arith.constant 0 : i32
      %scan3A_2765 = arith.constant 32 : i32
      %scan3A_2766 = arith.addi %scan3A_2764, %scan3A_2765 : i32
      %scan3A_2767 = arith.constant 1 : i32
      scf.for %scan3A_2821 = %scan3A_2764 to %scan3A_2766 step %scan3A_2767  : i32 {
        %mul3A_2822 = arith.constant 4 : i32
        %mul3A_2823 = arith.muli %scan3A_2821, %mul3A_2822 : i32
        %add3A_2824 = arith.constant 0 : i32
        %add3A_2825 = arith.addi %mul3A_2823, %add3A_2824 : i32
        %get3A_2826 = arith.index_cast %add3A_2825 : i32 to index
        %get3A_2827 = arith.constant 0 : index
        %get3A_2828 = tpu.vector_load %arg12[%get3A_2826, %get3A_2827] {strides = array<i32>} : memref<128x64xf32, #tpu.memory_space<vmem>>, vector<16xf32>,
        %swap3A_2829 = arith.index_cast %add3A_2825 : i32 to index
        %swap3A_2830 = arith.constant 0 : index
        %swap3A_2831 = tpu.vector_load %arg15[%swap3A_2829, %swap3A_2830] {strides = array<i32>} : memref<128x64xf32, #tpu.memory_space<vmem>>, vector<16xf32>,
        tpu.vector_store %arg15[%swap3A_2829, %swap3A_2830], %get3A_2828 {add = true, strides = array<i32>} : memref<128x64xf32, #tpu.memory_space<vmem>>, vector<16xf32>,
        %get3A_2832 = arith.index_cast %add3A_2825 : i32 to index
        %get3A_2833 = arith.constant 16 : index
        %get3A_2834 = tpu.vector_load %arg12[%get3A_2832, %get3A_2833] {strides = array<i32>} : memref<128x64xf32, #tpu.memory_space<vmem>>, vector<16xf32>,
        %swap3A_2835 = arith.index_cast %add3A_2825 : i32 to index
        %swap3A_2836 = arith.constant 16 : index
        %swap3A_2837 = tpu.vector_load %arg15[%swap3A_2835, %swap3A_2836] {strides = array<i32>} : memref<128x64xf32, #tpu.memory_space<vmem>>, vector<16xf32>,
        tpu.vector_store %arg15[%swap3A_2835, %swap3A_2836], %get3A_2834 {add = true, strides = array<i32>} : memref<128x64xf32, #tpu.memory_space<vmem>>, vector<16xf32>,
        %get3A_2838 = arith.index_cast %add3A_2825 : i32 to index
        %get3A_2839 = arith.constant 32 : index
        %get3A_2840 = tpu.vector_load %arg12[%get3A_2838, %get3A_2839] {strides = array<i32>} : memref<128x64xf32, #tpu.memory_space<vmem>>, vector<16xf32>,
        %swap3A_2841 = arith.index_cast %add3A_2825 : i32 to index
        %swap3A_2842 = arith.constant 32 : index
        %swap3A_2843 = tpu.vector_load %arg15[%swap3A_2841, %swap3A_2842] {strides = array<i32>} : memref<128x64xf32, #tpu.memory_space<vmem>>, vector<16xf32>,
        tpu.vector_store %arg15[%swap3A_2841, %swap3A_2842], %get3A_2840 {add = true, strides = array<i32>} : memref<128x64xf32, #tpu.memory_space<vmem>>, vector<16xf32>,
        %get3A_2844 = arith.index_cast %add3A_2825 : i32 to index
        %get3A_2845 = arith.constant 48 : index
        %get3A_2846 = tpu.vector_load %arg12[%get3A_2844, %get3A_2845] {strides = array<i32>} : memref<128x64xf32, #tpu.memory_space<vmem>>, vector<16xf32>,
        %swap3A_2847 = arith.index_cast %add3A_2825 : i32 to index
        %swap3A_2848 = arith.constant 48 : index
        %swap3A_2849 = tpu.vector_load %arg15[%swap3A_2847, %swap3A_2848] {strides = array<i32>} : memref<128x64xf32, #tpu.memory_space<vmem>>, vector<16xf32>,
        tpu.vector_store %arg15[%swap3A_2847, %swap3A_2848], %get3A_2846 {add = true, strides = array<i32>} : memref<128x64xf32, #tpu.memory_space<vmem>>, vector<16xf32>,
        %mul3A_2850 = arith.constant 4 : i32
        %mul3A_2851 = arith.muli %scan3A_2821, %mul3A_2850 : i32
        %add3A_2852 = arith.constant 1 : i32
        %add3A_2853 = arith.addi %mul3A_2851, %add3A_2852 : i32
        %get3A_2854 = arith.index_cast %add3A_2853 : i32 to index
        %get3A_2855 = arith.constant 0 : index
        %get3A_2856 = tpu.vector_load %arg12[%get3A_2854, %get3A_2855] {strides = array<i32>} : memref<128x64xf32, #tpu.memory_space<vmem>>, vector<16xf32>,
        %swap3A_2857 = arith.index_cast %add3A_2853 : i32 to index
        %swap3A_2858 = arith.constant 0 : index
        %swap3A_2859 = tpu.vector_load %arg15[%swap3A_2857, %swap3A_2858] {strides = array<i32>} : memref<128x64xf32, #tpu.memory_space<vmem>>, vector<16xf32>,
        tpu.vector_store %arg15[%swap3A_2857, %swap3A_2858], %get3A_2856 {add = true, strides = array<i32>} : memref<128x64xf32, #tpu.memory_space<vmem>>, vector<16xf32>,
        %get3A_2860 = arith.index_cast %add3A_2853 : i32 to index
        %get3A_2861 = arith.constant 16 : index
        %get3A_2862 = tpu.vector_load %arg12[%get3A_2860, %get3A_2861] {strides = array<i32>} : memref<128x64xf32, #tpu.memory_space<vmem>>, vector<16xf32>,
        %swap3A_2863 = arith.index_cast %add3A_2853 : i32 to index
        %swap3A_2864 = arith.constant 16 : index
        %swap3A_2865 = tpu.vector_load %arg15[%swap3A_2863, %swap3A_2864] {strides = array<i32>} : memref<128x64xf32, #tpu.memory_space<vmem>>, vector<16xf32>,
        tpu.vector_store %arg15[%swap3A_2863, %swap3A_2864], %get3A_2862 {add = true, strides = array<i32>} : memref<128x64xf32, #tpu.memory_space<vmem>>, vector<16xf32>,
        %get3A_2866 = arith.index_cast %add3A_2853 : i32 to index
        %get3A_2867 = arith.constant 32 : index
        %get3A_2868 = tpu.vector_load %arg12[%get3A_2866, %get3A_2867] {strides = array<i32>} : memref<128x64xf32, #tpu.memory_space<vmem>>, vector<16xf32>,
        %swap3A_2869 = arith.index_cast %add3A_2853 : i32 to index
        %swap3A_2870 = arith.constant 32 : index
        %swap3A_2871 = tpu.vector_load %arg15[%swap3A_2869, %swap3A_2870] {strides = array<i32>} : memref<128x64xf32, #tpu.memory_space<vmem>>, vector<16xf32>,
        tpu.vector_store %arg15[%swap3A_2869, %swap3A_2870], %get3A_2868 {add = true, strides = array<i32>} : memref<128x64xf32, #tpu.memory_space<vmem>>, vector<16xf32>,
        %get3A_2872 = arith.index_cast %add3A_2853 : i32 to index
        %get3A_2873 = arith.constant 48 : index
        %get3A_2874 = tpu.vector_load %arg12[%get3A_2872, %get3A_2873] {strides = array<i32>} : memref<128x64xf32, #tpu.memory_space<vmem>>, vector<16xf32>,
        %swap3A_2875 = arith.index_cast %add3A_2853 : i32 to index
        %swap3A_2876 = arith.constant 48 : index
        %swap3A_2877 = tpu.vector_load %arg15[%swap3A_2875, %swap3A_2876] {strides = array<i32>} : memref<128x64xf32, #tpu.memory_space<vmem>>, vector<16xf32>,
        tpu.vector_store %arg15[%swap3A_2875, %swap3A_2876], %get3A_2874 {add = true, strides = array<i32>} : memref<128x64xf32, #tpu.memory_space<vmem>>, vector<16xf32>,
        %mul3A_2878 = arith.constant 4 : i32
        %mul3A_2879 = arith.muli %scan3A_2821, %mul3A_2878 : i32
        %add3A_2880 = arith.constant 2 : i32
        %add3A_2881 = arith.addi %mul3A_2879, %add3A_2880 : i32
        %get3A_2882 = arith.index_cast %add3A_2881 : i32 to index
        %get3A_2883 = arith.constant 0 : index
        %get3A_2884 = tpu.vector_load %arg12[%get3A_2882, %get3A_2883] {strides = array<i32>} : memref<128x64xf32, #tpu.memory_space<vmem>>, vector<16xf32>,
        %swap3A_2885 = arith.index_cast %add3A_2881 : i32 to index
        %swap3A_2886 = arith.constant 0 : index
        %swap3A_2887 = tpu.vector_load %arg15[%swap3A_2885, %swap3A_2886] {strides = array<i32>} : memref<128x64xf32, #tpu.memory_space<vmem>>, vector<16xf32>,
        tpu.vector_store %arg15[%swap3A_2885, %swap3A_2886], %get3A_2884 {add = true, strides = array<i32>} : memref<128x64xf32, #tpu.memory_space<vmem>>, vector<16xf32>,
        %get3A_2888 = arith.index_cast %add3A_2881 : i32 to index
        %get3A_2889 = arith.constant 16 : index
        %get3A_2890 = tpu.vector_load %arg12[%get3A_2888, %get3A_2889] {strides = array<i32>} : memref<128x64xf32, #tpu.memory_space<vmem>>, vector<16xf32>,
        %swap3A_2891 = arith.index_cast %add3A_2881 : i32 to index
        %swap3A_2892 = arith.constant 16 : index
        %swap3A_2893 = tpu.vector_load %arg15[%swap3A_2891, %swap3A_2892] {strides = array<i32>} : memref<128x64xf32, #tpu.memory_space<vmem>>, vector<16xf32>,
        tpu.vector_store %arg15[%swap3A_2891, %swap3A_2892], %get3A_2890 {add = true, strides = array<i32>} : memref<128x64xf32, #tpu.memory_space<vmem>>, vector<16xf32>,
        %get3A_2894 = arith.index_cast %add3A_2881 : i32 to index
        %get3A_2895 = arith.constant 32 : index
        %get3A_2896 = tpu.vector_load %arg12[%get3A_2894, %get3A_2895] {strides = array<i32>} : memref<128x64xf32, #tpu.memory_space<vmem>>, vector<16xf32>,
        %swap3A_2897 = arith.index_cast %add3A_2881 : i32 to index
        %swap3A_2898 = arith.constant 32 : index
        %swap3A_2899 = tpu.vector_load %arg15[%swap3A_2897, %swap3A_2898] {strides = array<i32>} : memref<128x64xf32, #tpu.memory_space<vmem>>, vector<16xf32>,
        tpu.vector_store %arg15[%swap3A_2897, %swap3A_2898], %get3A_2896 {add = true, strides = array<i32>} : memref<128x64xf32, #tpu.memory_space<vmem>>, vector<16xf32>,
        %get3A_2900 = arith.index_cast %add3A_2881 : i32 to index
        %get3A_2901 = arith.constant 48 : index
        %get3A_2902 = tpu.vector_load %arg12[%get3A_2900, %get3A_2901] {strides = array<i32>} : memref<128x64xf32, #tpu.memory_space<vmem>>, vector<16xf32>,
        %swap3A_2903 = arith.index_cast %add3A_2881 : i32 to index
        %swap3A_2904 = arith.constant 48 : index
        %swap3A_2905 = tpu.vector_load %arg15[%swap3A_2903, %swap3A_2904] {strides = array<i32>} : memref<128x64xf32, #tpu.memory_space<vmem>>, vector<16xf32>,
        tpu.vector_store %arg15[%swap3A_2903, %swap3A_2904], %get3A_2902 {add = true, strides = array<i32>} : memref<128x64xf32, #tpu.memory_space<vmem>>, vector<16xf32>,
        %mul3A_2906 = arith.constant 4 : i32
        %mul3A_2907 = arith.muli %scan3A_2821, %mul3A_2906 : i32
        %add3A_2908 = arith.constant 3 : i32
        %add3A_2909 = arith.addi %mul3A_2907, %add3A_2908 : i32
        %get3A_2910 = arith.index_cast %add3A_2909 : i32 to index
        %get3A_2911 = arith.constant 0 : index
        %get3A_2912 = tpu.vector_load %arg12[%get3A_2910, %get3A_2911] {strides = array<i32>} : memref<128x64xf32, #tpu.memory_space<vmem>>, vector<16xf32>,
        %swap3A_2913 = arith.index_cast %add3A_2909 : i32 to index
        %swap3A_2914 = arith.constant 0 : index
        %swap3A_2915 = tpu.vector_load %arg15[%swap3A_2913, %swap3A_2914] {strides = array<i32>} : memref<128x64xf32, #tpu.memory_space<vmem>>, vector<16xf32>,
        tpu.vector_store %arg15[%swap3A_2913, %swap3A_2914], %get3A_2912 {add = true, strides = array<i32>} : memref<128x64xf32, #tpu.memory_space<vmem>>, vector<16xf32>,
        %get3A_2916 = arith.index_cast %add3A_2909 : i32 to index
        %get3A_2917 = arith.constant 16 : index
        %get3A_2918 = tpu.vector_load %arg12[%get3A_2916, %get3A_2917] {strides = array<i32>} : memref<128x64xf32, #tpu.memory_space<vmem>>, vector<16xf32>,
        %swap3A_2919 = arith.index_cast %add3A_2909 : i32 to index
        %swap3A_2920 = arith.constant 16 : index
        %swap3A_2921 = tpu.vector_load %arg15[%swap3A_2919, %swap3A_2920] {strides = array<i32>} : memref<128x64xf32, #tpu.memory_space<vmem>>, vector<16xf32>,
        tpu.vector_store %arg15[%swap3A_2919, %swap3A_2920], %get3A_2918 {add = true, strides = array<i32>} : memref<128x64xf32, #tpu.memory_space<vmem>>, vector<16xf32>,
        %get3A_2922 = arith.index_cast %add3A_2909 : i32 to index
        %get3A_2923 = arith.constant 32 : index
        %get3A_2924 = tpu.vector_load %arg12[%get3A_2922, %get3A_2923] {strides = array<i32>} : memref<128x64xf32, #tpu.memory_space<vmem>>, vector<16xf32>,
        %swap3A_2925 = arith.index_cast %add3A_2909 : i32 to index
        %swap3A_2926 = arith.constant 32 : index
        %swap3A_2927 = tpu.vector_load %arg15[%swap3A_2925, %swap3A_2926] {strides = array<i32>} : memref<128x64xf32, #tpu.memory_space<vmem>>, vector<16xf32>,
        tpu.vector_store %arg15[%swap3A_2925, %swap3A_2926], %get3A_2924 {add = true, strides = array<i32>} : memref<128x64xf32, #tpu.memory_space<vmem>>, vector<16xf32>,
        %get3A_2928 = arith.index_cast %add3A_2909 : i32 to index
        %get3A_2929 = arith.constant 48 : index
        %get3A_2930 = tpu.vector_load %arg12[%get3A_2928, %get3A_2929] {strides = array<i32>} : memref<128x64xf32, #tpu.memory_space<vmem>>, vector<16xf32>,
        %swap3A_2931 = arith.index_cast %add3A_2909 : i32 to index
        %swap3A_2932 = arith.constant 48 : index
        %swap3A_2933 = tpu.vector_load %arg15[%swap3A_2931, %swap3A_2932] {strides = array<i32>} : memref<128x64xf32, #tpu.memory_space<vmem>>, vector<16xf32>,
        tpu.vector_store %arg15[%swap3A_2931, %swap3A_2932], %get3A_2930 {add = true, strides = array<i32>} : memref<128x64xf32, #tpu.memory_space<vmem>>, vector<16xf32>,
      }
      %scan3A_2768 = arith.constant 32 : i32
      %mul3A_2769 = arith.constant 4 : i32
      %mul3A_2770 = arith.muli %scan3A_2719, %mul3A_2769 : i32
      %add3A_2771 = arith.constant 2 : i32
      %add3A_2772 = arith.addi %mul3A_2770, %add3A_2771 : i32
      %dma_wait3A_2773 = arith.constant 0 : i32
      %dma_wait3A_2774 = arith.constant 0 : i32
      %dma_wait3A_2775 = tpu.memref_slice %arg10[%dma_wait3A_2773, %dma_wait3A_2774] : memref<20x128xi32, #tpu.memory_space<vmem>> -> memref<1x128xi32, #tpu.memory_space<vmem>>
      %dma_wait3A_2776 = tpu.memref_squeeze %dma_wait3A_2775 : memref<1x128xi32, #tpu.memory_space<vmem>> -> memref<128xi32, #tpu.memory_space<vmem>>
      %dma_wait3A_2777 = arith.constant 0 : i32
      %dma_wait3A_2778 = arith.constant 0 : i32
      %dma_wait3A_2779 = tpu.memref_slice %arg5[%dma_wait3A_2777, %dma_wait3A_2778] : memref<100000x64xf32, #tpu.memory_space<hbm>> -> memref<100000x64xf32, #tpu.memory_space<hbm>>
      tpu.wait_indirect_dma semaphore(%arg21 : memref<!tpu.dma_semaphore, #tpu.memory_space<semaphore_mem>>) src(%dma_wait3A_2779 : memref<100000x64xf32, #tpu.memory_space<hbm>>) dst(%arg13 : memref<128x64xf32, #tpu.memory_space<vmem>>)
      %add3A_2780 = arith.constant 4 : i32
      %add3A_2781 = arith.addi %add3A_2772, %add3A_2780 : i32
      %sub3A_2782 = arith.constant 1 : i32
      %sub3A_2783 = arith.subi %add3A_2781, %sub3A_2782 : i32
      %lt3A_2784 = arith.constant 20 : i32
      %lt3A_2785 = arith.cmpi slt, %sub3A_2783, %lt3A_2784 : i32
      %convert_element_type3A_2786 = arith.extui %lt3A_2785 : i1 to i32
      %cond3A_2787 = arith.constant 0 : i32
      %cond3A_2788 = arith.cmpi ne, %convert_element_type3A_2786, %cond3A_2787 : i32
      scf.if %cond3A_2788 {
        %dma_start3A_2821 = arith.constant 0 : i32
        %dma_start3A_2822 = tpu.memref_slice %arg10[%sub3A_2783, %dma_start3A_2821] : memref<20x128xi32, #tpu.memory_space<vmem>> -> memref<1x128xi32, #tpu.memory_space<vmem>>
        %dma_start3A_2823 = tpu.memref_squeeze %dma_start3A_2822 : memref<1x128xi32, #tpu.memory_space<vmem>> -> memref<128xi32, #tpu.memory_space<vmem>>
        %dma_start3A_2824 = arith.constant 0 : i32
        %dma_start3A_2825 = arith.constant 0 : i32
        %dma_start3A_2826 = tpu.memref_slice %arg5[%dma_start3A_2824, %dma_start3A_2825] : memref<100000x64xf32, #tpu.memory_space<hbm>> -> memref<100000x64xf32, #tpu.memory_space<hbm>>
        tpu.enqueue_indirect_dma source(%dma_start3A_2826 : memref<100000x64xf32, #tpu.memory_space<hbm>>) target(%arg12 : memref<128x64xf32, #tpu.memory_space<vmem>>) offsets(%dma_start3A_2823 : memref<128xi32, #tpu.memory_space<vmem>>) semaphore(%arg20 : memref<!tpu.dma_semaphore, #tpu.memory_space<semaphore_mem>>)
      } else {
      }
      %scan3A_2789 = arith.constant 0 : i32
      %scan3A_2790 = arith.constant 0 : i32
      %scan3A_2791 = arith.constant 32 : i32
      %scan3A_2792 = arith.addi %scan3A_2790, %scan3A_2791 : i32
      %scan3A_2793 = arith.constant 1 : i32
      scf.for %scan3A_2821 = %scan3A_2790 to %scan3A_2792 step %scan3A_2793  : i32 {
        %mul3A_2822 = arith.constant 4 : i32
        %mul3A_2823 = arith.muli %scan3A_2821, %mul3A_2822 : i32
        %add3A_2824 = arith.constant 0 : i32
        %add3A_2825 = arith.addi %mul3A_2823, %add3A_2824 : i32
        %get3A_2826 = arith.index_cast %add3A_2825 : i32 to index
        %get3A_2827 = arith.constant 0 : index
        %get3A_2828 = tpu.vector_load %arg13[%get3A_2826, %get3A_2827] {strides = array<i32>} : memref<128x64xf32, #tpu.memory_space<vmem>>, vector<16xf32>,
        %swap3A_2829 = arith.index_cast %add3A_2825 : i32 to index
        %swap3A_2830 = arith.constant 0 : index
        %swap3A_2831 = tpu.vector_load %arg15[%swap3A_2829, %swap3A_2830] {strides = array<i32>} : memref<128x64xf32, #tpu.memory_space<vmem>>, vector<16xf32>,
        tpu.vector_store %arg15[%swap3A_2829, %swap3A_2830], %get3A_2828 {add = true, strides = array<i32>} : memref<128x64xf32, #tpu.memory_space<vmem>>, vector<16xf32>,
        %get3A_2832 = arith.index_cast %add3A_2825 : i32 to index
        %get3A_2833 = arith.constant 16 : index
        %get3A_2834 = tpu.vector_load %arg13[%get3A_2832, %get3A_2833] {strides = array<i32>} : memref<128x64xf32, #tpu.memory_space<vmem>>, vector<16xf32>,
        %swap3A_2835 = arith.index_cast %add3A_2825 : i32 to index
        %swap3A_2836 = arith.constant 16 : index
        %swap3A_2837 = tpu.vector_load %arg15[%swap3A_2835, %swap3A_2836] {strides = array<i32>} : memref<128x64xf32, #tpu.memory_space<vmem>>, vector<16xf32>,
        tpu.vector_store %arg15[%swap3A_2835, %swap3A_2836], %get3A_2834 {add = true, strides = array<i32>} : memref<128x64xf32, #tpu.memory_space<vmem>>, vector<16xf32>,
        %get3A_2838 = arith.index_cast %add3A_2825 : i32 to index
        %get3A_2839 = arith.constant 32 : index
        %get3A_2840 = tpu.vector_load %arg13[%get3A_2838, %get3A_2839] {strides = array<i32>} : memref<128x64xf32, #tpu.memory_space<vmem>>, vector<16xf32>,
        %swap3A_2841 = arith.index_cast %add3A_2825 : i32 to index
        %swap3A_2842 = arith.constant 32 : index
        %swap3A_2843 = tpu.vector_load %arg15[%swap3A_2841, %swap3A_2842] {strides = array<i32>} : memref<128x64xf32, #tpu.memory_space<vmem>>, vector<16xf32>,
        tpu.vector_store %arg15[%swap3A_2841, %swap3A_2842], %get3A_2840 {add = true, strides = array<i32>} : memref<128x64xf32, #tpu.memory_space<vmem>>, vector<16xf32>,
        %get3A_2844 = arith.index_cast %add3A_2825 : i32 to index
        %get3A_2845 = arith.constant 48 : index
        %get3A_2846 = tpu.vector_load %arg13[%get3A_2844, %get3A_2845] {strides = array<i32>} : memref<128x64xf32, #tpu.memory_space<vmem>>, vector<16xf32>,
        %swap3A_2847 = arith.index_cast %add3A_2825 : i32 to index
        %swap3A_2848 = arith.constant 48 : index
        %swap3A_2849 = tpu.vector_load %arg15[%swap3A_2847, %swap3A_2848] {strides = array<i32>} : memref<128x64xf32, #tpu.memory_space<vmem>>, vector<16xf32>,
        tpu.vector_store %arg15[%swap3A_2847, %swap3A_2848], %get3A_2846 {add = true, strides = array<i32>} : memref<128x64xf32, #tpu.memory_space<vmem>>, vector<16xf32>,
        %mul3A_2850 = arith.constant 4 : i32
        %mul3A_2851 = arith.muli %scan3A_2821, %mul3A_2850 : i32
        %add3A_2852 = arith.constant 1 : i32
        %add3A_2853 = arith.addi %mul3A_2851, %add3A_2852 : i32
        %get3A_2854 = arith.index_cast %add3A_2853 : i32 to index
        %get3A_2855 = arith.constant 0 : index
        %get3A_2856 = tpu.vector_load %arg13[%get3A_2854, %get3A_2855] {strides = array<i32>} : memref<128x64xf32, #tpu.memory_space<vmem>>, vector<16xf32>,
        %swap3A_2857 = arith.index_cast %add3A_2853 : i32 to index
        %swap3A_2858 = arith.constant 0 : index
        %swap3A_2859 = tpu.vector_load %arg15[%swap3A_2857, %swap3A_2858] {strides = array<i32>} : memref<128x64xf32, #tpu.memory_space<vmem>>, vector<16xf32>,
        tpu.vector_store %arg15[%swap3A_2857, %swap3A_2858], %get3A_2856 {add = true, strides = array<i32>} : memref<128x64xf32, #tpu.memory_space<vmem>>, vector<16xf32>,
        %get3A_2860 = arith.index_cast %add3A_2853 : i32 to index
        %get3A_2861 = arith.constant 16 : index
        %get3A_2862 = tpu.vector_load %arg13[%get3A_2860, %get3A_2861] {strides = array<i32>} : memref<128x64xf32, #tpu.memory_space<vmem>>, vector<16xf32>,
        %swap3A_2863 = arith.index_cast %add3A_2853 : i32 to index
        %swap3A_2864 = arith.constant 16 : index
        %swap3A_2865 = tpu.vector_load %arg15[%swap3A_2863, %swap3A_2864] {strides = array<i32>} : memref<128x64xf32, #tpu.memory_space<vmem>>, vector<16xf32>,
        tpu.vector_store %arg15[%swap3A_2863, %swap3A_2864], %get3A_2862 {add = true, strides = array<i32>} : memref<128x64xf32, #tpu.memory_space<vmem>>, vector<16xf32>,
        %get3A_2866 = arith.index_cast %add3A_2853 : i32 to index
        %get3A_2867 = arith.constant 32 : index
        %get3A_2868 = tpu.vector_load %arg13[%get3A_2866, %get3A_2867] {strides = array<i32>} : memref<128x64xf32, #tpu.memory_space<vmem>>, vector<16xf32>,
        %swap3A_2869 = arith.index_cast %add3A_2853 : i32 to index
        %swap3A_2870 = arith.constant 32 : index
        %swap3A_2871 = tpu.vector_load %arg15[%swap3A_2869, %swap3A_2870] {strides = array<i32>} : memref<128x64xf32, #tpu.memory_space<vmem>>, vector<16xf32>,
        tpu.vector_store %arg15[%swap3A_2869, %swap3A_2870], %get3A_2868 {add = true, strides = array<i32>} : memref<128x64xf32, #tpu.memory_space<vmem>>, vector<16xf32>,
        %get3A_2872 = arith.index_cast %add3A_2853 : i32 to index
        %get3A_2873 = arith.constant 48 : index
        %get3A_2874 = tpu.vector_load %arg13[%get3A_2872, %get3A_2873] {strides = array<i32>} : memref<128x64xf32, #tpu.memory_space<vmem>>, vector<16xf32>,
        %swap3A_2875 = arith.index_cast %add3A_2853 : i32 to index
        %swap3A_2876 = arith.constant 48 : index
        %swap3A_2877 = tpu.vector_load %arg15[%swap3A_2875, %swap3A_2876] {strides = array<i32>} : memref<128x64xf32, #tpu.memory_space<vmem>>, vector<16xf32>,
        tpu.vector_store %arg15[%swap3A_2875, %swap3A_2876], %get3A_2874 {add = true, strides = array<i32>} : memref<128x64xf32, #tpu.memory_space<vmem>>, vector<16xf32>,
        %mul3A_2878 = arith.constant 4 : i32
        %mul3A_2879 = arith.muli %scan3A_2821, %mul3A_2878 : i32
        %add3A_2880 = arith.constant 2 : i32
        %add3A_2881 = arith.addi %mul3A_2879, %add3A_2880 : i32
        %get3A_2882 = arith.index_cast %add3A_2881 : i32 to index
        %get3A_2883 = arith.constant 0 : index
        %get3A_2884 = tpu.vector_load %arg13[%get3A_2882, %get3A_2883] {strides = array<i32>} : memref<128x64xf32, #tpu.memory_space<vmem>>, vector<16xf32>,
        %swap3A_2885 = arith.index_cast %add3A_2881 : i32 to index
        %swap3A_2886 = arith.constant 0 : index
        %swap3A_2887 = tpu.vector_load %arg15[%swap3A_2885, %swap3A_2886] {strides = array<i32>} : memref<128x64xf32, #tpu.memory_space<vmem>>, vector<16xf32>,
        tpu.vector_store %arg15[%swap3A_2885, %swap3A_2886], %get3A_2884 {add = true, strides = array<i32>} : memref<128x64xf32, #tpu.memory_space<vmem>>, vector<16xf32>,
        %get3A_2888 = arith.index_cast %add3A_2881 : i32 to index
        %get3A_2889 = arith.constant 16 : index
        %get3A_2890 = tpu.vector_load %arg13[%get3A_2888, %get3A_2889] {strides = array<i32>} : memref<128x64xf32, #tpu.memory_space<vmem>>, vector<16xf32>,
        %swap3A_2891 = arith.index_cast %add3A_2881 : i32 to index
        %swap3A_2892 = arith.constant 16 : index
        %swap3A_2893 = tpu.vector_load %arg15[%swap3A_2891, %swap3A_2892] {strides = array<i32>} : memref<128x64xf32, #tpu.memory_space<vmem>>, vector<16xf32>,
        tpu.vector_store %arg15[%swap3A_2891, %swap3A_2892], %get3A_2890 {add = true, strides = array<i32>} : memref<128x64xf32, #tpu.memory_space<vmem>>, vector<16xf32>,
        %get3A_2894 = arith.index_cast %add3A_2881 : i32 to index
        %get3A_2895 = arith.constant 32 : index
        %get3A_2896 = tpu.vector_load %arg13[%get3A_2894, %get3A_2895] {strides = array<i32>} : memref<128x64xf32, #tpu.memory_space<vmem>>, vector<16xf32>,
        %swap3A_2897 = arith.index_cast %add3A_2881 : i32 to index
        %swap3A_2898 = arith.constant 32 : index
        %swap3A_2899 = tpu.vector_load %arg15[%swap3A_2897, %swap3A_2898] {strides = array<i32>} : memref<128x64xf32, #tpu.memory_space<vmem>>, vector<16xf32>,
        tpu.vector_store %arg15[%swap3A_2897, %swap3A_2898], %get3A_2896 {add = true, strides = array<i32>} : memref<128x64xf32, #tpu.memory_space<vmem>>, vector<16xf32>,
        %get3A_2900 = arith.index_cast %add3A_2881 : i32 to index
        %get3A_2901 = arith.constant 48 : index
        %get3A_2902 = tpu.vector_load %arg13[%get3A_2900, %get3A_2901] {strides = array<i32>} : memref<128x64xf32, #tpu.memory_space<vmem>>, vector<16xf32>,
        %swap3A_2903 = arith.index_cast %add3A_2881 : i32 to index
        %swap3A_2904 = arith.constant 48 : index
        %swap3A_2905 = tpu.vector_load %arg15[%swap3A_2903, %swap3A_2904] {strides = array<i32>} : memref<128x64xf32, #tpu.memory_space<vmem>>, vector<16xf32>,
        tpu.vector_store %arg15[%swap3A_2903, %swap3A_2904], %get3A_2902 {add = true, strides = array<i32>} : memref<128x64xf32, #tpu.memory_space<vmem>>, vector<16xf32>,
        %mul3A_2906 = arith.constant 4 : i32
        %mul3A_2907 = arith.muli %scan3A_2821, %mul3A_2906 : i32
        %add3A_2908 = arith.constant 3 : i32
        %add3A_2909 = arith.addi %mul3A_2907, %add3A_2908 : i32
        %get3A_2910 = arith.index_cast %add3A_2909 : i32 to index
        %get3A_2911 = arith.constant 0 : index
        %get3A_2912 = tpu.vector_load %arg13[%get3A_2910, %get3A_2911] {strides = array<i32>} : memref<128x64xf32, #tpu.memory_space<vmem>>, vector<16xf32>,
        %swap3A_2913 = arith.index_cast %add3A_2909 : i32 to index
        %swap3A_2914 = arith.constant 0 : index
        %swap3A_2915 = tpu.vector_load %arg15[%swap3A_2913, %swap3A_2914] {strides = array<i32>} : memref<128x64xf32, #tpu.memory_space<vmem>>, vector<16xf32>,
        tpu.vector_store %arg15[%swap3A_2913, %swap3A_2914], %get3A_2912 {add = true, strides = array<i32>} : memref<128x64xf32, #tpu.memory_space<vmem>>, vector<16xf32>,
        %get3A_2916 = arith.index_cast %add3A_2909 : i32 to index
        %get3A_2917 = arith.constant 16 : index
        %get3A_2918 = tpu.vector_load %arg13[%get3A_2916, %get3A_2917] {strides = array<i32>} : memref<128x64xf32, #tpu.memory_space<vmem>>, vector<16xf32>,
        %swap3A_2919 = arith.index_cast %add3A_2909 : i32 to index
        %swap3A_2920 = arith.constant 16 : index
        %swap3A_2921 = tpu.vector_load %arg15[%swap3A_2919, %swap3A_2920] {strides = array<i32>} : memref<128x64xf32, #tpu.memory_space<vmem>>, vector<16xf32>,
        tpu.vector_store %arg15[%swap3A_2919, %swap3A_2920], %get3A_2918 {add = true, strides = array<i32>} : memref<128x64xf32, #tpu.memory_space<vmem>>, vector<16xf32>,
        %get3A_2922 = arith.index_cast %add3A_2909 : i32 to index
        %get3A_2923 = arith.constant 32 : index
        %get3A_2924 = tpu.vector_load %arg13[%get3A_2922, %get3A_2923] {strides = array<i32>} : memref<128x64xf32, #tpu.memory_space<vmem>>, vector<16xf32>,
        %swap3A_2925 = arith.index_cast %add3A_2909 : i32 to index
        %swap3A_2926 = arith.constant 32 : index
        %swap3A_2927 = tpu.vector_load %arg15[%swap3A_2925, %swap3A_2926] {strides = array<i32>} : memref<128x64xf32, #tpu.memory_space<vmem>>, vector<16xf32>,
        tpu.vector_store %arg15[%swap3A_2925, %swap3A_2926], %get3A_2924 {add = true, strides = array<i32>} : memref<128x64xf32, #tpu.memory_space<vmem>>, vector<16xf32>,
        %get3A_2928 = arith.index_cast %add3A_2909 : i32 to index
        %get3A_2929 = arith.constant 48 : index
        %get3A_2930 = tpu.vector_load %arg13[%get3A_2928, %get3A_2929] {strides = array<i32>} : memref<128x64xf32, #tpu.memory_space<vmem>>, vector<16xf32>,
        %swap3A_2931 = arith.index_cast %add3A_2909 : i32 to index
        %swap3A_2932 = arith.constant 48 : index
        %swap3A_2933 = tpu.vector_load %arg15[%swap3A_2931, %swap3A_2932] {strides = array<i32>} : memref<128x64xf32, #tpu.memory_space<vmem>>, vector<16xf32>,
        tpu.vector_store %arg15[%swap3A_2931, %swap3A_2932], %get3A_2930 {add = true, strides = array<i32>} : memref<128x64xf32, #tpu.memory_space<vmem>>, vector<16xf32>,
      }
      %scan3A_2794 = arith.constant 32 : i32
      %mul3A_2795 = arith.constant 4 : i32
      %mul3A_2796 = arith.muli %scan3A_2719, %mul3A_2795 : i32
      %add3A_2797 = arith.constant 3 : i32
      %add3A_2798 = arith.addi %mul3A_2796, %add3A_2797 : i32
      %dma_wait3A_2799 = arith.constant 0 : i32
      %dma_wait3A_2800 = arith.constant 0 : i32
      %dma_wait3A_2801 = tpu.memref_slice %arg10[%dma_wait3A_2799, %dma_wait3A_2800] : memref<20x128xi32, #tpu.memory_space<vmem>> -> memref<1x128xi32, #tpu.memory_space<vmem>>
      %dma_wait3A_2802 = tpu.memref_squeeze %dma_wait3A_2801 : memref<1x128xi32, #tpu.memory_space<vmem>> -> memref<128xi32, #tpu.memory_space<vmem>>
      %dma_wait3A_2803 = arith.constant 0 : i32
      %dma_wait3A_2804 = arith.constant 0 : i32
      %dma_wait3A_2805 = tpu.memref_slice %arg5[%dma_wait3A_2803, %dma_wait3A_2804] : memref<100000x64xf32, #tpu.memory_space<hbm>> -> memref<100000x64xf32, #tpu.memory_space<hbm>>
      tpu.wait_indirect_dma semaphore(%arg22 : memref<!tpu.dma_semaphore, #tpu.memory_space<semaphore_mem>>) src(%dma_wait3A_2805 : memref<100000x64xf32, #tpu.memory_space<hbm>>) dst(%arg14 : memref<128x64xf32, #tpu.memory_space<vmem>>)
      %add3A_2806 = arith.constant 4 : i32
      %add3A_2807 = arith.addi %add3A_2798, %add3A_2806 : i32
      %sub3A_2808 = arith.constant 1 : i32
      %sub3A_2809 = arith.subi %add3A_2807, %sub3A_2808 : i32
      %lt3A_2810 = arith.constant 20 : i32
      %lt3A_2811 = arith.cmpi slt, %sub3A_2809, %lt3A_2810 : i32
      %convert_element_type3A_2812 = arith.extui %lt3A_2811 : i1 to i32
      %cond3A_2813 = arith.constant 0 : i32
      %cond3A_2814 = arith.cmpi ne, %convert_element_type3A_2812, %cond3A_2813 : i32
      scf.if %cond3A_2814 {
        %dma_start3A_2821 = arith.constant 0 : i32
        %dma_start3A_2822 = tpu.memref_slice %arg10[%sub3A_2809, %dma_start3A_2821] : memref<20x128xi32, #tpu.memory_space<vmem>> -> memref<1x128xi32, #tpu.memory_space<vmem>>
        %dma_start3A_2823 = tpu.memref_squeeze %dma_start3A_2822 : memref<1x128xi32, #tpu.memory_space<vmem>> -> memref<128xi32, #tpu.memory_space<vmem>>
        %dma_start3A_2824 = arith.constant 0 : i32
        %dma_start3A_2825 = arith.constant 0 : i32
        %dma_start3A_2826 = tpu.memref_slice %arg5[%dma_start3A_2824, %dma_start3A_2825] : memref<100000x64xf32, #tpu.memory_space<hbm>> -> memref<100000x64xf32, #tpu.memory_space<hbm>>
        tpu.enqueue_indirect_dma source(%dma_start3A_2826 : memref<100000x64xf32, #tpu.memory_space<hbm>>) target(%arg13 : memref<128x64xf32, #tpu.memory_space<vmem>>) offsets(%dma_start3A_2823 : memref<128xi32, #tpu.memory_space<vmem>>) semaphore(%arg21 : memref<!tpu.dma_semaphore, #tpu.memory_space<semaphore_mem>>)
      } else {
      }
      %scan3A_2815 = arith.constant 0 : i32
      %scan3A_2816 = arith.constant 0 : i32
      %scan3A_2817 = arith.constant 32 : i32
      %scan3A_2818 = arith.addi %scan3A_2816, %scan3A_2817 : i32
      %scan3A_2819 = arith.constant 1 : i32
      scf.for %scan3A_2821 = %scan3A_2816 to %scan3A_2818 step %scan3A_2819  : i32 {
        %mul3A_2822 = arith.constant 4 : i32
        %mul3A_2823 = arith.muli %scan3A_2821, %mul3A_2822 : i32
        %add3A_2824 = arith.constant 0 : i32
        %add3A_2825 = arith.addi %mul3A_2823, %add3A_2824 : i32
        %get3A_2826 = arith.index_cast %add3A_2825 : i32 to index
        %get3A_2827 = arith.constant 0 : index
        %get3A_2828 = tpu.vector_load %arg14[%get3A_2826, %get3A_2827] {strides = array<i32>} : memref<128x64xf32, #tpu.memory_space<vmem>>, vector<16xf32>,
        %swap3A_2829 = arith.index_cast %add3A_2825 : i32 to index
        %swap3A_2830 = arith.constant 0 : index
        %swap3A_2831 = tpu.vector_load %arg15[%swap3A_2829, %swap3A_2830] {strides = array<i32>} : memref<128x64xf32, #tpu.memory_space<vmem>>, vector<16xf32>,
        tpu.vector_store %arg15[%swap3A_2829, %swap3A_2830], %get3A_2828 {add = true, strides = array<i32>} : memref<128x64xf32, #tpu.memory_space<vmem>>, vector<16xf32>,
        %get3A_2832 = arith.index_cast %add3A_2825 : i32 to index
        %get3A_2833 = arith.constant 16 : index
        %get3A_2834 = tpu.vector_load %arg14[%get3A_2832, %get3A_2833] {strides = array<i32>} : memref<128x64xf32, #tpu.memory_space<vmem>>, vector<16xf32>,
        %swap3A_2835 = arith.index_cast %add3A_2825 : i32 to index
        %swap3A_2836 = arith.constant 16 : index
        %swap3A_2837 = tpu.vector_load %arg15[%swap3A_2835, %swap3A_2836] {strides = array<i32>} : memref<128x64xf32, #tpu.memory_space<vmem>>, vector<16xf32>,
        tpu.vector_store %arg15[%swap3A_2835, %swap3A_2836], %get3A_2834 {add = true, strides = array<i32>} : memref<128x64xf32, #tpu.memory_space<vmem>>, vector<16xf32>,
        %get3A_2838 = arith.index_cast %add3A_2825 : i32 to index
        %get3A_2839 = arith.constant 32 : index
        %get3A_2840 = tpu.vector_load %arg14[%get3A_2838, %get3A_2839] {strides = array<i32>} : memref<128x64xf32, #tpu.memory_space<vmem>>, vector<16xf32>,
        %swap3A_2841 = arith.index_cast %add3A_2825 : i32 to index
        %swap3A_2842 = arith.constant 32 : index
        %swap3A_2843 = tpu.vector_load %arg15[%swap3A_2841, %swap3A_2842] {strides = array<i32>} : memref<128x64xf32, #tpu.memory_space<vmem>>, vector<16xf32>,
        tpu.vector_store %arg15[%swap3A_2841, %swap3A_2842], %get3A_2840 {add = true, strides = array<i32>} : memref<128x64xf32, #tpu.memory_space<vmem>>, vector<16xf32>,
        %get3A_2844 = arith.index_cast %add3A_2825 : i32 to index
        %get3A_2845 = arith.constant 48 : index
        %get3A_2846 = tpu.vector_load %arg14[%get3A_2844, %get3A_2845] {strides = array<i32>} : memref<128x64xf32, #tpu.memory_space<vmem>>, vector<16xf32>,
        %swap3A_2847 = arith.index_cast %add3A_2825 : i32 to index
        %swap3A_2848 = arith.constant 48 : index
        %swap3A_2849 = tpu.vector_load %arg15[%swap3A_2847, %swap3A_2848] {strides = array<i32>} : memref<128x64xf32, #tpu.memory_space<vmem>>, vector<16xf32>,
        tpu.vector_store %arg15[%swap3A_2847, %swap3A_2848], %get3A_2846 {add = true, strides = array<i32>} : memref<128x64xf32, #tpu.memory_space<vmem>>, vector<16xf32>,
        %mul3A_2850 = arith.constant 4 : i32
        %mul3A_2851 = arith.muli %scan3A_2821, %mul3A_2850 : i32
        %add3A_2852 = arith.constant 1 : i32
        %add3A_2853 = arith.addi %mul3A_2851, %add3A_2852 : i32
        %get3A_2854 = arith.index_cast %add3A_2853 : i32 to index
        %get3A_2855 = arith.constant 0 : index
        %get3A_2856 = tpu.vector_load %arg14[%get3A_2854, %get3A_2855] {strides = array<i32>} : memref<128x64xf32, #tpu.memory_space<vmem>>, vector<16xf32>,
        %swap3A_2857 = arith.index_cast %add3A_2853 : i32 to index
        %swap3A_2858 = arith.constant 0 : index
        %swap3A_2859 = tpu.vector_load %arg15[%swap3A_2857, %swap3A_2858] {strides = array<i32>} : memref<128x64xf32, #tpu.memory_space<vmem>>, vector<16xf32>,
        tpu.vector_store %arg15[%swap3A_2857, %swap3A_2858], %get3A_2856 {add = true, strides = array<i32>} : memref<128x64xf32, #tpu.memory_space<vmem>>, vector<16xf32>,
        %get3A_2860 = arith.index_cast %add3A_2853 : i32 to index
        %get3A_2861 = arith.constant 16 : index
        %get3A_2862 = tpu.vector_load %arg14[%get3A_2860, %get3A_2861] {strides = array<i32>} : memref<128x64xf32, #tpu.memory_space<vmem>>, vector<16xf32>,
        %swap3A_2863 = arith.index_cast %add3A_2853 : i32 to index
        %swap3A_2864 = arith.constant 16 : index
        %swap3A_2865 = tpu.vector_load %arg15[%swap3A_2863, %swap3A_2864] {strides = array<i32>} : memref<128x64xf32, #tpu.memory_space<vmem>>, vector<16xf32>,
        tpu.vector_store %arg15[%swap3A_2863, %swap3A_2864], %get3A_2862 {add = true, strides = array<i32>} : memref<128x64xf32, #tpu.memory_space<vmem>>, vector<16xf32>,
        %get3A_2866 = arith.index_cast %add3A_2853 : i32 to index
        %get3A_2867 = arith.constant 32 : index
        %get3A_2868 = tpu.vector_load %arg14[%get3A_2866, %get3A_2867] {strides = array<i32>} : memref<128x64xf32, #tpu.memory_space<vmem>>, vector<16xf32>,
        %swap3A_2869 = arith.index_cast %add3A_2853 : i32 to index
        %swap3A_2870 = arith.constant 32 : index
        %swap3A_2871 = tpu.vector_load %arg15[%swap3A_2869, %swap3A_2870] {strides = array<i32>} : memref<128x64xf32, #tpu.memory_space<vmem>>, vector<16xf32>,
        tpu.vector_store %arg15[%swap3A_2869, %swap3A_2870], %get3A_2868 {add = true, strides = array<i32>} : memref<128x64xf32, #tpu.memory_space<vmem>>, vector<16xf32>,
        %get3A_2872 = arith.index_cast %add3A_2853 : i32 to index
        %get3A_2873 = arith.constant 48 : index
        %get3A_2874 = tpu.vector_load %arg14[%get3A_2872, %get3A_2873] {strides = array<i32>} : memref<128x64xf32, #tpu.memory_space<vmem>>, vector<16xf32>,
        %swap3A_2875 = arith.index_cast %add3A_2853 : i32 to index
        %swap3A_2876 = arith.constant 48 : index
        %swap3A_2877 = tpu.vector_load %arg15[%swap3A_2875, %swap3A_2876] {strides = array<i32>} : memref<128x64xf32, #tpu.memory_space<vmem>>, vector<16xf32>,
        tpu.vector_store %arg15[%swap3A_2875, %swap3A_2876], %get3A_2874 {add = true, strides = array<i32>} : memref<128x64xf32, #tpu.memory_space<vmem>>, vector<16xf32>,
        %mul3A_2878 = arith.constant 4 : i32
        %mul3A_2879 = arith.muli %scan3A_2821, %mul3A_2878 : i32
        %add3A_2880 = arith.constant 2 : i32
        %add3A_2881 = arith.addi %mul3A_2879, %add3A_2880 : i32
        %get3A_2882 = arith.index_cast %add3A_2881 : i32 to index
        %get3A_2883 = arith.constant 0 : index
        %get3A_2884 = tpu.vector_load %arg14[%get3A_2882, %get3A_2883] {strides = array<i32>} : memref<128x64xf32, #tpu.memory_space<vmem>>, vector<16xf32>,
        %swap3A_2885 = arith.index_cast %add3A_2881 : i32 to index
        %swap3A_2886 = arith.constant 0 : index
        %swap3A_2887 = tpu.vector_load %arg15[%swap3A_2885, %swap3A_2886] {strides = array<i32>} : memref<128x64xf32, #tpu.memory_space<vmem>>, vector<16xf32>,
        tpu.vector_store %arg15[%swap3A_2885, %swap3A_2886], %get3A_2884 {add = true, strides = array<i32>} : memref<128x64xf32, #tpu.memory_space<vmem>>, vector<16xf32>,
        %get3A_2888 = arith.index_cast %add3A_2881 : i32 to index
        %get3A_2889 = arith.constant 16 : index
        %get3A_2890 = tpu.vector_load %arg14[%get3A_2888, %get3A_2889] {strides = array<i32>} : memref<128x64xf32, #tpu.memory_space<vmem>>, vector<16xf32>,
        %swap3A_2891 = arith.index_cast %add3A_2881 : i32 to index
        %swap3A_2892 = arith.constant 16 : index
        %swap3A_2893 = tpu.vector_load %arg15[%swap3A_2891, %swap3A_2892] {strides = array<i32>} : memref<128x64xf32, #tpu.memory_space<vmem>>, vector<16xf32>,
        tpu.vector_store %arg15[%swap3A_2891, %swap3A_2892], %get3A_2890 {add = true, strides = array<i32>} : memref<128x64xf32, #tpu.memory_space<vmem>>, vector<16xf32>,
        %get3A_2894 = arith.index_cast %add3A_2881 : i32 to index
        %get3A_2895 = arith.constant 32 : index
        %get3A_2896 = tpu.vector_load %arg14[%get3A_2894, %get3A_2895] {strides = array<i32>} : memref<128x64xf32, #tpu.memory_space<vmem>>, vector<16xf32>,
        %swap3A_2897 = arith.index_cast %add3A_2881 : i32 to index
        %swap3A_2898 = arith.constant 32 : index
        %swap3A_2899 = tpu.vector_load %arg15[%swap3A_2897, %swap3A_2898] {strides = array<i32>} : memref<128x64xf32, #tpu.memory_space<vmem>>, vector<16xf32>,
        tpu.vector_store %arg15[%swap3A_2897, %swap3A_2898], %get3A_2896 {add = true, strides = array<i32>} : memref<128x64xf32, #tpu.memory_space<vmem>>, vector<16xf32>,
        %get3A_2900 = arith.index_cast %add3A_2881 : i32 to index
        %get3A_2901 = arith.constant 48 : index
        %get3A_2902 = tpu.vector_load %arg14[%get3A_2900, %get3A_2901] {strides = array<i32>} : memref<128x64xf32, #tpu.memory_space<vmem>>, vector<16xf32>,
        %swap3A_2903 = arith.index_cast %add3A_2881 : i32 to index
        %swap3A_2904 = arith.constant 48 : index
        %swap3A_2905 = tpu.vector_load %arg15[%swap3A_2903, %swap3A_2904] {strides = array<i32>} : memref<128x64xf32, #tpu.memory_space<vmem>>, vector<16xf32>,
        tpu.vector_store %arg15[%swap3A_2903, %swap3A_2904], %get3A_2902 {add = true, strides = array<i32>} : memref<128x64xf32, #tpu.memory_space<vmem>>, vector<16xf32>,
        %mul3A_2906 = arith.constant 4 : i32
        %mul3A_2907 = arith.muli %scan3A_2821, %mul3A_2906 : i32
        %add3A_2908 = arith.constant 3 : i32
        %add3A_2909 = arith.addi %mul3A_2907, %add3A_2908 : i32
        %get3A_2910 = arith.index_cast %add3A_2909 : i32 to index
        %get3A_2911 = arith.constant 0 : index
        %get3A_2912 = tpu.vector_load %arg14[%get3A_2910, %get3A_2911] {strides = array<i32>} : memref<128x64xf32, #tpu.memory_space<vmem>>, vector<16xf32>,
        %swap3A_2913 = arith.index_cast %add3A_2909 : i32 to index
        %swap3A_2914 = arith.constant 0 : index
        %swap3A_2915 = tpu.vector_load %arg15[%swap3A_2913, %swap3A_2914] {strides = array<i32>} : memref<128x64xf32, #tpu.memory_space<vmem>>, vector<16xf32>,
        tpu.vector_store %arg15[%swap3A_2913, %swap3A_2914], %get3A_2912 {add = true, strides = array<i32>} : memref<128x64xf32, #tpu.memory_space<vmem>>, vector<16xf32>,
        %get3A_2916 = arith.index_cast %add3A_2909 : i32 to index
        %get3A_2917 = arith.constant 16 : index
        %get3A_2918 = tpu.vector_load %arg14[%get3A_2916, %get3A_2917] {strides = array<i32>} : memref<128x64xf32, #tpu.memory_space<vmem>>, vector<16xf32>,
        %swap3A_2919 = arith.index_cast %add3A_2909 : i32 to index
        %swap3A_2920 = arith.constant 16 : index
        %swap3A_2921 = tpu.vector_load %arg15[%swap3A_2919, %swap3A_2920] {strides = array<i32>} : memref<128x64xf32, #tpu.memory_space<vmem>>, vector<16xf32>,
        tpu.vector_store %arg15[%swap3A_2919, %swap3A_2920], %get3A_2918 {add = true, strides = array<i32>} : memref<128x64xf32, #tpu.memory_space<vmem>>, vector<16xf32>,
        %get3A_2922 = arith.index_cast %add3A_2909 : i32 to index
        %get3A_2923 = arith.constant 32 : index
        %get3A_2924 = tpu.vector_load %arg14[%get3A_2922, %get3A_2923] {strides = array<i32>} : memref<128x64xf32, #tpu.memory_space<vmem>>, vector<16xf32>,
        %swap3A_2925 = arith.index_cast %add3A_2909 : i32 to index
        %swap3A_2926 = arith.constant 32 : index
        %swap3A_2927 = tpu.vector_load %arg15[%swap3A_2925, %swap3A_2926] {strides = array<i32>} : memref<128x64xf32, #tpu.memory_space<vmem>>, vector<16xf32>,
        tpu.vector_store %arg15[%swap3A_2925, %swap3A_2926], %get3A_2924 {add = true, strides = array<i32>} : memref<128x64xf32, #tpu.memory_space<vmem>>, vector<16xf32>,
        %get3A_2928 = arith.index_cast %add3A_2909 : i32 to index
        %get3A_2929 = arith.constant 48 : index
        %get3A_2930 = tpu.vector_load %arg14[%get3A_2928, %get3A_2929] {strides = array<i32>} : memref<128x64xf32, #tpu.memory_space<vmem>>, vector<16xf32>,
        %swap3A_2931 = arith.index_cast %add3A_2909 : i32 to index
        %swap3A_2932 = arith.constant 48 : index
        %swap3A_2933 = tpu.vector_load %arg15[%swap3A_2931, %swap3A_2932] {strides = array<i32>} : memref<128x64xf32, #tpu.memory_space<vmem>>, vector<16xf32>,
        tpu.vector_store %arg15[%swap3A_2931, %swap3A_2932], %get3A_2930 {add = true, strides = array<i32>} : memref<128x64xf32, #tpu.memory_space<vmem>>, vector<16xf32>,
      }
      %scan3A_2820 = arith.constant 32 : i32
    }
    %scan3A_1351 = arith.constant 5 : i32
    %scan3A_1352 = arith.constant 0 : i32
    %scan3A_1353 = arith.constant 0 : i32
    %scan3A_1354 = arith.constant 64 : i32
    %scan3A_1355 = arith.addi %scan3A_1353, %scan3A_1354 : i32
    %scan3A_1356 = arith.constant 1 : i32
    scf.for %scan3A_2719 = %scan3A_1353 to %scan3A_1355 step %scan3A_1356  : i32 {
      %mul3A_2720 = arith.constant 2 : i32
      %mul3A_2721 = arith.muli %scan3A_2719, %mul3A_2720 : i32
      %add3A_2722 = arith.constant 0 : i32
      %add3A_2723 = arith.addi %mul3A_2721, %add3A_2722 : i32
      %broadcast_in_dim3A_2724 = vector.broadcast %add3A_2723 : i32 to vector<16xi32>
      %gather3A = tpu.vector_load_idx %arg16[%broadcast_in_dim3A_2724] : memref<128xf32, #tpu.memory_space<vmem>>[vector<16xi32>], vector<16xf32>,
      %get3A_2725 = arith.index_cast %add3A_2723 : i32 to index
      %get3A_2726 = arith.constant 0 : index
      %get3A_2727 = tpu.vector_load %arg15[%get3A_2725, %get3A_2726] {strides = array<i32>} : memref<128x64xf32, #tpu.memory_space<vmem>>, vector<16xf32>,
      %mul3A_2728 = arith.mulf %get3A_2727, %gather3A : vector<16xf32>
      %swap3A_2729 = arith.index_cast %add3A_2723 : i32 to index
      %swap3A_2730 = arith.constant 0 : index
      %swap3A_2731 = tpu.vector_load %arg15[%swap3A_2729, %swap3A_2730] {strides = array<i32>} : memref<128x64xf32, #tpu.memory_space<vmem>>, vector<16xf32>,
      tpu.vector_store %arg15[%swap3A_2729, %swap3A_2730], %mul3A_2728 {strides = array<i32>} : memref<128x64xf32, #tpu.memory_space<vmem>>, vector<16xf32>,
      %get3A_2732 = arith.index_cast %add3A_2723 : i32 to index
      %get3A_2733 = arith.constant 16 : index
      %get3A_2734 = tpu.vector_load %arg15[%get3A_2732, %get3A_2733] {strides = array<i32>} : memref<128x64xf32, #tpu.memory_space<vmem>>, vector<16xf32>,
      %mul3A_2735 = arith.mulf %get3A_2734, %gather3A : vector<16xf32>
      %swap3A_2736 = arith.index_cast %add3A_2723 : i32 to index
      %swap3A_2737 = arith.constant 16 : index
      %swap3A_2738 = tpu.vector_load %arg15[%swap3A_2736, %swap3A_2737] {strides = array<i32>} : memref<128x64xf32, #tpu.memory_space<vmem>>, vector<16xf32>,
      tpu.vector_store %arg15[%swap3A_2736, %swap3A_2737], %mul3A_2735 {strides = array<i32>} : memref<128x64xf32, #tpu.memory_space<vmem>>, vector<16xf32>,
      %get3A_2739 = arith.index_cast %add3A_2723 : i32 to index
      %get3A_2740 = arith.constant 32 : index
      %get3A_2741 = tpu.vector_load %arg15[%get3A_2739, %get3A_2740] {strides = array<i32>} : memref<128x64xf32, #tpu.memory_space<vmem>>, vector<16xf32>,
      %mul3A_2742 = arith.mulf %get3A_2741, %gather3A : vector<16xf32>
      %swap3A_2743 = arith.index_cast %add3A_2723 : i32 to index
      %swap3A_2744 = arith.constant 32 : index
      %swap3A_2745 = tpu.vector_load %arg15[%swap3A_2743, %swap3A_2744] {strides = array<i32>} : memref<128x64xf32, #tpu.memory_space<vmem>>, vector<16xf32>,
      tpu.vector_store %arg15[%swap3A_2743, %swap3A_2744], %mul3A_2742 {strides = array<i32>} : memref<128x64xf32, #tpu.memory_space<vmem>>, vector<16xf32>,
      %get3A_2746 = arith.index_cast %add3A_2723 : i32 to index
      %get3A_2747 = arith.constant 48 : index
      %get3A_2748 = tpu.vector_load %arg15[%get3A_2746, %get3A_2747] {strides = array<i32>} : memref<128x64xf32, #tpu.memory_space<vmem>>, vector<16xf32>,
      %mul3A_2749 = arith.mulf %get3A_2748, %gather3A : vector<16xf32>
      %swap3A_2750 = arith.index_cast %add3A_2723 : i32 to index
      %swap3A_2751 = arith.constant 48 : index
      %swap3A_2752 = tpu.vector_load %arg15[%swap3A_2750, %swap3A_2751] {strides = array<i32>} : memref<128x64xf32, #tpu.memory_space<vmem>>, vector<16xf32>,
      tpu.vector_store %arg15[%swap3A_2750, %swap3A_2751], %mul3A_2749 {strides = array<i32>} : memref<128x64xf32, #tpu.memory_space<vmem>>, vector<16xf32>,
      %mul3A_2753 = arith.constant 2 : i32
      %mul3A_2754 = arith.muli %scan3A_2719, %mul3A_2753 : i32
      %add3A_2755 = arith.constant 1 : i32
      %add3A_2756 = arith.addi %mul3A_2754, %add3A_2755 : i32
      %broadcast_in_dim3A_2757 = vector.broadcast %add3A_2756 : i32 to vector<16xi32>
      %gather3A_2758 = tpu.vector_load_idx %arg16[%broadcast_in_dim3A_2757] : memref<128xf32, #tpu.memory_space<vmem>>[vector<16xi32>], vector<16xf32>,
      %get3A_2759 = arith.index_cast %add3A_2756 : i32 to index
      %get3A_2760 = arith.constant 0 : index
      %get3A_2761 = tpu.vector_load %arg15[%get3A_2759, %get3A_2760] {strides = array<i32>} : memref<128x64xf32, #tpu.memory_space<vmem>>, vector<16xf32>,
      %mul3A_2762 = arith.mulf %get3A_2761, %gather3A_2758 : vector<16xf32>
      %swap3A_2763 = arith.index_cast %add3A_2756 : i32 to index
      %swap3A_2764 = arith.constant 0 : index
      %swap3A_2765 = tpu.vector_load %arg15[%swap3A_2763, %swap3A_2764] {strides = array<i32>} : memref<128x64xf32, #tpu.memory_space<vmem>>, vector<16xf32>,
      tpu.vector_store %arg15[%swap3A_2763, %swap3A_2764], %mul3A_2762 {strides = array<i32>} : memref<128x64xf32, #tpu.memory_space<vmem>>, vector<16xf32>,
      %get3A_2766 = arith.index_cast %add3A_2756 : i32 to index
      %get3A_2767 = arith.constant 16 : index
      %get3A_2768 = tpu.vector_load %arg15[%get3A_2766, %get3A_2767] {strides = array<i32>} : memref<128x64xf32, #tpu.memory_space<vmem>>, vector<16xf32>,
      %mul3A_2769 = arith.mulf %get3A_2768, %gather3A_2758 : vector<16xf32>
      %swap3A_2770 = arith.index_cast %add3A_2756 : i32 to index
      %swap3A_2771 = arith.constant 16 : index
      %swap3A_2772 = tpu.vector_load %arg15[%swap3A_2770, %swap3A_2771] {strides = array<i32>} : memref<128x64xf32, #tpu.memory_space<vmem>>, vector<16xf32>,
      tpu.vector_store %arg15[%swap3A_2770, %swap3A_2771], %mul3A_2769 {strides = array<i32>} : memref<128x64xf32, #tpu.memory_space<vmem>>, vector<16xf32>,
      %get3A_2773 = arith.index_cast %add3A_2756 : i32 to index
      %get3A_2774 = arith.constant 32 : index
      %get3A_2775 = tpu.vector_load %arg15[%get3A_2773, %get3A_2774] {strides = array<i32>} : memref<128x64xf32, #tpu.memory_space<vmem>>, vector<16xf32>,
      %mul3A_2776 = arith.mulf %get3A_2775, %gather3A_2758 : vector<16xf32>
      %swap3A_2777 = arith.index_cast %add3A_2756 : i32 to index
      %swap3A_2778 = arith.constant 32 : index
      %swap3A_2779 = tpu.vector_load %arg15[%swap3A_2777, %swap3A_2778] {strides = array<i32>} : memref<128x64xf32, #tpu.memory_space<vmem>>, vector<16xf32>,
      tpu.vector_store %arg15[%swap3A_2777, %swap3A_2778], %mul3A_2776 {strides = array<i32>} : memref<128x64xf32, #tpu.memory_space<vmem>>, vector<16xf32>,
      %get3A_2780 = arith.index_cast %add3A_2756 : i32 to index
      %get3A_2781 = arith.constant 48 : index
      %get3A_2782 = tpu.vector_load %arg15[%get3A_2780, %get3A_2781] {strides = array<i32>} : memref<128x64xf32, #tpu.memory_space<vmem>>, vector<16xf32>,
      %mul3A_2783 = arith.mulf %get3A_2782, %gather3A_2758 : vector<16xf32>
      %swap3A_2784 = arith.index_cast %add3A_2756 : i32 to index
      %swap3A_2785 = arith.constant 48 : index
      %swap3A_2786 = tpu.vector_load %arg15[%swap3A_2784, %swap3A_2785] {strides = array<i32>} : memref<128x64xf32, #tpu.memory_space<vmem>>, vector<16xf32>,
      tpu.vector_store %arg15[%swap3A_2784, %swap3A_2785], %mul3A_2783 {strides = array<i32>} : memref<128x64xf32, #tpu.memory_space<vmem>>, vector<16xf32>,
    }
    %scan3A_1357 = arith.constant 64 : i32
    "tpu.region"() ({
      %run_scoped3A = tpu.sem_alloc : memref<!tpu.dma_semaphore, #tpu.memory_space<semaphore_mem>>
      %dma_start3A_2719 = arith.constant 0 : i32
      %dma_start3A_2720 = tpu.memref_slice %arg7[%mul3A_2, %dma_start3A_2719] : memref<4096x64xf32, #tpu.memory_space<hbm>> -> memref<128x64xf32, #tpu.memory_space<hbm>>
      %dma_start3A_2721 = arith.constant 0 : i32
      %dma_start3A_2722 = tpu.memref_slice %arg7[%mul3A_2, %dma_start3A_2721] : memref<4096x64xf32, #tpu.memory_space<hbm>> -> memref<128x64xf32, #tpu.memory_space<hbm>>
      tpu.enqueue_dma source(%arg15 : memref<128x64xf32, #tpu.memory_space<vmem>>) target(%dma_start3A_2722 : memref<128x64xf32, #tpu.memory_space<hbm>>) target_semaphore(%run_scoped3A : memref<!tpu.dma_semaphore, #tpu.memory_space<semaphore_mem>>)
      %dma_wait3A_2723 = arith.constant 0 : i32
      %dma_wait3A_2724 = tpu.memref_slice %arg7[%mul3A_2, %dma_wait3A_2723] : memref<4096x64xf32, #tpu.memory_space<hbm>> -> memref<128x64xf32, #tpu.memory_space<hbm>>
      %dma_wait3A_2725 = arith.constant 0 : i32
      %dma_wait3A_2726 = tpu.memref_slice %arg7[%mul3A_2, %dma_wait3A_2725] : memref<4096x64xf32, #tpu.memory_space<hbm>> -> memref<128x64xf32, #tpu.memory_space<hbm>>
      tpu.wait_dma2 semaphore(%run_scoped3A : memref<!tpu.dma_semaphore, #tpu.memory_space<semaphore_mem>>) src(%arg15 : memref<128x64xf32, #tpu.memory_space<vmem>>) dst(%dma_wait3A_2726 : memref<128x64xf32, #tpu.memory_space<hbm>>)
      tpu.yield
    }) : () -> ()
    "tpu.region"() ({
      %run_scoped3A = tpu.sem_alloc : memref<!tpu.dma_semaphore, #tpu.memory_space<semaphore_mem>>
      %dma_start3A_2719 = arith.constant 0 : i32
      %dma_start3A_2720 = tpu.memref_slice %arg3[%dma_start3A_2719, %mul3A_2] : memref<20x4096xi32, #tpu.memory_space<hbm>> -> memref<20x128xi32, #tpu.memory_space<hbm>>
      %dma_start3A_2721 = arith.constant 0 : i32
      %dma_start3A_2722 = tpu.memref_slice %arg3[%dma_start3A_2721, %mul3A_2] : memref<20x4096xi32, #tpu.memory_space<hbm>> -> memref<20x128xi32, #tpu.memory_space<hbm>>
      tpu.enqueue_dma source(%dma_start3A_2722 : memref<20x128xi32, #tpu.memory_space<hbm>>) target(%arg10 : memref<20x128xi32, #tpu.memory_space<vmem>>) target_semaphore(%run_scoped3A : memref<!tpu.dma_semaphore, #tpu.memory_space<semaphore_mem>>)
      %dma_wait3A_2723 = arith.constant 0 : i32
      %dma_wait3A_2724 = tpu.memref_slice %arg3[%dma_wait3A_2723, %mul3A_2] : memref<20x4096xi32, #tpu.memory_space<hbm>> -> memref<20x128xi32, #tpu.memory_space<hbm>>
      %dma_wait3A_2725 = arith.constant 0 : i32
      %dma_wait3A_2726 = tpu.memref_slice %arg3[%dma_wait3A_2725, %mul3A_2] : memref<20x4096xi32, #tpu.memory_space<hbm>> -> memref<20x128xi32, #tpu.memory_space<hbm>>
      tpu.wait_dma2 semaphore(%run_scoped3A : memref<!tpu.dma_semaphore, #tpu.memory_space<semaphore_mem>>) src(%dma_wait3A_2726 : memref<20x128xi32, #tpu.memory_space<hbm>>) dst(%arg10 : memref<20x128xi32, #tpu.memory_space<vmem>>)
      tpu.yield
    }) : () -> ()
    %dma_start3A_1358 = arith.constant 0 : i32
    %dma_start3A_1359 = arith.constant 0 : i32
    %dma_start3A_1360 = tpu.memref_slice %arg10[%dma_start3A_1358, %dma_start3A_1359] : memref<20x128xi32, #tpu.memory_space<vmem>> -> memref<1x128xi32, #tpu.memory_space<vmem>>
    %dma_start3A_1361 = tpu.memref_squeeze %dma_start3A_1360 : memref<1x128xi32, #tpu.memory_space<vmem>> -> memref<128xi32, #tpu.memory_space<vmem>>
    %dma_start3A_1362 = arith.constant 0 : i32
    %dma_start3A_1363 = arith.constant 0 : i32
    %dma_start3A_1364 = tpu.memref_slice %arg5[%dma_start3A_1362, %dma_start3A_1363] : memref<100000x64xf32, #tpu.memory_space<hbm>> -> memref<100000x64xf32, #tpu.memory_space<hbm>>
    tpu.enqueue_indirect_dma source(%dma_start3A_1364 : memref<100000x64xf32, #tpu.memory_space<hbm>>) target(%arg11 : memref<128x64xf32, #tpu.memory_space<vmem>>) offsets(%dma_start3A_1361 : memref<128xi32, #tpu.memory_space<vmem>>) semaphore(%arg19 : memref<!tpu.dma_semaphore, #tpu.memory_space<semaphore_mem>>)
    %dma_start3A_1365 = arith.constant 1 : i32
    %dma_start3A_1366 = arith.constant 0 : i32
    %dma_start3A_1367 = tpu.memref_slice %arg10[%dma_start3A_1365, %dma_start3A_1366] : memref<20x128xi32, #tpu.memory_space<vmem>> -> memref<1x128xi32, #tpu.memory_space<vmem>>
    %dma_start3A_1368 = tpu.memref_squeeze %dma_start3A_1367 : memref<1x128xi32, #tpu.memory_space<vmem>> -> memref<128xi32, #tpu.memory_space<vmem>>
    %dma_start3A_1369 = arith.constant 0 : i32
    %dma_start3A_1370 = arith.constant 0 : i32
    %dma_start3A_1371 = tpu.memref_slice %arg5[%dma_start3A_1369, %dma_start3A_1370] : memref<100000x64xf32, #tpu.memory_space<hbm>> -> memref<100000x64xf32, #tpu.memory_space<hbm>>
    tpu.enqueue_indirect_dma source(%dma_start3A_1371 : memref<100000x64xf32, #tpu.memory_space<hbm>>) target(%arg12 : memref<128x64xf32, #tpu.memory_space<vmem>>) offsets(%dma_start3A_1368 : memref<128xi32, #tpu.memory_space<vmem>>) semaphore(%arg20 : memref<!tpu.dma_semaphore, #tpu.memory_space<semaphore_mem>>)
    %dma_start3A_1372 = arith.constant 2 : i32
    %dma_start3A_1373 = arith.constant 0 : i32
    %dma_start3A_1374 = tpu.memref_slice %arg10[%dma_start3A_1372, %dma_start3A_1373] : memref<20x128xi32, #tpu.memory_space<vmem>> -> memref<1x128xi32, #tpu.memory_space<vmem>>
    %dma_start3A_1375 = tpu.memref_squeeze %dma_start3A_1374 : memref<1x128xi32, #tpu.memory_space<vmem>> -> memref<128xi32, #tpu.memory_space<vmem>>
    %dma_start3A_1376 = arith.constant 0 : i32
    %dma_start3A_1377 = arith.constant 0 : i32
    %dma_start3A_1378 = tpu.memref_slice %arg5[%dma_start3A_1376, %dma_start3A_1377] : memref<100000x64xf32, #tpu.memory_space<hbm>> -> memref<100000x64xf32, #tpu.memory_space<hbm>>
    tpu.enqueue_indirect_dma source(%dma_start3A_1378 : memref<100000x64xf32, #tpu.memory_space<hbm>>) target(%arg13 : memref<128x64xf32, #tpu.memory_space<vmem>>) offsets(%dma_start3A_1375 : memref<128xi32, #tpu.memory_space<vmem>>) semaphore(%arg21 : memref<!tpu.dma_semaphore, #tpu.memory_space<semaphore_mem>>)
    %broadcast_in_dim3A_1379 = arith.constant 0 : i32
    %broadcast_in_dim3A_1380 = vector.broadcast %broadcast_in_dim3A_1379 : i32 to vector<16xi32>
    %get3A_1381 = arith.constant 0 : i32
    %get3A_1382 = arith.index_cast %get3A_1381 : i32 to index
    %get3A_1383 = arith.constant 0 : index
    %get3A_1384 = tpu.vector_load %arg10[%get3A_1382, %get3A_1383] {strides = array<i32>} : memref<20x128xi32, #tpu.memory_space<vmem>>, vector<16xi32>,
    %min3A_1385 = arith.constant 1 : i32
    %min3A_1386 = vector.broadcast %min3A_1385 : i32 to vector<16xi32>
    %min3A_1387 = arith.minsi %get3A_1384, %min3A_1386 : vector<16xi32>
    %add3A_1388 = arith.addi %broadcast_in_dim3A_1380, %min3A_1387 : vector<16xi32>
    %get3A_1389 = arith.constant 1 : i32
    %get3A_1390 = arith.index_cast %get3A_1389 : i32 to index
    %get3A_1391 = arith.constant 0 : index
    %get3A_1392 = tpu.vector_load %arg10[%get3A_1390, %get3A_1391] {strides = array<i32>} : memref<20x128xi32, #tpu.memory_space<vmem>>, vector<16xi32>,
    %min3A_1393 = arith.constant 1 : i32
    %min3A_1394 = vector.broadcast %min3A_1393 : i32 to vector<16xi32>
    %min3A_1395 = arith.minsi %get3A_1392, %min3A_1394 : vector<16xi32>
    %add3A_1396 = arith.addi %add3A_1388, %min3A_1395 : vector<16xi32>
    %get3A_1397 = arith.constant 2 : i32
    %get3A_1398 = arith.index_cast %get3A_1397 : i32 to index
    %get3A_1399 = arith.constant 0 : index
    %get3A_1400 = tpu.vector_load %arg10[%get3A_1398, %get3A_1399] {strides = array<i32>} : memref<20x128xi32, #tpu.memory_space<vmem>>, vector<16xi32>,
    %min3A_1401 = arith.constant 1 : i32
    %min3A_1402 = vector.broadcast %min3A_1401 : i32 to vector<16xi32>
    %min3A_1403 = arith.minsi %get3A_1400, %min3A_1402 : vector<16xi32>
    %add3A_1404 = arith.addi %add3A_1396, %min3A_1403 : vector<16xi32>
    %get3A_1405 = arith.constant 3 : i32
    %get3A_1406 = arith.index_cast %get3A_1405 : i32 to index
    %get3A_1407 = arith.constant 0 : index
    %get3A_1408 = tpu.vector_load %arg10[%get3A_1406, %get3A_1407] {strides = array<i32>} : memref<20x128xi32, #tpu.memory_space<vmem>>, vector<16xi32>,
    %min3A_1409 = arith.constant 1 : i32
    %min3A_1410 = vector.broadcast %min3A_1409 : i32 to vector<16xi32>
    %min3A_1411 = arith.minsi %get3A_1408, %min3A_1410 : vector<16xi32>
    %add3A_1412 = arith.addi %add3A_1404, %min3A_1411 : vector<16xi32>
    %get3A_1413 = arith.constant 4 : i32
    %get3A_1414 = arith.index_cast %get3A_1413 : i32 to index
    %get3A_1415 = arith.constant 0 : index
    %get3A_1416 = tpu.vector_load %arg10[%get3A_1414, %get3A_1415] {strides = array<i32>} : memref<20x128xi32, #tpu.memory_space<vmem>>, vector<16xi32>,
    %min3A_1417 = arith.constant 1 : i32
    %min3A_1418 = vector.broadcast %min3A_1417 : i32 to vector<16xi32>
    %min3A_1419 = arith.minsi %get3A_1416, %min3A_1418 : vector<16xi32>
    %add3A_1420 = arith.addi %add3A_1412, %min3A_1419 : vector<16xi32>
    %get3A_1421 = arith.constant 5 : i32
    %get3A_1422 = arith.index_cast %get3A_1421 : i32 to index
    %get3A_1423 = arith.constant 0 : index
    %get3A_1424 = tpu.vector_load %arg10[%get3A_1422, %get3A_1423] {strides = array<i32>} : memref<20x128xi32, #tpu.memory_space<vmem>>, vector<16xi32>,
    %min3A_1425 = arith.constant 1 : i32
    %min3A_1426 = vector.broadcast %min3A_1425 : i32 to vector<16xi32>
    %min3A_1427 = arith.minsi %get3A_1424, %min3A_1426 : vector<16xi32>
    %add3A_1428 = arith.addi %add3A_1420, %min3A_1427 : vector<16xi32>
    %get3A_1429 = arith.constant 6 : i32
    %get3A_1430 = arith.index_cast %get3A_1429 : i32 to index
    %get3A_1431 = arith.constant 0 : index
    %get3A_1432 = tpu.vector_load %arg10[%get3A_1430, %get3A_1431] {strides = array<i32>} : memref<20x128xi32, #tpu.memory_space<vmem>>, vector<16xi32>,
    %min3A_1433 = arith.constant 1 : i32
    %min3A_1434 = vector.broadcast %min3A_1433 : i32 to vector<16xi32>
    %min3A_1435 = arith.minsi %get3A_1432, %min3A_1434 : vector<16xi32>
    %add3A_1436 = arith.addi %add3A_1428, %min3A_1435 : vector<16xi32>
    %get3A_1437 = arith.constant 7 : i32
    %get3A_1438 = arith.index_cast %get3A_1437 : i32 to index
    %get3A_1439 = arith.constant 0 : index
    %get3A_1440 = tpu.vector_load %arg10[%get3A_1438, %get3A_1439] {strides = array<i32>} : memref<20x128xi32, #tpu.memory_space<vmem>>, vector<16xi32>,
    %min3A_1441 = arith.constant 1 : i32
    %min3A_1442 = vector.broadcast %min3A_1441 : i32 to vector<16xi32>
    %min3A_1443 = arith.minsi %get3A_1440, %min3A_1442 : vector<16xi32>
    %add3A_1444 = arith.addi %add3A_1436, %min3A_1443 : vector<16xi32>
    %get3A_1445 = arith.constant 8 : i32
    %get3A_1446 = arith.index_cast %get3A_1445 : i32 to index
    %get3A_1447 = arith.constant 0 : index
    %get3A_1448 = tpu.vector_load %arg10[%get3A_1446, %get3A_1447] {strides = array<i32>} : memref<20x128xi32, #tpu.memory_space<vmem>>, vector<16xi32>,
    %min3A_1449 = arith.constant 1 : i32
    %min3A_1450 = vector.broadcast %min3A_1449 : i32 to vector<16xi32>
    %min3A_1451 = arith.minsi %get3A_1448, %min3A_1450 : vector<16xi32>
    %add3A_1452 = arith.addi %add3A_1444, %min3A_1451 : vector<16xi32>
    %get3A_1453 = arith.constant 9 : i32
    %get3A_1454 = arith.index_cast %get3A_1453 : i32 to index
    %get3A_1455 = arith.constant 0 : index
    %get3A_1456 = tpu.vector_load %arg10[%get3A_1454, %get3A_1455] {strides = array<i32>} : memref<20x128xi32, #tpu.memory_space<vmem>>, vector<16xi32>,
    %min3A_1457 = arith.constant 1 : i32
    %min3A_1458 = vector.broadcast %min3A_1457 : i32 to vector<16xi32>
    %min3A_1459 = arith.minsi %get3A_1456, %min3A_1458 : vector<16xi32>
    %add3A_1460 = arith.addi %add3A_1452, %min3A_1459 : vector<16xi32>
    %get3A_1461 = arith.constant 10 : i32
    %get3A_1462 = arith.index_cast %get3A_1461 : i32 to index
    %get3A_1463 = arith.constant 0 : index
    %get3A_1464 = tpu.vector_load %arg10[%get3A_1462, %get3A_1463] {strides = array<i32>} : memref<20x128xi32, #tpu.memory_space<vmem>>, vector<16xi32>,
    %min3A_1465 = arith.constant 1 : i32
    %min3A_1466 = vector.broadcast %min3A_1465 : i32 to vector<16xi32>
    %min3A_1467 = arith.minsi %get3A_1464, %min3A_1466 : vector<16xi32>
    %add3A_1468 = arith.addi %add3A_1460, %min3A_1467 : vector<16xi32>
    %get3A_1469 = arith.constant 11 : i32
    %get3A_1470 = arith.index_cast %get3A_1469 : i32 to index
    %get3A_1471 = arith.constant 0 : index
    %get3A_1472 = tpu.vector_load %arg10[%get3A_1470, %get3A_1471] {strides = array<i32>} : memref<20x128xi32, #tpu.memory_space<vmem>>, vector<16xi32>,
    %min3A_1473 = arith.constant 1 : i32
    %min3A_1474 = vector.broadcast %min3A_1473 : i32 to vector<16xi32>
    %min3A_1475 = arith.minsi %get3A_1472, %min3A_1474 : vector<16xi32>
    %add3A_1476 = arith.addi %add3A_1468, %min3A_1475 : vector<16xi32>
    %get3A_1477 = arith.constant 12 : i32
    %get3A_1478 = arith.index_cast %get3A_1477 : i32 to index
    %get3A_1479 = arith.constant 0 : index
    %get3A_1480 = tpu.vector_load %arg10[%get3A_1478, %get3A_1479] {strides = array<i32>} : memref<20x128xi32, #tpu.memory_space<vmem>>, vector<16xi32>,
    %min3A_1481 = arith.constant 1 : i32
    %min3A_1482 = vector.broadcast %min3A_1481 : i32 to vector<16xi32>
    %min3A_1483 = arith.minsi %get3A_1480, %min3A_1482 : vector<16xi32>
    %add3A_1484 = arith.addi %add3A_1476, %min3A_1483 : vector<16xi32>
    %get3A_1485 = arith.constant 13 : i32
    %get3A_1486 = arith.index_cast %get3A_1485 : i32 to index
    %get3A_1487 = arith.constant 0 : index
    %get3A_1488 = tpu.vector_load %arg10[%get3A_1486, %get3A_1487] {strides = array<i32>} : memref<20x128xi32, #tpu.memory_space<vmem>>, vector<16xi32>,
    %min3A_1489 = arith.constant 1 : i32
    %min3A_1490 = vector.broadcast %min3A_1489 : i32 to vector<16xi32>
    %min3A_1491 = arith.minsi %get3A_1488, %min3A_1490 : vector<16xi32>
    %add3A_1492 = arith.addi %add3A_1484, %min3A_1491 : vector<16xi32>
    %get3A_1493 = arith.constant 14 : i32
    %get3A_1494 = arith.index_cast %get3A_1493 : i32 to index
    %get3A_1495 = arith.constant 0 : index
    %get3A_1496 = tpu.vector_load %arg10[%get3A_1494, %get3A_1495] {strides = array<i32>} : memref<20x128xi32, #tpu.memory_space<vmem>>, vector<16xi32>,
    %min3A_1497 = arith.constant 1 : i32
    %min3A_1498 = vector.broadcast %min3A_1497 : i32 to vector<16xi32>
    %min3A_1499 = arith.minsi %get3A_1496, %min3A_1498 : vector<16xi32>
    %add3A_1500 = arith.addi %add3A_1492, %min3A_1499 : vector<16xi32>
    %get3A_1501 = arith.constant 15 : i32
    %get3A_1502 = arith.index_cast %get3A_1501 : i32 to index
    %get3A_1503 = arith.constant 0 : index
    %get3A_1504 = tpu.vector_load %arg10[%get3A_1502, %get3A_1503] {strides = array<i32>} : memref<20x128xi32, #tpu.memory_space<vmem>>, vector<16xi32>,
    %min3A_1505 = arith.constant 1 : i32
    %min3A_1506 = vector.broadcast %min3A_1505 : i32 to vector<16xi32>
    %min3A_1507 = arith.minsi %get3A_1504, %min3A_1506 : vector<16xi32>
    %add3A_1508 = arith.addi %add3A_1500, %min3A_1507 : vector<16xi32>
    %get3A_1509 = arith.constant 16 : i32
    %get3A_1510 = arith.index_cast %get3A_1509 : i32 to index
    %get3A_1511 = arith.constant 0 : index
    %get3A_1512 = tpu.vector_load %arg10[%get3A_1510, %get3A_1511] {strides = array<i32>} : memref<20x128xi32, #tpu.memory_space<vmem>>, vector<16xi32>,
    %min3A_1513 = arith.constant 1 : i32
    %min3A_1514 = vector.broadcast %min3A_1513 : i32 to vector<16xi32>
    %min3A_1515 = arith.minsi %get3A_1512, %min3A_1514 : vector<16xi32>
    %add3A_1516 = arith.addi %add3A_1508, %min3A_1515 : vector<16xi32>
    %get3A_1517 = arith.constant 17 : i32
    %get3A_1518 = arith.index_cast %get3A_1517 : i32 to index
    %get3A_1519 = arith.constant 0 : index
    %get3A_1520 = tpu.vector_load %arg10[%get3A_1518, %get3A_1519] {strides = array<i32>} : memref<20x128xi32, #tpu.memory_space<vmem>>, vector<16xi32>,
    %min3A_1521 = arith.constant 1 : i32
    %min3A_1522 = vector.broadcast %min3A_1521 : i32 to vector<16xi32>
    %min3A_1523 = arith.minsi %get3A_1520, %min3A_1522 : vector<16xi32>
    %add3A_1524 = arith.addi %add3A_1516, %min3A_1523 : vector<16xi32>
    %get3A_1525 = arith.constant 18 : i32
    %get3A_1526 = arith.index_cast %get3A_1525 : i32 to index
    %get3A_1527 = arith.constant 0 : index
    %get3A_1528 = tpu.vector_load %arg10[%get3A_1526, %get3A_1527] {strides = array<i32>} : memref<20x128xi32, #tpu.memory_space<vmem>>, vector<16xi32>,
    %min3A_1529 = arith.constant 1 : i32
    %min3A_1530 = vector.broadcast %min3A_1529 : i32 to vector<16xi32>
    %min3A_1531 = arith.minsi %get3A_1528, %min3A_1530 : vector<16xi32>
    %add3A_1532 = arith.addi %add3A_1524, %min3A_1531 : vector<16xi32>
    %get3A_1533 = arith.constant 19 : i32
    %get3A_1534 = arith.index_cast %get3A_1533 : i32 to index
    %get3A_1535 = arith.constant 0 : index
    %get3A_1536 = tpu.vector_load %arg10[%get3A_1534, %get3A_1535] {strides = array<i32>} : memref<20x128xi32, #tpu.memory_space<vmem>>, vector<16xi32>,
    %min3A_1537 = arith.constant 1 : i32
    %min3A_1538 = vector.broadcast %min3A_1537 : i32 to vector<16xi32>
    %min3A_1539 = arith.minsi %get3A_1536, %min3A_1538 : vector<16xi32>
    %add3A_1540 = arith.addi %add3A_1532, %min3A_1539 : vector<16xi32>
    %convert_element_type3A_1541 = arith.sitofp %add3A_1540 : vector<16xi32> to vector<16xf32>
    %swap3A_1542 = arith.constant 0 : index
    %swap3A_1543 = tpu.vector_load %arg16[%swap3A_1542] {strides = array<i32>} : memref<128xf32, #tpu.memory_space<vmem>>, vector<16xf32>,
    tpu.vector_store %arg16[%swap3A_1542], %convert_element_type3A_1541 {strides = array<i32>} : memref<128xf32, #tpu.memory_space<vmem>>, vector<16xf32>,
    %broadcast_in_dim3A_1544 = arith.constant 0 : i32
    %broadcast_in_dim3A_1545 = vector.broadcast %broadcast_in_dim3A_1544 : i32 to vector<16xi32>
    %get3A_1546 = arith.constant 0 : i32
    %get3A_1547 = arith.index_cast %get3A_1546 : i32 to index
    %get3A_1548 = arith.constant 16 : index
    %get3A_1549 = tpu.vector_load %arg10[%get3A_1547, %get3A_1548] {strides = array<i32>} : memref<20x128xi32, #tpu.memory_space<vmem>>, vector<16xi32>,
    %min3A_1550 = arith.constant 1 : i32
    %min3A_1551 = vector.broadcast %min3A_1550 : i32 to vector<16xi32>
    %min3A_1552 = arith.minsi %get3A_1549, %min3A_1551 : vector<16xi32>
    %add3A_1553 = arith.addi %broadcast_in_dim3A_1545, %min3A_1552 : vector<16xi32>
    %get3A_1554 = arith.constant 1 : i32
    %get3A_1555 = arith.index_cast %get3A_1554 : i32 to index
    %get3A_1556 = arith.constant 16 : index
    %get3A_1557 = tpu.vector_load %arg10[%get3A_1555, %get3A_1556] {strides = array<i32>} : memref<20x128xi32, #tpu.memory_space<vmem>>, vector<16xi32>,
    %min3A_1558 = arith.constant 1 : i32
    %min3A_1559 = vector.broadcast %min3A_1558 : i32 to vector<16xi32>
    %min3A_1560 = arith.minsi %get3A_1557, %min3A_1559 : vector<16xi32>
    %add3A_1561 = arith.addi %add3A_1553, %min3A_1560 : vector<16xi32>
    %get3A_1562 = arith.constant 2 : i32
    %get3A_1563 = arith.index_cast %get3A_1562 : i32 to index
    %get3A_1564 = arith.constant 16 : index
    %get3A_1565 = tpu.vector_load %arg10[%get3A_1563, %get3A_1564] {strides = array<i32>} : memref<20x128xi32, #tpu.memory_space<vmem>>, vector<16xi32>,
    %min3A_1566 = arith.constant 1 : i32
    %min3A_1567 = vector.broadcast %min3A_1566 : i32 to vector<16xi32>
    %min3A_1568 = arith.minsi %get3A_1565, %min3A_1567 : vector<16xi32>
    %add3A_1569 = arith.addi %add3A_1561, %min3A_1568 : vector<16xi32>
    %get3A_1570 = arith.constant 3 : i32
    %get3A_1571 = arith.index_cast %get3A_1570 : i32 to index
    %get3A_1572 = arith.constant 16 : index
    %get3A_1573 = tpu.vector_load %arg10[%get3A_1571, %get3A_1572] {strides = array<i32>} : memref<20x128xi32, #tpu.memory_space<vmem>>, vector<16xi32>,
    %min3A_1574 = arith.constant 1 : i32
    %min3A_1575 = vector.broadcast %min3A_1574 : i32 to vector<16xi32>
    %min3A_1576 = arith.minsi %get3A_1573, %min3A_1575 : vector<16xi32>
    %add3A_1577 = arith.addi %add3A_1569, %min3A_1576 : vector<16xi32>
    %get3A_1578 = arith.constant 4 : i32
    %get3A_1579 = arith.index_cast %get3A_1578 : i32 to index
    %get3A_1580 = arith.constant 16 : index
    %get3A_1581 = tpu.vector_load %arg10[%get3A_1579, %get3A_1580] {strides = array<i32>} : memref<20x128xi32, #tpu.memory_space<vmem>>, vector<16xi32>,
    %min3A_1582 = arith.constant 1 : i32
    %min3A_1583 = vector.broadcast %min3A_1582 : i32 to vector<16xi32>
    %min3A_1584 = arith.minsi %get3A_1581, %min3A_1583 : vector<16xi32>
    %add3A_1585 = arith.addi %add3A_1577, %min3A_1584 : vector<16xi32>
    %get3A_1586 = arith.constant 5 : i32
    %get3A_1587 = arith.index_cast %get3A_1586 : i32 to index
    %get3A_1588 = arith.constant 16 : index
    %get3A_1589 = tpu.vector_load %arg10[%get3A_1587, %get3A_1588] {strides = array<i32>} : memref<20x128xi32, #tpu.memory_space<vmem>>, vector<16xi32>,
    %min3A_1590 = arith.constant 1 : i32
    %min3A_1591 = vector.broadcast %min3A_1590 : i32 to vector<16xi32>
    %min3A_1592 = arith.minsi %get3A_1589, %min3A_1591 : vector<16xi32>
    %add3A_1593 = arith.addi %add3A_1585, %min3A_1592 : vector<16xi32>
    %get3A_1594 = arith.constant 6 : i32
    %get3A_1595 = arith.index_cast %get3A_1594 : i32 to index
    %get3A_1596 = arith.constant 16 : index
    %get3A_1597 = tpu.vector_load %arg10[%get3A_1595, %get3A_1596] {strides = array<i32>} : memref<20x128xi32, #tpu.memory_space<vmem>>, vector<16xi32>,
    %min3A_1598 = arith.constant 1 : i32
    %min3A_1599 = vector.broadcast %min3A_1598 : i32 to vector<16xi32>
    %min3A_1600 = arith.minsi %get3A_1597, %min3A_1599 : vector<16xi32>
    %add3A_1601 = arith.addi %add3A_1593, %min3A_1600 : vector<16xi32>
    %get3A_1602 = arith.constant 7 : i32
    %get3A_1603 = arith.index_cast %get3A_1602 : i32 to index
    %get3A_1604 = arith.constant 16 : index
    %get3A_1605 = tpu.vector_load %arg10[%get3A_1603, %get3A_1604] {strides = array<i32>} : memref<20x128xi32, #tpu.memory_space<vmem>>, vector<16xi32>,
    %min3A_1606 = arith.constant 1 : i32
    %min3A_1607 = vector.broadcast %min3A_1606 : i32 to vector<16xi32>
    %min3A_1608 = arith.minsi %get3A_1605, %min3A_1607 : vector<16xi32>
    %add3A_1609 = arith.addi %add3A_1601, %min3A_1608 : vector<16xi32>
    %get3A_1610 = arith.constant 8 : i32
    %get3A_1611 = arith.index_cast %get3A_1610 : i32 to index
    %get3A_1612 = arith.constant 16 : index
    %get3A_1613 = tpu.vector_load %arg10[%get3A_1611, %get3A_1612] {strides = array<i32>} : memref<20x128xi32, #tpu.memory_space<vmem>>, vector<16xi32>,
    %min3A_1614 = arith.constant 1 : i32
    %min3A_1615 = vector.broadcast %min3A_1614 : i32 to vector<16xi32>
    %min3A_1616 = arith.minsi %get3A_1613, %min3A_1615 : vector<16xi32>
    %add3A_1617 = arith.addi %add3A_1609, %min3A_1616 : vector<16xi32>
    %get3A_1618 = arith.constant 9 : i32
    %get3A_1619 = arith.index_cast %get3A_1618 : i32 to index
    %get3A_1620 = arith.constant 16 : index
    %get3A_1621 = tpu.vector_load %arg10[%get3A_1619, %get3A_1620] {strides = array<i32>} : memref<20x128xi32, #tpu.memory_space<vmem>>, vector<16xi32>,
    %min3A_1622 = arith.constant 1 : i32
    %min3A_1623 = vector.broadcast %min3A_1622 : i32 to vector<16xi32>
    %min3A_1624 = arith.minsi %get3A_1621, %min3A_1623 : vector<16xi32>
    %add3A_1625 = arith.addi %add3A_1617, %min3A_1624 : vector<16xi32>
    %get3A_1626 = arith.constant 10 : i32
    %get3A_1627 = arith.index_cast %get3A_1626 : i32 to index
    %get3A_1628 = arith.constant 16 : index
    %get3A_1629 = tpu.vector_load %arg10[%get3A_1627, %get3A_1628] {strides = array<i32>} : memref<20x128xi32, #tpu.memory_space<vmem>>, vector<16xi32>,
    %min3A_1630 = arith.constant 1 : i32
    %min3A_1631 = vector.broadcast %min3A_1630 : i32 to vector<16xi32>
    %min3A_1632 = arith.minsi %get3A_1629, %min3A_1631 : vector<16xi32>
    %add3A_1633 = arith.addi %add3A_1625, %min3A_1632 : vector<16xi32>
    %get3A_1634 = arith.constant 11 : i32
    %get3A_1635 = arith.index_cast %get3A_1634 : i32 to index
    %get3A_1636 = arith.constant 16 : index
    %get3A_1637 = tpu.vector_load %arg10[%get3A_1635, %get3A_1636] {strides = array<i32>} : memref<20x128xi32, #tpu.memory_space<vmem>>, vector<16xi32>,
    %min3A_1638 = arith.constant 1 : i32
    %min3A_1639 = vector.broadcast %min3A_1638 : i32 to vector<16xi32>
    %min3A_1640 = arith.minsi %get3A_1637, %min3A_1639 : vector<16xi32>
    %add3A_1641 = arith.addi %add3A_1633, %min3A_1640 : vector<16xi32>
    %get3A_1642 = arith.constant 12 : i32
    %get3A_1643 = arith.index_cast %get3A_1642 : i32 to index
    %get3A_1644 = arith.constant 16 : index
    %get3A_1645 = tpu.vector_load %arg10[%get3A_1643, %get3A_1644] {strides = array<i32>} : memref<20x128xi32, #tpu.memory_space<vmem>>, vector<16xi32>,
    %min3A_1646 = arith.constant 1 : i32
    %min3A_1647 = vector.broadcast %min3A_1646 : i32 to vector<16xi32>
    %min3A_1648 = arith.minsi %get3A_1645, %min3A_1647 : vector<16xi32>
    %add3A_1649 = arith.addi %add3A_1641, %min3A_1648 : vector<16xi32>
    %get3A_1650 = arith.constant 13 : i32
    %get3A_1651 = arith.index_cast %get3A_1650 : i32 to index
    %get3A_1652 = arith.constant 16 : index
    %get3A_1653 = tpu.vector_load %arg10[%get3A_1651, %get3A_1652] {strides = array<i32>} : memref<20x128xi32, #tpu.memory_space<vmem>>, vector<16xi32>,
    %min3A_1654 = arith.constant 1 : i32
    %min3A_1655 = vector.broadcast %min3A_1654 : i32 to vector<16xi32>
    %min3A_1656 = arith.minsi %get3A_1653, %min3A_1655 : vector<16xi32>
    %add3A_1657 = arith.addi %add3A_1649, %min3A_1656 : vector<16xi32>
    %get3A_1658 = arith.constant 14 : i32
    %get3A_1659 = arith.index_cast %get3A_1658 : i32 to index
    %get3A_1660 = arith.constant 16 : index
    %get3A_1661 = tpu.vector_load %arg10[%get3A_1659, %get3A_1660] {strides = array<i32>} : memref<20x128xi32, #tpu.memory_space<vmem>>, vector<16xi32>,
    %min3A_1662 = arith.constant 1 : i32
    %min3A_1663 = vector.broadcast %min3A_1662 : i32 to vector<16xi32>
    %min3A_1664 = arith.minsi %get3A_1661, %min3A_1663 : vector<16xi32>
    %add3A_1665 = arith.addi %add3A_1657, %min3A_1664 : vector<16xi32>
    %get3A_1666 = arith.constant 15 : i32
    %get3A_1667 = arith.index_cast %get3A_1666 : i32 to index
    %get3A_1668 = arith.constant 16 : index
    %get3A_1669 = tpu.vector_load %arg10[%get3A_1667, %get3A_1668] {strides = array<i32>} : memref<20x128xi32, #tpu.memory_space<vmem>>, vector<16xi32>,
    %min3A_1670 = arith.constant 1 : i32
    %min3A_1671 = vector.broadcast %min3A_1670 : i32 to vector<16xi32>
    %min3A_1672 = arith.minsi %get3A_1669, %min3A_1671 : vector<16xi32>
    %add3A_1673 = arith.addi %add3A_1665, %min3A_1672 : vector<16xi32>
    %get3A_1674 = arith.constant 16 : i32
    %get3A_1675 = arith.index_cast %get3A_1674 : i32 to index
    %get3A_1676 = arith.constant 16 : index
    %get3A_1677 = tpu.vector_load %arg10[%get3A_1675, %get3A_1676] {strides = array<i32>} : memref<20x128xi32, #tpu.memory_space<vmem>>, vector<16xi32>,
    %min3A_1678 = arith.constant 1 : i32
    %min3A_1679 = vector.broadcast %min3A_1678 : i32 to vector<16xi32>
    %min3A_1680 = arith.minsi %get3A_1677, %min3A_1679 : vector<16xi32>
    %add3A_1681 = arith.addi %add3A_1673, %min3A_1680 : vector<16xi32>
    %get3A_1682 = arith.constant 17 : i32
    %get3A_1683 = arith.index_cast %get3A_1682 : i32 to index
    %get3A_1684 = arith.constant 16 : index
    %get3A_1685 = tpu.vector_load %arg10[%get3A_1683, %get3A_1684] {strides = array<i32>} : memref<20x128xi32, #tpu.memory_space<vmem>>, vector<16xi32>,
    %min3A_1686 = arith.constant 1 : i32
    %min3A_1687 = vector.broadcast %min3A_1686 : i32 to vector<16xi32>
    %min3A_1688 = arith.minsi %get3A_1685, %min3A_1687 : vector<16xi32>
    %add3A_1689 = arith.addi %add3A_1681, %min3A_1688 : vector<16xi32>
    %get3A_1690 = arith.constant 18 : i32
    %get3A_1691 = arith.index_cast %get3A_1690 : i32 to index
    %get3A_1692 = arith.constant 16 : index
    %get3A_1693 = tpu.vector_load %arg10[%get3A_1691, %get3A_1692] {strides = array<i32>} : memref<20x128xi32, #tpu.memory_space<vmem>>, vector<16xi32>,
    %min3A_1694 = arith.constant 1 : i32
    %min3A_1695 = vector.broadcast %min3A_1694 : i32 to vector<16xi32>
    %min3A_1696 = arith.minsi %get3A_1693, %min3A_1695 : vector<16xi32>
    %add3A_1697 = arith.addi %add3A_1689, %min3A_1696 : vector<16xi32>
    %get3A_1698 = arith.constant 19 : i32
    %get3A_1699 = arith.index_cast %get3A_1698 : i32 to index
    %get3A_1700 = arith.constant 16 : index
    %get3A_1701 = tpu.vector_load %arg10[%get3A_1699, %get3A_1700] {strides = array<i32>} : memref<20x128xi32, #tpu.memory_space<vmem>>, vector<16xi32>,
    %min3A_1702 = arith.constant 1 : i32
    %min3A_1703 = vector.broadcast %min3A_1702 : i32 to vector<16xi32>
    %min3A_1704 = arith.minsi %get3A_1701, %min3A_1703 : vector<16xi32>
    %add3A_1705 = arith.addi %add3A_1697, %min3A_1704 : vector<16xi32>
    %convert_element_type3A_1706 = arith.sitofp %add3A_1705 : vector<16xi32> to vector<16xf32>
    %swap3A_1707 = arith.constant 16 : index
    %swap3A_1708 = tpu.vector_load %arg16[%swap3A_1707] {strides = array<i32>} : memref<128xf32, #tpu.memory_space<vmem>>, vector<16xf32>,
    tpu.vector_store %arg16[%swap3A_1707], %convert_element_type3A_1706 {strides = array<i32>} : memref<128xf32, #tpu.memory_space<vmem>>, vector<16xf32>,
    %broadcast_in_dim3A_1709 = arith.constant 0 : i32
    %broadcast_in_dim3A_1710 = vector.broadcast %broadcast_in_dim3A_1709 : i32 to vector<16xi32>
    %get3A_1711 = arith.constant 0 : i32
    %get3A_1712 = arith.index_cast %get3A_1711 : i32 to index
    %get3A_1713 = arith.constant 32 : index
    %get3A_1714 = tpu.vector_load %arg10[%get3A_1712, %get3A_1713] {strides = array<i32>} : memref<20x128xi32, #tpu.memory_space<vmem>>, vector<16xi32>,
    %min3A_1715 = arith.constant 1 : i32
    %min3A_1716 = vector.broadcast %min3A_1715 : i32 to vector<16xi32>
    %min3A_1717 = arith.minsi %get3A_1714, %min3A_1716 : vector<16xi32>
    %add3A_1718 = arith.addi %broadcast_in_dim3A_1710, %min3A_1717 : vector<16xi32>
    %get3A_1719 = arith.constant 1 : i32
    %get3A_1720 = arith.index_cast %get3A_1719 : i32 to index
    %get3A_1721 = arith.constant 32 : index
    %get3A_1722 = tpu.vector_load %arg10[%get3A_1720, %get3A_1721] {strides = array<i32>} : memref<20x128xi32, #tpu.memory_space<vmem>>, vector<16xi32>,
    %min3A_1723 = arith.constant 1 : i32
    %min3A_1724 = vector.broadcast %min3A_1723 : i32 to vector<16xi32>
    %min3A_1725 = arith.minsi %get3A_1722, %min3A_1724 : vector<16xi32>
    %add3A_1726 = arith.addi %add3A_1718, %min3A_1725 : vector<16xi32>
    %get3A_1727 = arith.constant 2 : i32
    %get3A_1728 = arith.index_cast %get3A_1727 : i32 to index
    %get3A_1729 = arith.constant 32 : index
    %get3A_1730 = tpu.vector_load %arg10[%get3A_1728, %get3A_1729] {strides = array<i32>} : memref<20x128xi32, #tpu.memory_space<vmem>>, vector<16xi32>,
    %min3A_1731 = arith.constant 1 : i32
    %min3A_1732 = vector.broadcast %min3A_1731 : i32 to vector<16xi32>
    %min3A_1733 = arith.minsi %get3A_1730, %min3A_1732 : vector<16xi32>
    %add3A_1734 = arith.addi %add3A_1726, %min3A_1733 : vector<16xi32>
    %get3A_1735 = arith.constant 3 : i32
    %get3A_1736 = arith.index_cast %get3A_1735 : i32 to index
    %get3A_1737 = arith.constant 32 : index
    %get3A_1738 = tpu.vector_load %arg10[%get3A_1736, %get3A_1737] {strides = array<i32>} : memref<20x128xi32, #tpu.memory_space<vmem>>, vector<16xi32>,
    %min3A_1739 = arith.constant 1 : i32
    %min3A_1740 = vector.broadcast %min3A_1739 : i32 to vector<16xi32>
    %min3A_1741 = arith.minsi %get3A_1738, %min3A_1740 : vector<16xi32>
    %add3A_1742 = arith.addi %add3A_1734, %min3A_1741 : vector<16xi32>
    %get3A_1743 = arith.constant 4 : i32
    %get3A_1744 = arith.index_cast %get3A_1743 : i32 to index
    %get3A_1745 = arith.constant 32 : index
    %get3A_1746 = tpu.vector_load %arg10[%get3A_1744, %get3A_1745] {strides = array<i32>} : memref<20x128xi32, #tpu.memory_space<vmem>>, vector<16xi32>,
    %min3A_1747 = arith.constant 1 : i32
    %min3A_1748 = vector.broadcast %min3A_1747 : i32 to vector<16xi32>
    %min3A_1749 = arith.minsi %get3A_1746, %min3A_1748 : vector<16xi32>
    %add3A_1750 = arith.addi %add3A_1742, %min3A_1749 : vector<16xi32>
    %get3A_1751 = arith.constant 5 : i32
    %get3A_1752 = arith.index_cast %get3A_1751 : i32 to index
    %get3A_1753 = arith.constant 32 : index
    %get3A_1754 = tpu.vector_load %arg10[%get3A_1752, %get3A_1753] {strides = array<i32>} : memref<20x128xi32, #tpu.memory_space<vmem>>, vector<16xi32>,
    %min3A_1755 = arith.constant 1 : i32
    %min3A_1756 = vector.broadcast %min3A_1755 : i32 to vector<16xi32>
    %min3A_1757 = arith.minsi %get3A_1754, %min3A_1756 : vector<16xi32>
    %add3A_1758 = arith.addi %add3A_1750, %min3A_1757 : vector<16xi32>
    %get3A_1759 = arith.constant 6 : i32
    %get3A_1760 = arith.index_cast %get3A_1759 : i32 to index
    %get3A_1761 = arith.constant 32 : index
    %get3A_1762 = tpu.vector_load %arg10[%get3A_1760, %get3A_1761] {strides = array<i32>} : memref<20x128xi32, #tpu.memory_space<vmem>>, vector<16xi32>,
    %min3A_1763 = arith.constant 1 : i32
    %min3A_1764 = vector.broadcast %min3A_1763 : i32 to vector<16xi32>
    %min3A_1765 = arith.minsi %get3A_1762, %min3A_1764 : vector<16xi32>
    %add3A_1766 = arith.addi %add3A_1758, %min3A_1765 : vector<16xi32>
    %get3A_1767 = arith.constant 7 : i32
    %get3A_1768 = arith.index_cast %get3A_1767 : i32 to index
    %get3A_1769 = arith.constant 32 : index
    %get3A_1770 = tpu.vector_load %arg10[%get3A_1768, %get3A_1769] {strides = array<i32>} : memref<20x128xi32, #tpu.memory_space<vmem>>, vector<16xi32>,
    %min3A_1771 = arith.constant 1 : i32
    %min3A_1772 = vector.broadcast %min3A_1771 : i32 to vector<16xi32>
    %min3A_1773 = arith.minsi %get3A_1770, %min3A_1772 : vector<16xi32>
    %add3A_1774 = arith.addi %add3A_1766, %min3A_1773 : vector<16xi32>
    %get3A_1775 = arith.constant 8 : i32
    %get3A_1776 = arith.index_cast %get3A_1775 : i32 to index
    %get3A_1777 = arith.constant 32 : index
    %get3A_1778 = tpu.vector_load %arg10[%get3A_1776, %get3A_1777] {strides = array<i32>} : memref<20x128xi32, #tpu.memory_space<vmem>>, vector<16xi32>,
    %min3A_1779 = arith.constant 1 : i32
    %min3A_1780 = vector.broadcast %min3A_1779 : i32 to vector<16xi32>
    %min3A_1781 = arith.minsi %get3A_1778, %min3A_1780 : vector<16xi32>
    %add3A_1782 = arith.addi %add3A_1774, %min3A_1781 : vector<16xi32>
    %get3A_1783 = arith.constant 9 : i32
    %get3A_1784 = arith.index_cast %get3A_1783 : i32 to index
    %get3A_1785 = arith.constant 32 : index
    %get3A_1786 = tpu.vector_load %arg10[%get3A_1784, %get3A_1785] {strides = array<i32>} : memref<20x128xi32, #tpu.memory_space<vmem>>, vector<16xi32>,
    %min3A_1787 = arith.constant 1 : i32
    %min3A_1788 = vector.broadcast %min3A_1787 : i32 to vector<16xi32>
    %min3A_1789 = arith.minsi %get3A_1786, %min3A_1788 : vector<16xi32>
    %add3A_1790 = arith.addi %add3A_1782, %min3A_1789 : vector<16xi32>
    %get3A_1791 = arith.constant 10 : i32
    %get3A_1792 = arith.index_cast %get3A_1791 : i32 to index
    %get3A_1793 = arith.constant 32 : index
    %get3A_1794 = tpu.vector_load %arg10[%get3A_1792, %get3A_1793] {strides = array<i32>} : memref<20x128xi32, #tpu.memory_space<vmem>>, vector<16xi32>,
    %min3A_1795 = arith.constant 1 : i32
    %min3A_1796 = vector.broadcast %min3A_1795 : i32 to vector<16xi32>
    %min3A_1797 = arith.minsi %get3A_1794, %min3A_1796 : vector<16xi32>
    %add3A_1798 = arith.addi %add3A_1790, %min3A_1797 : vector<16xi32>
    %get3A_1799 = arith.constant 11 : i32
    %get3A_1800 = arith.index_cast %get3A_1799 : i32 to index
    %get3A_1801 = arith.constant 32 : index
    %get3A_1802 = tpu.vector_load %arg10[%get3A_1800, %get3A_1801] {strides = array<i32>} : memref<20x128xi32, #tpu.memory_space<vmem>>, vector<16xi32>,
    %min3A_1803 = arith.constant 1 : i32
    %min3A_1804 = vector.broadcast %min3A_1803 : i32 to vector<16xi32>
    %min3A_1805 = arith.minsi %get3A_1802, %min3A_1804 : vector<16xi32>
    %add3A_1806 = arith.addi %add3A_1798, %min3A_1805 : vector<16xi32>
    %get3A_1807 = arith.constant 12 : i32
    %get3A_1808 = arith.index_cast %get3A_1807 : i32 to index
    %get3A_1809 = arith.constant 32 : index
    %get3A_1810 = tpu.vector_load %arg10[%get3A_1808, %get3A_1809] {strides = array<i32>} : memref<20x128xi32, #tpu.memory_space<vmem>>, vector<16xi32>,
    %min3A_1811 = arith.constant 1 : i32
    %min3A_1812 = vector.broadcast %min3A_1811 : i32 to vector<16xi32>
    %min3A_1813 = arith.minsi %get3A_1810, %min3A_1812 : vector<16xi32>
    %add3A_1814 = arith.addi %add3A_1806, %min3A_1813 : vector<16xi32>
    %get3A_1815 = arith.constant 13 : i32
    %get3A_1816 = arith.index_cast %get3A_1815 : i32 to index
    %get3A_1817 = arith.constant 32 : index
    %get3A_1818 = tpu.vector_load %arg10[%get3A_1816, %get3A_1817] {strides = array<i32>} : memref<20x128xi32, #tpu.memory_space<vmem>>, vector<16xi32>,
    %min3A_1819 = arith.constant 1 : i32
    %min3A_1820 = vector.broadcast %min3A_1819 : i32 to vector<16xi32>
    %min3A_1821 = arith.minsi %get3A_1818, %min3A_1820 : vector<16xi32>
    %add3A_1822 = arith.addi %add3A_1814, %min3A_1821 : vector<16xi32>
    %get3A_1823 = arith.constant 14 : i32
    %get3A_1824 = arith.index_cast %get3A_1823 : i32 to index
    %get3A_1825 = arith.constant 32 : index
    %get3A_1826 = tpu.vector_load %arg10[%get3A_1824, %get3A_1825] {strides = array<i32>} : memref<20x128xi32, #tpu.memory_space<vmem>>, vector<16xi32>,
    %min3A_1827 = arith.constant 1 : i32
    %min3A_1828 = vector.broadcast %min3A_1827 : i32 to vector<16xi32>
    %min3A_1829 = arith.minsi %get3A_1826, %min3A_1828 : vector<16xi32>
    %add3A_1830 = arith.addi %add3A_1822, %min3A_1829 : vector<16xi32>
    %get3A_1831 = arith.constant 15 : i32
    %get3A_1832 = arith.index_cast %get3A_1831 : i32 to index
    %get3A_1833 = arith.constant 32 : index
    %get3A_1834 = tpu.vector_load %arg10[%get3A_1832, %get3A_1833] {strides = array<i32>} : memref<20x128xi32, #tpu.memory_space<vmem>>, vector<16xi32>,
    %min3A_1835 = arith.constant 1 : i32
    %min3A_1836 = vector.broadcast %min3A_1835 : i32 to vector<16xi32>
    %min3A_1837 = arith.minsi %get3A_1834, %min3A_1836 : vector<16xi32>
    %add3A_1838 = arith.addi %add3A_1830, %min3A_1837 : vector<16xi32>
    %get3A_1839 = arith.constant 16 : i32
    %get3A_1840 = arith.index_cast %get3A_1839 : i32 to index
    %get3A_1841 = arith.constant 32 : index
    %get3A_1842 = tpu.vector_load %arg10[%get3A_1840, %get3A_1841] {strides = array<i32>} : memref<20x128xi32, #tpu.memory_space<vmem>>, vector<16xi32>,
    %min3A_1843 = arith.constant 1 : i32
    %min3A_1844 = vector.broadcast %min3A_1843 : i32 to vector<16xi32>
    %min3A_1845 = arith.minsi %get3A_1842, %min3A_1844 : vector<16xi32>
    %add3A_1846 = arith.addi %add3A_1838, %min3A_1845 : vector<16xi32>
    %get3A_1847 = arith.constant 17 : i32
    %get3A_1848 = arith.index_cast %get3A_1847 : i32 to index
    %get3A_1849 = arith.constant 32 : index
    %get3A_1850 = tpu.vector_load %arg10[%get3A_1848, %get3A_1849] {strides = array<i32>} : memref<20x128xi32, #tpu.memory_space<vmem>>, vector<16xi32>,
    %min3A_1851 = arith.constant 1 : i32
    %min3A_1852 = vector.broadcast %min3A_1851 : i32 to vector<16xi32>
    %min3A_1853 = arith.minsi %get3A_1850, %min3A_1852 : vector<16xi32>
    %add3A_1854 = arith.addi %add3A_1846, %min3A_1853 : vector<16xi32>
    %get3A_1855 = arith.constant 18 : i32
    %get3A_1856 = arith.index_cast %get3A_1855 : i32 to index
    %get3A_1857 = arith.constant 32 : index
    %get3A_1858 = tpu.vector_load %arg10[%get3A_1856, %get3A_1857] {strides = array<i32>} : memref<20x128xi32, #tpu.memory_space<vmem>>, vector<16xi32>,
    %min3A_1859 = arith.constant 1 : i32
    %min3A_1860 = vector.broadcast %min3A_1859 : i32 to vector<16xi32>
    %min3A_1861 = arith.minsi %get3A_1858, %min3A_1860 : vector<16xi32>
    %add3A_1862 = arith.addi %add3A_1854, %min3A_1861 : vector<16xi32>
    %get3A_1863 = arith.constant 19 : i32
    %get3A_1864 = arith.index_cast %get3A_1863 : i32 to index
    %get3A_1865 = arith.constant 32 : index
    %get3A_1866 = tpu.vector_load %arg10[%get3A_1864, %get3A_1865] {strides = array<i32>} : memref<20x128xi32, #tpu.memory_space<vmem>>, vector<16xi32>,
    %min3A_1867 = arith.constant 1 : i32
    %min3A_1868 = vector.broadcast %min3A_1867 : i32 to vector<16xi32>
    %min3A_1869 = arith.minsi %get3A_1866, %min3A_1868 : vector<16xi32>
    %add3A_1870 = arith.addi %add3A_1862, %min3A_1869 : vector<16xi32>
    %convert_element_type3A_1871 = arith.sitofp %add3A_1870 : vector<16xi32> to vector<16xf32>
    %swap3A_1872 = arith.constant 32 : index
    %swap3A_1873 = tpu.vector_load %arg16[%swap3A_1872] {strides = array<i32>} : memref<128xf32, #tpu.memory_space<vmem>>, vector<16xf32>,
    tpu.vector_store %arg16[%swap3A_1872], %convert_element_type3A_1871 {strides = array<i32>} : memref<128xf32, #tpu.memory_space<vmem>>, vector<16xf32>,
    %broadcast_in_dim3A_1874 = arith.constant 0 : i32
    %broadcast_in_dim3A_1875 = vector.broadcast %broadcast_in_dim3A_1874 : i32 to vector<16xi32>
    %get3A_1876 = arith.constant 0 : i32
    %get3A_1877 = arith.index_cast %get3A_1876 : i32 to index
    %get3A_1878 = arith.constant 48 : index
    %get3A_1879 = tpu.vector_load %arg10[%get3A_1877, %get3A_1878] {strides = array<i32>} : memref<20x128xi32, #tpu.memory_space<vmem>>, vector<16xi32>,
    %min3A_1880 = arith.constant 1 : i32
    %min3A_1881 = vector.broadcast %min3A_1880 : i32 to vector<16xi32>
    %min3A_1882 = arith.minsi %get3A_1879, %min3A_1881 : vector<16xi32>
    %add3A_1883 = arith.addi %broadcast_in_dim3A_1875, %min3A_1882 : vector<16xi32>
    %get3A_1884 = arith.constant 1 : i32
    %get3A_1885 = arith.index_cast %get3A_1884 : i32 to index
    %get3A_1886 = arith.constant 48 : index
    %get3A_1887 = tpu.vector_load %arg10[%get3A_1885, %get3A_1886] {strides = array<i32>} : memref<20x128xi32, #tpu.memory_space<vmem>>, vector<16xi32>,
    %min3A_1888 = arith.constant 1 : i32
    %min3A_1889 = vector.broadcast %min3A_1888 : i32 to vector<16xi32>
    %min3A_1890 = arith.minsi %get3A_1887, %min3A_1889 : vector<16xi32>
    %add3A_1891 = arith.addi %add3A_1883, %min3A_1890 : vector<16xi32>
    %get3A_1892 = arith.constant 2 : i32
    %get3A_1893 = arith.index_cast %get3A_1892 : i32 to index
    %get3A_1894 = arith.constant 48 : index
    %get3A_1895 = tpu.vector_load %arg10[%get3A_1893, %get3A_1894] {strides = array<i32>} : memref<20x128xi32, #tpu.memory_space<vmem>>, vector<16xi32>,
    %min3A_1896 = arith.constant 1 : i32
    %min3A_1897 = vector.broadcast %min3A_1896 : i32 to vector<16xi32>
    %min3A_1898 = arith.minsi %get3A_1895, %min3A_1897 : vector<16xi32>
    %add3A_1899 = arith.addi %add3A_1891, %min3A_1898 : vector<16xi32>
    %get3A_1900 = arith.constant 3 : i32
    %get3A_1901 = arith.index_cast %get3A_1900 : i32 to index
    %get3A_1902 = arith.constant 48 : index
    %get3A_1903 = tpu.vector_load %arg10[%get3A_1901, %get3A_1902] {strides = array<i32>} : memref<20x128xi32, #tpu.memory_space<vmem>>, vector<16xi32>,
    %min3A_1904 = arith.constant 1 : i32
    %min3A_1905 = vector.broadcast %min3A_1904 : i32 to vector<16xi32>
    %min3A_1906 = arith.minsi %get3A_1903, %min3A_1905 : vector<16xi32>
    %add3A_1907 = arith.addi %add3A_1899, %min3A_1906 : vector<16xi32>
    %get3A_1908 = arith.constant 4 : i32
    %get3A_1909 = arith.index_cast %get3A_1908 : i32 to index
    %get3A_1910 = arith.constant 48 : index
    %get3A_1911 = tpu.vector_load %arg10[%get3A_1909, %get3A_1910] {strides = array<i32>} : memref<20x128xi32, #tpu.memory_space<vmem>>, vector<16xi32>,
    %min3A_1912 = arith.constant 1 : i32
    %min3A_1913 = vector.broadcast %min3A_1912 : i32 to vector<16xi32>
    %min3A_1914 = arith.minsi %get3A_1911, %min3A_1913 : vector<16xi32>
    %add3A_1915 = arith.addi %add3A_1907, %min3A_1914 : vector<16xi32>
    %get3A_1916 = arith.constant 5 : i32
    %get3A_1917 = arith.index_cast %get3A_1916 : i32 to index
    %get3A_1918 = arith.constant 48 : index
    %get3A_1919 = tpu.vector_load %arg10[%get3A_1917, %get3A_1918] {strides = array<i32>} : memref<20x128xi32, #tpu.memory_space<vmem>>, vector<16xi32>,
    %min3A_1920 = arith.constant 1 : i32
    %min3A_1921 = vector.broadcast %min3A_1920 : i32 to vector<16xi32>
    %min3A_1922 = arith.minsi %get3A_1919, %min3A_1921 : vector<16xi32>
    %add3A_1923 = arith.addi %add3A_1915, %min3A_1922 : vector<16xi32>
    %get3A_1924 = arith.constant 6 : i32
    %get3A_1925 = arith.index_cast %get3A_1924 : i32 to index
    %get3A_1926 = arith.constant 48 : index
    %get3A_1927 = tpu.vector_load %arg10[%get3A_1925, %get3A_1926] {strides = array<i32>} : memref<20x128xi32, #tpu.memory_space<vmem>>, vector<16xi32>,
    %min3A_1928 = arith.constant 1 : i32
    %min3A_1929 = vector.broadcast %min3A_1928 : i32 to vector<16xi32>
    %min3A_1930 = arith.minsi %get3A_1927, %min3A_1929 : vector<16xi32>
    %add3A_1931 = arith.addi %add3A_1923, %min3A_1930 : vector<16xi32>
    %get3A_1932 = arith.constant 7 : i32
    %get3A_1933 = arith.index_cast %get3A_1932 : i32 to index
    %get3A_1934 = arith.constant 48 : index
    %get3A_1935 = tpu.vector_load %arg10[%get3A_1933, %get3A_1934] {strides = array<i32>} : memref<20x128xi32, #tpu.memory_space<vmem>>, vector<16xi32>,
    %min3A_1936 = arith.constant 1 : i32
    %min3A_1937 = vector.broadcast %min3A_1936 : i32 to vector<16xi32>
    %min3A_1938 = arith.minsi %get3A_1935, %min3A_1937 : vector<16xi32>
    %add3A_1939 = arith.addi %add3A_1931, %min3A_1938 : vector<16xi32>
    %get3A_1940 = arith.constant 8 : i32
    %get3A_1941 = arith.index_cast %get3A_1940 : i32 to index
    %get3A_1942 = arith.constant 48 : index
    %get3A_1943 = tpu.vector_load %arg10[%get3A_1941, %get3A_1942] {strides = array<i32>} : memref<20x128xi32, #tpu.memory_space<vmem>>, vector<16xi32>,
    %min3A_1944 = arith.constant 1 : i32
    %min3A_1945 = vector.broadcast %min3A_1944 : i32 to vector<16xi32>
    %min3A_1946 = arith.minsi %get3A_1943, %min3A_1945 : vector<16xi32>
    %add3A_1947 = arith.addi %add3A_1939, %min3A_1946 : vector<16xi32>
    %get3A_1948 = arith.constant 9 : i32
    %get3A_1949 = arith.index_cast %get3A_1948 : i32 to index
    %get3A_1950 = arith.constant 48 : index
    %get3A_1951 = tpu.vector_load %arg10[%get3A_1949, %get3A_1950] {strides = array<i32>} : memref<20x128xi32, #tpu.memory_space<vmem>>, vector<16xi32>,
    %min3A_1952 = arith.constant 1 : i32
    %min3A_1953 = vector.broadcast %min3A_1952 : i32 to vector<16xi32>
    %min3A_1954 = arith.minsi %get3A_1951, %min3A_1953 : vector<16xi32>
    %add3A_1955 = arith.addi %add3A_1947, %min3A_1954 : vector<16xi32>
    %get3A_1956 = arith.constant 10 : i32
    %get3A_1957 = arith.index_cast %get3A_1956 : i32 to index
    %get3A_1958 = arith.constant 48 : index
    %get3A_1959 = tpu.vector_load %arg10[%get3A_1957, %get3A_1958] {strides = array<i32>} : memref<20x128xi32, #tpu.memory_space<vmem>>, vector<16xi32>,
    %min3A_1960 = arith.constant 1 : i32
    %min3A_1961 = vector.broadcast %min3A_1960 : i32 to vector<16xi32>
    %min3A_1962 = arith.minsi %get3A_1959, %min3A_1961 : vector<16xi32>
    %add3A_1963 = arith.addi %add3A_1955, %min3A_1962 : vector<16xi32>
    %get3A_1964 = arith.constant 11 : i32
    %get3A_1965 = arith.index_cast %get3A_1964 : i32 to index
    %get3A_1966 = arith.constant 48 : index
    %get3A_1967 = tpu.vector_load %arg10[%get3A_1965, %get3A_1966] {strides = array<i32>} : memref<20x128xi32, #tpu.memory_space<vmem>>, vector<16xi32>,
    %min3A_1968 = arith.constant 1 : i32
    %min3A_1969 = vector.broadcast %min3A_1968 : i32 to vector<16xi32>
    %min3A_1970 = arith.minsi %get3A_1967, %min3A_1969 : vector<16xi32>
    %add3A_1971 = arith.addi %add3A_1963, %min3A_1970 : vector<16xi32>
    %get3A_1972 = arith.constant 12 : i32
    %get3A_1973 = arith.index_cast %get3A_1972 : i32 to index
    %get3A_1974 = arith.constant 48 : index
    %get3A_1975 = tpu.vector_load %arg10[%get3A_1973, %get3A_1974] {strides = array<i32>} : memref<20x128xi32, #tpu.memory_space<vmem>>, vector<16xi32>,
    %min3A_1976 = arith.constant 1 : i32
    %min3A_1977 = vector.broadcast %min3A_1976 : i32 to vector<16xi32>
    %min3A_1978 = arith.minsi %get3A_1975, %min3A_1977 : vector<16xi32>
    %add3A_1979 = arith.addi %add3A_1971, %min3A_1978 : vector<16xi32>
    %get3A_1980 = arith.constant 13 : i32
    %get3A_1981 = arith.index_cast %get3A_1980 : i32 to index
    %get3A_1982 = arith.constant 48 : index
    %get3A_1983 = tpu.vector_load %arg10[%get3A_1981, %get3A_1982] {strides = array<i32>} : memref<20x128xi32, #tpu.memory_space<vmem>>, vector<16xi32>,
    %min3A_1984 = arith.constant 1 : i32
    %min3A_1985 = vector.broadcast %min3A_1984 : i32 to vector<16xi32>
    %min3A_1986 = arith.minsi %get3A_1983, %min3A_1985 : vector<16xi32>
    %add3A_1987 = arith.addi %add3A_1979, %min3A_1986 : vector<16xi32>
    %get3A_1988 = arith.constant 14 : i32
    %get3A_1989 = arith.index_cast %get3A_1988 : i32 to index
    %get3A_1990 = arith.constant 48 : index
    %get3A_1991 = tpu.vector_load %arg10[%get3A_1989, %get3A_1990] {strides = array<i32>} : memref<20x128xi32, #tpu.memory_space<vmem>>, vector<16xi32>,
    %min3A_1992 = arith.constant 1 : i32
    %min3A_1993 = vector.broadcast %min3A_1992 : i32 to vector<16xi32>
    %min3A_1994 = arith.minsi %get3A_1991, %min3A_1993 : vector<16xi32>
    %add3A_1995 = arith.addi %add3A_1987, %min3A_1994 : vector<16xi32>
    %get3A_1996 = arith.constant 15 : i32
    %get3A_1997 = arith.index_cast %get3A_1996 : i32 to index
    %get3A_1998 = arith.constant 48 : index
    %get3A_1999 = tpu.vector_load %arg10[%get3A_1997, %get3A_1998] {strides = array<i32>} : memref<20x128xi32, #tpu.memory_space<vmem>>, vector<16xi32>,
    %min3A_2000 = arith.constant 1 : i32
    %min3A_2001 = vector.broadcast %min3A_2000 : i32 to vector<16xi32>
    %min3A_2002 = arith.minsi %get3A_1999, %min3A_2001 : vector<16xi32>
    %add3A_2003 = arith.addi %add3A_1995, %min3A_2002 : vector<16xi32>
    %get3A_2004 = arith.constant 16 : i32
    %get3A_2005 = arith.index_cast %get3A_2004 : i32 to index
    %get3A_2006 = arith.constant 48 : index
    %get3A_2007 = tpu.vector_load %arg10[%get3A_2005, %get3A_2006] {strides = array<i32>} : memref<20x128xi32, #tpu.memory_space<vmem>>, vector<16xi32>,
    %min3A_2008 = arith.constant 1 : i32
    %min3A_2009 = vector.broadcast %min3A_2008 : i32 to vector<16xi32>
    %min3A_2010 = arith.minsi %get3A_2007, %min3A_2009 : vector<16xi32>
    %add3A_2011 = arith.addi %add3A_2003, %min3A_2010 : vector<16xi32>
    %get3A_2012 = arith.constant 17 : i32
    %get3A_2013 = arith.index_cast %get3A_2012 : i32 to index
    %get3A_2014 = arith.constant 48 : index
    %get3A_2015 = tpu.vector_load %arg10[%get3A_2013, %get3A_2014] {strides = array<i32>} : memref<20x128xi32, #tpu.memory_space<vmem>>, vector<16xi32>,
    %min3A_2016 = arith.constant 1 : i32
    %min3A_2017 = vector.broadcast %min3A_2016 : i32 to vector<16xi32>
    %min3A_2018 = arith.minsi %get3A_2015, %min3A_2017 : vector<16xi32>
    %add3A_2019 = arith.addi %add3A_2011, %min3A_2018 : vector<16xi32>
    %get3A_2020 = arith.constant 18 : i32
    %get3A_2021 = arith.index_cast %get3A_2020 : i32 to index
    %get3A_2022 = arith.constant 48 : index
    %get3A_2023 = tpu.vector_load %arg10[%get3A_2021, %get3A_2022] {strides = array<i32>} : memref<20x128xi32, #tpu.memory_space<vmem>>, vector<16xi32>,
    %min3A_2024 = arith.constant 1 : i32
    %min3A_2025 = vector.broadcast %min3A_2024 : i32 to vector<16xi32>
    %min3A_2026 = arith.minsi %get3A_2023, %min3A_2025 : vector<16xi32>
    %add3A_2027 = arith.addi %add3A_2019, %min3A_2026 : vector<16xi32>
    %get3A_2028 = arith.constant 19 : i32
    %get3A_2029 = arith.index_cast %get3A_2028 : i32 to index
    %get3A_2030 = arith.constant 48 : index
    %get3A_2031 = tpu.vector_load %arg10[%get3A_2029, %get3A_2030] {strides = array<i32>} : memref<20x128xi32, #tpu.memory_space<vmem>>, vector<16xi32>,
    %min3A_2032 = arith.constant 1 : i32
    %min3A_2033 = vector.broadcast %min3A_2032 : i32 to vector<16xi32>
    %min3A_2034 = arith.minsi %get3A_2031, %min3A_2033 : vector<16xi32>
    %add3A_2035 = arith.addi %add3A_2027, %min3A_2034 : vector<16xi32>
    %convert_element_type3A_2036 = arith.sitofp %add3A_2035 : vector<16xi32> to vector<16xf32>
    %swap3A_2037 = arith.constant 48 : index
    %swap3A_2038 = tpu.vector_load %arg16[%swap3A_2037] {strides = array<i32>} : memref<128xf32, #tpu.memory_space<vmem>>, vector<16xf32>,
    tpu.vector_store %arg16[%swap3A_2037], %convert_element_type3A_2036 {strides = array<i32>} : memref<128xf32, #tpu.memory_space<vmem>>, vector<16xf32>,
    %broadcast_in_dim3A_2039 = arith.constant 0 : i32
    %broadcast_in_dim3A_2040 = vector.broadcast %broadcast_in_dim3A_2039 : i32 to vector<16xi32>
    %get3A_2041 = arith.constant 0 : i32
    %get3A_2042 = arith.index_cast %get3A_2041 : i32 to index
    %get3A_2043 = arith.constant 64 : index
    %get3A_2044 = tpu.vector_load %arg10[%get3A_2042, %get3A_2043] {strides = array<i32>} : memref<20x128xi32, #tpu.memory_space<vmem>>, vector<16xi32>,
    %min3A_2045 = arith.constant 1 : i32
    %min3A_2046 = vector.broadcast %min3A_2045 : i32 to vector<16xi32>
    %min3A_2047 = arith.minsi %get3A_2044, %min3A_2046 : vector<16xi32>
    %add3A_2048 = arith.addi %broadcast_in_dim3A_2040, %min3A_2047 : vector<16xi32>
    %get3A_2049 = arith.constant 1 : i32
    %get3A_2050 = arith.index_cast %get3A_2049 : i32 to index
    %get3A_2051 = arith.constant 64 : index
    %get3A_2052 = tpu.vector_load %arg10[%get3A_2050, %get3A_2051] {strides = array<i32>} : memref<20x128xi32, #tpu.memory_space<vmem>>, vector<16xi32>,
    %min3A_2053 = arith.constant 1 : i32
    %min3A_2054 = vector.broadcast %min3A_2053 : i32 to vector<16xi32>
    %min3A_2055 = arith.minsi %get3A_2052, %min3A_2054 : vector<16xi32>
    %add3A_2056 = arith.addi %add3A_2048, %min3A_2055 : vector<16xi32>
    %get3A_2057 = arith.constant 2 : i32
    %get3A_2058 = arith.index_cast %get3A_2057 : i32 to index
    %get3A_2059 = arith.constant 64 : index
    %get3A_2060 = tpu.vector_load %arg10[%get3A_2058, %get3A_2059] {strides = array<i32>} : memref<20x128xi32, #tpu.memory_space<vmem>>, vector<16xi32>,
    %min3A_2061 = arith.constant 1 : i32
    %min3A_2062 = vector.broadcast %min3A_2061 : i32 to vector<16xi32>
    %min3A_2063 = arith.minsi %get3A_2060, %min3A_2062 : vector<16xi32>
    %add3A_2064 = arith.addi %add3A_2056, %min3A_2063 : vector<16xi32>
    %get3A_2065 = arith.constant 3 : i32
    %get3A_2066 = arith.index_cast %get3A_2065 : i32 to index
    %get3A_2067 = arith.constant 64 : index
    %get3A_2068 = tpu.vector_load %arg10[%get3A_2066, %get3A_2067] {strides = array<i32>} : memref<20x128xi32, #tpu.memory_space<vmem>>, vector<16xi32>,
    %min3A_2069 = arith.constant 1 : i32
    %min3A_2070 = vector.broadcast %min3A_2069 : i32 to vector<16xi32>
    %min3A_2071 = arith.minsi %get3A_2068, %min3A_2070 : vector<16xi32>
    %add3A_2072 = arith.addi %add3A_2064, %min3A_2071 : vector<16xi32>
    %get3A_2073 = arith.constant 4 : i32
    %get3A_2074 = arith.index_cast %get3A_2073 : i32 to index
    %get3A_2075 = arith.constant 64 : index
    %get3A_2076 = tpu.vector_load %arg10[%get3A_2074, %get3A_2075] {strides = array<i32>} : memref<20x128xi32, #tpu.memory_space<vmem>>, vector<16xi32>,
    %min3A_2077 = arith.constant 1 : i32
    %min3A_2078 = vector.broadcast %min3A_2077 : i32 to vector<16xi32>
    %min3A_2079 = arith.minsi %get3A_2076, %min3A_2078 : vector<16xi32>
    %add3A_2080 = arith.addi %add3A_2072, %min3A_2079 : vector<16xi32>
    %get3A_2081 = arith.constant 5 : i32
    %get3A_2082 = arith.index_cast %get3A_2081 : i32 to index
    %get3A_2083 = arith.constant 64 : index
    %get3A_2084 = tpu.vector_load %arg10[%get3A_2082, %get3A_2083] {strides = array<i32>} : memref<20x128xi32, #tpu.memory_space<vmem>>, vector<16xi32>,
    %min3A_2085 = arith.constant 1 : i32
    %min3A_2086 = vector.broadcast %min3A_2085 : i32 to vector<16xi32>
    %min3A_2087 = arith.minsi %get3A_2084, %min3A_2086 : vector<16xi32>
    %add3A_2088 = arith.addi %add3A_2080, %min3A_2087 : vector<16xi32>
    %get3A_2089 = arith.constant 6 : i32
    %get3A_2090 = arith.index_cast %get3A_2089 : i32 to index
    %get3A_2091 = arith.constant 64 : index
    %get3A_2092 = tpu.vector_load %arg10[%get3A_2090, %get3A_2091] {strides = array<i32>} : memref<20x128xi32, #tpu.memory_space<vmem>>, vector<16xi32>,
    %min3A_2093 = arith.constant 1 : i32
    %min3A_2094 = vector.broadcast %min3A_2093 : i32 to vector<16xi32>
    %min3A_2095 = arith.minsi %get3A_2092, %min3A_2094 : vector<16xi32>
    %add3A_2096 = arith.addi %add3A_2088, %min3A_2095 : vector<16xi32>
    %get3A_2097 = arith.constant 7 : i32
    %get3A_2098 = arith.index_cast %get3A_2097 : i32 to index
    %get3A_2099 = arith.constant 64 : index
    %get3A_2100 = tpu.vector_load %arg10[%get3A_2098, %get3A_2099] {strides = array<i32>} : memref<20x128xi32, #tpu.memory_space<vmem>>, vector<16xi32>,
    %min3A_2101 = arith.constant 1 : i32
    %min3A_2102 = vector.broadcast %min3A_2101 : i32 to vector<16xi32>
    %min3A_2103 = arith.minsi %get3A_2100, %min3A_2102 : vector<16xi32>
    %add3A_2104 = arith.addi %add3A_2096, %min3A_2103 : vector<16xi32>
    %get3A_2105 = arith.constant 8 : i32
    %get3A_2106 = arith.index_cast %get3A_2105 : i32 to index
    %get3A_2107 = arith.constant 64 : index
    %get3A_2108 = tpu.vector_load %arg10[%get3A_2106, %get3A_2107] {strides = array<i32>} : memref<20x128xi32, #tpu.memory_space<vmem>>, vector<16xi32>,
    %min3A_2109 = arith.constant 1 : i32
    %min3A_2110 = vector.broadcast %min3A_2109 : i32 to vector<16xi32>
    %min3A_2111 = arith.minsi %get3A_2108, %min3A_2110 : vector<16xi32>
    %add3A_2112 = arith.addi %add3A_2104, %min3A_2111 : vector<16xi32>
    %get3A_2113 = arith.constant 9 : i32
    %get3A_2114 = arith.index_cast %get3A_2113 : i32 to index
    %get3A_2115 = arith.constant 64 : index
    %get3A_2116 = tpu.vector_load %arg10[%get3A_2114, %get3A_2115] {strides = array<i32>} : memref<20x128xi32, #tpu.memory_space<vmem>>, vector<16xi32>,
    %min3A_2117 = arith.constant 1 : i32
    %min3A_2118 = vector.broadcast %min3A_2117 : i32 to vector<16xi32>
    %min3A_2119 = arith.minsi %get3A_2116, %min3A_2118 : vector<16xi32>
    %add3A_2120 = arith.addi %add3A_2112, %min3A_2119 : vector<16xi32>
    %get3A_2121 = arith.constant 10 : i32
    %get3A_2122 = arith.index_cast %get3A_2121 : i32 to index
    %get3A_2123 = arith.constant 64 : index
    %get3A_2124 = tpu.vector_load %arg10[%get3A_2122, %get3A_2123] {strides = array<i32>} : memref<20x128xi32, #tpu.memory_space<vmem>>, vector<16xi32>,
    %min3A_2125 = arith.constant 1 : i32
    %min3A_2126 = vector.broadcast %min3A_2125 : i32 to vector<16xi32>
    %min3A_2127 = arith.minsi %get3A_2124, %min3A_2126 : vector<16xi32>
    %add3A_2128 = arith.addi %add3A_2120, %min3A_2127 : vector<16xi32>
    %get3A_2129 = arith.constant 11 : i32
    %get3A_2130 = arith.index_cast %get3A_2129 : i32 to index
    %get3A_2131 = arith.constant 64 : index
    %get3A_2132 = tpu.vector_load %arg10[%get3A_2130, %get3A_2131] {strides = array<i32>} : memref<20x128xi32, #tpu.memory_space<vmem>>, vector<16xi32>,
    %min3A_2133 = arith.constant 1 : i32
    %min3A_2134 = vector.broadcast %min3A_2133 : i32 to vector<16xi32>
    %min3A_2135 = arith.minsi %get3A_2132, %min3A_2134 : vector<16xi32>
    %add3A_2136 = arith.addi %add3A_2128, %min3A_2135 : vector<16xi32>
    %get3A_2137 = arith.constant 12 : i32
    %get3A_2138 = arith.index_cast %get3A_2137 : i32 to index
    %get3A_2139 = arith.constant 64 : index
    %get3A_2140 = tpu.vector_load %arg10[%get3A_2138, %get3A_2139] {strides = array<i32>} : memref<20x128xi32, #tpu.memory_space<vmem>>, vector<16xi32>,
    %min3A_2141 = arith.constant 1 : i32
    %min3A_2142 = vector.broadcast %min3A_2141 : i32 to vector<16xi32>
    %min3A_2143 = arith.minsi %get3A_2140, %min3A_2142 : vector<16xi32>
    %add3A_2144 = arith.addi %add3A_2136, %min3A_2143 : vector<16xi32>
    %get3A_2145 = arith.constant 13 : i32
    %get3A_2146 = arith.index_cast %get3A_2145 : i32 to index
    %get3A_2147 = arith.constant 64 : index
    %get3A_2148 = tpu.vector_load %arg10[%get3A_2146, %get3A_2147] {strides = array<i32>} : memref<20x128xi32, #tpu.memory_space<vmem>>, vector<16xi32>,
    %min3A_2149 = arith.constant 1 : i32
    %min3A_2150 = vector.broadcast %min3A_2149 : i32 to vector<16xi32>
    %min3A_2151 = arith.minsi %get3A_2148, %min3A_2150 : vector<16xi32>
    %add3A_2152 = arith.addi %add3A_2144, %min3A_2151 : vector<16xi32>
    %get3A_2153 = arith.constant 14 : i32
    %get3A_2154 = arith.index_cast %get3A_2153 : i32 to index
    %get3A_2155 = arith.constant 64 : index
    %get3A_2156 = tpu.vector_load %arg10[%get3A_2154, %get3A_2155] {strides = array<i32>} : memref<20x128xi32, #tpu.memory_space<vmem>>, vector<16xi32>,
    %min3A_2157 = arith.constant 1 : i32
    %min3A_2158 = vector.broadcast %min3A_2157 : i32 to vector<16xi32>
    %min3A_2159 = arith.minsi %get3A_2156, %min3A_2158 : vector<16xi32>
    %add3A_2160 = arith.addi %add3A_2152, %min3A_2159 : vector<16xi32>
    %get3A_2161 = arith.constant 15 : i32
    %get3A_2162 = arith.index_cast %get3A_2161 : i32 to index
    %get3A_2163 = arith.constant 64 : index
    %get3A_2164 = tpu.vector_load %arg10[%get3A_2162, %get3A_2163] {strides = array<i32>} : memref<20x128xi32, #tpu.memory_space<vmem>>, vector<16xi32>,
    %min3A_2165 = arith.constant 1 : i32
    %min3A_2166 = vector.broadcast %min3A_2165 : i32 to vector<16xi32>
    %min3A_2167 = arith.minsi %get3A_2164, %min3A_2166 : vector<16xi32>
    %add3A_2168 = arith.addi %add3A_2160, %min3A_2167 : vector<16xi32>
    %get3A_2169 = arith.constant 16 : i32
    %get3A_2170 = arith.index_cast %get3A_2169 : i32 to index
    %get3A_2171 = arith.constant 64 : index
    %get3A_2172 = tpu.vector_load %arg10[%get3A_2170, %get3A_2171] {strides = array<i32>} : memref<20x128xi32, #tpu.memory_space<vmem>>, vector<16xi32>,
    %min3A_2173 = arith.constant 1 : i32
    %min3A_2174 = vector.broadcast %min3A_2173 : i32 to vector<16xi32>
    %min3A_2175 = arith.minsi %get3A_2172, %min3A_2174 : vector<16xi32>
    %add3A_2176 = arith.addi %add3A_2168, %min3A_2175 : vector<16xi32>
    %get3A_2177 = arith.constant 17 : i32
    %get3A_2178 = arith.index_cast %get3A_2177 : i32 to index
    %get3A_2179 = arith.constant 64 : index
    %get3A_2180 = tpu.vector_load %arg10[%get3A_2178, %get3A_2179] {strides = array<i32>} : memref<20x128xi32, #tpu.memory_space<vmem>>, vector<16xi32>,
    %min3A_2181 = arith.constant 1 : i32
    %min3A_2182 = vector.broadcast %min3A_2181 : i32 to vector<16xi32>
    %min3A_2183 = arith.minsi %get3A_2180, %min3A_2182 : vector<16xi32>
    %add3A_2184 = arith.addi %add3A_2176, %min3A_2183 : vector<16xi32>
    %get3A_2185 = arith.constant 18 : i32
    %get3A_2186 = arith.index_cast %get3A_2185 : i32 to index
    %get3A_2187 = arith.constant 64 : index
    %get3A_2188 = tpu.vector_load %arg10[%get3A_2186, %get3A_2187] {strides = array<i32>} : memref<20x128xi32, #tpu.memory_space<vmem>>, vector<16xi32>,
    %min3A_2189 = arith.constant 1 : i32
    %min3A_2190 = vector.broadcast %min3A_2189 : i32 to vector<16xi32>
    %min3A_2191 = arith.minsi %get3A_2188, %min3A_2190 : vector<16xi32>
    %add3A_2192 = arith.addi %add3A_2184, %min3A_2191 : vector<16xi32>
    %get3A_2193 = arith.constant 19 : i32
    %get3A_2194 = arith.index_cast %get3A_2193 : i32 to index
    %get3A_2195 = arith.constant 64 : index
    %get3A_2196 = tpu.vector_load %arg10[%get3A_2194, %get3A_2195] {strides = array<i32>} : memref<20x128xi32, #tpu.memory_space<vmem>>, vector<16xi32>,
    %min3A_2197 = arith.constant 1 : i32
    %min3A_2198 = vector.broadcast %min3A_2197 : i32 to vector<16xi32>
    %min3A_2199 = arith.minsi %get3A_2196, %min3A_2198 : vector<16xi32>
    %add3A_2200 = arith.addi %add3A_2192, %min3A_2199 : vector<16xi32>
    %convert_element_type3A_2201 = arith.sitofp %add3A_2200 : vector<16xi32> to vector<16xf32>
    %swap3A_2202 = arith.constant 64 : index
    %swap3A_2203 = tpu.vector_load %arg16[%swap3A_2202] {strides = array<i32>} : memref<128xf32, #tpu.memory_space<vmem>>, vector<16xf32>,
    tpu.vector_store %arg16[%swap3A_2202], %convert_element_type3A_2201 {strides = array<i32>} : memref<128xf32, #tpu.memory_space<vmem>>, vector<16xf32>,
    %broadcast_in_dim3A_2204 = arith.constant 0 : i32
    %broadcast_in_dim3A_2205 = vector.broadcast %broadcast_in_dim3A_2204 : i32 to vector<16xi32>
    %get3A_2206 = arith.constant 0 : i32
    %get3A_2207 = arith.index_cast %get3A_2206 : i32 to index
    %get3A_2208 = arith.constant 80 : index
    %get3A_2209 = tpu.vector_load %arg10[%get3A_2207, %get3A_2208] {strides = array<i32>} : memref<20x128xi32, #tpu.memory_space<vmem>>, vector<16xi32>,
    %min3A_2210 = arith.constant 1 : i32
    %min3A_2211 = vector.broadcast %min3A_2210 : i32 to vector<16xi32>
    %min3A_2212 = arith.minsi %get3A_2209, %min3A_2211 : vector<16xi32>
    %add3A_2213 = arith.addi %broadcast_in_dim3A_2205, %min3A_2212 : vector<16xi32>
    %get3A_2214 = arith.constant 1 : i32
    %get3A_2215 = arith.index_cast %get3A_2214 : i32 to index
    %get3A_2216 = arith.constant 80 : index
    %get3A_2217 = tpu.vector_load %arg10[%get3A_2215, %get3A_2216] {strides = array<i32>} : memref<20x128xi32, #tpu.memory_space<vmem>>, vector<16xi32>,
    %min3A_2218 = arith.constant 1 : i32
    %min3A_2219 = vector.broadcast %min3A_2218 : i32 to vector<16xi32>
    %min3A_2220 = arith.minsi %get3A_2217, %min3A_2219 : vector<16xi32>
    %add3A_2221 = arith.addi %add3A_2213, %min3A_2220 : vector<16xi32>
    %get3A_2222 = arith.constant 2 : i32
    %get3A_2223 = arith.index_cast %get3A_2222 : i32 to index
    %get3A_2224 = arith.constant 80 : index
    %get3A_2225 = tpu.vector_load %arg10[%get3A_2223, %get3A_2224] {strides = array<i32>} : memref<20x128xi32, #tpu.memory_space<vmem>>, vector<16xi32>,
    %min3A_2226 = arith.constant 1 : i32
    %min3A_2227 = vector.broadcast %min3A_2226 : i32 to vector<16xi32>
    %min3A_2228 = arith.minsi %get3A_2225, %min3A_2227 : vector<16xi32>
    %add3A_2229 = arith.addi %add3A_2221, %min3A_2228 : vector<16xi32>
    %get3A_2230 = arith.constant 3 : i32
    %get3A_2231 = arith.index_cast %get3A_2230 : i32 to index
    %get3A_2232 = arith.constant 80 : index
    %get3A_2233 = tpu.vector_load %arg10[%get3A_2231, %get3A_2232] {strides = array<i32>} : memref<20x128xi32, #tpu.memory_space<vmem>>, vector<16xi32>,
    %min3A_2234 = arith.constant 1 : i32
    %min3A_2235 = vector.broadcast %min3A_2234 : i32 to vector<16xi32>
    %min3A_2236 = arith.minsi %get3A_2233, %min3A_2235 : vector<16xi32>
    %add3A_2237 = arith.addi %add3A_2229, %min3A_2236 : vector<16xi32>
    %get3A_2238 = arith.constant 4 : i32
    %get3A_2239 = arith.index_cast %get3A_2238 : i32 to index
    %get3A_2240 = arith.constant 80 : index
    %get3A_2241 = tpu.vector_load %arg10[%get3A_2239, %get3A_2240] {strides = array<i32>} : memref<20x128xi32, #tpu.memory_space<vmem>>, vector<16xi32>,
    %min3A_2242 = arith.constant 1 : i32
    %min3A_2243 = vector.broadcast %min3A_2242 : i32 to vector<16xi32>
    %min3A_2244 = arith.minsi %get3A_2241, %min3A_2243 : vector<16xi32>
    %add3A_2245 = arith.addi %add3A_2237, %min3A_2244 : vector<16xi32>
    %get3A_2246 = arith.constant 5 : i32
    %get3A_2247 = arith.index_cast %get3A_2246 : i32 to index
    %get3A_2248 = arith.constant 80 : index
    %get3A_2249 = tpu.vector_load %arg10[%get3A_2247, %get3A_2248] {strides = array<i32>} : memref<20x128xi32, #tpu.memory_space<vmem>>, vector<16xi32>,
    %min3A_2250 = arith.constant 1 : i32
    %min3A_2251 = vector.broadcast %min3A_2250 : i32 to vector<16xi32>
    %min3A_2252 = arith.minsi %get3A_2249, %min3A_2251 : vector<16xi32>
    %add3A_2253 = arith.addi %add3A_2245, %min3A_2252 : vector<16xi32>
    %get3A_2254 = arith.constant 6 : i32
    %get3A_2255 = arith.index_cast %get3A_2254 : i32 to index
    %get3A_2256 = arith.constant 80 : index
    %get3A_2257 = tpu.vector_load %arg10[%get3A_2255, %get3A_2256] {strides = array<i32>} : memref<20x128xi32, #tpu.memory_space<vmem>>, vector<16xi32>,
    %min3A_2258 = arith.constant 1 : i32
    %min3A_2259 = vector.broadcast %min3A_2258 : i32 to vector<16xi32>
    %min3A_2260 = arith.minsi %get3A_2257, %min3A_2259 : vector<16xi32>
    %add3A_2261 = arith.addi %add3A_2253, %min3A_2260 : vector<16xi32>
    %get3A_2262 = arith.constant 7 : i32
    %get3A_2263 = arith.index_cast %get3A_2262 : i32 to index
    %get3A_2264 = arith.constant 80 : index
    %get3A_2265 = tpu.vector_load %arg10[%get3A_2263, %get3A_2264] {strides = array<i32>} : memref<20x128xi32, #tpu.memory_space<vmem>>, vector<16xi32>,
    %min3A_2266 = arith.constant 1 : i32
    %min3A_2267 = vector.broadcast %min3A_2266 : i32 to vector<16xi32>
    %min3A_2268 = arith.minsi %get3A_2265, %min3A_2267 : vector<16xi32>
    %add3A_2269 = arith.addi %add3A_2261, %min3A_2268 : vector<16xi32>
    %get3A_2270 = arith.constant 8 : i32
    %get3A_2271 = arith.index_cast %get3A_2270 : i32 to index
    %get3A_2272 = arith.constant 80 : index
    %get3A_2273 = tpu.vector_load %arg10[%get3A_2271, %get3A_2272] {strides = array<i32>} : memref<20x128xi32, #tpu.memory_space<vmem>>, vector<16xi32>,
    %min3A_2274 = arith.constant 1 : i32
    %min3A_2275 = vector.broadcast %min3A_2274 : i32 to vector<16xi32>
    %min3A_2276 = arith.minsi %get3A_2273, %min3A_2275 : vector<16xi32>
    %add3A_2277 = arith.addi %add3A_2269, %min3A_2276 : vector<16xi32>
    %get3A_2278 = arith.constant 9 : i32
    %get3A_2279 = arith.index_cast %get3A_2278 : i32 to index
    %get3A_2280 = arith.constant 80 : index
    %get3A_2281 = tpu.vector_load %arg10[%get3A_2279, %get3A_2280] {strides = array<i32>} : memref<20x128xi32, #tpu.memory_space<vmem>>, vector<16xi32>,
    %min3A_2282 = arith.constant 1 : i32
    %min3A_2283 = vector.broadcast %min3A_2282 : i32 to vector<16xi32>
    %min3A_2284 = arith.minsi %get3A_2281, %min3A_2283 : vector<16xi32>
    %add3A_2285 = arith.addi %add3A_2277, %min3A_2284 : vector<16xi32>
    %get3A_2286 = arith.constant 10 : i32
    %get3A_2287 = arith.index_cast %get3A_2286 : i32 to index
    %get3A_2288 = arith.constant 80 : index
    %get3A_2289 = tpu.vector_load %arg10[%get3A_2287, %get3A_2288] {strides = array<i32>} : memref<20x128xi32, #tpu.memory_space<vmem>>, vector<16xi32>,
    %min3A_2290 = arith.constant 1 : i32
    %min3A_2291 = vector.broadcast %min3A_2290 : i32 to vector<16xi32>
    %min3A_2292 = arith.minsi %get3A_2289, %min3A_2291 : vector<16xi32>
    %add3A_2293 = arith.addi %add3A_2285, %min3A_2292 : vector<16xi32>
    %get3A_2294 = arith.constant 11 : i32
    %get3A_2295 = arith.index_cast %get3A_2294 : i32 to index
    %get3A_2296 = arith.constant 80 : index
    %get3A_2297 = tpu.vector_load %arg10[%get3A_2295, %get3A_2296] {strides = array<i32>} : memref<20x128xi32, #tpu.memory_space<vmem>>, vector<16xi32>,
    %min3A_2298 = arith.constant 1 : i32
    %min3A_2299 = vector.broadcast %min3A_2298 : i32 to vector<16xi32>
    %min3A_2300 = arith.minsi %get3A_2297, %min3A_2299 : vector<16xi32>
    %add3A_2301 = arith.addi %add3A_2293, %min3A_2300 : vector<16xi32>
    %get3A_2302 = arith.constant 12 : i32
    %get3A_2303 = arith.index_cast %get3A_2302 : i32 to index
    %get3A_2304 = arith.constant 80 : index
    %get3A_2305 = tpu.vector_load %arg10[%get3A_2303, %get3A_2304] {strides = array<i32>} : memref<20x128xi32, #tpu.memory_space<vmem>>, vector<16xi32>,
    %min3A_2306 = arith.constant 1 : i32
    %min3A_2307 = vector.broadcast %min3A_2306 : i32 to vector<16xi32>
    %min3A_2308 = arith.minsi %get3A_2305, %min3A_2307 : vector<16xi32>
    %add3A_2309 = arith.addi %add3A_2301, %min3A_2308 : vector<16xi32>
    %get3A_2310 = arith.constant 13 : i32
    %get3A_2311 = arith.index_cast %get3A_2310 : i32 to index
    %get3A_2312 = arith.constant 80 : index
    %get3A_2313 = tpu.vector_load %arg10[%get3A_2311, %get3A_2312] {strides = array<i32>} : memref<20x128xi32, #tpu.memory_space<vmem>>, vector<16xi32>,
    %min3A_2314 = arith.constant 1 : i32
    %min3A_2315 = vector.broadcast %min3A_2314 : i32 to vector<16xi32>
    %min3A_2316 = arith.minsi %get3A_2313, %min3A_2315 : vector<16xi32>
    %add3A_2317 = arith.addi %add3A_2309, %min3A_2316 : vector<16xi32>
    %get3A_2318 = arith.constant 14 : i32
    %get3A_2319 = arith.index_cast %get3A_2318 : i32 to index
    %get3A_2320 = arith.constant 80 : index
    %get3A_2321 = tpu.vector_load %arg10[%get3A_2319, %get3A_2320] {strides = array<i32>} : memref<20x128xi32, #tpu.memory_space<vmem>>, vector<16xi32>,
    %min3A_2322 = arith.constant 1 : i32
    %min3A_2323 = vector.broadcast %min3A_2322 : i32 to vector<16xi32>
    %min3A_2324 = arith.minsi %get3A_2321, %min3A_2323 : vector<16xi32>
    %add3A_2325 = arith.addi %add3A_2317, %min3A_2324 : vector<16xi32>
    %get3A_2326 = arith.constant 15 : i32
    %get3A_2327 = arith.index_cast %get3A_2326 : i32 to index
    %get3A_2328 = arith.constant 80 : index
    %get3A_2329 = tpu.vector_load %arg10[%get3A_2327, %get3A_2328] {strides = array<i32>} : memref<20x128xi32, #tpu.memory_space<vmem>>, vector<16xi32>,
    %min3A_2330 = arith.constant 1 : i32
    %min3A_2331 = vector.broadcast %min3A_2330 : i32 to vector<16xi32>
    %min3A_2332 = arith.minsi %get3A_2329, %min3A_2331 : vector<16xi32>
    %add3A_2333 = arith.addi %add3A_2325, %min3A_2332 : vector<16xi32>
    %get3A_2334 = arith.constant 16 : i32
    %get3A_2335 = arith.index_cast %get3A_2334 : i32 to index
    %get3A_2336 = arith.constant 80 : index
    %get3A_2337 = tpu.vector_load %arg10[%get3A_2335, %get3A_2336] {strides = array<i32>} : memref<20x128xi32, #tpu.memory_space<vmem>>, vector<16xi32>,
    %min3A_2338 = arith.constant 1 : i32
    %min3A_2339 = vector.broadcast %min3A_2338 : i32 to vector<16xi32>
    %min3A_2340 = arith.minsi %get3A_2337, %min3A_2339 : vector<16xi32>
    %add3A_2341 = arith.addi %add3A_2333, %min3A_2340 : vector<16xi32>
    %get3A_2342 = arith.constant 17 : i32
    %get3A_2343 = arith.index_cast %get3A_2342 : i32 to index
    %get3A_2344 = arith.constant 80 : index
    %get3A_2345 = tpu.vector_load %arg10[%get3A_2343, %get3A_2344] {strides = array<i32>} : memref<20x128xi32, #tpu.memory_space<vmem>>, vector<16xi32>,
    %min3A_2346 = arith.constant 1 : i32
    %min3A_2347 = vector.broadcast %min3A_2346 : i32 to vector<16xi32>
    %min3A_2348 = arith.minsi %get3A_2345, %min3A_2347 : vector<16xi32>
    %add3A_2349 = arith.addi %add3A_2341, %min3A_2348 : vector<16xi32>
    %get3A_2350 = arith.constant 18 : i32
    %get3A_2351 = arith.index_cast %get3A_2350 : i32 to index
    %get3A_2352 = arith.constant 80 : index
    %get3A_2353 = tpu.vector_load %arg10[%get3A_2351, %get3A_2352] {strides = array<i32>} : memref<20x128xi32, #tpu.memory_space<vmem>>, vector<16xi32>,
    %min3A_2354 = arith.constant 1 : i32
    %min3A_2355 = vector.broadcast %min3A_2354 : i32 to vector<16xi32>
    %min3A_2356 = arith.minsi %get3A_2353, %min3A_2355 : vector<16xi32>
    %add3A_2357 = arith.addi %add3A_2349, %min3A_2356 : vector<16xi32>
    %get3A_2358 = arith.constant 19 : i32
    %get3A_2359 = arith.index_cast %get3A_2358 : i32 to index
    %get3A_2360 = arith.constant 80 : index
    %get3A_2361 = tpu.vector_load %arg10[%get3A_2359, %get3A_2360] {strides = array<i32>} : memref<20x128xi32, #tpu.memory_space<vmem>>, vector<16xi32>,
    %min3A_2362 = arith.constant 1 : i32
    %min3A_2363 = vector.broadcast %min3A_2362 : i32 to vector<16xi32>
    %min3A_2364 = arith.minsi %get3A_2361, %min3A_2363 : vector<16xi32>
    %add3A_2365 = arith.addi %add3A_2357, %min3A_2364 : vector<16xi32>
    %convert_element_type3A_2366 = arith.sitofp %add3A_2365 : vector<16xi32> to vector<16xf32>
    %swap3A_2367 = arith.constant 80 : index
    %swap3A_2368 = tpu.vector_load %arg16[%swap3A_2367] {strides = array<i32>} : memref<128xf32, #tpu.memory_space<vmem>>, vector<16xf32>,
    tpu.vector_store %arg16[%swap3A_2367], %convert_element_type3A_2366 {strides = array<i32>} : memref<128xf32, #tpu.memory_space<vmem>>, vector<16xf32>,
    %broadcast_in_dim3A_2369 = arith.constant 0 : i32
    %broadcast_in_dim3A_2370 = vector.broadcast %broadcast_in_dim3A_2369 : i32 to vector<16xi32>
    %get3A_2371 = arith.constant 0 : i32
    %get3A_2372 = arith.index_cast %get3A_2371 : i32 to index
    %get3A_2373 = arith.constant 96 : index
    %get3A_2374 = tpu.vector_load %arg10[%get3A_2372, %get3A_2373] {strides = array<i32>} : memref<20x128xi32, #tpu.memory_space<vmem>>, vector<16xi32>,
    %min3A_2375 = arith.constant 1 : i32
    %min3A_2376 = vector.broadcast %min3A_2375 : i32 to vector<16xi32>
    %min3A_2377 = arith.minsi %get3A_2374, %min3A_2376 : vector<16xi32>
    %add3A_2378 = arith.addi %broadcast_in_dim3A_2370, %min3A_2377 : vector<16xi32>
    %get3A_2379 = arith.constant 1 : i32
    %get3A_2380 = arith.index_cast %get3A_2379 : i32 to index
    %get3A_2381 = arith.constant 96 : index
    %get3A_2382 = tpu.vector_load %arg10[%get3A_2380, %get3A_2381] {strides = array<i32>} : memref<20x128xi32, #tpu.memory_space<vmem>>, vector<16xi32>,
    %min3A_2383 = arith.constant 1 : i32
    %min3A_2384 = vector.broadcast %min3A_2383 : i32 to vector<16xi32>
    %min3A_2385 = arith.minsi %get3A_2382, %min3A_2384 : vector<16xi32>
    %add3A_2386 = arith.addi %add3A_2378, %min3A_2385 : vector<16xi32>
    %get3A_2387 = arith.constant 2 : i32
    %get3A_2388 = arith.index_cast %get3A_2387 : i32 to index
    %get3A_2389 = arith.constant 96 : index
    %get3A_2390 = tpu.vector_load %arg10[%get3A_2388, %get3A_2389] {strides = array<i32>} : memref<20x128xi32, #tpu.memory_space<vmem>>, vector<16xi32>,
    %min3A_2391 = arith.constant 1 : i32
    %min3A_2392 = vector.broadcast %min3A_2391 : i32 to vector<16xi32>
    %min3A_2393 = arith.minsi %get3A_2390, %min3A_2392 : vector<16xi32>
    %add3A_2394 = arith.addi %add3A_2386, %min3A_2393 : vector<16xi32>
    %get3A_2395 = arith.constant 3 : i32
    %get3A_2396 = arith.index_cast %get3A_2395 : i32 to index
    %get3A_2397 = arith.constant 96 : index
    %get3A_2398 = tpu.vector_load %arg10[%get3A_2396, %get3A_2397] {strides = array<i32>} : memref<20x128xi32, #tpu.memory_space<vmem>>, vector<16xi32>,
    %min3A_2399 = arith.constant 1 : i32
    %min3A_2400 = vector.broadcast %min3A_2399 : i32 to vector<16xi32>
    %min3A_2401 = arith.minsi %get3A_2398, %min3A_2400 : vector<16xi32>
    %add3A_2402 = arith.addi %add3A_2394, %min3A_2401 : vector<16xi32>
    %get3A_2403 = arith.constant 4 : i32
    %get3A_2404 = arith.index_cast %get3A_2403 : i32 to index
    %get3A_2405 = arith.constant 96 : index
    %get3A_2406 = tpu.vector_load %arg10[%get3A_2404, %get3A_2405] {strides = array<i32>} : memref<20x128xi32, #tpu.memory_space<vmem>>, vector<16xi32>,
    %min3A_2407 = arith.constant 1 : i32
    %min3A_2408 = vector.broadcast %min3A_2407 : i32 to vector<16xi32>
    %min3A_2409 = arith.minsi %get3A_2406, %min3A_2408 : vector<16xi32>
    %add3A_2410 = arith.addi %add3A_2402, %min3A_2409 : vector<16xi32>
    %get3A_2411 = arith.constant 5 : i32
    %get3A_2412 = arith.index_cast %get3A_2411 : i32 to index
    %get3A_2413 = arith.constant 96 : index
    %get3A_2414 = tpu.vector_load %arg10[%get3A_2412, %get3A_2413] {strides = array<i32>} : memref<20x128xi32, #tpu.memory_space<vmem>>, vector<16xi32>,
    %min3A_2415 = arith.constant 1 : i32
    %min3A_2416 = vector.broadcast %min3A_2415 : i32 to vector<16xi32>
    %min3A_2417 = arith.minsi %get3A_2414, %min3A_2416 : vector<16xi32>
    %add3A_2418 = arith.addi %add3A_2410, %min3A_2417 : vector<16xi32>
    %get3A_2419 = arith.constant 6 : i32
    %get3A_2420 = arith.index_cast %get3A_2419 : i32 to index
    %get3A_2421 = arith.constant 96 : index
    %get3A_2422 = tpu.vector_load %arg10[%get3A_2420, %get3A_2421] {strides = array<i32>} : memref<20x128xi32, #tpu.memory_space<vmem>>, vector<16xi32>,
    %min3A_2423 = arith.constant 1 : i32
    %min3A_2424 = vector.broadcast %min3A_2423 : i32 to vector<16xi32>
    %min3A_2425 = arith.minsi %get3A_2422, %min3A_2424 : vector<16xi32>
    %add3A_2426 = arith.addi %add3A_2418, %min3A_2425 : vector<16xi32>
    %get3A_2427 = arith.constant 7 : i32
    %get3A_2428 = arith.index_cast %get3A_2427 : i32 to index
    %get3A_2429 = arith.constant 96 : index
    %get3A_2430 = tpu.vector_load %arg10[%get3A_2428, %get3A_2429] {strides = array<i32>} : memref<20x128xi32, #tpu.memory_space<vmem>>, vector<16xi32>,
    %min3A_2431 = arith.constant 1 : i32
    %min3A_2432 = vector.broadcast %min3A_2431 : i32 to vector<16xi32>
    %min3A_2433 = arith.minsi %get3A_2430, %min3A_2432 : vector<16xi32>
    %add3A_2434 = arith.addi %add3A_2426, %min3A_2433 : vector<16xi32>
    %get3A_2435 = arith.constant 8 : i32
    %get3A_2436 = arith.index_cast %get3A_2435 : i32 to index
    %get3A_2437 = arith.constant 96 : index
    %get3A_2438 = tpu.vector_load %arg10[%get3A_2436, %get3A_2437] {strides = array<i32>} : memref<20x128xi32, #tpu.memory_space<vmem>>, vector<16xi32>,
    %min3A_2439 = arith.constant 1 : i32
    %min3A_2440 = vector.broadcast %min3A_2439 : i32 to vector<16xi32>
    %min3A_2441 = arith.minsi %get3A_2438, %min3A_2440 : vector<16xi32>
    %add3A_2442 = arith.addi %add3A_2434, %min3A_2441 : vector<16xi32>
    %get3A_2443 = arith.constant 9 : i32
    %get3A_2444 = arith.index_cast %get3A_2443 : i32 to index
    %get3A_2445 = arith.constant 96 : index
    %get3A_2446 = tpu.vector_load %arg10[%get3A_2444, %get3A_2445] {strides = array<i32>} : memref<20x128xi32, #tpu.memory_space<vmem>>, vector<16xi32>,
    %min3A_2447 = arith.constant 1 : i32
    %min3A_2448 = vector.broadcast %min3A_2447 : i32 to vector<16xi32>
    %min3A_2449 = arith.minsi %get3A_2446, %min3A_2448 : vector<16xi32>
    %add3A_2450 = arith.addi %add3A_2442, %min3A_2449 : vector<16xi32>
    %get3A_2451 = arith.constant 10 : i32
    %get3A_2452 = arith.index_cast %get3A_2451 : i32 to index
    %get3A_2453 = arith.constant 96 : index
    %get3A_2454 = tpu.vector_load %arg10[%get3A_2452, %get3A_2453] {strides = array<i32>} : memref<20x128xi32, #tpu.memory_space<vmem>>, vector<16xi32>,
    %min3A_2455 = arith.constant 1 : i32
    %min3A_2456 = vector.broadcast %min3A_2455 : i32 to vector<16xi32>
    %min3A_2457 = arith.minsi %get3A_2454, %min3A_2456 : vector<16xi32>
    %add3A_2458 = arith.addi %add3A_2450, %min3A_2457 : vector<16xi32>
    %get3A_2459 = arith.constant 11 : i32
    %get3A_2460 = arith.index_cast %get3A_2459 : i32 to index
    %get3A_2461 = arith.constant 96 : index
    %get3A_2462 = tpu.vector_load %arg10[%get3A_2460, %get3A_2461] {strides = array<i32>} : memref<20x128xi32, #tpu.memory_space<vmem>>, vector<16xi32>,
    %min3A_2463 = arith.constant 1 : i32
    %min3A_2464 = vector.broadcast %min3A_2463 : i32 to vector<16xi32>
    %min3A_2465 = arith.minsi %get3A_2462, %min3A_2464 : vector<16xi32>
    %add3A_2466 = arith.addi %add3A_2458, %min3A_2465 : vector<16xi32>
    %get3A_2467 = arith.constant 12 : i32
    %get3A_2468 = arith.index_cast %get3A_2467 : i32 to index
    %get3A_2469 = arith.constant 96 : index
    %get3A_2470 = tpu.vector_load %arg10[%get3A_2468, %get3A_2469] {strides = array<i32>} : memref<20x128xi32, #tpu.memory_space<vmem>>, vector<16xi32>,
    %min3A_2471 = arith.constant 1 : i32
    %min3A_2472 = vector.broadcast %min3A_2471 : i32 to vector<16xi32>
    %min3A_2473 = arith.minsi %get3A_2470, %min3A_2472 : vector<16xi32>
    %add3A_2474 = arith.addi %add3A_2466, %min3A_2473 : vector<16xi32>
    %get3A_2475 = arith.constant 13 : i32
    %get3A_2476 = arith.index_cast %get3A_2475 : i32 to index
    %get3A_2477 = arith.constant 96 : index
    %get3A_2478 = tpu.vector_load %arg10[%get3A_2476, %get3A_2477] {strides = array<i32>} : memref<20x128xi32, #tpu.memory_space<vmem>>, vector<16xi32>,
    %min3A_2479 = arith.constant 1 : i32
    %min3A_2480 = vector.broadcast %min3A_2479 : i32 to vector<16xi32>
    %min3A_2481 = arith.minsi %get3A_2478, %min3A_2480 : vector<16xi32>
    %add3A_2482 = arith.addi %add3A_2474, %min3A_2481 : vector<16xi32>
    %get3A_2483 = arith.constant 14 : i32
    %get3A_2484 = arith.index_cast %get3A_2483 : i32 to index
    %get3A_2485 = arith.constant 96 : index
    %get3A_2486 = tpu.vector_load %arg10[%get3A_2484, %get3A_2485] {strides = array<i32>} : memref<20x128xi32, #tpu.memory_space<vmem>>, vector<16xi32>,
    %min3A_2487 = arith.constant 1 : i32
    %min3A_2488 = vector.broadcast %min3A_2487 : i32 to vector<16xi32>
    %min3A_2489 = arith.minsi %get3A_2486, %min3A_2488 : vector<16xi32>
    %add3A_2490 = arith.addi %add3A_2482, %min3A_2489 : vector<16xi32>
    %get3A_2491 = arith.constant 15 : i32
    %get3A_2492 = arith.index_cast %get3A_2491 : i32 to index
    %get3A_2493 = arith.constant 96 : index
    %get3A_2494 = tpu.vector_load %arg10[%get3A_2492, %get3A_2493] {strides = array<i32>} : memref<20x128xi32, #tpu.memory_space<vmem>>, vector<16xi32>,
    %min3A_2495 = arith.constant 1 : i32
    %min3A_2496 = vector.broadcast %min3A_2495 : i32 to vector<16xi32>
    %min3A_2497 = arith.minsi %get3A_2494, %min3A_2496 : vector<16xi32>
    %add3A_2498 = arith.addi %add3A_2490, %min3A_2497 : vector<16xi32>
    %get3A_2499 = arith.constant 16 : i32
    %get3A_2500 = arith.index_cast %get3A_2499 : i32 to index
    %get3A_2501 = arith.constant 96 : index
    %get3A_2502 = tpu.vector_load %arg10[%get3A_2500, %get3A_2501] {strides = array<i32>} : memref<20x128xi32, #tpu.memory_space<vmem>>, vector<16xi32>,
    %min3A_2503 = arith.constant 1 : i32
    %min3A_2504 = vector.broadcast %min3A_2503 : i32 to vector<16xi32>
    %min3A_2505 = arith.minsi %get3A_2502, %min3A_2504 : vector<16xi32>
    %add3A_2506 = arith.addi %add3A_2498, %min3A_2505 : vector<16xi32>
    %get3A_2507 = arith.constant 17 : i32
    %get3A_2508 = arith.index_cast %get3A_2507 : i32 to index
    %get3A_2509 = arith.constant 96 : index
    %get3A_2510 = tpu.vector_load %arg10[%get3A_2508, %get3A_2509] {strides = array<i32>} : memref<20x128xi32, #tpu.memory_space<vmem>>, vector<16xi32>,
    %min3A_2511 = arith.constant 1 : i32
    %min3A_2512 = vector.broadcast %min3A_2511 : i32 to vector<16xi32>
    %min3A_2513 = arith.minsi %get3A_2510, %min3A_2512 : vector<16xi32>
    %add3A_2514 = arith.addi %add3A_2506, %min3A_2513 : vector<16xi32>
    %get3A_2515 = arith.constant 18 : i32
    %get3A_2516 = arith.index_cast %get3A_2515 : i32 to index
    %get3A_2517 = arith.constant 96 : index
    %get3A_2518 = tpu.vector_load %arg10[%get3A_2516, %get3A_2517] {strides = array<i32>} : memref<20x128xi32, #tpu.memory_space<vmem>>, vector<16xi32>,
    %min3A_2519 = arith.constant 1 : i32
    %min3A_2520 = vector.broadcast %min3A_2519 : i32 to vector<16xi32>
    %min3A_2521 = arith.minsi %get3A_2518, %min3A_2520 : vector<16xi32>
    %add3A_2522 = arith.addi %add3A_2514, %min3A_2521 : vector<16xi32>
    %get3A_2523 = arith.constant 19 : i32
    %get3A_2524 = arith.index_cast %get3A_2523 : i32 to index
    %get3A_2525 = arith.constant 96 : index
    %get3A_2526 = tpu.vector_load %arg10[%get3A_2524, %get3A_2525] {strides = array<i32>} : memref<20x128xi32, #tpu.memory_space<vmem>>, vector<16xi32>,
    %min3A_2527 = arith.constant 1 : i32
    %min3A_2528 = vector.broadcast %min3A_2527 : i32 to vector<16xi32>
    %min3A_2529 = arith.minsi %get3A_2526, %min3A_2528 : vector<16xi32>
    %add3A_2530 = arith.addi %add3A_2522, %min3A_2529 : vector<16xi32>
    %convert_element_type3A_2531 = arith.sitofp %add3A_2530 : vector<16xi32> to vector<16xf32>
    %swap3A_2532 = arith.constant 96 : index
    %swap3A_2533 = tpu.vector_load %arg16[%swap3A_2532] {strides = array<i32>} : memref<128xf32, #tpu.memory_space<vmem>>, vector<16xf32>,
    tpu.vector_store %arg16[%swap3A_2532], %convert_element_type3A_2531 {strides = array<i32>} : memref<128xf32, #tpu.memory_space<vmem>>, vector<16xf32>,
    %broadcast_in_dim3A_2534 = arith.constant 0 : i32
    %broadcast_in_dim3A_2535 = vector.broadcast %broadcast_in_dim3A_2534 : i32 to vector<16xi32>
    %get3A_2536 = arith.constant 0 : i32
    %get3A_2537 = arith.index_cast %get3A_2536 : i32 to index
    %get3A_2538 = arith.constant 112 : index
    %get3A_2539 = tpu.vector_load %arg10[%get3A_2537, %get3A_2538] {strides = array<i32>} : memref<20x128xi32, #tpu.memory_space<vmem>>, vector<16xi32>,
    %min3A_2540 = arith.constant 1 : i32
    %min3A_2541 = vector.broadcast %min3A_2540 : i32 to vector<16xi32>
    %min3A_2542 = arith.minsi %get3A_2539, %min3A_2541 : vector<16xi32>
    %add3A_2543 = arith.addi %broadcast_in_dim3A_2535, %min3A_2542 : vector<16xi32>
    %get3A_2544 = arith.constant 1 : i32
    %get3A_2545 = arith.index_cast %get3A_2544 : i32 to index
    %get3A_2546 = arith.constant 112 : index
    %get3A_2547 = tpu.vector_load %arg10[%get3A_2545, %get3A_2546] {strides = array<i32>} : memref<20x128xi32, #tpu.memory_space<vmem>>, vector<16xi32>,
    %min3A_2548 = arith.constant 1 : i32
    %min3A_2549 = vector.broadcast %min3A_2548 : i32 to vector<16xi32>
    %min3A_2550 = arith.minsi %get3A_2547, %min3A_2549 : vector<16xi32>
    %add3A_2551 = arith.addi %add3A_2543, %min3A_2550 : vector<16xi32>
    %get3A_2552 = arith.constant 2 : i32
    %get3A_2553 = arith.index_cast %get3A_2552 : i32 to index
    %get3A_2554 = arith.constant 112 : index
    %get3A_2555 = tpu.vector_load %arg10[%get3A_2553, %get3A_2554] {strides = array<i32>} : memref<20x128xi32, #tpu.memory_space<vmem>>, vector<16xi32>,
    %min3A_2556 = arith.constant 1 : i32
    %min3A_2557 = vector.broadcast %min3A_2556 : i32 to vector<16xi32>
    %min3A_2558 = arith.minsi %get3A_2555, %min3A_2557 : vector<16xi32>
    %add3A_2559 = arith.addi %add3A_2551, %min3A_2558 : vector<16xi32>
    %get3A_2560 = arith.constant 3 : i32
    %get3A_2561 = arith.index_cast %get3A_2560 : i32 to index
    %get3A_2562 = arith.constant 112 : index
    %get3A_2563 = tpu.vector_load %arg10[%get3A_2561, %get3A_2562] {strides = array<i32>} : memref<20x128xi32, #tpu.memory_space<vmem>>, vector<16xi32>,
    %min3A_2564 = arith.constant 1 : i32
    %min3A_2565 = vector.broadcast %min3A_2564 : i32 to vector<16xi32>
    %min3A_2566 = arith.minsi %get3A_2563, %min3A_2565 : vector<16xi32>
    %add3A_2567 = arith.addi %add3A_2559, %min3A_2566 : vector<16xi32>
    %get3A_2568 = arith.constant 4 : i32
    %get3A_2569 = arith.index_cast %get3A_2568 : i32 to index
    %get3A_2570 = arith.constant 112 : index
    %get3A_2571 = tpu.vector_load %arg10[%get3A_2569, %get3A_2570] {strides = array<i32>} : memref<20x128xi32, #tpu.memory_space<vmem>>, vector<16xi32>,
    %min3A_2572 = arith.constant 1 : i32
    %min3A_2573 = vector.broadcast %min3A_2572 : i32 to vector<16xi32>
    %min3A_2574 = arith.minsi %get3A_2571, %min3A_2573 : vector<16xi32>
    %add3A_2575 = arith.addi %add3A_2567, %min3A_2574 : vector<16xi32>
    %get3A_2576 = arith.constant 5 : i32
    %get3A_2577 = arith.index_cast %get3A_2576 : i32 to index
    %get3A_2578 = arith.constant 112 : index
    %get3A_2579 = tpu.vector_load %arg10[%get3A_2577, %get3A_2578] {strides = array<i32>} : memref<20x128xi32, #tpu.memory_space<vmem>>, vector<16xi32>,
    %min3A_2580 = arith.constant 1 : i32
    %min3A_2581 = vector.broadcast %min3A_2580 : i32 to vector<16xi32>
    %min3A_2582 = arith.minsi %get3A_2579, %min3A_2581 : vector<16xi32>
    %add3A_2583 = arith.addi %add3A_2575, %min3A_2582 : vector<16xi32>
    %get3A_2584 = arith.constant 6 : i32
    %get3A_2585 = arith.index_cast %get3A_2584 : i32 to index
    %get3A_2586 = arith.constant 112 : index
    %get3A_2587 = tpu.vector_load %arg10[%get3A_2585, %get3A_2586] {strides = array<i32>} : memref<20x128xi32, #tpu.memory_space<vmem>>, vector<16xi32>,
    %min3A_2588 = arith.constant 1 : i32
    %min3A_2589 = vector.broadcast %min3A_2588 : i32 to vector<16xi32>
    %min3A_2590 = arith.minsi %get3A_2587, %min3A_2589 : vector<16xi32>
    %add3A_2591 = arith.addi %add3A_2583, %min3A_2590 : vector<16xi32>
    %get3A_2592 = arith.constant 7 : i32
    %get3A_2593 = arith.index_cast %get3A_2592 : i32 to index
    %get3A_2594 = arith.constant 112 : index
    %get3A_2595 = tpu.vector_load %arg10[%get3A_2593, %get3A_2594] {strides = array<i32>} : memref<20x128xi32, #tpu.memory_space<vmem>>, vector<16xi32>,
    %min3A_2596 = arith.constant 1 : i32
    %min3A_2597 = vector.broadcast %min3A_2596 : i32 to vector<16xi32>
    %min3A_2598 = arith.minsi %get3A_2595, %min3A_2597 : vector<16xi32>
    %add3A_2599 = arith.addi %add3A_2591, %min3A_2598 : vector<16xi32>
    %get3A_2600 = arith.constant 8 : i32
    %get3A_2601 = arith.index_cast %get3A_2600 : i32 to index
    %get3A_2602 = arith.constant 112 : index
    %get3A_2603 = tpu.vector_load %arg10[%get3A_2601, %get3A_2602] {strides = array<i32>} : memref<20x128xi32, #tpu.memory_space<vmem>>, vector<16xi32>,
    %min3A_2604 = arith.constant 1 : i32
    %min3A_2605 = vector.broadcast %min3A_2604 : i32 to vector<16xi32>
    %min3A_2606 = arith.minsi %get3A_2603, %min3A_2605 : vector<16xi32>
    %add3A_2607 = arith.addi %add3A_2599, %min3A_2606 : vector<16xi32>
    %get3A_2608 = arith.constant 9 : i32
    %get3A_2609 = arith.index_cast %get3A_2608 : i32 to index
    %get3A_2610 = arith.constant 112 : index
    %get3A_2611 = tpu.vector_load %arg10[%get3A_2609, %get3A_2610] {strides = array<i32>} : memref<20x128xi32, #tpu.memory_space<vmem>>, vector<16xi32>,
    %min3A_2612 = arith.constant 1 : i32
    %min3A_2613 = vector.broadcast %min3A_2612 : i32 to vector<16xi32>
    %min3A_2614 = arith.minsi %get3A_2611, %min3A_2613 : vector<16xi32>
    %add3A_2615 = arith.addi %add3A_2607, %min3A_2614 : vector<16xi32>
    %get3A_2616 = arith.constant 10 : i32
    %get3A_2617 = arith.index_cast %get3A_2616 : i32 to index
    %get3A_2618 = arith.constant 112 : index
    %get3A_2619 = tpu.vector_load %arg10[%get3A_2617, %get3A_2618] {strides = array<i32>} : memref<20x128xi32, #tpu.memory_space<vmem>>, vector<16xi32>,
    %min3A_2620 = arith.constant 1 : i32
    %min3A_2621 = vector.broadcast %min3A_2620 : i32 to vector<16xi32>
    %min3A_2622 = arith.minsi %get3A_2619, %min3A_2621 : vector<16xi32>
    %add3A_2623 = arith.addi %add3A_2615, %min3A_2622 : vector<16xi32>
    %get3A_2624 = arith.constant 11 : i32
    %get3A_2625 = arith.index_cast %get3A_2624 : i32 to index
    %get3A_2626 = arith.constant 112 : index
    %get3A_2627 = tpu.vector_load %arg10[%get3A_2625, %get3A_2626] {strides = array<i32>} : memref<20x128xi32, #tpu.memory_space<vmem>>, vector<16xi32>,
    %min3A_2628 = arith.constant 1 : i32
    %min3A_2629 = vector.broadcast %min3A_2628 : i32 to vector<16xi32>
    %min3A_2630 = arith.minsi %get3A_2627, %min3A_2629 : vector<16xi32>
    %add3A_2631 = arith.addi %add3A_2623, %min3A_2630 : vector<16xi32>
    %get3A_2632 = arith.constant 12 : i32
    %get3A_2633 = arith.index_cast %get3A_2632 : i32 to index
    %get3A_2634 = arith.constant 112 : index
    %get3A_2635 = tpu.vector_load %arg10[%get3A_2633, %get3A_2634] {strides = array<i32>} : memref<20x128xi32, #tpu.memory_space<vmem>>, vector<16xi32>,
    %min3A_2636 = arith.constant 1 : i32
    %min3A_2637 = vector.broadcast %min3A_2636 : i32 to vector<16xi32>
    %min3A_2638 = arith.minsi %get3A_2635, %min3A_2637 : vector<16xi32>
    %add3A_2639 = arith.addi %add3A_2631, %min3A_2638 : vector<16xi32>
    %get3A_2640 = arith.constant 13 : i32
    %get3A_2641 = arith.index_cast %get3A_2640 : i32 to index
    %get3A_2642 = arith.constant 112 : index
    %get3A_2643 = tpu.vector_load %arg10[%get3A_2641, %get3A_2642] {strides = array<i32>} : memref<20x128xi32, #tpu.memory_space<vmem>>, vector<16xi32>,
    %min3A_2644 = arith.constant 1 : i32
    %min3A_2645 = vector.broadcast %min3A_2644 : i32 to vector<16xi32>
    %min3A_2646 = arith.minsi %get3A_2643, %min3A_2645 : vector<16xi32>
    %add3A_2647 = arith.addi %add3A_2639, %min3A_2646 : vector<16xi32>
    %get3A_2648 = arith.constant 14 : i32
    %get3A_2649 = arith.index_cast %get3A_2648 : i32 to index
    %get3A_2650 = arith.constant 112 : index
    %get3A_2651 = tpu.vector_load %arg10[%get3A_2649, %get3A_2650] {strides = array<i32>} : memref<20x128xi32, #tpu.memory_space<vmem>>, vector<16xi32>,
    %min3A_2652 = arith.constant 1 : i32
    %min3A_2653 = vector.broadcast %min3A_2652 : i32 to vector<16xi32>
    %min3A_2654 = arith.minsi %get3A_2651, %min3A_2653 : vector<16xi32>
    %add3A_2655 = arith.addi %add3A_2647, %min3A_2654 : vector<16xi32>
    %get3A_2656 = arith.constant 15 : i32
    %get3A_2657 = arith.index_cast %get3A_2656 : i32 to index
    %get3A_2658 = arith.constant 112 : index
    %get3A_2659 = tpu.vector_load %arg10[%get3A_2657, %get3A_2658] {strides = array<i32>} : memref<20x128xi32, #tpu.memory_space<vmem>>, vector<16xi32>,
    %min3A_2660 = arith.constant 1 : i32
    %min3A_2661 = vector.broadcast %min3A_2660 : i32 to vector<16xi32>
    %min3A_2662 = arith.minsi %get3A_2659, %min3A_2661 : vector<16xi32>
    %add3A_2663 = arith.addi %add3A_2655, %min3A_2662 : vector<16xi32>
    %get3A_2664 = arith.constant 16 : i32
    %get3A_2665 = arith.index_cast %get3A_2664 : i32 to index
    %get3A_2666 = arith.constant 112 : index
    %get3A_2667 = tpu.vector_load %arg10[%get3A_2665, %get3A_2666] {strides = array<i32>} : memref<20x128xi32, #tpu.memory_space<vmem>>, vector<16xi32>,
    %min3A_2668 = arith.constant 1 : i32
    %min3A_2669 = vector.broadcast %min3A_2668 : i32 to vector<16xi32>
    %min3A_2670 = arith.minsi %get3A_2667, %min3A_2669 : vector<16xi32>
    %add3A_2671 = arith.addi %add3A_2663, %min3A_2670 : vector<16xi32>
    %get3A_2672 = arith.constant 17 : i32
    %get3A_2673 = arith.index_cast %get3A_2672 : i32 to index
    %get3A_2674 = arith.constant 112 : index
    %get3A_2675 = tpu.vector_load %arg10[%get3A_2673, %get3A_2674] {strides = array<i32>} : memref<20x128xi32, #tpu.memory_space<vmem>>, vector<16xi32>,
    %min3A_2676 = arith.constant 1 : i32
    %min3A_2677 = vector.broadcast %min3A_2676 : i32 to vector<16xi32>
    %min3A_2678 = arith.minsi %get3A_2675, %min3A_2677 : vector<16xi32>
    %add3A_2679 = arith.addi %add3A_2671, %min3A_2678 : vector<16xi32>
    %get3A_2680 = arith.constant 18 : i32
    %get3A_2681 = arith.index_cast %get3A_2680 : i32 to index
    %get3A_2682 = arith.constant 112 : index
    %get3A_2683 = tpu.vector_load %arg10[%get3A_2681, %get3A_2682] {strides = array<i32>} : memref<20x128xi32, #tpu.memory_space<vmem>>, vector<16xi32>,
    %min3A_2684 = arith.constant 1 : i32
    %min3A_2685 = vector.broadcast %min3A_2684 : i32 to vector<16xi32>
    %min3A_2686 = arith.minsi %get3A_2683, %min3A_2685 : vector<16xi32>
    %add3A_2687 = arith.addi %add3A_2679, %min3A_2686 : vector<16xi32>
    %get3A_2688 = arith.constant 19 : i32
    %get3A_2689 = arith.index_cast %get3A_2688 : i32 to index
    %get3A_2690 = arith.constant 112 : index
    %get3A_2691 = tpu.vector_load %arg10[%get3A_2689, %get3A_2690] {strides = array<i32>} : memref<20x128xi32, #tpu.memory_space<vmem>>, vector<16xi32>,
    %min3A_2692 = arith.constant 1 : i32
    %min3A_2693 = vector.broadcast %min3A_2692 : i32 to vector<16xi32>
    %min3A_2694 = arith.minsi %get3A_2691, %min3A_2693 : vector<16xi32>
    %add3A_2695 = arith.addi %add3A_2687, %min3A_2694 : vector<16xi32>
    %convert_element_type3A_2696 = arith.sitofp %add3A_2695 : vector<16xi32> to vector<16xf32>
    %swap3A_2697 = arith.constant 112 : index
    %swap3A_2698 = tpu.vector_load %arg16[%swap3A_2697] {strides = array<i32>} : memref<128xf32, #tpu.memory_space<vmem>>, vector<16xf32>,
    tpu.vector_store %arg16[%swap3A_2697], %convert_element_type3A_2696 {strides = array<i32>} : memref<128xf32, #tpu.memory_space<vmem>>, vector<16xf32>,
    %scan3A_2699 = arith.constant 0 : i32
    %scan3A_2700 = arith.constant 0 : i32
    %scan3A_2701 = arith.constant 32 : i32
    %scan3A_2702 = arith.addi %scan3A_2700, %scan3A_2701 : i32
    %scan3A_2703 = arith.constant 1 : i32
    scf.for %scan3A_2719 = %scan3A_2700 to %scan3A_2702 step %scan3A_2703  : i32 {
      %mul3A_2720 = arith.constant 4 : i32
      %mul3A_2721 = arith.muli %scan3A_2719, %mul3A_2720 : i32
      %add3A_2722 = arith.constant 0 : i32
      %add3A_2723 = arith.addi %mul3A_2721, %add3A_2722 : i32
      %broadcast_in_dim3A_2724 = arith.constant 0.000000e+00 : f32
      %broadcast_in_dim3A_2725 = vector.broadcast %broadcast_in_dim3A_2724 : f32 to vector<16xf32>
      %swap3A_2726 = arith.index_cast %add3A_2723 : i32 to index
      %swap3A_2727 = arith.constant 0 : index
      %swap3A_2728 = tpu.vector_load %arg15[%swap3A_2726, %swap3A_2727] {strides = array<i32>} : memref<128x64xf32, #tpu.memory_space<vmem>>, vector<16xf32>,
      tpu.vector_store %arg15[%swap3A_2726, %swap3A_2727], %broadcast_in_dim3A_2725 {strides = array<i32>} : memref<128x64xf32, #tpu.memory_space<vmem>>, vector<16xf32>,
      %broadcast_in_dim3A_2729 = arith.constant 0.000000e+00 : f32
      %broadcast_in_dim3A_2730 = vector.broadcast %broadcast_in_dim3A_2729 : f32 to vector<16xf32>
      %swap3A_2731 = arith.index_cast %add3A_2723 : i32 to index
      %swap3A_2732 = arith.constant 16 : index
      %swap3A_2733 = tpu.vector_load %arg15[%swap3A_2731, %swap3A_2732] {strides = array<i32>} : memref<128x64xf32, #tpu.memory_space<vmem>>, vector<16xf32>,
      tpu.vector_store %arg15[%swap3A_2731, %swap3A_2732], %broadcast_in_dim3A_2730 {strides = array<i32>} : memref<128x64xf32, #tpu.memory_space<vmem>>, vector<16xf32>,
      %broadcast_in_dim3A_2734 = arith.constant 0.000000e+00 : f32
      %broadcast_in_dim3A_2735 = vector.broadcast %broadcast_in_dim3A_2734 : f32 to vector<16xf32>
      %swap3A_2736 = arith.index_cast %add3A_2723 : i32 to index
      %swap3A_2737 = arith.constant 32 : index
      %swap3A_2738 = tpu.vector_load %arg15[%swap3A_2736, %swap3A_2737] {strides = array<i32>} : memref<128x64xf32, #tpu.memory_space<vmem>>, vector<16xf32>,
      tpu.vector_store %arg15[%swap3A_2736, %swap3A_2737], %broadcast_in_dim3A_2735 {strides = array<i32>} : memref<128x64xf32, #tpu.memory_space<vmem>>, vector<16xf32>,
      %broadcast_in_dim3A_2739 = arith.constant 0.000000e+00 : f32
      %broadcast_in_dim3A_2740 = vector.broadcast %broadcast_in_dim3A_2739 : f32 to vector<16xf32>
      %swap3A_2741 = arith.index_cast %add3A_2723 : i32 to index
      %swap3A_2742 = arith.constant 48 : index
      %swap3A_2743 = tpu.vector_load %arg15[%swap3A_2741, %swap3A_2742] {strides = array<i32>} : memref<128x64xf32, #tpu.memory_space<vmem>>, vector<16xf32>,
      tpu.vector_store %arg15[%swap3A_2741, %swap3A_2742], %broadcast_in_dim3A_2740 {strides = array<i32>} : memref<128x64xf32, #tpu.memory_space<vmem>>, vector<16xf32>,
      %mul3A_2744 = arith.constant 4 : i32
      %mul3A_2745 = arith.muli %scan3A_2719, %mul3A_2744 : i32
      %add3A_2746 = arith.constant 1 : i32
      %add3A_2747 = arith.addi %mul3A_2745, %add3A_2746 : i32
      %broadcast_in_dim3A_2748 = arith.constant 0.000000e+00 : f32
      %broadcast_in_dim3A_2749 = vector.broadcast %broadcast_in_dim3A_2748 : f32 to vector<16xf32>
      %swap3A_2750 = arith.index_cast %add3A_2747 : i32 to index
      %swap3A_2751 = arith.constant 0 : index
      %swap3A_2752 = tpu.vector_load %arg15[%swap3A_2750, %swap3A_2751] {strides = array<i32>} : memref<128x64xf32, #tpu.memory_space<vmem>>, vector<16xf32>,
      tpu.vector_store %arg15[%swap3A_2750, %swap3A_2751], %broadcast_in_dim3A_2749 {strides = array<i32>} : memref<128x64xf32, #tpu.memory_space<vmem>>, vector<16xf32>,
      %broadcast_in_dim3A_2753 = arith.constant 0.000000e+00 : f32
      %broadcast_in_dim3A_2754 = vector.broadcast %broadcast_in_dim3A_2753 : f32 to vector<16xf32>
      %swap3A_2755 = arith.index_cast %add3A_2747 : i32 to index
      %swap3A_2756 = arith.constant 16 : index
      %swap3A_2757 = tpu.vector_load %arg15[%swap3A_2755, %swap3A_2756] {strides = array<i32>} : memref<128x64xf32, #tpu.memory_space<vmem>>, vector<16xf32>,
      tpu.vector_store %arg15[%swap3A_2755, %swap3A_2756], %broadcast_in_dim3A_2754 {strides = array<i32>} : memref<128x64xf32, #tpu.memory_space<vmem>>, vector<16xf32>,
      %broadcast_in_dim3A_2758 = arith.constant 0.000000e+00 : f32
      %broadcast_in_dim3A_2759 = vector.broadcast %broadcast_in_dim3A_2758 : f32 to vector<16xf32>
      %swap3A_2760 = arith.index_cast %add3A_2747 : i32 to index
      %swap3A_2761 = arith.constant 32 : index
      %swap3A_2762 = tpu.vector_load %arg15[%swap3A_2760, %swap3A_2761] {strides = array<i32>} : memref<128x64xf32, #tpu.memory_space<vmem>>, vector<16xf32>,
      tpu.vector_store %arg15[%swap3A_2760, %swap3A_2761], %broadcast_in_dim3A_2759 {strides = array<i32>} : memref<128x64xf32, #tpu.memory_space<vmem>>, vector<16xf32>,
      %broadcast_in_dim3A_2763 = arith.constant 0.000000e+00 : f32
      %broadcast_in_dim3A_2764 = vector.broadcast %broadcast_in_dim3A_2763 : f32 to vector<16xf32>
      %swap3A_2765 = arith.index_cast %add3A_2747 : i32 to index
      %swap3A_2766 = arith.constant 48 : index
      %swap3A_2767 = tpu.vector_load %arg15[%swap3A_2765, %swap3A_2766] {strides = array<i32>} : memref<128x64xf32, #tpu.memory_space<vmem>>, vector<16xf32>,
      tpu.vector_store %arg15[%swap3A_2765, %swap3A_2766], %broadcast_in_dim3A_2764 {strides = array<i32>} : memref<128x64xf32, #tpu.memory_space<vmem>>, vector<16xf32>,
      %mul3A_2768 = arith.constant 4 : i32
      %mul3A_2769 = arith.muli %scan3A_2719, %mul3A_2768 : i32
      %add3A_2770 = arith.constant 2 : i32
      %add3A_2771 = arith.addi %mul3A_2769, %add3A_2770 : i32
      %broadcast_in_dim3A_2772 = arith.constant 0.000000e+00 : f32
      %broadcast_in_dim3A_2773 = vector.broadcast %broadcast_in_dim3A_2772 : f32 to vector<16xf32>
      %swap3A_2774 = arith.index_cast %add3A_2771 : i32 to index
      %swap3A_2775 = arith.constant 0 : index
      %swap3A_2776 = tpu.vector_load %arg15[%swap3A_2774, %swap3A_2775] {strides = array<i32>} : memref<128x64xf32, #tpu.memory_space<vmem>>, vector<16xf32>,
      tpu.vector_store %arg15[%swap3A_2774, %swap3A_2775], %broadcast_in_dim3A_2773 {strides = array<i32>} : memref<128x64xf32, #tpu.memory_space<vmem>>, vector<16xf32>,
      %broadcast_in_dim3A_2777 = arith.constant 0.000000e+00 : f32
      %broadcast_in_dim3A_2778 = vector.broadcast %broadcast_in_dim3A_2777 : f32 to vector<16xf32>
      %swap3A_2779 = arith.index_cast %add3A_2771 : i32 to index
      %swap3A_2780 = arith.constant 16 : index
      %swap3A_2781 = tpu.vector_load %arg15[%swap3A_2779, %swap3A_2780] {strides = array<i32>} : memref<128x64xf32, #tpu.memory_space<vmem>>, vector<16xf32>,
      tpu.vector_store %arg15[%swap3A_2779, %swap3A_2780], %broadcast_in_dim3A_2778 {strides = array<i32>} : memref<128x64xf32, #tpu.memory_space<vmem>>, vector<16xf32>,
      %broadcast_in_dim3A_2782 = arith.constant 0.000000e+00 : f32
      %broadcast_in_dim3A_2783 = vector.broadcast %broadcast_in_dim3A_2782 : f32 to vector<16xf32>
      %swap3A_2784 = arith.index_cast %add3A_2771 : i32 to index
      %swap3A_2785 = arith.constant 32 : index
      %swap3A_2786 = tpu.vector_load %arg15[%swap3A_2784, %swap3A_2785] {strides = array<i32>} : memref<128x64xf32, #tpu.memory_space<vmem>>, vector<16xf32>,
      tpu.vector_store %arg15[%swap3A_2784, %swap3A_2785], %broadcast_in_dim3A_2783 {strides = array<i32>} : memref<128x64xf32, #tpu.memory_space<vmem>>, vector<16xf32>,
      %broadcast_in_dim3A_2787 = arith.constant 0.000000e+00 : f32
      %broadcast_in_dim3A_2788 = vector.broadcast %broadcast_in_dim3A_2787 : f32 to vector<16xf32>
      %swap3A_2789 = arith.index_cast %add3A_2771 : i32 to index
      %swap3A_2790 = arith.constant 48 : index
      %swap3A_2791 = tpu.vector_load %arg15[%swap3A_2789, %swap3A_2790] {strides = array<i32>} : memref<128x64xf32, #tpu.memory_space<vmem>>, vector<16xf32>,
      tpu.vector_store %arg15[%swap3A_2789, %swap3A_2790], %broadcast_in_dim3A_2788 {strides = array<i32>} : memref<128x64xf32, #tpu.memory_space<vmem>>, vector<16xf32>,
      %mul3A_2792 = arith.constant 4 : i32
      %mul3A_2793 = arith.muli %scan3A_2719, %mul3A_2792 : i32
      %add3A_2794 = arith.constant 3 : i32
      %add3A_2795 = arith.addi %mul3A_2793, %add3A_2794 : i32
      %broadcast_in_dim3A_2796 = arith.constant 0.000000e+00 : f32
      %broadcast_in_dim3A_2797 = vector.broadcast %broadcast_in_dim3A_2796 : f32 to vector<16xf32>
      %swap3A_2798 = arith.index_cast %add3A_2795 : i32 to index
      %swap3A_2799 = arith.constant 0 : index
      %swap3A_2800 = tpu.vector_load %arg15[%swap3A_2798, %swap3A_2799] {strides = array<i32>} : memref<128x64xf32, #tpu.memory_space<vmem>>, vector<16xf32>,
      tpu.vector_store %arg15[%swap3A_2798, %swap3A_2799], %broadcast_in_dim3A_2797 {strides = array<i32>} : memref<128x64xf32, #tpu.memory_space<vmem>>, vector<16xf32>,
      %broadcast_in_dim3A_2801 = arith.constant 0.000000e+00 : f32
      %broadcast_in_dim3A_2802 = vector.broadcast %broadcast_in_dim3A_2801 : f32 to vector<16xf32>
      %swap3A_2803 = arith.index_cast %add3A_2795 : i32 to index
      %swap3A_2804 = arith.constant 16 : index
      %swap3A_2805 = tpu.vector_load %arg15[%swap3A_2803, %swap3A_2804] {strides = array<i32>} : memref<128x64xf32, #tpu.memory_space<vmem>>, vector<16xf32>,
      tpu.vector_store %arg15[%swap3A_2803, %swap3A_2804], %broadcast_in_dim3A_2802 {strides = array<i32>} : memref<128x64xf32, #tpu.memory_space<vmem>>, vector<16xf32>,
      %broadcast_in_dim3A_2806 = arith.constant 0.000000e+00 : f32
      %broadcast_in_dim3A_2807 = vector.broadcast %broadcast_in_dim3A_2806 : f32 to vector<16xf32>
      %swap3A_2808 = arith.index_cast %add3A_2795 : i32 to index
      %swap3A_2809 = arith.constant 32 : index
      %swap3A_2810 = tpu.vector_load %arg15[%swap3A_2808, %swap3A_2809] {strides = array<i32>} : memref<128x64xf32, #tpu.memory_space<vmem>>, vector<16xf32>,
      tpu.vector_store %arg15[%swap3A_2808, %swap3A_2809], %broadcast_in_dim3A_2807 {strides = array<i32>} : memref<128x64xf32, #tpu.memory_space<vmem>>, vector<16xf32>,
      %broadcast_in_dim3A_2811 = arith.constant 0.000000e+00 : f32
      %broadcast_in_dim3A_2812 = vector.broadcast %broadcast_in_dim3A_2811 : f32 to vector<16xf32>
      %swap3A_2813 = arith.index_cast %add3A_2795 : i32 to index
      %swap3A_2814 = arith.constant 48 : index
      %swap3A_2815 = tpu.vector_load %arg15[%swap3A_2813, %swap3A_2814] {strides = array<i32>} : memref<128x64xf32, #tpu.memory_space<vmem>>, vector<16xf32>,
      tpu.vector_store %arg15[%swap3A_2813, %swap3A_2814], %broadcast_in_dim3A_2812 {strides = array<i32>} : memref<128x64xf32, #tpu.memory_space<vmem>>, vector<16xf32>,
    }
    %scan3A_2704 = arith.constant 32 : i32
    %scan3A_2705 = arith.constant 0 : i32
    %scan3A_2706 = arith.constant 0 : i32
    %scan3A_2707 = arith.constant 5 : i32
    %scan3A_2708 = arith.addi %scan3A_2706, %scan3A_2707 : i32
    %scan3A_2709 = arith.constant 1 : i32
    scf.for %scan3A_2719 = %scan3A_2706 to %scan3A_2708 step %scan3A_2709  : i32 {
      %mul3A_2720 = arith.constant 4 : i32
      %mul3A_2721 = arith.muli %scan3A_2719, %mul3A_2720 : i32
      %add3A_2722 = arith.constant 0 : i32
      %add3A_2723 = arith.addi %mul3A_2721, %add3A_2722 : i32
      %dma_wait3A_2724 = arith.constant 0 : i32
      %dma_wait3A_2725 = arith.constant 0 : i32
      %dma_wait3A_2726 = tpu.memref_slice %arg10[%dma_wait3A_2724, %dma_wait3A_2725] : memref<20x128xi32, #tpu.memory_space<vmem>> -> memref<1x128xi32, #tpu.memory_space<vmem>>
      %dma_wait3A_2727 = tpu.memref_squeeze %dma_wait3A_2726 : memref<1x128xi32, #tpu.memory_space<vmem>> -> memref<128xi32, #tpu.memory_space<vmem>>
      %dma_wait3A_2728 = arith.constant 0 : i32
      %dma_wait3A_2729 = arith.constant 0 : i32
      %dma_wait3A_2730 = tpu.memref_slice %arg5[%dma_wait3A_2728, %dma_wait3A_2729] : memref<100000x64xf32, #tpu.memory_space<hbm>> -> memref<100000x64xf32, #tpu.memory_space<hbm>>
      tpu.wait_indirect_dma semaphore(%arg19 : memref<!tpu.dma_semaphore, #tpu.memory_space<semaphore_mem>>) src(%dma_wait3A_2730 : memref<100000x64xf32, #tpu.memory_space<hbm>>) dst(%arg11 : memref<128x64xf32, #tpu.memory_space<vmem>>)
      %add3A_2731 = arith.constant 4 : i32
      %add3A_2732 = arith.addi %add3A_2723, %add3A_2731 : i32
      %sub3A = arith.constant 1 : i32
      %sub3A_2733 = arith.subi %add3A_2732, %sub3A : i32
      %lt3A = arith.constant 20 : i32
      %lt3A_2734 = arith.cmpi slt, %sub3A_2733, %lt3A : i32
      %convert_element_type3A_2735 = arith.extui %lt3A_2734 : i1 to i32
      %cond3A = arith.constant 0 : i32
      %cond3A_2736 = arith.cmpi ne, %convert_element_type3A_2735, %cond3A : i32
      scf.if %cond3A_2736 {
        %dma_start3A_2821 = arith.constant 0 : i32
        %dma_start3A_2822 = tpu.memref_slice %arg10[%sub3A_2733, %dma_start3A_2821] : memref<20x128xi32, #tpu.memory_space<vmem>> -> memref<1x128xi32, #tpu.memory_space<vmem>>
        %dma_start3A_2823 = tpu.memref_squeeze %dma_start3A_2822 : memref<1x128xi32, #tpu.memory_space<vmem>> -> memref<128xi32, #tpu.memory_space<vmem>>
        %dma_start3A_2824 = arith.constant 0 : i32
        %dma_start3A_2825 = arith.constant 0 : i32
        %dma_start3A_2826 = tpu.memref_slice %arg5[%dma_start3A_2824, %dma_start3A_2825] : memref<100000x64xf32, #tpu.memory_space<hbm>> -> memref<100000x64xf32, #tpu.memory_space<hbm>>
        tpu.enqueue_indirect_dma source(%dma_start3A_2826 : memref<100000x64xf32, #tpu.memory_space<hbm>>) target(%arg14 : memref<128x64xf32, #tpu.memory_space<vmem>>) offsets(%dma_start3A_2823 : memref<128xi32, #tpu.memory_space<vmem>>) semaphore(%arg22 : memref<!tpu.dma_semaphore, #tpu.memory_space<semaphore_mem>>)
      } else {
      }
      %scan3A_2737 = arith.constant 0 : i32
      %scan3A_2738 = arith.constant 0 : i32
      %scan3A_2739 = arith.constant 32 : i32
      %scan3A_2740 = arith.addi %scan3A_2738, %scan3A_2739 : i32
      %scan3A_2741 = arith.constant 1 : i32
      scf.for %scan3A_2821 = %scan3A_2738 to %scan3A_2740 step %scan3A_2741  : i32 {
        %mul3A_2822 = arith.constant 4 : i32
        %mul3A_2823 = arith.muli %scan3A_2821, %mul3A_2822 : i32
        %add3A_2824 = arith.constant 0 : i32
        %add3A_2825 = arith.addi %mul3A_2823, %add3A_2824 : i32
        %get3A_2826 = arith.index_cast %add3A_2825 : i32 to index
        %get3A_2827 = arith.constant 0 : index
        %get3A_2828 = tpu.vector_load %arg11[%get3A_2826, %get3A_2827] {strides = array<i32>} : memref<128x64xf32, #tpu.memory_space<vmem>>, vector<16xf32>,
        %swap3A_2829 = arith.index_cast %add3A_2825 : i32 to index
        %swap3A_2830 = arith.constant 0 : index
        %swap3A_2831 = tpu.vector_load %arg15[%swap3A_2829, %swap3A_2830] {strides = array<i32>} : memref<128x64xf32, #tpu.memory_space<vmem>>, vector<16xf32>,
        tpu.vector_store %arg15[%swap3A_2829, %swap3A_2830], %get3A_2828 {add = true, strides = array<i32>} : memref<128x64xf32, #tpu.memory_space<vmem>>, vector<16xf32>,
        %get3A_2832 = arith.index_cast %add3A_2825 : i32 to index
        %get3A_2833 = arith.constant 16 : index
        %get3A_2834 = tpu.vector_load %arg11[%get3A_2832, %get3A_2833] {strides = array<i32>} : memref<128x64xf32, #tpu.memory_space<vmem>>, vector<16xf32>,
        %swap3A_2835 = arith.index_cast %add3A_2825 : i32 to index
        %swap3A_2836 = arith.constant 16 : index
        %swap3A_2837 = tpu.vector_load %arg15[%swap3A_2835, %swap3A_2836] {strides = array<i32>} : memref<128x64xf32, #tpu.memory_space<vmem>>, vector<16xf32>,
        tpu.vector_store %arg15[%swap3A_2835, %swap3A_2836], %get3A_2834 {add = true, strides = array<i32>} : memref<128x64xf32, #tpu.memory_space<vmem>>, vector<16xf32>,
        %get3A_2838 = arith.index_cast %add3A_2825 : i32 to index
        %get3A_2839 = arith.constant 32 : index
        %get3A_2840 = tpu.vector_load %arg11[%get3A_2838, %get3A_2839] {strides = array<i32>} : memref<128x64xf32, #tpu.memory_space<vmem>>, vector<16xf32>,
        %swap3A_2841 = arith.index_cast %add3A_2825 : i32 to index
        %swap3A_2842 = arith.constant 32 : index
        %swap3A_2843 = tpu.vector_load %arg15[%swap3A_2841, %swap3A_2842] {strides = array<i32>} : memref<128x64xf32, #tpu.memory_space<vmem>>, vector<16xf32>,
        tpu.vector_store %arg15[%swap3A_2841, %swap3A_2842], %get3A_2840 {add = true, strides = array<i32>} : memref<128x64xf32, #tpu.memory_space<vmem>>, vector<16xf32>,
        %get3A_2844 = arith.index_cast %add3A_2825 : i32 to index
        %get3A_2845 = arith.constant 48 : index
        %get3A_2846 = tpu.vector_load %arg11[%get3A_2844, %get3A_2845] {strides = array<i32>} : memref<128x64xf32, #tpu.memory_space<vmem>>, vector<16xf32>,
        %swap3A_2847 = arith.index_cast %add3A_2825 : i32 to index
        %swap3A_2848 = arith.constant 48 : index
        %swap3A_2849 = tpu.vector_load %arg15[%swap3A_2847, %swap3A_2848] {strides = array<i32>} : memref<128x64xf32, #tpu.memory_space<vmem>>, vector<16xf32>,
        tpu.vector_store %arg15[%swap3A_2847, %swap3A_2848], %get3A_2846 {add = true, strides = array<i32>} : memref<128x64xf32, #tpu.memory_space<vmem>>, vector<16xf32>,
        %mul3A_2850 = arith.constant 4 : i32
        %mul3A_2851 = arith.muli %scan3A_2821, %mul3A_2850 : i32
        %add3A_2852 = arith.constant 1 : i32
        %add3A_2853 = arith.addi %mul3A_2851, %add3A_2852 : i32
        %get3A_2854 = arith.index_cast %add3A_2853 : i32 to index
        %get3A_2855 = arith.constant 0 : index
        %get3A_2856 = tpu.vector_load %arg11[%get3A_2854, %get3A_2855] {strides = array<i32>} : memref<128x64xf32, #tpu.memory_space<vmem>>, vector<16xf32>,
        %swap3A_2857 = arith.index_cast %add3A_2853 : i32 to index
        %swap3A_2858 = arith.constant 0 : index
        %swap3A_2859 = tpu.vector_load %arg15[%swap3A_2857, %swap3A_2858] {strides = array<i32>} : memref<128x64xf32, #tpu.memory_space<vmem>>, vector<16xf32>,
        tpu.vector_store %arg15[%swap3A_2857, %swap3A_2858], %get3A_2856 {add = true, strides = array<i32>} : memref<128x64xf32, #tpu.memory_space<vmem>>, vector<16xf32>,
        %get3A_2860 = arith.index_cast %add3A_2853 : i32 to index
        %get3A_2861 = arith.constant 16 : index
        %get3A_2862 = tpu.vector_load %arg11[%get3A_2860, %get3A_2861] {strides = array<i32>} : memref<128x64xf32, #tpu.memory_space<vmem>>, vector<16xf32>,
        %swap3A_2863 = arith.index_cast %add3A_2853 : i32 to index
        %swap3A_2864 = arith.constant 16 : index
        %swap3A_2865 = tpu.vector_load %arg15[%swap3A_2863, %swap3A_2864] {strides = array<i32>} : memref<128x64xf32, #tpu.memory_space<vmem>>, vector<16xf32>,
        tpu.vector_store %arg15[%swap3A_2863, %swap3A_2864], %get3A_2862 {add = true, strides = array<i32>} : memref<128x64xf32, #tpu.memory_space<vmem>>, vector<16xf32>,
        %get3A_2866 = arith.index_cast %add3A_2853 : i32 to index
        %get3A_2867 = arith.constant 32 : index
        %get3A_2868 = tpu.vector_load %arg11[%get3A_2866, %get3A_2867] {strides = array<i32>} : memref<128x64xf32, #tpu.memory_space<vmem>>, vector<16xf32>,
        %swap3A_2869 = arith.index_cast %add3A_2853 : i32 to index
        %swap3A_2870 = arith.constant 32 : index
        %swap3A_2871 = tpu.vector_load %arg15[%swap3A_2869, %swap3A_2870] {strides = array<i32>} : memref<128x64xf32, #tpu.memory_space<vmem>>, vector<16xf32>,
        tpu.vector_store %arg15[%swap3A_2869, %swap3A_2870], %get3A_2868 {add = true, strides = array<i32>} : memref<128x64xf32, #tpu.memory_space<vmem>>, vector<16xf32>,
        %get3A_2872 = arith.index_cast %add3A_2853 : i32 to index
        %get3A_2873 = arith.constant 48 : index
        %get3A_2874 = tpu.vector_load %arg11[%get3A_2872, %get3A_2873] {strides = array<i32>} : memref<128x64xf32, #tpu.memory_space<vmem>>, vector<16xf32>,
        %swap3A_2875 = arith.index_cast %add3A_2853 : i32 to index
        %swap3A_2876 = arith.constant 48 : index
        %swap3A_2877 = tpu.vector_load %arg15[%swap3A_2875, %swap3A_2876] {strides = array<i32>} : memref<128x64xf32, #tpu.memory_space<vmem>>, vector<16xf32>,
        tpu.vector_store %arg15[%swap3A_2875, %swap3A_2876], %get3A_2874 {add = true, strides = array<i32>} : memref<128x64xf32, #tpu.memory_space<vmem>>, vector<16xf32>,
        %mul3A_2878 = arith.constant 4 : i32
        %mul3A_2879 = arith.muli %scan3A_2821, %mul3A_2878 : i32
        %add3A_2880 = arith.constant 2 : i32
        %add3A_2881 = arith.addi %mul3A_2879, %add3A_2880 : i32
        %get3A_2882 = arith.index_cast %add3A_2881 : i32 to index
        %get3A_2883 = arith.constant 0 : index
        %get3A_2884 = tpu.vector_load %arg11[%get3A_2882, %get3A_2883] {strides = array<i32>} : memref<128x64xf32, #tpu.memory_space<vmem>>, vector<16xf32>,
        %swap3A_2885 = arith.index_cast %add3A_2881 : i32 to index
        %swap3A_2886 = arith.constant 0 : index
        %swap3A_2887 = tpu.vector_load %arg15[%swap3A_2885, %swap3A_2886] {strides = array<i32>} : memref<128x64xf32, #tpu.memory_space<vmem>>, vector<16xf32>,
        tpu.vector_store %arg15[%swap3A_2885, %swap3A_2886], %get3A_2884 {add = true, strides = array<i32>} : memref<128x64xf32, #tpu.memory_space<vmem>>, vector<16xf32>,
        %get3A_2888 = arith.index_cast %add3A_2881 : i32 to index
        %get3A_2889 = arith.constant 16 : index
        %get3A_2890 = tpu.vector_load %arg11[%get3A_2888, %get3A_2889] {strides = array<i32>} : memref<128x64xf32, #tpu.memory_space<vmem>>, vector<16xf32>,
        %swap3A_2891 = arith.index_cast %add3A_2881 : i32 to index
        %swap3A_2892 = arith.constant 16 : index
        %swap3A_2893 = tpu.vector_load %arg15[%swap3A_2891, %swap3A_2892] {strides = array<i32>} : memref<128x64xf32, #tpu.memory_space<vmem>>, vector<16xf32>,
        tpu.vector_store %arg15[%swap3A_2891, %swap3A_2892], %get3A_2890 {add = true, strides = array<i32>} : memref<128x64xf32, #tpu.memory_space<vmem>>, vector<16xf32>,
        %get3A_2894 = arith.index_cast %add3A_2881 : i32 to index
        %get3A_2895 = arith.constant 32 : index
        %get3A_2896 = tpu.vector_load %arg11[%get3A_2894, %get3A_2895] {strides = array<i32>} : memref<128x64xf32, #tpu.memory_space<vmem>>, vector<16xf32>,
        %swap3A_2897 = arith.index_cast %add3A_2881 : i32 to index
        %swap3A_2898 = arith.constant 32 : index
        %swap3A_2899 = tpu.vector_load %arg15[%swap3A_2897, %swap3A_2898] {strides = array<i32>} : memref<128x64xf32, #tpu.memory_space<vmem>>, vector<16xf32>,
        tpu.vector_store %arg15[%swap3A_2897, %swap3A_2898], %get3A_2896 {add = true, strides = array<i32>} : memref<128x64xf32, #tpu.memory_space<vmem>>, vector<16xf32>,
        %get3A_2900 = arith.index_cast %add3A_2881 : i32 to index
        %get3A_2901 = arith.constant 48 : index
        %get3A_2902 = tpu.vector_load %arg11[%get3A_2900, %get3A_2901] {strides = array<i32>} : memref<128x64xf32, #tpu.memory_space<vmem>>, vector<16xf32>,
        %swap3A_2903 = arith.index_cast %add3A_2881 : i32 to index
        %swap3A_2904 = arith.constant 48 : index
        %swap3A_2905 = tpu.vector_load %arg15[%swap3A_2903, %swap3A_2904] {strides = array<i32>} : memref<128x64xf32, #tpu.memory_space<vmem>>, vector<16xf32>,
        tpu.vector_store %arg15[%swap3A_2903, %swap3A_2904], %get3A_2902 {add = true, strides = array<i32>} : memref<128x64xf32, #tpu.memory_space<vmem>>, vector<16xf32>,
        %mul3A_2906 = arith.constant 4 : i32
        %mul3A_2907 = arith.muli %scan3A_2821, %mul3A_2906 : i32
        %add3A_2908 = arith.constant 3 : i32
        %add3A_2909 = arith.addi %mul3A_2907, %add3A_2908 : i32
        %get3A_2910 = arith.index_cast %add3A_2909 : i32 to index
        %get3A_2911 = arith.constant 0 : index
        %get3A_2912 = tpu.vector_load %arg11[%get3A_2910, %get3A_2911] {strides = array<i32>} : memref<128x64xf32, #tpu.memory_space<vmem>>, vector<16xf32>,
        %swap3A_2913 = arith.index_cast %add3A_2909 : i32 to index
        %swap3A_2914 = arith.constant 0 : index
        %swap3A_2915 = tpu.vector_load %arg15[%swap3A_2913, %swap3A_2914] {strides = array<i32>} : memref<128x64xf32, #tpu.memory_space<vmem>>, vector<16xf32>,
        tpu.vector_store %arg15[%swap3A_2913, %swap3A_2914], %get3A_2912 {add = true, strides = array<i32>} : memref<128x64xf32, #tpu.memory_space<vmem>>, vector<16xf32>,
        %get3A_2916 = arith.index_cast %add3A_2909 : i32 to index
        %get3A_2917 = arith.constant 16 : index
        %get3A_2918 = tpu.vector_load %arg11[%get3A_2916, %get3A_2917] {strides = array<i32>} : memref<128x64xf32, #tpu.memory_space<vmem>>, vector<16xf32>,
        %swap3A_2919 = arith.index_cast %add3A_2909 : i32 to index
        %swap3A_2920 = arith.constant 16 : index
        %swap3A_2921 = tpu.vector_load %arg15[%swap3A_2919, %swap3A_2920] {strides = array<i32>} : memref<128x64xf32, #tpu.memory_space<vmem>>, vector<16xf32>,
        tpu.vector_store %arg15[%swap3A_2919, %swap3A_2920], %get3A_2918 {add = true, strides = array<i32>} : memref<128x64xf32, #tpu.memory_space<vmem>>, vector<16xf32>,
        %get3A_2922 = arith.index_cast %add3A_2909 : i32 to index
        %get3A_2923 = arith.constant 32 : index
        %get3A_2924 = tpu.vector_load %arg11[%get3A_2922, %get3A_2923] {strides = array<i32>} : memref<128x64xf32, #tpu.memory_space<vmem>>, vector<16xf32>,
        %swap3A_2925 = arith.index_cast %add3A_2909 : i32 to index
        %swap3A_2926 = arith.constant 32 : index
        %swap3A_2927 = tpu.vector_load %arg15[%swap3A_2925, %swap3A_2926] {strides = array<i32>} : memref<128x64xf32, #tpu.memory_space<vmem>>, vector<16xf32>,
        tpu.vector_store %arg15[%swap3A_2925, %swap3A_2926], %get3A_2924 {add = true, strides = array<i32>} : memref<128x64xf32, #tpu.memory_space<vmem>>, vector<16xf32>,
        %get3A_2928 = arith.index_cast %add3A_2909 : i32 to index
        %get3A_2929 = arith.constant 48 : index
        %get3A_2930 = tpu.vector_load %arg11[%get3A_2928, %get3A_2929] {strides = array<i32>} : memref<128x64xf32, #tpu.memory_space<vmem>>, vector<16xf32>,
        %swap3A_2931 = arith.index_cast %add3A_2909 : i32 to index
        %swap3A_2932 = arith.constant 48 : index
        %swap3A_2933 = tpu.vector_load %arg15[%swap3A_2931, %swap3A_2932] {strides = array<i32>} : memref<128x64xf32, #tpu.memory_space<vmem>>, vector<16xf32>,
        tpu.vector_store %arg15[%swap3A_2931, %swap3A_2932], %get3A_2930 {add = true, strides = array<i32>} : memref<128x64xf32, #tpu.memory_space<vmem>>, vector<16xf32>,
      }
      %scan3A_2742 = arith.constant 32 : i32
      %mul3A_2743 = arith.constant 4 : i32
      %mul3A_2744 = arith.muli %scan3A_2719, %mul3A_2743 : i32
      %add3A_2745 = arith.constant 1 : i32
      %add3A_2746 = arith.addi %mul3A_2744, %add3A_2745 : i32
      %dma_wait3A_2747 = arith.constant 0 : i32
      %dma_wait3A_2748 = arith.constant 0 : i32
      %dma_wait3A_2749 = tpu.memref_slice %arg10[%dma_wait3A_2747, %dma_wait3A_2748] : memref<20x128xi32, #tpu.memory_space<vmem>> -> memref<1x128xi32, #tpu.memory_space<vmem>>
      %dma_wait3A_2750 = tpu.memref_squeeze %dma_wait3A_2749 : memref<1x128xi32, #tpu.memory_space<vmem>> -> memref<128xi32, #tpu.memory_space<vmem>>
      %dma_wait3A_2751 = arith.constant 0 : i32
      %dma_wait3A_2752 = arith.constant 0 : i32
      %dma_wait3A_2753 = tpu.memref_slice %arg5[%dma_wait3A_2751, %dma_wait3A_2752] : memref<100000x64xf32, #tpu.memory_space<hbm>> -> memref<100000x64xf32, #tpu.memory_space<hbm>>
      tpu.wait_indirect_dma semaphore(%arg20 : memref<!tpu.dma_semaphore, #tpu.memory_space<semaphore_mem>>) src(%dma_wait3A_2753 : memref<100000x64xf32, #tpu.memory_space<hbm>>) dst(%arg12 : memref<128x64xf32, #tpu.memory_space<vmem>>)
      %add3A_2754 = arith.constant 4 : i32
      %add3A_2755 = arith.addi %add3A_2746, %add3A_2754 : i32
      %sub3A_2756 = arith.constant 1 : i32
      %sub3A_2757 = arith.subi %add3A_2755, %sub3A_2756 : i32
      %lt3A_2758 = arith.constant 20 : i32
      %lt3A_2759 = arith.cmpi slt, %sub3A_2757, %lt3A_2758 : i32
      %convert_element_type3A_2760 = arith.extui %lt3A_2759 : i1 to i32
      %cond3A_2761 = arith.constant 0 : i32
      %cond3A_2762 = arith.cmpi ne, %convert_element_type3A_2760, %cond3A_2761 : i32
      scf.if %cond3A_2762 {
        %dma_start3A_2821 = arith.constant 0 : i32
        %dma_start3A_2822 = tpu.memref_slice %arg10[%sub3A_2757, %dma_start3A_2821] : memref<20x128xi32, #tpu.memory_space<vmem>> -> memref<1x128xi32, #tpu.memory_space<vmem>>
        %dma_start3A_2823 = tpu.memref_squeeze %dma_start3A_2822 : memref<1x128xi32, #tpu.memory_space<vmem>> -> memref<128xi32, #tpu.memory_space<vmem>>
        %dma_start3A_2824 = arith.constant 0 : i32
        %dma_start3A_2825 = arith.constant 0 : i32
        %dma_start3A_2826 = tpu.memref_slice %arg5[%dma_start3A_2824, %dma_start3A_2825] : memref<100000x64xf32, #tpu.memory_space<hbm>> -> memref<100000x64xf32, #tpu.memory_space<hbm>>
        tpu.enqueue_indirect_dma source(%dma_start3A_2826 : memref<100000x64xf32, #tpu.memory_space<hbm>>) target(%arg11 : memref<128x64xf32, #tpu.memory_space<vmem>>) offsets(%dma_start3A_2823 : memref<128xi32, #tpu.memory_space<vmem>>) semaphore(%arg19 : memref<!tpu.dma_semaphore, #tpu.memory_space<semaphore_mem>>)
      } else {
      }
      %scan3A_2763 = arith.constant 0 : i32
      %scan3A_2764 = arith.constant 0 : i32
      %scan3A_2765 = arith.constant 32 : i32
      %scan3A_2766 = arith.addi %scan3A_2764, %scan3A_2765 : i32
      %scan3A_2767 = arith.constant 1 : i32
      scf.for %scan3A_2821 = %scan3A_2764 to %scan3A_2766 step %scan3A_2767  : i32 {
        %mul3A_2822 = arith.constant 4 : i32
        %mul3A_2823 = arith.muli %scan3A_2821, %mul3A_2822 : i32
        %add3A_2824 = arith.constant 0 : i32
        %add3A_2825 = arith.addi %mul3A_2823, %add3A_2824 : i32
        %get3A_2826 = arith.index_cast %add3A_2825 : i32 to index
        %get3A_2827 = arith.constant 0 : index
        %get3A_2828 = tpu.vector_load %arg12[%get3A_2826, %get3A_2827] {strides = array<i32>} : memref<128x64xf32, #tpu.memory_space<vmem>>, vector<16xf32>,
        %swap3A_2829 = arith.index_cast %add3A_2825 : i32 to index
        %swap3A_2830 = arith.constant 0 : index
        %swap3A_2831 = tpu.vector_load %arg15[%swap3A_2829, %swap3A_2830] {strides = array<i32>} : memref<128x64xf32, #tpu.memory_space<vmem>>, vector<16xf32>,
        tpu.vector_store %arg15[%swap3A_2829, %swap3A_2830], %get3A_2828 {add = true, strides = array<i32>} : memref<128x64xf32, #tpu.memory_space<vmem>>, vector<16xf32>,
        %get3A_2832 = arith.index_cast %add3A_2825 : i32 to index
        %get3A_2833 = arith.constant 16 : index
        %get3A_2834 = tpu.vector_load %arg12[%get3A_2832, %get3A_2833] {strides = array<i32>} : memref<128x64xf32, #tpu.memory_space<vmem>>, vector<16xf32>,
        %swap3A_2835 = arith.index_cast %add3A_2825 : i32 to index
        %swap3A_2836 = arith.constant 16 : index
        %swap3A_2837 = tpu.vector_load %arg15[%swap3A_2835, %swap3A_2836] {strides = array<i32>} : memref<128x64xf32, #tpu.memory_space<vmem>>, vector<16xf32>,
        tpu.vector_store %arg15[%swap3A_2835, %swap3A_2836], %get3A_2834 {add = true, strides = array<i32>} : memref<128x64xf32, #tpu.memory_space<vmem>>, vector<16xf32>,
        %get3A_2838 = arith.index_cast %add3A_2825 : i32 to index
        %get3A_2839 = arith.constant 32 : index
        %get3A_2840 = tpu.vector_load %arg12[%get3A_2838, %get3A_2839] {strides = array<i32>} : memref<128x64xf32, #tpu.memory_space<vmem>>, vector<16xf32>,
        %swap3A_2841 = arith.index_cast %add3A_2825 : i32 to index
        %swap3A_2842 = arith.constant 32 : index
        %swap3A_2843 = tpu.vector_load %arg15[%swap3A_2841, %swap3A_2842] {strides = array<i32>} : memref<128x64xf32, #tpu.memory_space<vmem>>, vector<16xf32>,
        tpu.vector_store %arg15[%swap3A_2841, %swap3A_2842], %get3A_2840 {add = true, strides = array<i32>} : memref<128x64xf32, #tpu.memory_space<vmem>>, vector<16xf32>,
        %get3A_2844 = arith.index_cast %add3A_2825 : i32 to index
        %get3A_2845 = arith.constant 48 : index
        %get3A_2846 = tpu.vector_load %arg12[%get3A_2844, %get3A_2845] {strides = array<i32>} : memref<128x64xf32, #tpu.memory_space<vmem>>, vector<16xf32>,
        %swap3A_2847 = arith.index_cast %add3A_2825 : i32 to index
        %swap3A_2848 = arith.constant 48 : index
        %swap3A_2849 = tpu.vector_load %arg15[%swap3A_2847, %swap3A_2848] {strides = array<i32>} : memref<128x64xf32, #tpu.memory_space<vmem>>, vector<16xf32>,
        tpu.vector_store %arg15[%swap3A_2847, %swap3A_2848], %get3A_2846 {add = true, strides = array<i32>} : memref<128x64xf32, #tpu.memory_space<vmem>>, vector<16xf32>,
        %mul3A_2850 = arith.constant 4 : i32
        %mul3A_2851 = arith.muli %scan3A_2821, %mul3A_2850 : i32
        %add3A_2852 = arith.constant 1 : i32
        %add3A_2853 = arith.addi %mul3A_2851, %add3A_2852 : i32
        %get3A_2854 = arith.index_cast %add3A_2853 : i32 to index
        %get3A_2855 = arith.constant 0 : index
        %get3A_2856 = tpu.vector_load %arg12[%get3A_2854, %get3A_2855] {strides = array<i32>} : memref<128x64xf32, #tpu.memory_space<vmem>>, vector<16xf32>,
        %swap3A_2857 = arith.index_cast %add3A_2853 : i32 to index
        %swap3A_2858 = arith.constant 0 : index
        %swap3A_2859 = tpu.vector_load %arg15[%swap3A_2857, %swap3A_2858] {strides = array<i32>} : memref<128x64xf32, #tpu.memory_space<vmem>>, vector<16xf32>,
        tpu.vector_store %arg15[%swap3A_2857, %swap3A_2858], %get3A_2856 {add = true, strides = array<i32>} : memref<128x64xf32, #tpu.memory_space<vmem>>, vector<16xf32>,
        %get3A_2860 = arith.index_cast %add3A_2853 : i32 to index
        %get3A_2861 = arith.constant 16 : index
        %get3A_2862 = tpu.vector_load %arg12[%get3A_2860, %get3A_2861] {strides = array<i32>} : memref<128x64xf32, #tpu.memory_space<vmem>>, vector<16xf32>,
        %swap3A_2863 = arith.index_cast %add3A_2853 : i32 to index
        %swap3A_2864 = arith.constant 16 : index
        %swap3A_2865 = tpu.vector_load %arg15[%swap3A_2863, %swap3A_2864] {strides = array<i32>} : memref<128x64xf32, #tpu.memory_space<vmem>>, vector<16xf32>,
        tpu.vector_store %arg15[%swap3A_2863, %swap3A_2864], %get3A_2862 {add = true, strides = array<i32>} : memref<128x64xf32, #tpu.memory_space<vmem>>, vector<16xf32>,
        %get3A_2866 = arith.index_cast %add3A_2853 : i32 to index
        %get3A_2867 = arith.constant 32 : index
        %get3A_2868 = tpu.vector_load %arg12[%get3A_2866, %get3A_2867] {strides = array<i32>} : memref<128x64xf32, #tpu.memory_space<vmem>>, vector<16xf32>,
        %swap3A_2869 = arith.index_cast %add3A_2853 : i32 to index
        %swap3A_2870 = arith.constant 32 : index
        %swap3A_2871 = tpu.vector_load %arg15[%swap3A_2869, %swap3A_2870] {strides = array<i32>} : memref<128x64xf32, #tpu.memory_space<vmem>>, vector<16xf32>,
        tpu.vector_store %arg15[%swap3A_2869, %swap3A_2870], %get3A_2868 {add = true, strides = array<i32>} : memref<128x64xf32, #tpu.memory_space<vmem>>, vector<16xf32>,
        %get3A_2872 = arith.index_cast %add3A_2853 : i32 to index
        %get3A_2873 = arith.constant 48 : index
        %get3A_2874 = tpu.vector_load %arg12[%get3A_2872, %get3A_2873] {strides = array<i32>} : memref<128x64xf32, #tpu.memory_space<vmem>>, vector<16xf32>,
        %swap3A_2875 = arith.index_cast %add3A_2853 : i32 to index
        %swap3A_2876 = arith.constant 48 : index
        %swap3A_2877 = tpu.vector_load %arg15[%swap3A_2875, %swap3A_2876] {strides = array<i32>} : memref<128x64xf32, #tpu.memory_space<vmem>>, vector<16xf32>,
        tpu.vector_store %arg15[%swap3A_2875, %swap3A_2876], %get3A_2874 {add = true, strides = array<i32>} : memref<128x64xf32, #tpu.memory_space<vmem>>, vector<16xf32>,
        %mul3A_2878 = arith.constant 4 : i32
        %mul3A_2879 = arith.muli %scan3A_2821, %mul3A_2878 : i32
        %add3A_2880 = arith.constant 2 : i32
        %add3A_2881 = arith.addi %mul3A_2879, %add3A_2880 : i32
        %get3A_2882 = arith.index_cast %add3A_2881 : i32 to index
        %get3A_2883 = arith.constant 0 : index
        %get3A_2884 = tpu.vector_load %arg12[%get3A_2882, %get3A_2883] {strides = array<i32>} : memref<128x64xf32, #tpu.memory_space<vmem>>, vector<16xf32>,
        %swap3A_2885 = arith.index_cast %add3A_2881 : i32 to index
        %swap3A_2886 = arith.constant 0 : index
        %swap3A_2887 = tpu.vector_load %arg15[%swap3A_2885, %swap3A_2886] {strides = array<i32>} : memref<128x64xf32, #tpu.memory_space<vmem>>, vector<16xf32>,
        tpu.vector_store %arg15[%swap3A_2885, %swap3A_2886], %get3A_2884 {add = true, strides = array<i32>} : memref<128x64xf32, #tpu.memory_space<vmem>>, vector<16xf32>,
        %get3A_2888 = arith.index_cast %add3A_2881 : i32 to index
        %get3A_2889 = arith.constant 16 : index
        %get3A_2890 = tpu.vector_load %arg12[%get3A_2888, %get3A_2889] {strides = array<i32>} : memref<128x64xf32, #tpu.memory_space<vmem>>, vector<16xf32>,
        %swap3A_2891 = arith.index_cast %add3A_2881 : i32 to index
        %swap3A_2892 = arith.constant 16 : index
        %swap3A_2893 = tpu.vector_load %arg15[%swap3A_2891, %swap3A_2892] {strides = array<i32>} : memref<128x64xf32, #tpu.memory_space<vmem>>, vector<16xf32>,
        tpu.vector_store %arg15[%swap3A_2891, %swap3A_2892], %get3A_2890 {add = true, strides = array<i32>} : memref<128x64xf32, #tpu.memory_space<vmem>>, vector<16xf32>,
        %get3A_2894 = arith.index_cast %add3A_2881 : i32 to index
        %get3A_2895 = arith.constant 32 : index
        %get3A_2896 = tpu.vector_load %arg12[%get3A_2894, %get3A_2895] {strides = array<i32>} : memref<128x64xf32, #tpu.memory_space<vmem>>, vector<16xf32>,
        %swap3A_2897 = arith.index_cast %add3A_2881 : i32 to index
        %swap3A_2898 = arith.constant 32 : index
        %swap3A_2899 = tpu.vector_load %arg15[%swap3A_2897, %swap3A_2898] {strides = array<i32>} : memref<128x64xf32, #tpu.memory_space<vmem>>, vector<16xf32>,
        tpu.vector_store %arg15[%swap3A_2897, %swap3A_2898], %get3A_2896 {add = true, strides = array<i32>} : memref<128x64xf32, #tpu.memory_space<vmem>>, vector<16xf32>,
        %get3A_2900 = arith.index_cast %add3A_2881 : i32 to index
        %get3A_2901 = arith.constant 48 : index
        %get3A_2902 = tpu.vector_load %arg12[%get3A_2900, %get3A_2901] {strides = array<i32>} : memref<128x64xf32, #tpu.memory_space<vmem>>, vector<16xf32>,
        %swap3A_2903 = arith.index_cast %add3A_2881 : i32 to index
        %swap3A_2904 = arith.constant 48 : index
        %swap3A_2905 = tpu.vector_load %arg15[%swap3A_2903, %swap3A_2904] {strides = array<i32>} : memref<128x64xf32, #tpu.memory_space<vmem>>, vector<16xf32>,
        tpu.vector_store %arg15[%swap3A_2903, %swap3A_2904], %get3A_2902 {add = true, strides = array<i32>} : memref<128x64xf32, #tpu.memory_space<vmem>>, vector<16xf32>,
        %mul3A_2906 = arith.constant 4 : i32
        %mul3A_2907 = arith.muli %scan3A_2821, %mul3A_2906 : i32
        %add3A_2908 = arith.constant 3 : i32
        %add3A_2909 = arith.addi %mul3A_2907, %add3A_2908 : i32
        %get3A_2910 = arith.index_cast %add3A_2909 : i32 to index
        %get3A_2911 = arith.constant 0 : index
        %get3A_2912 = tpu.vector_load %arg12[%get3A_2910, %get3A_2911] {strides = array<i32>} : memref<128x64xf32, #tpu.memory_space<vmem>>, vector<16xf32>,
        %swap3A_2913 = arith.index_cast %add3A_2909 : i32 to index
        %swap3A_2914 = arith.constant 0 : index
        %swap3A_2915 = tpu.vector_load %arg15[%swap3A_2913, %swap3A_2914] {strides = array<i32>} : memref<128x64xf32, #tpu.memory_space<vmem>>, vector<16xf32>,
        tpu.vector_store %arg15[%swap3A_2913, %swap3A_2914], %get3A_2912 {add = true, strides = array<i32>} : memref<128x64xf32, #tpu.memory_space<vmem>>, vector<16xf32>,
        %get3A_2916 = arith.index_cast %add3A_2909 : i32 to index
        %get3A_2917 = arith.constant 16 : index
        %get3A_2918 = tpu.vector_load %arg12[%get3A_2916, %get3A_2917] {strides = array<i32>} : memref<128x64xf32, #tpu.memory_space<vmem>>, vector<16xf32>,
        %swap3A_2919 = arith.index_cast %add3A_2909 : i32 to index
        %swap3A_2920 = arith.constant 16 : index
        %swap3A_2921 = tpu.vector_load %arg15[%swap3A_2919, %swap3A_2920] {strides = array<i32>} : memref<128x64xf32, #tpu.memory_space<vmem>>, vector<16xf32>,
        tpu.vector_store %arg15[%swap3A_2919, %swap3A_2920], %get3A_2918 {add = true, strides = array<i32>} : memref<128x64xf32, #tpu.memory_space<vmem>>, vector<16xf32>,
        %get3A_2922 = arith.index_cast %add3A_2909 : i32 to index
        %get3A_2923 = arith.constant 32 : index
        %get3A_2924 = tpu.vector_load %arg12[%get3A_2922, %get3A_2923] {strides = array<i32>} : memref<128x64xf32, #tpu.memory_space<vmem>>, vector<16xf32>,
        %swap3A_2925 = arith.index_cast %add3A_2909 : i32 to index
        %swap3A_2926 = arith.constant 32 : index
        %swap3A_2927 = tpu.vector_load %arg15[%swap3A_2925, %swap3A_2926] {strides = array<i32>} : memref<128x64xf32, #tpu.memory_space<vmem>>, vector<16xf32>,
        tpu.vector_store %arg15[%swap3A_2925, %swap3A_2926], %get3A_2924 {add = true, strides = array<i32>} : memref<128x64xf32, #tpu.memory_space<vmem>>, vector<16xf32>,
        %get3A_2928 = arith.index_cast %add3A_2909 : i32 to index
        %get3A_2929 = arith.constant 48 : index
        %get3A_2930 = tpu.vector_load %arg12[%get3A_2928, %get3A_2929] {strides = array<i32>} : memref<128x64xf32, #tpu.memory_space<vmem>>, vector<16xf32>,
        %swap3A_2931 = arith.index_cast %add3A_2909 : i32 to index
        %swap3A_2932 = arith.constant 48 : index
        %swap3A_2933 = tpu.vector_load %arg15[%swap3A_2931, %swap3A_2932] {strides = array<i32>} : memref<128x64xf32, #tpu.memory_space<vmem>>, vector<16xf32>,
        tpu.vector_store %arg15[%swap3A_2931, %swap3A_2932], %get3A_2930 {add = true, strides = array<i32>} : memref<128x64xf32, #tpu.memory_space<vmem>>, vector<16xf32>,
      }
      %scan3A_2768 = arith.constant 32 : i32
      %mul3A_2769 = arith.constant 4 : i32
      %mul3A_2770 = arith.muli %scan3A_2719, %mul3A_2769 : i32
      %add3A_2771 = arith.constant 2 : i32
      %add3A_2772 = arith.addi %mul3A_2770, %add3A_2771 : i32
      %dma_wait3A_2773 = arith.constant 0 : i32
      %dma_wait3A_2774 = arith.constant 0 : i32
      %dma_wait3A_2775 = tpu.memref_slice %arg10[%dma_wait3A_2773, %dma_wait3A_2774] : memref<20x128xi32, #tpu.memory_space<vmem>> -> memref<1x128xi32, #tpu.memory_space<vmem>>
      %dma_wait3A_2776 = tpu.memref_squeeze %dma_wait3A_2775 : memref<1x128xi32, #tpu.memory_space<vmem>> -> memref<128xi32, #tpu.memory_space<vmem>>
      %dma_wait3A_2777 = arith.constant 0 : i32
      %dma_wait3A_2778 = arith.constant 0 : i32
      %dma_wait3A_2779 = tpu.memref_slice %arg5[%dma_wait3A_2777, %dma_wait3A_2778] : memref<100000x64xf32, #tpu.memory_space<hbm>> -> memref<100000x64xf32, #tpu.memory_space<hbm>>
      tpu.wait_indirect_dma semaphore(%arg21 : memref<!tpu.dma_semaphore, #tpu.memory_space<semaphore_mem>>) src(%dma_wait3A_2779 : memref<100000x64xf32, #tpu.memory_space<hbm>>) dst(%arg13 : memref<128x64xf32, #tpu.memory_space<vmem>>)
      %add3A_2780 = arith.constant 4 : i32
      %add3A_2781 = arith.addi %add3A_2772, %add3A_2780 : i32
      %sub3A_2782 = arith.constant 1 : i32
      %sub3A_2783 = arith.subi %add3A_2781, %sub3A_2782 : i32
      %lt3A_2784 = arith.constant 20 : i32
      %lt3A_2785 = arith.cmpi slt, %sub3A_2783, %lt3A_2784 : i32
      %convert_element_type3A_2786 = arith.extui %lt3A_2785 : i1 to i32
      %cond3A_2787 = arith.constant 0 : i32
      %cond3A_2788 = arith.cmpi ne, %convert_element_type3A_2786, %cond3A_2787 : i32
      scf.if %cond3A_2788 {
        %dma_start3A_2821 = arith.constant 0 : i32
        %dma_start3A_2822 = tpu.memref_slice %arg10[%sub3A_2783, %dma_start3A_2821] : memref<20x128xi32, #tpu.memory_space<vmem>> -> memref<1x128xi32, #tpu.memory_space<vmem>>
        %dma_start3A_2823 = tpu.memref_squeeze %dma_start3A_2822 : memref<1x128xi32, #tpu.memory_space<vmem>> -> memref<128xi32, #tpu.memory_space<vmem>>
        %dma_start3A_2824 = arith.constant 0 : i32
        %dma_start3A_2825 = arith.constant 0 : i32
        %dma_start3A_2826 = tpu.memref_slice %arg5[%dma_start3A_2824, %dma_start3A_2825] : memref<100000x64xf32, #tpu.memory_space<hbm>> -> memref<100000x64xf32, #tpu.memory_space<hbm>>
        tpu.enqueue_indirect_dma source(%dma_start3A_2826 : memref<100000x64xf32, #tpu.memory_space<hbm>>) target(%arg12 : memref<128x64xf32, #tpu.memory_space<vmem>>) offsets(%dma_start3A_2823 : memref<128xi32, #tpu.memory_space<vmem>>) semaphore(%arg20 : memref<!tpu.dma_semaphore, #tpu.memory_space<semaphore_mem>>)
      } else {
      }
      %scan3A_2789 = arith.constant 0 : i32
      %scan3A_2790 = arith.constant 0 : i32
      %scan3A_2791 = arith.constant 32 : i32
      %scan3A_2792 = arith.addi %scan3A_2790, %scan3A_2791 : i32
      %scan3A_2793 = arith.constant 1 : i32
      scf.for %scan3A_2821 = %scan3A_2790 to %scan3A_2792 step %scan3A_2793  : i32 {
        %mul3A_2822 = arith.constant 4 : i32
        %mul3A_2823 = arith.muli %scan3A_2821, %mul3A_2822 : i32
        %add3A_2824 = arith.constant 0 : i32
        %add3A_2825 = arith.addi %mul3A_2823, %add3A_2824 : i32
        %get3A_2826 = arith.index_cast %add3A_2825 : i32 to index
        %get3A_2827 = arith.constant 0 : index
        %get3A_2828 = tpu.vector_load %arg13[%get3A_2826, %get3A_2827] {strides = array<i32>} : memref<128x64xf32, #tpu.memory_space<vmem>>, vector<16xf32>,
        %swap3A_2829 = arith.index_cast %add3A_2825 : i32 to index
        %swap3A_2830 = arith.constant 0 : index
        %swap3A_2831 = tpu.vector_load %arg15[%swap3A_2829, %swap3A_2830] {strides = array<i32>} : memref<128x64xf32, #tpu.memory_space<vmem>>, vector<16xf32>,
        tpu.vector_store %arg15[%swap3A_2829, %swap3A_2830], %get3A_2828 {add = true, strides = array<i32>} : memref<128x64xf32, #tpu.memory_space<vmem>>, vector<16xf32>,
        %get3A_2832 = arith.index_cast %add3A_2825 : i32 to index
        %get3A_2833 = arith.constant 16 : index
        %get3A_2834 = tpu.vector_load %arg13[%get3A_2832, %get3A_2833] {strides = array<i32>} : memref<128x64xf32, #tpu.memory_space<vmem>>, vector<16xf32>,
        %swap3A_2835 = arith.index_cast %add3A_2825 : i32 to index
        %swap3A_2836 = arith.constant 16 : index
        %swap3A_2837 = tpu.vector_load %arg15[%swap3A_2835, %swap3A_2836] {strides = array<i32>} : memref<128x64xf32, #tpu.memory_space<vmem>>, vector<16xf32>,
        tpu.vector_store %arg15[%swap3A_2835, %swap3A_2836], %get3A_2834 {add = true, strides = array<i32>} : memref<128x64xf32, #tpu.memory_space<vmem>>, vector<16xf32>,
        %get3A_2838 = arith.index_cast %add3A_2825 : i32 to index
        %get3A_2839 = arith.constant 32 : index
        %get3A_2840 = tpu.vector_load %arg13[%get3A_2838, %get3A_2839] {strides = array<i32>} : memref<128x64xf32, #tpu.memory_space<vmem>>, vector<16xf32>,
        %swap3A_2841 = arith.index_cast %add3A_2825 : i32 to index
        %swap3A_2842 = arith.constant 32 : index
        %swap3A_2843 = tpu.vector_load %arg15[%swap3A_2841, %swap3A_2842] {strides = array<i32>} : memref<128x64xf32, #tpu.memory_space<vmem>>, vector<16xf32>,
        tpu.vector_store %arg15[%swap3A_2841, %swap3A_2842], %get3A_2840 {add = true, strides = array<i32>} : memref<128x64xf32, #tpu.memory_space<vmem>>, vector<16xf32>,
        %get3A_2844 = arith.index_cast %add3A_2825 : i32 to index
        %get3A_2845 = arith.constant 48 : index
        %get3A_2846 = tpu.vector_load %arg13[%get3A_2844, %get3A_2845] {strides = array<i32>} : memref<128x64xf32, #tpu.memory_space<vmem>>, vector<16xf32>,
        %swap3A_2847 = arith.index_cast %add3A_2825 : i32 to index
        %swap3A_2848 = arith.constant 48 : index
        %swap3A_2849 = tpu.vector_load %arg15[%swap3A_2847, %swap3A_2848] {strides = array<i32>} : memref<128x64xf32, #tpu.memory_space<vmem>>, vector<16xf32>,
        tpu.vector_store %arg15[%swap3A_2847, %swap3A_2848], %get3A_2846 {add = true, strides = array<i32>} : memref<128x64xf32, #tpu.memory_space<vmem>>, vector<16xf32>,
        %mul3A_2850 = arith.constant 4 : i32
        %mul3A_2851 = arith.muli %scan3A_2821, %mul3A_2850 : i32
        %add3A_2852 = arith.constant 1 : i32
        %add3A_2853 = arith.addi %mul3A_2851, %add3A_2852 : i32
        %get3A_2854 = arith.index_cast %add3A_2853 : i32 to index
        %get3A_2855 = arith.constant 0 : index
        %get3A_2856 = tpu.vector_load %arg13[%get3A_2854, %get3A_2855] {strides = array<i32>} : memref<128x64xf32, #tpu.memory_space<vmem>>, vector<16xf32>,
        %swap3A_2857 = arith.index_cast %add3A_2853 : i32 to index
        %swap3A_2858 = arith.constant 0 : index
        %swap3A_2859 = tpu.vector_load %arg15[%swap3A_2857, %swap3A_2858] {strides = array<i32>} : memref<128x64xf32, #tpu.memory_space<vmem>>, vector<16xf32>,
        tpu.vector_store %arg15[%swap3A_2857, %swap3A_2858], %get3A_2856 {add = true, strides = array<i32>} : memref<128x64xf32, #tpu.memory_space<vmem>>, vector<16xf32>,
        %get3A_2860 = arith.index_cast %add3A_2853 : i32 to index
        %get3A_2861 = arith.constant 16 : index
        %get3A_2862 = tpu.vector_load %arg13[%get3A_2860, %get3A_2861] {strides = array<i32>} : memref<128x64xf32, #tpu.memory_space<vmem>>, vector<16xf32>,
        %swap3A_2863 = arith.index_cast %add3A_2853 : i32 to index
        %swap3A_2864 = arith.constant 16 : index
        %swap3A_2865 = tpu.vector_load %arg15[%swap3A_2863, %swap3A_2864] {strides = array<i32>} : memref<128x64xf32, #tpu.memory_space<vmem>>, vector<16xf32>,
        tpu.vector_store %arg15[%swap3A_2863, %swap3A_2864], %get3A_2862 {add = true, strides = array<i32>} : memref<128x64xf32, #tpu.memory_space<vmem>>, vector<16xf32>,
        %get3A_2866 = arith.index_cast %add3A_2853 : i32 to index
        %get3A_2867 = arith.constant 32 : index
        %get3A_2868 = tpu.vector_load %arg13[%get3A_2866, %get3A_2867] {strides = array<i32>} : memref<128x64xf32, #tpu.memory_space<vmem>>, vector<16xf32>,
        %swap3A_2869 = arith.index_cast %add3A_2853 : i32 to index
        %swap3A_2870 = arith.constant 32 : index
        %swap3A_2871 = tpu.vector_load %arg15[%swap3A_2869, %swap3A_2870] {strides = array<i32>} : memref<128x64xf32, #tpu.memory_space<vmem>>, vector<16xf32>,
        tpu.vector_store %arg15[%swap3A_2869, %swap3A_2870], %get3A_2868 {add = true, strides = array<i32>} : memref<128x64xf32, #tpu.memory_space<vmem>>, vector<16xf32>,
        %get3A_2872 = arith.index_cast %add3A_2853 : i32 to index
        %get3A_2873 = arith.constant 48 : index
        %get3A_2874 = tpu.vector_load %arg13[%get3A_2872, %get3A_2873] {strides = array<i32>} : memref<128x64xf32, #tpu.memory_space<vmem>>, vector<16xf32>,
        %swap3A_2875 = arith.index_cast %add3A_2853 : i32 to index
        %swap3A_2876 = arith.constant 48 : index
        %swap3A_2877 = tpu.vector_load %arg15[%swap3A_2875, %swap3A_2876] {strides = array<i32>} : memref<128x64xf32, #tpu.memory_space<vmem>>, vector<16xf32>,
        tpu.vector_store %arg15[%swap3A_2875, %swap3A_2876], %get3A_2874 {add = true, strides = array<i32>} : memref<128x64xf32, #tpu.memory_space<vmem>>, vector<16xf32>,
        %mul3A_2878 = arith.constant 4 : i32
        %mul3A_2879 = arith.muli %scan3A_2821, %mul3A_2878 : i32
        %add3A_2880 = arith.constant 2 : i32
        %add3A_2881 = arith.addi %mul3A_2879, %add3A_2880 : i32
        %get3A_2882 = arith.index_cast %add3A_2881 : i32 to index
        %get3A_2883 = arith.constant 0 : index
        %get3A_2884 = tpu.vector_load %arg13[%get3A_2882, %get3A_2883] {strides = array<i32>} : memref<128x64xf32, #tpu.memory_space<vmem>>, vector<16xf32>,
        %swap3A_2885 = arith.index_cast %add3A_2881 : i32 to index
        %swap3A_2886 = arith.constant 0 : index
        %swap3A_2887 = tpu.vector_load %arg15[%swap3A_2885, %swap3A_2886] {strides = array<i32>} : memref<128x64xf32, #tpu.memory_space<vmem>>, vector<16xf32>,
        tpu.vector_store %arg15[%swap3A_2885, %swap3A_2886], %get3A_2884 {add = true, strides = array<i32>} : memref<128x64xf32, #tpu.memory_space<vmem>>, vector<16xf32>,
        %get3A_2888 = arith.index_cast %add3A_2881 : i32 to index
        %get3A_2889 = arith.constant 16 : index
        %get3A_2890 = tpu.vector_load %arg13[%get3A_2888, %get3A_2889] {strides = array<i32>} : memref<128x64xf32, #tpu.memory_space<vmem>>, vector<16xf32>,
        %swap3A_2891 = arith.index_cast %add3A_2881 : i32 to index
        %swap3A_2892 = arith.constant 16 : index
        %swap3A_2893 = tpu.vector_load %arg15[%swap3A_2891, %swap3A_2892] {strides = array<i32>} : memref<128x64xf32, #tpu.memory_space<vmem>>, vector<16xf32>,
        tpu.vector_store %arg15[%swap3A_2891, %swap3A_2892], %get3A_2890 {add = true, strides = array<i32>} : memref<128x64xf32, #tpu.memory_space<vmem>>, vector<16xf32>,
        %get3A_2894 = arith.index_cast %add3A_2881 : i32 to index
        %get3A_2895 = arith.constant 32 : index
        %get3A_2896 = tpu.vector_load %arg13[%get3A_2894, %get3A_2895] {strides = array<i32>} : memref<128x64xf32, #tpu.memory_space<vmem>>, vector<16xf32>,
        %swap3A_2897 = arith.index_cast %add3A_2881 : i32 to index
        %swap3A_2898 = arith.constant 32 : index
        %swap3A_2899 = tpu.vector_load %arg15[%swap3A_2897, %swap3A_2898] {strides = array<i32>} : memref<128x64xf32, #tpu.memory_space<vmem>>, vector<16xf32>,
        tpu.vector_store %arg15[%swap3A_2897, %swap3A_2898], %get3A_2896 {add = true, strides = array<i32>} : memref<128x64xf32, #tpu.memory_space<vmem>>, vector<16xf32>,
        %get3A_2900 = arith.index_cast %add3A_2881 : i32 to index
        %get3A_2901 = arith.constant 48 : index
        %get3A_2902 = tpu.vector_load %arg13[%get3A_2900, %get3A_2901] {strides = array<i32>} : memref<128x64xf32, #tpu.memory_space<vmem>>, vector<16xf32>,
        %swap3A_2903 = arith.index_cast %add3A_2881 : i32 to index
        %swap3A_2904 = arith.constant 48 : index
        %swap3A_2905 = tpu.vector_load %arg15[%swap3A_2903, %swap3A_2904] {strides = array<i32>} : memref<128x64xf32, #tpu.memory_space<vmem>>, vector<16xf32>,
        tpu.vector_store %arg15[%swap3A_2903, %swap3A_2904], %get3A_2902 {add = true, strides = array<i32>} : memref<128x64xf32, #tpu.memory_space<vmem>>, vector<16xf32>,
        %mul3A_2906 = arith.constant 4 : i32
        %mul3A_2907 = arith.muli %scan3A_2821, %mul3A_2906 : i32
        %add3A_2908 = arith.constant 3 : i32
        %add3A_2909 = arith.addi %mul3A_2907, %add3A_2908 : i32
        %get3A_2910 = arith.index_cast %add3A_2909 : i32 to index
        %get3A_2911 = arith.constant 0 : index
        %get3A_2912 = tpu.vector_load %arg13[%get3A_2910, %get3A_2911] {strides = array<i32>} : memref<128x64xf32, #tpu.memory_space<vmem>>, vector<16xf32>,
        %swap3A_2913 = arith.index_cast %add3A_2909 : i32 to index
        %swap3A_2914 = arith.constant 0 : index
        %swap3A_2915 = tpu.vector_load %arg15[%swap3A_2913, %swap3A_2914] {strides = array<i32>} : memref<128x64xf32, #tpu.memory_space<vmem>>, vector<16xf32>,
        tpu.vector_store %arg15[%swap3A_2913, %swap3A_2914], %get3A_2912 {add = true, strides = array<i32>} : memref<128x64xf32, #tpu.memory_space<vmem>>, vector<16xf32>,
        %get3A_2916 = arith.index_cast %add3A_2909 : i32 to index
        %get3A_2917 = arith.constant 16 : index
        %get3A_2918 = tpu.vector_load %arg13[%get3A_2916, %get3A_2917] {strides = array<i32>} : memref<128x64xf32, #tpu.memory_space<vmem>>, vector<16xf32>,
        %swap3A_2919 = arith.index_cast %add3A_2909 : i32 to index
        %swap3A_2920 = arith.constant 16 : index
        %swap3A_2921 = tpu.vector_load %arg15[%swap3A_2919, %swap3A_2920] {strides = array<i32>} : memref<128x64xf32, #tpu.memory_space<vmem>>, vector<16xf32>,
        tpu.vector_store %arg15[%swap3A_2919, %swap3A_2920], %get3A_2918 {add = true, strides = array<i32>} : memref<128x64xf32, #tpu.memory_space<vmem>>, vector<16xf32>,
        %get3A_2922 = arith.index_cast %add3A_2909 : i32 to index
        %get3A_2923 = arith.constant 32 : index
        %get3A_2924 = tpu.vector_load %arg13[%get3A_2922, %get3A_2923] {strides = array<i32>} : memref<128x64xf32, #tpu.memory_space<vmem>>, vector<16xf32>,
        %swap3A_2925 = arith.index_cast %add3A_2909 : i32 to index
        %swap3A_2926 = arith.constant 32 : index
        %swap3A_2927 = tpu.vector_load %arg15[%swap3A_2925, %swap3A_2926] {strides = array<i32>} : memref<128x64xf32, #tpu.memory_space<vmem>>, vector<16xf32>,
        tpu.vector_store %arg15[%swap3A_2925, %swap3A_2926], %get3A_2924 {add = true, strides = array<i32>} : memref<128x64xf32, #tpu.memory_space<vmem>>, vector<16xf32>,
        %get3A_2928 = arith.index_cast %add3A_2909 : i32 to index
        %get3A_2929 = arith.constant 48 : index
        %get3A_2930 = tpu.vector_load %arg13[%get3A_2928, %get3A_2929] {strides = array<i32>} : memref<128x64xf32, #tpu.memory_space<vmem>>, vector<16xf32>,
        %swap3A_2931 = arith.index_cast %add3A_2909 : i32 to index
        %swap3A_2932 = arith.constant 48 : index
        %swap3A_2933 = tpu.vector_load %arg15[%swap3A_2931, %swap3A_2932] {strides = array<i32>} : memref<128x64xf32, #tpu.memory_space<vmem>>, vector<16xf32>,
        tpu.vector_store %arg15[%swap3A_2931, %swap3A_2932], %get3A_2930 {add = true, strides = array<i32>} : memref<128x64xf32, #tpu.memory_space<vmem>>, vector<16xf32>,
      }
      %scan3A_2794 = arith.constant 32 : i32
      %mul3A_2795 = arith.constant 4 : i32
      %mul3A_2796 = arith.muli %scan3A_2719, %mul3A_2795 : i32
      %add3A_2797 = arith.constant 3 : i32
      %add3A_2798 = arith.addi %mul3A_2796, %add3A_2797 : i32
      %dma_wait3A_2799 = arith.constant 0 : i32
      %dma_wait3A_2800 = arith.constant 0 : i32
      %dma_wait3A_2801 = tpu.memref_slice %arg10[%dma_wait3A_2799, %dma_wait3A_2800] : memref<20x128xi32, #tpu.memory_space<vmem>> -> memref<1x128xi32, #tpu.memory_space<vmem>>
      %dma_wait3A_2802 = tpu.memref_squeeze %dma_wait3A_2801 : memref<1x128xi32, #tpu.memory_space<vmem>> -> memref<128xi32, #tpu.memory_space<vmem>>
      %dma_wait3A_2803 = arith.constant 0 : i32
      %dma_wait3A_2804 = arith.constant 0 : i32
      %dma_wait3A_2805 = tpu.memref_slice %arg5[%dma_wait3A_2803, %dma_wait3A_2804] : memref<100000x64xf32, #tpu.memory_space<hbm>> -> memref<100000x64xf32, #tpu.memory_space<hbm>>
      tpu.wait_indirect_dma semaphore(%arg22 : memref<!tpu.dma_semaphore, #tpu.memory_space<semaphore_mem>>) src(%dma_wait3A_2805 : memref<100000x64xf32, #tpu.memory_space<hbm>>) dst(%arg14 : memref<128x64xf32, #tpu.memory_space<vmem>>)
      %add3A_2806 = arith.constant 4 : i32
      %add3A_2807 = arith.addi %add3A_2798, %add3A_2806 : i32
      %sub3A_2808 = arith.constant 1 : i32
      %sub3A_2809 = arith.subi %add3A_2807, %sub3A_2808 : i32
      %lt3A_2810 = arith.constant 20 : i32
      %lt3A_2811 = arith.cmpi slt, %sub3A_2809, %lt3A_2810 : i32
      %convert_element_type3A_2812 = arith.extui %lt3A_2811 : i1 to i32
      %cond3A_2813 = arith.constant 0 : i32
      %cond3A_2814 = arith.cmpi ne, %convert_element_type3A_2812, %cond3A_2813 : i32
      scf.if %cond3A_2814 {
        %dma_start3A_2821 = arith.constant 0 : i32
        %dma_start3A_2822 = tpu.memref_slice %arg10[%sub3A_2809, %dma_start3A_2821] : memref<20x128xi32, #tpu.memory_space<vmem>> -> memref<1x128xi32, #tpu.memory_space<vmem>>
        %dma_start3A_2823 = tpu.memref_squeeze %dma_start3A_2822 : memref<1x128xi32, #tpu.memory_space<vmem>> -> memref<128xi32, #tpu.memory_space<vmem>>
        %dma_start3A_2824 = arith.constant 0 : i32
        %dma_start3A_2825 = arith.constant 0 : i32
        %dma_start3A_2826 = tpu.memref_slice %arg5[%dma_start3A_2824, %dma_start3A_2825] : memref<100000x64xf32, #tpu.memory_space<hbm>> -> memref<100000x64xf32, #tpu.memory_space<hbm>>
        tpu.enqueue_indirect_dma source(%dma_start3A_2826 : memref<100000x64xf32, #tpu.memory_space<hbm>>) target(%arg13 : memref<128x64xf32, #tpu.memory_space<vmem>>) offsets(%dma_start3A_2823 : memref<128xi32, #tpu.memory_space<vmem>>) semaphore(%arg21 : memref<!tpu.dma_semaphore, #tpu.memory_space<semaphore_mem>>)
      } else {
      }
      %scan3A_2815 = arith.constant 0 : i32
      %scan3A_2816 = arith.constant 0 : i32
      %scan3A_2817 = arith.constant 32 : i32
      %scan3A_2818 = arith.addi %scan3A_2816, %scan3A_2817 : i32
      %scan3A_2819 = arith.constant 1 : i32
      scf.for %scan3A_2821 = %scan3A_2816 to %scan3A_2818 step %scan3A_2819  : i32 {
        %mul3A_2822 = arith.constant 4 : i32
        %mul3A_2823 = arith.muli %scan3A_2821, %mul3A_2822 : i32
        %add3A_2824 = arith.constant 0 : i32
        %add3A_2825 = arith.addi %mul3A_2823, %add3A_2824 : i32
        %get3A_2826 = arith.index_cast %add3A_2825 : i32 to index
        %get3A_2827 = arith.constant 0 : index
        %get3A_2828 = tpu.vector_load %arg14[%get3A_2826, %get3A_2827] {strides = array<i32>} : memref<128x64xf32, #tpu.memory_space<vmem>>, vector<16xf32>,
        %swap3A_2829 = arith.index_cast %add3A_2825 : i32 to index
        %swap3A_2830 = arith.constant 0 : index
        %swap3A_2831 = tpu.vector_load %arg15[%swap3A_2829, %swap3A_2830] {strides = array<i32>} : memref<128x64xf32, #tpu.memory_space<vmem>>, vector<16xf32>,
        tpu.vector_store %arg15[%swap3A_2829, %swap3A_2830], %get3A_2828 {add = true, strides = array<i32>} : memref<128x64xf32, #tpu.memory_space<vmem>>, vector<16xf32>,
        %get3A_2832 = arith.index_cast %add3A_2825 : i32 to index
        %get3A_2833 = arith.constant 16 : index
        %get3A_2834 = tpu.vector_load %arg14[%get3A_2832, %get3A_2833] {strides = array<i32>} : memref<128x64xf32, #tpu.memory_space<vmem>>, vector<16xf32>,
        %swap3A_2835 = arith.index_cast %add3A_2825 : i32 to index
        %swap3A_2836 = arith.constant 16 : index
        %swap3A_2837 = tpu.vector_load %arg15[%swap3A_2835, %swap3A_2836] {strides = array<i32>} : memref<128x64xf32, #tpu.memory_space<vmem>>, vector<16xf32>,
        tpu.vector_store %arg15[%swap3A_2835, %swap3A_2836], %get3A_2834 {add = true, strides = array<i32>} : memref<128x64xf32, #tpu.memory_space<vmem>>, vector<16xf32>,
        %get3A_2838 = arith.index_cast %add3A_2825 : i32 to index
        %get3A_2839 = arith.constant 32 : index
        %get3A_2840 = tpu.vector_load %arg14[%get3A_2838, %get3A_2839] {strides = array<i32>} : memref<128x64xf32, #tpu.memory_space<vmem>>, vector<16xf32>,
        %swap3A_2841 = arith.index_cast %add3A_2825 : i32 to index
        %swap3A_2842 = arith.constant 32 : index
        %swap3A_2843 = tpu.vector_load %arg15[%swap3A_2841, %swap3A_2842] {strides = array<i32>} : memref<128x64xf32, #tpu.memory_space<vmem>>, vector<16xf32>,
        tpu.vector_store %arg15[%swap3A_2841, %swap3A_2842], %get3A_2840 {add = true, strides = array<i32>} : memref<128x64xf32, #tpu.memory_space<vmem>>, vector<16xf32>,
        %get3A_2844 = arith.index_cast %add3A_2825 : i32 to index
        %get3A_2845 = arith.constant 48 : index
        %get3A_2846 = tpu.vector_load %arg14[%get3A_2844, %get3A_2845] {strides = array<i32>} : memref<128x64xf32, #tpu.memory_space<vmem>>, vector<16xf32>,
        %swap3A_2847 = arith.index_cast %add3A_2825 : i32 to index
        %swap3A_2848 = arith.constant 48 : index
        %swap3A_2849 = tpu.vector_load %arg15[%swap3A_2847, %swap3A_2848] {strides = array<i32>} : memref<128x64xf32, #tpu.memory_space<vmem>>, vector<16xf32>,
        tpu.vector_store %arg15[%swap3A_2847, %swap3A_2848], %get3A_2846 {add = true, strides = array<i32>} : memref<128x64xf32, #tpu.memory_space<vmem>>, vector<16xf32>,
        %mul3A_2850 = arith.constant 4 : i32
        %mul3A_2851 = arith.muli %scan3A_2821, %mul3A_2850 : i32
        %add3A_2852 = arith.constant 1 : i32
        %add3A_2853 = arith.addi %mul3A_2851, %add3A_2852 : i32
        %get3A_2854 = arith.index_cast %add3A_2853 : i32 to index
        %get3A_2855 = arith.constant 0 : index
        %get3A_2856 = tpu.vector_load %arg14[%get3A_2854, %get3A_2855] {strides = array<i32>} : memref<128x64xf32, #tpu.memory_space<vmem>>, vector<16xf32>,
        %swap3A_2857 = arith.index_cast %add3A_2853 : i32 to index
        %swap3A_2858 = arith.constant 0 : index
        %swap3A_2859 = tpu.vector_load %arg15[%swap3A_2857, %swap3A_2858] {strides = array<i32>} : memref<128x64xf32, #tpu.memory_space<vmem>>, vector<16xf32>,
        tpu.vector_store %arg15[%swap3A_2857, %swap3A_2858], %get3A_2856 {add = true, strides = array<i32>} : memref<128x64xf32, #tpu.memory_space<vmem>>, vector<16xf32>,
        %get3A_2860 = arith.index_cast %add3A_2853 : i32 to index
        %get3A_2861 = arith.constant 16 : index
        %get3A_2862 = tpu.vector_load %arg14[%get3A_2860, %get3A_2861] {strides = array<i32>} : memref<128x64xf32, #tpu.memory_space<vmem>>, vector<16xf32>,
        %swap3A_2863 = arith.index_cast %add3A_2853 : i32 to index
        %swap3A_2864 = arith.constant 16 : index
        %swap3A_2865 = tpu.vector_load %arg15[%swap3A_2863, %swap3A_2864] {strides = array<i32>} : memref<128x64xf32, #tpu.memory_space<vmem>>, vector<16xf32>,
        tpu.vector_store %arg15[%swap3A_2863, %swap3A_2864], %get3A_2862 {add = true, strides = array<i32>} : memref<128x64xf32, #tpu.memory_space<vmem>>, vector<16xf32>,
        %get3A_2866 = arith.index_cast %add3A_2853 : i32 to index
        %get3A_2867 = arith.constant 32 : index
        %get3A_2868 = tpu.vector_load %arg14[%get3A_2866, %get3A_2867] {strides = array<i32>} : memref<128x64xf32, #tpu.memory_space<vmem>>, vector<16xf32>,
        %swap3A_2869 = arith.index_cast %add3A_2853 : i32 to index
        %swap3A_2870 = arith.constant 32 : index
        %swap3A_2871 = tpu.vector_load %arg15[%swap3A_2869, %swap3A_2870] {strides = array<i32>} : memref<128x64xf32, #tpu.memory_space<vmem>>, vector<16xf32>,
        tpu.vector_store %arg15[%swap3A_2869, %swap3A_2870], %get3A_2868 {add = true, strides = array<i32>} : memref<128x64xf32, #tpu.memory_space<vmem>>, vector<16xf32>,
        %get3A_2872 = arith.index_cast %add3A_2853 : i32 to index
        %get3A_2873 = arith.constant 48 : index
        %get3A_2874 = tpu.vector_load %arg14[%get3A_2872, %get3A_2873] {strides = array<i32>} : memref<128x64xf32, #tpu.memory_space<vmem>>, vector<16xf32>,
        %swap3A_2875 = arith.index_cast %add3A_2853 : i32 to index
        %swap3A_2876 = arith.constant 48 : index
        %swap3A_2877 = tpu.vector_load %arg15[%swap3A_2875, %swap3A_2876] {strides = array<i32>} : memref<128x64xf32, #tpu.memory_space<vmem>>, vector<16xf32>,
        tpu.vector_store %arg15[%swap3A_2875, %swap3A_2876], %get3A_2874 {add = true, strides = array<i32>} : memref<128x64xf32, #tpu.memory_space<vmem>>, vector<16xf32>,
        %mul3A_2878 = arith.constant 4 : i32
        %mul3A_2879 = arith.muli %scan3A_2821, %mul3A_2878 : i32
        %add3A_2880 = arith.constant 2 : i32
        %add3A_2881 = arith.addi %mul3A_2879, %add3A_2880 : i32
        %get3A_2882 = arith.index_cast %add3A_2881 : i32 to index
        %get3A_2883 = arith.constant 0 : index
        %get3A_2884 = tpu.vector_load %arg14[%get3A_2882, %get3A_2883] {strides = array<i32>} : memref<128x64xf32, #tpu.memory_space<vmem>>, vector<16xf32>,
        %swap3A_2885 = arith.index_cast %add3A_2881 : i32 to index
        %swap3A_2886 = arith.constant 0 : index
        %swap3A_2887 = tpu.vector_load %arg15[%swap3A_2885, %swap3A_2886] {strides = array<i32>} : memref<128x64xf32, #tpu.memory_space<vmem>>, vector<16xf32>,
        tpu.vector_store %arg15[%swap3A_2885, %swap3A_2886], %get3A_2884 {add = true, strides = array<i32>} : memref<128x64xf32, #tpu.memory_space<vmem>>, vector<16xf32>,
        %get3A_2888 = arith.index_cast %add3A_2881 : i32 to index
        %get3A_2889 = arith.constant 16 : index
        %get3A_2890 = tpu.vector_load %arg14[%get3A_2888, %get3A_2889] {strides = array<i32>} : memref<128x64xf32, #tpu.memory_space<vmem>>, vector<16xf32>,
        %swap3A_2891 = arith.index_cast %add3A_2881 : i32 to index
        %swap3A_2892 = arith.constant 16 : index
        %swap3A_2893 = tpu.vector_load %arg15[%swap3A_2891, %swap3A_2892] {strides = array<i32>} : memref<128x64xf32, #tpu.memory_space<vmem>>, vector<16xf32>,
        tpu.vector_store %arg15[%swap3A_2891, %swap3A_2892], %get3A_2890 {add = true, strides = array<i32>} : memref<128x64xf32, #tpu.memory_space<vmem>>, vector<16xf32>,
        %get3A_2894 = arith.index_cast %add3A_2881 : i32 to index
        %get3A_2895 = arith.constant 32 : index
        %get3A_2896 = tpu.vector_load %arg14[%get3A_2894, %get3A_2895] {strides = array<i32>} : memref<128x64xf32, #tpu.memory_space<vmem>>, vector<16xf32>,
        %swap3A_2897 = arith.index_cast %add3A_2881 : i32 to index
        %swap3A_2898 = arith.constant 32 : index
        %swap3A_2899 = tpu.vector_load %arg15[%swap3A_2897, %swap3A_2898] {strides = array<i32>} : memref<128x64xf32, #tpu.memory_space<vmem>>, vector<16xf32>,
        tpu.vector_store %arg15[%swap3A_2897, %swap3A_2898], %get3A_2896 {add = true, strides = array<i32>} : memref<128x64xf32, #tpu.memory_space<vmem>>, vector<16xf32>,
        %get3A_2900 = arith.index_cast %add3A_2881 : i32 to index
        %get3A_2901 = arith.constant 48 : index
        %get3A_2902 = tpu.vector_load %arg14[%get3A_2900, %get3A_2901] {strides = array<i32>} : memref<128x64xf32, #tpu.memory_space<vmem>>, vector<16xf32>,
        %swap3A_2903 = arith.index_cast %add3A_2881 : i32 to index
        %swap3A_2904 = arith.constant 48 : index
        %swap3A_2905 = tpu.vector_load %arg15[%swap3A_2903, %swap3A_2904] {strides = array<i32>} : memref<128x64xf32, #tpu.memory_space<vmem>>, vector<16xf32>,
        tpu.vector_store %arg15[%swap3A_2903, %swap3A_2904], %get3A_2902 {add = true, strides = array<i32>} : memref<128x64xf32, #tpu.memory_space<vmem>>, vector<16xf32>,
        %mul3A_2906 = arith.constant 4 : i32
        %mul3A_2907 = arith.muli %scan3A_2821, %mul3A_2906 : i32
        %add3A_2908 = arith.constant 3 : i32
        %add3A_2909 = arith.addi %mul3A_2907, %add3A_2908 : i32
        %get3A_2910 = arith.index_cast %add3A_2909 : i32 to index
        %get3A_2911 = arith.constant 0 : index
        %get3A_2912 = tpu.vector_load %arg14[%get3A_2910, %get3A_2911] {strides = array<i32>} : memref<128x64xf32, #tpu.memory_space<vmem>>, vector<16xf32>,
        %swap3A_2913 = arith.index_cast %add3A_2909 : i32 to index
        %swap3A_2914 = arith.constant 0 : index
        %swap3A_2915 = tpu.vector_load %arg15[%swap3A_2913, %swap3A_2914] {strides = array<i32>} : memref<128x64xf32, #tpu.memory_space<vmem>>, vector<16xf32>,
        tpu.vector_store %arg15[%swap3A_2913, %swap3A_2914], %get3A_2912 {add = true, strides = array<i32>} : memref<128x64xf32, #tpu.memory_space<vmem>>, vector<16xf32>,
        %get3A_2916 = arith.index_cast %add3A_2909 : i32 to index
        %get3A_2917 = arith.constant 16 : index
        %get3A_2918 = tpu.vector_load %arg14[%get3A_2916, %get3A_2917] {strides = array<i32>} : memref<128x64xf32, #tpu.memory_space<vmem>>, vector<16xf32>,
        %swap3A_2919 = arith.index_cast %add3A_2909 : i32 to index
        %swap3A_2920 = arith.constant 16 : index
        %swap3A_2921 = tpu.vector_load %arg15[%swap3A_2919, %swap3A_2920] {strides = array<i32>} : memref<128x64xf32, #tpu.memory_space<vmem>>, vector<16xf32>,
        tpu.vector_store %arg15[%swap3A_2919, %swap3A_2920], %get3A_2918 {add = true, strides = array<i32>} : memref<128x64xf32, #tpu.memory_space<vmem>>, vector<16xf32>,
        %get3A_2922 = arith.index_cast %add3A_2909 : i32 to index
        %get3A_2923 = arith.constant 32 : index
        %get3A_2924 = tpu.vector_load %arg14[%get3A_2922, %get3A_2923] {strides = array<i32>} : memref<128x64xf32, #tpu.memory_space<vmem>>, vector<16xf32>,
        %swap3A_2925 = arith.index_cast %add3A_2909 : i32 to index
        %swap3A_2926 = arith.constant 32 : index
        %swap3A_2927 = tpu.vector_load %arg15[%swap3A_2925, %swap3A_2926] {strides = array<i32>} : memref<128x64xf32, #tpu.memory_space<vmem>>, vector<16xf32>,
        tpu.vector_store %arg15[%swap3A_2925, %swap3A_2926], %get3A_2924 {add = true, strides = array<i32>} : memref<128x64xf32, #tpu.memory_space<vmem>>, vector<16xf32>,
        %get3A_2928 = arith.index_cast %add3A_2909 : i32 to index
        %get3A_2929 = arith.constant 48 : index
        %get3A_2930 = tpu.vector_load %arg14[%get3A_2928, %get3A_2929] {strides = array<i32>} : memref<128x64xf32, #tpu.memory_space<vmem>>, vector<16xf32>,
        %swap3A_2931 = arith.index_cast %add3A_2909 : i32 to index
        %swap3A_2932 = arith.constant 48 : index
        %swap3A_2933 = tpu.vector_load %arg15[%swap3A_2931, %swap3A_2932] {strides = array<i32>} : memref<128x64xf32, #tpu.memory_space<vmem>>, vector<16xf32>,
        tpu.vector_store %arg15[%swap3A_2931, %swap3A_2932], %get3A_2930 {add = true, strides = array<i32>} : memref<128x64xf32, #tpu.memory_space<vmem>>, vector<16xf32>,
      }
      %scan3A_2820 = arith.constant 32 : i32
    }
    %scan3A_2710 = arith.constant 5 : i32
    %scan3A_2711 = arith.constant 0 : i32
    %scan3A_2712 = arith.constant 0 : i32
    %scan3A_2713 = arith.constant 64 : i32
    %scan3A_2714 = arith.addi %scan3A_2712, %scan3A_2713 : i32
    %scan3A_2715 = arith.constant 1 : i32
    scf.for %scan3A_2719 = %scan3A_2712 to %scan3A_2714 step %scan3A_2715  : i32 {
      %mul3A_2720 = arith.constant 2 : i32
      %mul3A_2721 = arith.muli %scan3A_2719, %mul3A_2720 : i32
      %add3A_2722 = arith.constant 0 : i32
      %add3A_2723 = arith.addi %mul3A_2721, %add3A_2722 : i32
      %broadcast_in_dim3A_2724 = vector.broadcast %add3A_2723 : i32 to vector<16xi32>
      %gather3A = tpu.vector_load_idx %arg16[%broadcast_in_dim3A_2724] : memref<128xf32, #tpu.memory_space<vmem>>[vector<16xi32>], vector<16xf32>,
      %get3A_2725 = arith.index_cast %add3A_2723 : i32 to index
      %get3A_2726 = arith.constant 0 : index
      %get3A_2727 = tpu.vector_load %arg15[%get3A_2725, %get3A_2726] {strides = array<i32>} : memref<128x64xf32, #tpu.memory_space<vmem>>, vector<16xf32>,
      %mul3A_2728 = arith.mulf %get3A_2727, %gather3A : vector<16xf32>
      %swap3A_2729 = arith.index_cast %add3A_2723 : i32 to index
      %swap3A_2730 = arith.constant 0 : index
      %swap3A_2731 = tpu.vector_load %arg15[%swap3A_2729, %swap3A_2730] {strides = array<i32>} : memref<128x64xf32, #tpu.memory_space<vmem>>, vector<16xf32>,
      tpu.vector_store %arg15[%swap3A_2729, %swap3A_2730], %mul3A_2728 {strides = array<i32>} : memref<128x64xf32, #tpu.memory_space<vmem>>, vector<16xf32>,
      %get3A_2732 = arith.index_cast %add3A_2723 : i32 to index
      %get3A_2733 = arith.constant 16 : index
      %get3A_2734 = tpu.vector_load %arg15[%get3A_2732, %get3A_2733] {strides = array<i32>} : memref<128x64xf32, #tpu.memory_space<vmem>>, vector<16xf32>,
      %mul3A_2735 = arith.mulf %get3A_2734, %gather3A : vector<16xf32>
      %swap3A_2736 = arith.index_cast %add3A_2723 : i32 to index
      %swap3A_2737 = arith.constant 16 : index
      %swap3A_2738 = tpu.vector_load %arg15[%swap3A_2736, %swap3A_2737] {strides = array<i32>} : memref<128x64xf32, #tpu.memory_space<vmem>>, vector<16xf32>,
      tpu.vector_store %arg15[%swap3A_2736, %swap3A_2737], %mul3A_2735 {strides = array<i32>} : memref<128x64xf32, #tpu.memory_space<vmem>>, vector<16xf32>,
      %get3A_2739 = arith.index_cast %add3A_2723 : i32 to index
      %get3A_2740 = arith.constant 32 : index
      %get3A_2741 = tpu.vector_load %arg15[%get3A_2739, %get3A_2740] {strides = array<i32>} : memref<128x64xf32, #tpu.memory_space<vmem>>, vector<16xf32>,
      %mul3A_2742 = arith.mulf %get3A_2741, %gather3A : vector<16xf32>
      %swap3A_2743 = arith.index_cast %add3A_2723 : i32 to index
      %swap3A_2744 = arith.constant 32 : index
      %swap3A_2745 = tpu.vector_load %arg15[%swap3A_2743, %swap3A_2744] {strides = array<i32>} : memref<128x64xf32, #tpu.memory_space<vmem>>, vector<16xf32>,
      tpu.vector_store %arg15[%swap3A_2743, %swap3A_2744], %mul3A_2742 {strides = array<i32>} : memref<128x64xf32, #tpu.memory_space<vmem>>, vector<16xf32>,
      %get3A_2746 = arith.index_cast %add3A_2723 : i32 to index
      %get3A_2747 = arith.constant 48 : index
      %get3A_2748 = tpu.vector_load %arg15[%get3A_2746, %get3A_2747] {strides = array<i32>} : memref<128x64xf32, #tpu.memory_space<vmem>>, vector<16xf32>,
      %mul3A_2749 = arith.mulf %get3A_2748, %gather3A : vector<16xf32>
      %swap3A_2750 = arith.index_cast %add3A_2723 : i32 to index
      %swap3A_2751 = arith.constant 48 : index
      %swap3A_2752 = tpu.vector_load %arg15[%swap3A_2750, %swap3A_2751] {strides = array<i32>} : memref<128x64xf32, #tpu.memory_space<vmem>>, vector<16xf32>,
      tpu.vector_store %arg15[%swap3A_2750, %swap3A_2751], %mul3A_2749 {strides = array<i32>} : memref<128x64xf32, #tpu.memory_space<vmem>>, vector<16xf32>,
      %mul3A_2753 = arith.constant 2 : i32
      %mul3A_2754 = arith.muli %scan3A_2719, %mul3A_2753 : i32
      %add3A_2755 = arith.constant 1 : i32
      %add3A_2756 = arith.addi %mul3A_2754, %add3A_2755 : i32
      %broadcast_in_dim3A_2757 = vector.broadcast %add3A_2756 : i32 to vector<16xi32>
      %gather3A_2758 = tpu.vector_load_idx %arg16[%broadcast_in_dim3A_2757] : memref<128xf32, #tpu.memory_space<vmem>>[vector<16xi32>], vector<16xf32>,
      %get3A_2759 = arith.index_cast %add3A_2756 : i32 to index
      %get3A_2760 = arith.constant 0 : index
      %get3A_2761 = tpu.vector_load %arg15[%get3A_2759, %get3A_2760] {strides = array<i32>} : memref<128x64xf32, #tpu.memory_space<vmem>>, vector<16xf32>,
      %mul3A_2762 = arith.mulf %get3A_2761, %gather3A_2758 : vector<16xf32>
      %swap3A_2763 = arith.index_cast %add3A_2756 : i32 to index
      %swap3A_2764 = arith.constant 0 : index
      %swap3A_2765 = tpu.vector_load %arg15[%swap3A_2763, %swap3A_2764] {strides = array<i32>} : memref<128x64xf32, #tpu.memory_space<vmem>>, vector<16xf32>,
      tpu.vector_store %arg15[%swap3A_2763, %swap3A_2764], %mul3A_2762 {strides = array<i32>} : memref<128x64xf32, #tpu.memory_space<vmem>>, vector<16xf32>,
      %get3A_2766 = arith.index_cast %add3A_2756 : i32 to index
      %get3A_2767 = arith.constant 16 : index
      %get3A_2768 = tpu.vector_load %arg15[%get3A_2766, %get3A_2767] {strides = array<i32>} : memref<128x64xf32, #tpu.memory_space<vmem>>, vector<16xf32>,
      %mul3A_2769 = arith.mulf %get3A_2768, %gather3A_2758 : vector<16xf32>
      %swap3A_2770 = arith.index_cast %add3A_2756 : i32 to index
      %swap3A_2771 = arith.constant 16 : index
      %swap3A_2772 = tpu.vector_load %arg15[%swap3A_2770, %swap3A_2771] {strides = array<i32>} : memref<128x64xf32, #tpu.memory_space<vmem>>, vector<16xf32>,
      tpu.vector_store %arg15[%swap3A_2770, %swap3A_2771], %mul3A_2769 {strides = array<i32>} : memref<128x64xf32, #tpu.memory_space<vmem>>, vector<16xf32>,
      %get3A_2773 = arith.index_cast %add3A_2756 : i32 to index
      %get3A_2774 = arith.constant 32 : index
      %get3A_2775 = tpu.vector_load %arg15[%get3A_2773, %get3A_2774] {strides = array<i32>} : memref<128x64xf32, #tpu.memory_space<vmem>>, vector<16xf32>,
      %mul3A_2776 = arith.mulf %get3A_2775, %gather3A_2758 : vector<16xf32>
      %swap3A_2777 = arith.index_cast %add3A_2756 : i32 to index
      %swap3A_2778 = arith.constant 32 : index
      %swap3A_2779 = tpu.vector_load %arg15[%swap3A_2777, %swap3A_2778] {strides = array<i32>} : memref<128x64xf32, #tpu.memory_space<vmem>>, vector<16xf32>,
      tpu.vector_store %arg15[%swap3A_2777, %swap3A_2778], %mul3A_2776 {strides = array<i32>} : memref<128x64xf32, #tpu.memory_space<vmem>>, vector<16xf32>,
      %get3A_2780 = arith.index_cast %add3A_2756 : i32 to index
      %get3A_2781 = arith.constant 48 : index
      %get3A_2782 = tpu.vector_load %arg15[%get3A_2780, %get3A_2781] {strides = array<i32>} : memref<128x64xf32, #tpu.memory_space<vmem>>, vector<16xf32>,
      %mul3A_2783 = arith.mulf %get3A_2782, %gather3A_2758 : vector<16xf32>
      %swap3A_2784 = arith.index_cast %add3A_2756 : i32 to index
      %swap3A_2785 = arith.constant 48 : index
      %swap3A_2786 = tpu.vector_load %arg15[%swap3A_2784, %swap3A_2785] {strides = array<i32>} : memref<128x64xf32, #tpu.memory_space<vmem>>, vector<16xf32>,
      tpu.vector_store %arg15[%swap3A_2784, %swap3A_2785], %mul3A_2783 {strides = array<i32>} : memref<128x64xf32, #tpu.memory_space<vmem>>, vector<16xf32>,
    }
    %scan3A_2716 = arith.constant 64 : i32
    "tpu.region"() ({
      %run_scoped3A = tpu.sem_alloc : memref<!tpu.dma_semaphore, #tpu.memory_space<semaphore_mem>>
      %dma_start3A_2719 = arith.constant 0 : i32
      %dma_start3A_2720 = tpu.memref_slice %arg8[%mul3A_2, %dma_start3A_2719] : memref<4096x64xf32, #tpu.memory_space<hbm>> -> memref<128x64xf32, #tpu.memory_space<hbm>>
      %dma_start3A_2721 = arith.constant 0 : i32
      %dma_start3A_2722 = tpu.memref_slice %arg8[%mul3A_2, %dma_start3A_2721] : memref<4096x64xf32, #tpu.memory_space<hbm>> -> memref<128x64xf32, #tpu.memory_space<hbm>>
      tpu.enqueue_dma source(%arg15 : memref<128x64xf32, #tpu.memory_space<vmem>>) target(%dma_start3A_2722 : memref<128x64xf32, #tpu.memory_space<hbm>>) target_semaphore(%run_scoped3A : memref<!tpu.dma_semaphore, #tpu.memory_space<semaphore_mem>>)
      %dma_wait3A_2723 = arith.constant 0 : i32
      %dma_wait3A_2724 = tpu.memref_slice %arg8[%mul3A_2, %dma_wait3A_2723] : memref<4096x64xf32, #tpu.memory_space<hbm>> -> memref<128x64xf32, #tpu.memory_space<hbm>>
      %dma_wait3A_2725 = arith.constant 0 : i32
      %dma_wait3A_2726 = tpu.memref_slice %arg8[%mul3A_2, %dma_wait3A_2725] : memref<4096x64xf32, #tpu.memory_space<hbm>> -> memref<128x64xf32, #tpu.memory_space<hbm>>
      tpu.wait_dma2 semaphore(%run_scoped3A : memref<!tpu.dma_semaphore, #tpu.memory_space<semaphore_mem>>) src(%arg15 : memref<128x64xf32, #tpu.memory_space<vmem>>) dst(%dma_wait3A_2726 : memref<128x64xf32, #tpu.memory_space<hbm>>)
      tpu.yield
    }) : () -> ()
    %dma_wait3A = arith.constant 0 : i32
    %dma_wait3A_2717 = arith.constant 0 : i32
    %dma_wait3A_2718 = tpu.memref_slice %arg6[%dma_wait3A, %dma_wait3A_2717] : memref<1000x64xf32, #tpu.memory_space<hbm>> -> memref<1000x64xf32, #tpu.memory_space<hbm>>
    tpu.wait_indirect_dma semaphore(%arg23 : memref<!tpu.dma_semaphore, #tpu.memory_space<semaphore_mem>>) src(%dma_wait3A_2718 : memref<1000x64xf32, #tpu.memory_space<hbm>>) dst(%arg18 : memref<128x64xf32, #tpu.memory_space<vmem>>)
    "tpu.region"() ({
      %run_scoped3A = tpu.sem_alloc : memref<!tpu.dma_semaphore, #tpu.memory_space<semaphore_mem>>
      %dma_start3A_2719 = arith.constant 0 : i32
      %dma_start3A_2720 = tpu.memref_slice %arg9[%mul3A_2, %dma_start3A_2719] : memref<4096x64xf32, #tpu.memory_space<hbm>> -> memref<128x64xf32, #tpu.memory_space<hbm>>
      %dma_start3A_2721 = arith.constant 0 : i32
      %dma_start3A_2722 = tpu.memref_slice %arg9[%mul3A_2, %dma_start3A_2721] : memref<4096x64xf32, #tpu.memory_space<hbm>> -> memref<128x64xf32, #tpu.memory_space<hbm>>
      tpu.enqueue_dma source(%arg18 : memref<128x64xf32, #tpu.memory_space<vmem>>) target(%dma_start3A_2722 : memref<128x64xf32, #tpu.memory_space<hbm>>) target_semaphore(%run_scoped3A : memref<!tpu.dma_semaphore, #tpu.memory_space<semaphore_mem>>)
      %dma_wait3A_2723 = arith.constant 0 : i32
      %dma_wait3A_2724 = tpu.memref_slice %arg9[%mul3A_2, %dma_wait3A_2723] : memref<4096x64xf32, #tpu.memory_space<hbm>> -> memref<128x64xf32, #tpu.memory_space<hbm>>
      %dma_wait3A_2725 = arith.constant 0 : i32
      %dma_wait3A_2726 = tpu.memref_slice %arg9[%mul3A_2, %dma_wait3A_2725] : memref<4096x64xf32, #tpu.memory_space<hbm>> -> memref<128x64xf32, #tpu.memory_space<hbm>>
      tpu.wait_dma2 semaphore(%run_scoped3A : memref<!tpu.dma_semaphore, #tpu.memory_space<semaphore_mem>>) src(%arg18 : memref<128x64xf32, #tpu.memory_space<vmem>>) dst(%dma_wait3A_2726 : memref<128x64xf32, #tpu.memory_space<hbm>>)
      tpu.yield
    }) : () -> ()
    return
  }
}

module attributes {stable_mosaic.version = 14 : i64} {
  func.func @tc_kernel(%arg0: memref<2048x128xf32, #tpu.memory_space<vmem>>, %arg1: memref<2048x128xf32, #tpu.memory_space<vmem>>, %arg2: memref<2048x128xf32, #tpu.memory_space<vmem>>, %arg3: memref<128x128xf32, #tpu.memory_space<vmem>>, %arg4: memref<1x128xf32, #tpu.memory_space<vmem>>, %arg5: memref<128x2xf32, #tpu.memory_space<vmem>>, %arg6: memref<2048x2xf32, #tpu.memory_space<vmem>>) attributes {dimension_semantics = [], scalar_prefetch = 0 : i64, scratch_operands = 0 : i64, tpu.core_type = #tpu.core_type<tc>} {
    %get3A = arith.constant 0 : index
    %get3A_0 = arith.constant 0 : index
    %get3A_1 = vector.load %arg3[%get3A, %get3A_0] : memref<128x128xf32, #tpu.memory_space<vmem>>, vector<128x128xf32>
    %get3A_2 = arith.constant 0 : index
    %get3A_3 = arith.constant 0 : index
    %get3A_4 = vector.load %arg4[%get3A_2, %get3A_3] : memref<1x128xf32, #tpu.memory_space<vmem>>, vector<1x128xf32>
    %get3A_5 = arith.constant 0 : index
    %get3A_6 = arith.constant 0 : index
    %get3A_7 = vector.load %arg0[%get3A_5, %get3A_6] : memref<2048x128xf32, #tpu.memory_space<vmem>>, vector<2048x128xf32>
    %dot_general3A = arith.constant dense<0.000000e+00> : vector<2048x128xf32>
    %dot_general3A_8 = tpu.matmul %get3A_7, %get3A_1, %dot_general3A {dimension_numbers = #tpu.dot_dimension_numbers<[1], [0], [0], [1], [0, 0, 1, 1], [], []>, transpose_lhs_hint = false} : vector<2048x128xf32>, vector<128x128xf32>, vector<2048x128xf32> -> vector<2048x128xf32>
    %add3A = vector.broadcast %get3A_4 : vector<1x128xf32> to vector<2048x128xf32>
    %add3A_9 = arith.addf %dot_general3A_8, %add3A : vector<2048x128xf32>
    %max3A = arith.constant 0.000000e+00 : f32
    %max3A_10 = vector.broadcast %max3A : f32 to vector<2048x128xf32>
    %max3A_11 = arith.maximumf %add3A_9, %max3A_10 : vector<2048x128xf32>
    %get3A_12 = arith.constant 0 : index
    %get3A_13 = arith.constant 0 : index
    %get3A_14 = vector.load %arg1[%get3A_12, %get3A_13] : memref<2048x128xf32, #tpu.memory_space<vmem>>, vector<2048x128xf32>
    %dot_general3A_15 = arith.constant dense<0.000000e+00> : vector<2048x128xf32>
    %dot_general3A_16 = tpu.matmul %get3A_14, %get3A_1, %dot_general3A_15 {dimension_numbers = #tpu.dot_dimension_numbers<[1], [0], [0], [1], [0, 0, 1, 1], [], []>, transpose_lhs_hint = false} : vector<2048x128xf32>, vector<128x128xf32>, vector<2048x128xf32> -> vector<2048x128xf32>
    %add3A_17 = vector.broadcast %get3A_4 : vector<1x128xf32> to vector<2048x128xf32>
    %add3A_18 = arith.addf %dot_general3A_16, %add3A_17 : vector<2048x128xf32>
    %max3A_19 = arith.constant 0.000000e+00 : f32
    %max3A_20 = vector.broadcast %max3A_19 : f32 to vector<2048x128xf32>
    %max3A_21 = arith.maximumf %add3A_18, %max3A_20 : vector<2048x128xf32>
    %get3A_22 = arith.constant 0 : index
    %get3A_23 = arith.constant 0 : index
    %get3A_24 = vector.load %arg2[%get3A_22, %get3A_23] : memref<2048x128xf32, #tpu.memory_space<vmem>>, vector<2048x128xf32>
    %mul3A = arith.mulf %max3A_11, %get3A_24 : vector<2048x128xf32>
    %mul3A_25 = arith.mulf %mul3A, %max3A_21 : vector<2048x128xf32>
    %get3A_26 = arith.constant 0 : index
    %get3A_27 = arith.constant 0 : index
    %get3A_28 = vector.load %arg5[%get3A_26, %get3A_27] : memref<128x2xf32, #tpu.memory_space<vmem>>, vector<128x2xf32>
    %dot_general3A_29 = arith.constant dense<0.000000e+00> : vector<2048x2xf32>
    %dot_general3A_30 = tpu.matmul %mul3A_25, %get3A_28, %dot_general3A_29 {dimension_numbers = #tpu.dot_dimension_numbers<[1], [0], [0], [1], [0, 0, 1, 1], [], []>, transpose_lhs_hint = false} : vector<2048x128xf32>, vector<128x2xf32>, vector<2048x2xf32> -> vector<2048x2xf32>
    %swap3A = arith.constant 0 : index
    %swap3A_31 = arith.constant 0 : index
    %swap3A_32 = vector.load %arg6[%swap3A, %swap3A_31] : memref<2048x2xf32, #tpu.memory_space<vmem>>, vector<2048x2xf32>
    tpu.vector_store %arg6[%swap3A, %swap3A_31], %dot_general3A_30 {strides = array<i32>} : memref<2048x2xf32, #tpu.memory_space<vmem>>, vector<2048x2xf32>,
    return
  }
}

</mosaic_0001>

<sc_bundles>
// kernel: kernel.4.cloned.1.call-start
scs
__scs_entry_jumppad:
0x0: {  	(pc) =	sbr.rel $0x88, $3  }
0x1: {  	(tag) =	ssettag $0x0;
	lr =	simm.s32 $0x1  }
0x2: {  	[smem:$0x3F9A] =	sst lr;
	_ =	strace $0xD0000000  }
0x3: {  	_ = 	snop  }
0x4: {  	_ = 	snop  }
0x5: {  	_ = 	snop  }
0x6: {  	_ = 	snop  }
0x7: {  	_ = 	snop  }
__scs_overlays_trampoline_lowered:
0x8: {  	[smem:$0x3FA9] =	sst s0  }
0x9: {  	[smem:$0x3FAA] =	sst s1  }
0xa: {  	[smem:$0x3FAB] =	sst s2  }
0xb: {  	[smem:$0x3FAC] =	sst s3  }
0xc: {  	[smem:$0x3FAD] =	sst s4  }
0xd: {  	[smem:$0x3FAE] =	sst s5  }
0xe: {  	[smem:$0x3FAF] =	sst s6  }
0xf: {  	[smem:$0x3FB0] =	sst s7  }
0x10: {  	[smem:$0x3FB1] =	sst s8  }
0x11: {  	[smem:$0x3FB2] =	sst s9;
	s0 =	simm.s32 @!p0 $0x0  }
0x12: {  	s1 =	sld [smem:$0x3F98];
	s0 =	simm.s32 @p0 $0x1  }
0x13: {  	[smem:$0x3FB3] =	sst s0;
	s0 =	simm.s32 @!p1 $0x0  }
0x14: {  	s2 =	sld [smem:$0x3F97];
	s0 =	simm.s32 @p1 $0x1  }
0x15: {  	[smem:$0x3FB4] =	sst s0;
	s0 =	simm.s32 @!p2 $0x0  }
0x16: {  	s3 =	sld [smem:$0x3FDB];
	s0 =	simm.s32 @p2 $0x1  }
0x17: {  	s4 =	simm.s32 $0x1BF5;
	[smem:$0x3FB6] =	sst s0  }
0x18: {  	s0 =	sld [smem:$0x3F99];
	_ =	swait.ge [sflag:s4], $0x0  }
0x19: {  	s7 =	sld [smem:$0x3F9A]  }
0x1a: {  	s8 =	sadd.s32 $0xFFFFE003, lr  }
0x1b: {  	s9 =	sadd.s32 $0xFFFFFEF7, lr;
	s5 =	simm.s32 $0xFFFFFFFF;
	p2 =	slt.u32 s8, $0xFFFFF086  }
0x1c: {  	p1 =	slt.u32 s9, $0xF7A;
	s5 =	simm.s32 @!p2 $0x0  }
0x1d: {  	s5 =	simm.s32 @p1 $0x1;
	p0 =	seq.s32 s7, s2  }
0x1e: {  	s7 =	smul.u32 @!p0 $0xF7A, s2;
	p2 =	seq.s32 @!p0 s5, $0x0  }
0x1f: {  	s9 =	smul.u32 $0xF7A, s1;
	s8 =	simm.s32 @!p0 $0x1BF5;
	p2 =	por !p2, p0  }
0x20: {  	[sflag:s8] =	ssyncset.s32 @!p0 $0xFFFFF086;
	s6 =	sadd.s32 @!p0 s3, s7;
	s7 =	simm.s32 @!p0 $0x108  }
0x21: {  	s3 =	sadd.s32 s3, s9;
	s6 =	sadd.s32 @!p0 $0x88, s6;
	s7 =	simm.s32 @p2 $0x1082  }
0x22: {  	[simem:s7], [sflag:s8] =	dma.local @!p0 [hbm:s6], $0xF7A  }
0x23: {  	s9 =	sor.u32 $0xD0000000, s2;
	s6 =	simm.s32 $0x108;
	_ =	swait.ge @!p0 [sflag:s8], $0x0  }
0x24: {  	s3 =	sadd.s32 $0x88, s3;
	s6 =	simm.s32 @!p1 $0x1082;
	[sflag:s4] =	ssyncset.s32 $0xFFFFF086  }
0x25: {  	[simem:s6], [sflag:s4] =	dma.local [hbm:s3], $0xF7A  }
0x26: {  	[smem:$0x3F9A] =	sst s1;
	(tag) =	ssettag s2;
	_ =	strace s9  }
0x27: {  	s1 =	sld [smem:$0x3FAA]  }
0x28: {  	s2 =	sld [smem:$0x3FAB]  }
0x29: {  	s4 =	sld [smem:$0x3FAD]  }
0x2a: {  	p0 =	seq.s32 s5, $0x0;
	s5 =	sld [smem:$0x3FAE]  }
0x2b: {  	s6 =	sld [smem:$0x3FAF]  }
0x2c: {  	s7 =	sld [smem:$0x3FB0]  }
0x2d: {  	s3 =	simm.s32 $0x108;
	s8 =	sld [smem:$0x3FB1]  }
0x2e: {  	s3 =	simm.s32 @!p0 $0x1082;
	s9 =	sld [smem:$0x3FB2]  }
0x2f: {  	lr =	sadd.s32 s0, s3;
	s0 =	sld [smem:$0x3FA9]  }
0x30: {  	s3 =	sld [smem:$0x3FAC]  }
0x31: {  	[smem:$0x3FB5] =	sst s10  }
0x32: {  	s10 =	sld [smem:$0x3FB3];
	_ =	sdelay $0x3  }
0x33: {  	p0 =	seq.s32 s10, $0x1;
	s10 =	sld [smem:$0x3FB5];
	_ =	sdelay $0x3  }
0x34: {  	[smem:$0x3FB5] =	sst s10  }
0x35: {  	s10 =	sld [smem:$0x3FB4];
	_ =	sdelay $0x3  }
0x36: {  	p1 =	seq.s32 s10, $0x1;
	s10 =	sld [smem:$0x3FB5];
	_ =	sdelay $0x3  }
0x37: {  	[smem:$0x3FB5] =	sst s10  }
0x38: {  	s10 =	sld [smem:$0x3FB6]  }
0x39: {  	_ = 	snop;
	(pc) =	sbr.ind lr, $3  }
0x3a: {  	_ = 	snop  }
0x3b: {  	_ = 	snop  }
0x3c: {  	p2 =	seq.s32 s10, $0x1;
	s10 =	sld [smem:$0x3FB5]  }
0x3d: {  	_ =	shalt  }
0x3e: {  	_ =	shalt  }
0x3f: {  	_ =	shalt  }
0x40: {  	_ =	shalt  }
0x41: {  	_ =	shalt  }
0x42: {  	_ =	shalt  }
0x43: {  	_ =	shalt  }
0x44: {  	_ =	shalt  }
0x45: {  	_ =	shalt  }
0x46: {  	_ =	shalt  }
0x47: {  	_ =	shalt  }
0x48: {  	_ =	shalt  }
0x49: {  	_ =	shalt  }
0x4a: {  	_ =	shalt  }
0x4b: {  	_ =	shalt  }
0x4c: {  	_ =	shalt  }
0x4d: {  	_ =	shalt  }
0x4e: {  	_ =	shalt  }
0x4f: {  	_ =	shalt  }
0x50: {  	_ =	shalt  }
0x51: {  	_ =	shalt  }
0x52: {  	_ =	shalt  }
0x53: {  	_ =	shalt  }
0x54: {  	_ =	shalt  }
0x55: {  	_ =	shalt  }
0x56: {  	_ =	shalt  }
0x57: {  	_ =	shalt  }
0x58: {  	_ =	shalt  }
0x59: {  	_ =	shalt  }
0x5a: {  	_ =	shalt  }
0x5b: {  	_ =	shalt  }
0x5c: {  	_ =	shalt  }
0x5d: {  	_ =	shalt  }
0x5e: {  	_ =	shalt  }
0x5f: {  	_ =	shalt  }
0x60: {  	_ =	shalt  }
0x61: {  	_ =	shalt  }
0x62: {  	_ =	shalt  }
0x63: {  	_ =	shalt  }
0x64: {  	_ =	shalt  }
0x65: {  	_ =	shalt  }
0x66: {  	_ =	shalt  }
0x67: {  	_ =	shalt  }
0x68: {  	_ =	shalt  }
0x69: {  	_ =	shalt  }
0x6a: {  	_ =	shalt  }
0x6b: {  	_ =	shalt  }
0x6c: {  	_ =	shalt  }
0x6d: {  	_ =	shalt  }
0x6e: {  	_ =	shalt  }
0x6f: {  	_ =	shalt  }
0x70: {  	_ =	shalt  }
0x71: {  	_ =	shalt  }
0x72: {  	_ =	shalt  }
0x73: {  	_ =	shalt  }
0x74: {  	_ =	shalt  }
0x75: {  	_ =	shalt  }
0x76: {  	_ =	shalt  }
0x77: {  	_ =	shalt  }
0x78: {  	_ =	shalt  }
0x79: {  	_ =	shalt  }
0x7a: {  	_ =	shalt  }
0x7b: {  	_ =	shalt  }
0x7c: {  	_ =	shalt  }
0x7d: {  	_ =	shalt  }
0x7e: {  	_ =	shalt  }
0x7f: {  	_ =	shalt  }
0x80: {  	_ =	shalt  }
0x81: {  	_ =	shalt  }
0x82: {  	_ =	shalt  }
0x83: {  	_ =	shalt  }
0x84: {  	_ =	shalt  }
0x85: {  	_ =	shalt  }
0x86: {  	_ =	shalt  }
0x87: {  	_ =	shalt  }
.Lfunc_end0:
.L_simem_size_0:
called_computation_lowered:
.L_overlay_start_0:
0x88: {  	s2 =	sld [smem:$0x3FD9]  }
0x89: {  	s3 =	sld [smem:$0x3FFE];
	_ =	sdelay $0x1  }
0x8a: {  	s1 =	srdreg.scid  }
0x8b: {  	s0 =	sand.u32 $0x1, s1  }
0x8c: {  	s17 =	sshll.u32 s0, $0xA;
	s2 =	sadd.s32 s3, s2  }
0x8d: {  	s2 =	sadd.s32 s2, s17  }
0x8e: {  	[smem:$0x3FC1] =	sst s2  }
0x8f: {  	_ = 	snop  }
0x90: {  	s2 =	sld [smem:$0x3FC7];
	(tm) =	ssettm $0x1  }
0x91: {  	s18 =	sld [smem:$0x3FFB];
	_ =	sdelay $0x3  }
0x92: {  	_ =	strace s18  }
0x93: {  	s3 =	sld [smem:$0x3FFC];
	_ =	sdelay $0x3  }
0x94: {  	_ =	strace s3  }
0x95: {  	s3 =	sld [smem:$0x3FFD];
	_ =	sdelay $0x3  }
0x96: {  	_ =	strace s3  }
0x97: {  	_ =	strace $0x8FFFFFFF  }
0x98: {  	s19 =	sld [smem:$0x3FDB];
	_ =	sdelay $0x1  }
0x99: {  	s4 =	simm.s32 $_scs_section_size  }
0x9a: {  	s5 =	simm.s32 $_size__tile_overlayer_lowered;
	s6 =	simm.s32 $_tile_overlayer_lowered  }
0x9b: {  	s22 =	simm.s32 $0x1BFF;
	s21 =	sshll.u32 s6, $0x1;
	s3 =	sadd.s32 s4, s19  }
0x9c: {  	s7 =	simm.s32 $0x0;
	s20 =	sshll.u32 s5, $0x1;
	s5 =	sadd.s32 s21, s3  }
0x9d: {  	[timem:s7], [sflag:s22] =	dma.local [hbm:s5], s20  }
0x9e: {  	_ =	swait.ge [sflag:s22], s20  }
0x9f: {  	s4 =	ssub.s32 $0x0, s20;
	[sflag:s22] =	ssyncset.done $0x0  }
0xa0: {  	[sflag:s22] =	ssyncadd.s32 s4;
	_ =	sdelay $0x1  }
0xa1: {  	s23 =	simm.s32 $0x1B8B  }
0xa2: {  	_ =	swait.ge [sflag:s23], $0x1  }
0xa3: {  	[sflag:s23] =	ssyncset.done $0x0  }
0xa4: {  	s25 =	simm.s32 $0x1B8E;
	s24 =	sld [smem:$0x3FFE];
	[sflag:s23] =	ssyncadd.s32 $0xFFFFFFFF  }
0xa5: {  	s26 =	simm.s32 $execute0_lowered;
	[smem:$0x3FD2] =	sst s25  }
0xa6: {  	s5 =	sshll.u32 s26, $0x1;
	_ =	strace $0x80000046;
	[dreg:$0x1] =	wrdreg $0xFFFFFFFF  }
0xa7: {  	s28 =	simm.s32 $_size_execute0_lowered;
	s3 =	sadd.s32 s3, s5;
	[dreg:$0x0] =	wrdreg $0x0  }
0xa8: {  	s5 =	sshll.u32 s28, $0x1;
	[dreg:$0x2] =	wrdreg s3  }
0xa9: {  	[dreg:$0x3] =	wrdreg s5  }
0xaa: {  	[dreg:$0x4] =	wrdreg $0xC0  }
0xab: {  	_ =	task [dreg:s7], $0x5FFFF  }
0xac: {  	[dreg:$0x1] =	wrdreg $0xFFFFFFFF  }
0xad: {  	[dreg:$0x0] =	wrdreg $0x60  }
0xae: {  	[dreg:$0x2] =	wrdreg s24  }
0xaf: {  	[dreg:$0x3] =	wrdreg s2  }
0xb0: {  	[dreg:$0x4] =	wrdreg $0x9  }
0xb1: {  	_ =	task.clear_ibuf [dreg:s7], $0x5FFFF;
	_ =	strace $0x90000046  }
0xb2: {  	s29 =	simm.s32 $0x9;
	_ =	strace $0x80000048  }
0xb3: {  	_ =	swait.ge [sflag:s29], $0x1  }
0xb4: {  	[sflag:s29] =	ssyncadd.s32 $0xFFFFFFFF  }
0xb5: {  	_ =	strace $0x90000048  }
0xb6: {  	_ =	sfence  }
0xb7: {  	s30 =	sld [smem:$0x0];
	_ =	sdelay $0x2  }
0xb8: {  	s31 =	sshll.u32 s1, $0xD;
	s1 =	sshrl.u32 s1, $0x2  }
0xb9: {  	s3 =	sand.u32 $0x4000, s31;
	s1 =	sadd.s32 s1, s30  }
0xba: {  	s0 =	sor.u32 s3, s0;
	s1 =	sshll.u32 s1, $0x11  }
0xbb: {  	s0 =	sor.u32 s1, s0  }
0xbc: {  	s0 =	sadd.s32 $0x8F2B, s0  }
0xbd: {  	[sflag:s0] =	ssyncadd.remote.s32 $0x1  }
0xbe: {  	_ =	sfence.sel $0xFFFF  }
0xbf: {  	[dreg:$0x0] =	wrdreg $0xFFFFFFFF;
	(pc) =	sbr.abs _section_cstart, $3  }
0xc0: {  	[dreg:$0x1] =	wrdreg $0xFFFFFFFF  }
0xc1: {  	_ =	task.clear_ibuf [dreg:s7], $0x2FFFF;
	_ =	strace $0x9FFFFFFF  }
0xc2: {  	(tm) =	ssettm $0x7FFFFFFF  }
0xc3: {  	_ =	shalt  }
tec
execute0_lowered:
.L_overlay_start_1:
0x0: {  	(tag) =	ssettag $0x1  }
0x1: {  	s0 =	rddreg [dreg:$0x0]  }
0x2: {  	s1 =	rddreg [dreg:$0x1]  }
0x3: {  	s2 =	srdreg.scid;
	s3 =	stileid.u32  }
0x4: {  	s13 =	simm.s32 $0x6;
	s14 =	simm.s32 $0x80;
	s17 =	simm.s32 $0xA00  }
0x5: {  	s18 =	simm.s32 $0x2A00;
	s19 =	simm.s32 $0x100;
	s20 =	simm.s32 $0x4A00  }
0x6: {  	s21 =	simm.s32 $0x1;
	s22 =	simm.s32 $0x6A00;
	s23 =	simm.s32 $0x2  }
0x7: {  	s24 =	simm.s32 $0x3;
	s25 =	simm.s32 $0x4;
	s26 =	simm.s32 $0xAA00  }
0x8: {  	s28 =	simm.s32 $0x8A00;
	s29 =	simm.s32 $0x5;
	s30 =	simm.s32 $0x0  }
0x9: {  	s4 =	sand.u32 $0x1, s2;
	s2 =	simm.s32 $0x0;
	s3 =	sshll.u32 s3, $0x8  }
0xa: {  	s5 =	sshll.u32 s4, $0x7;
	[smem:$0x7FF] =	sst s2;
	s7 =	ssub.s32 $0x2, s4  }
0xb: {  	s4 =	sadd.s32 $0x1A00, s0;
	s5 =	sor.u32 s5, s3;
	_ =	strace $0x80000047  }
0xc: {  	s3 =	sadd.s32 $0x188400, s0;
	s9 =	sshrl.u32 s7, $0x1;
	s6 =	sshrl.u32 s5, $0x3  }
0xd: {  	s5 =	sshll.u32 s5, $0x3;
	s11 =	ssub.s32 s7, s9;
	s8 =	sadd.s32 s6, s0  }
0xe: {  	s0 =	sadd.s32 s5, s0;
	s5 =	sadd.s32 s1, s6;
	s11 =	smax.u32 s11, $0x1  }
0xf: {  	s1 =	simm.s32 $0xAB00;
	s6 =	sadd.s32 $0x6200, s8;
	s7 =	sadd.s32 $0x8A00, s0  }
0x10: {  	v0 =	vimm.f32 $0.0e+00;
	s8 =	sadd.s32 $0x3A00, s8;
	s9 =	sadd.s32 $0x10A00, s0;
	s10 =	sadd.s32 $0x18A00, s0  }
.LBB2_1:
0x11: {  	s0 =	simm.s32 $0xAA80  }
0x12: {  	[tilespmem:s0], [sflag:$0x6] =	stream.linear.gather [hbm4b:s5+s2], $0x80, $0x38;
	[tilespmem:$0xCB00] =	vst v63  }
0x13: {  	_ =	swait.ge [sflag:s13], $0x80  }
0x14: {  	[sflag:s13] =	ssyncset.done $0x0  }
0x15: {  	[sflag:s13] =	ssyncadd.s32 $0xFFFFFF80  }
0x16: {  	[tilespmem:s1], [sflag:$0x5] =	stream.indirect.gather [hbm4b:s4+s14], $0x40, s0, s14, $0xb8;
	[tilespmem:$0xCB00] =	vst v63  }
0x17: {  	s31 =	simm.s32 $0x1000  }
0x18: {  	[tilespmem:s2], [sflag:$0x6] =	stream.strided.gather [hbm4b:s6+s14], $0xA00, s31, s14, $0x38;
	[tilespmem:$0xCB00] =	vst v63  }
0x19: {  	_ =	swait.ge [sflag:s13], $0xA00  }
0x1a: {  	[sflag:s13] =	ssyncset.done $0x0  }
0x1b: {  	[sflag:s13] =	ssyncadd.s32 $0xFFFFF600  }
0x1c: {  	[tilespmem:s17], [sflag:$0x1] =	stream.indirect.gather [hbm4b:s3+s14], $0x40, s2, s14, $0xb8;
	[tilespmem:$0xCB00] =	vst v63  }
0x1d: {  	_ = 	snop  }
0x1e: {  	[tilespmem:s18], [sflag:$0x2] =	stream.indirect.gather [hbm4b:s3+s14], $0x40, s14, s14, $0xb8;
	[tilespmem:$0xCB00] =	vst v63  }
0x1f: {  	_ = 	snop  }
0x20: {  	[tilespmem:s20], [sflag:$0x3] =	stream.indirect.gather [hbm4b:s3+s14], $0x40, s19, s14, $0xb8;
	[tilespmem:$0xCB00] =	vst v63  }
0x21: {  	v1 =	vld [tilespmem:$0x0]  }
0x22: {  	v2 =	vld [tilespmem:$0x80]  }
0x23: {  	v3 =	vld [tilespmem:$0x100]  }
0x24: {  	v4 =	vld [tilespmem:$0x180]  }
0x25: {  	v5 =	vld [tilespmem:$0x200]  }
0x26: {  	v6 =	vld [tilespmem:$0x280]  }
0x27: {  	v7 =	vld [tilespmem:$0x300]  }
0x28: {  	v8 =	vld [tilespmem:$0x380]  }
0x29: {  	v9 =	vld [tilespmem:$0x400]  }
0x2a: {  	v10 =	vld [tilespmem:$0x480]  }
0x2b: {  	v11 =	vld [tilespmem:$0x500]  }
0x2c: {  	v12 =	vld [tilespmem:$0x580]  }
0x2d: {  	v13 =	vld [tilespmem:$0x600]  }
0x2e: {  	v14 =	vld [tilespmem:$0x680]  }
0x2f: {  	v15 =	vld [tilespmem:$0x700]  }
0x30: {  	v16 =	vld [tilespmem:$0x780]  }
0x31: {  	v41 =	vld [tilespmem:$0x800]  }
0x32: {  	v42 =	vld [tilespmem:$0x880]  }
0x33: {  	v44 =	vld [tilespmem:$0x900]  }
0x34: {  	v46 =	vld [tilespmem:$0x980]  }
0x35: {  	v48 =	vld [tilespmem:$0x10];
	vm0 =	vlt.s32 v1, $0x1;
	vm14 =	vlt.s32 v2, $0x1;
	vm15 =	vlt.s32 v3, $0x1  }
0x36: {  	v50 =	vld [tilespmem:$0x90];
	vm1 =	vlt.s32 v4, $0x1;
	vm4 =	vlt.s32 v5, $0x1;
	vm5 =	vlt.s32 v6, $0x1  }
0x37: {  	v52 =	vld [tilespmem:$0x110];
	vm6 =	vlt.s32 v7, $0x1;
	vm7 =	vlt.s32 v8, $0x1;
	vm8 =	vlt.s32 v9, $0x1  }
0x38: {  	v54 =	vld [tilespmem:$0x190];
	vm9 =	vlt.s32 v10, $0x1;
	vm10 =	vlt.s32 v11, $0x1;
	vm11 =	vlt.s32 v12, $0x1  }
0x39: {  	v56 =	vld [tilespmem:$0x210];
	vm12 =	vlt.s32 v13, $0x1;
	vm13 =	vlt.s32 v14, $0x1;
	v1 =	vnsel vm0, $0x1, v1  }
0x3a: {  	v57 =	vld [tilespmem:$0x290];
	v2 =	vnsel vm14, $0x1, v2;
	v3 =	vnsel vm15, $0x1, v3;
	v4 =	vnsel vm1, $0x1, v4  }
0x3b: {  	v58 =	vld [tilespmem:$0x310];
	v5 =	vnsel vm4, $0x1, v5;
	v6 =	vnsel vm5, $0x1, v6;
	v7 =	vnsel vm6, $0x1, v7  }
0x3c: {  	v60 =	vld [tilespmem:$0x390];
	v8 =	vnsel vm7, $0x1, v8;
	v9 =	vnsel vm8, $0x1, v9;
	v10 =	vnsel vm9, $0x1, v10  }
0x3d: {  	v62 =	vld [tilespmem:$0x410];
	v43 =	vnsel vm12, $0x1, v13;
	v45 =	vnsel vm13, $0x1, v14;
	vm14 =	vlt.s32 v15, $0x1  }
0x3e: {  	v20 =	vld [tilespmem:$0x490];
	vm15 =	vlt.s32 v16, $0x1;
	vm4 =	vlt.s32 v41, $0x1;
	vm5 =	vlt.s32 v42, $0x1  }
0x3f: {  	v22 =	vld [tilespmem:$0x510];
	vm6 =	vlt.s32 v44, $0x1;
	vm7 =	vlt.s32 v46, $0x1;
	vm8 =	vlt.s32 v48, $0x1  }
0x40: {  	v28 =	vld [tilespmem:$0x690];
	vm9 =	vlt.s32 v50, $0x1;
	vm12 =	vlt.s32 v56, $0x1;
	vm13 =	vlt.s32 v57, $0x1  }
0x41: {  	v33 =	vld [tilespmem:$0x810];
	v1 =	vadd.s32 v1, v2;
	v2 =	vnsel vm10, $0x1, v11;
	v47 =	vnsel vm14, $0x1, v15  }
0x42: {  	v35 =	vld [tilespmem:$0x890];
	v49 =	vnsel vm15, $0x1, v16;
	v51 =	vnsel vm4, $0x1, v41;
	v53 =	vnsel vm5, $0x1, v42  }
0x43: {  	v29 =	vld [tilespmem:$0x710];
	v55 =	vnsel vm6, $0x1, v44;
	v59 =	vnsel vm9, $0x1, v50;
	vm10 =	vlt.s32 v52, $0x1  }
0x44: {  	v31 =	vld [tilespmem:$0x790];
	v21 =	vnsel vm12, $0x1, v56;
	v23 =	vnsel vm13, $0x1, v57;
	vm14 =	vlt.s32 v58, $0x1  }
0x45: {  	v37 =	vld [tilespmem:$0x910];
	vm15 =	vlt.s32 v60, $0x1;
	vm4 =	vlt.s32 v62, $0x1;
	vm5 =	vlt.s32 v20, $0x1  }
0x46: {  	v39 =	vld [tilespmem:$0x990];
	vm6 =	vlt.s32 v22, $0x1;
	vm9 =	vlt.s32 v28, $0x1;
	vm12 =	vlt.s32 v33, $0x1  }
0x47: {  	vm13 =	vlt.s32 v35, $0x1;
	v44 =	vld [tilespmem:$0x120];
	v1 =	vadd.s32 v3, v1;
	v3 =	vnsel vm11, $0x1, v12  }
0x48: {  	v50 =	vld [tilespmem:$0x2A0];
	v61 =	vnsel vm10, $0x1, v52;
	vm11 =	vlt.s32 v54, $0x1;
	v25 =	vnsel vm14, $0x1, v58  }
0x49: {  	v27 =	vnsel vm15, $0x1, v60;
	v30 =	vnsel vm5, $0x1, v20;
	v32 =	vnsel vm6, $0x1, v22;
	v52 =	vld [tilespmem:$0x320]  }
0x4a: {  	vm10 =	vlt.s32 v29, $0x1;
	v1 =	vadd.s32 v4, v1;
	v63 =	vnsel vm11, $0x1, v54;
	v54 =	vld [tilespmem:$0x3A0]  }
0x4b: {  	v38 =	vnsel vm9, $0x1, v28;
	v40 =	vnsel vm10, $0x1, v29;
	v29 =	vld [tilespmem:$0x8A0];
	v1 =	vadd.s32 v5, v1  }
0x4c: {  	vm14 =	vlt.s32 v37, $0x1;
	vm11 =	vlt.s32 v31, $0x1;
	v1 =	vadd.s32 v6, v1  }
0x4d: {  	v24 =	vld [tilespmem:$0x590];
	vm15 =	vlt.s32 v39, $0x1;
	v42 =	vnsel vm11, $0x1, v31;
	v1 =	vadd.s32 v7, v1  }
0x4e: {  	v26 =	vld [tilespmem:$0x610];
	vm6 =	vlt.s32 v44, $0x1;
	vm9 =	vlt.s32 v50, $0x1;
	v1 =	vadd.s32 v8, v1  }
0x4f: {  	v41 =	vld [tilespmem:$0x20];
	v60 =	vnsel vm9, $0x1, v50;
	vm10 =	vlt.s32 v52, $0x1;
	v1 =	vadd.s32 v9, v1  }
0x50: {  	v58 =	vld [tilespmem:$0x4A0];
	vm11 =	vlt.s32 v54, $0x1;
	vm9 =	vlt.s32 v29, $0x1;
	v1 =	vadd.s32 v10, v1  }
0x51: {  	v56 =	vld [tilespmem:$0x420];
	v20 =	vnsel vm11, $0x1, v54;
	v1 =	vadd.s32 v2, v1;
	v2 =	vnsel vm7, $0x1, v46  }
0x52: {  	v31 =	vld [tilespmem:$0x920];
	vm7 =	vlt.s32 v24, $0x1;
	v1 =	vadd.s32 v3, v1;
	v3 =	vnsel vm8, $0x1, v48  }
0x53: {  	v46 =	vld [tilespmem:$0x1A0];
	v34 =	vnsel vm7, $0x1, v24;
	vm8 =	vlt.s32 v26, $0x1;
	v1 =	vadd.s32 v43, v1  }
0x54: {  	v48 =	vld [tilespmem:$0x220];
	v3 =	vadd.s32 v3, v59;
	v36 =	vnsel vm8, $0x1, v26;
	v1 =	vadd.s32 v45, v1  }
0x55: {  	v43 =	vld [tilespmem:$0xA0];
	v3 =	vadd.s32 v61, v3;
	v45 =	vnsel vm13, $0x1, v35;
	vm13 =	vlt.s32 v58, $0x1  }
0x56: {  	v59 =	vld [tilespmem:$0x520];
	v1 =	vadd.s32 v47, v1;
	v3 =	vadd.s32 v63, v3;
	v47 =	vnsel vm14, $0x1, v37  }
0x57: {  	v61 =	vld [tilespmem:$0x5A0];
	v24 =	vnsel vm13, $0x1, v58;
	v1 =	vadd.s32 v49, v1;
	v3 =	vadd.s32 v21, v3  }
0x58: {  	v35 =	vld [tilespmem:$0x30];
	v49 =	vnsel vm15, $0x1, v39;
	vm7 =	vlt.s32 v46, $0x1;
	v1 =	vadd.s32 v51, v1  }
0x59: {  	v63 =	vld [tilespmem:$0x620];
	v3 =	vadd.s32 v23, v3;
	v57 =	vnsel vm7, $0x1, v46;
	vm8 =	vlt.s32 v48, $0x1  }
0x5a: {  	v37 =	vld [tilespmem:$0xB0];
	v1 =	vadd.s32 v53, v1;
	v3 =	vadd.s32 v25, v3;
	vm5 =	vlt.s32 v43, $0x1  }
0x5b: {  	v21 =	vld [tilespmem:$0x6A0];
	vm14 =	vlt.s32 v59, $0x1;
	v1 =	vadd.s32 v55, v1;
	v3 =	vadd.s32 v27, v3  }
0x5c: {  	v39 =	vld [tilespmem:$0x130];
	v53 =	vnsel vm5, $0x1, v43;
	v55 =	vnsel vm6, $0x1, v44;
	v26 =	vnsel vm14, $0x1, v59  }
0x5d: {  	v23 =	vld [tilespmem:$0x720];
	vm15 =	vlt.s32 v61, $0x1;
	v1 =	vadd.s32 v2, v1;
	v2 =	vnsel vm4, $0x1, v62  }
0x5e: {  	v25 =	vld [tilespmem:$0x7A0];
	vm4 =	vlt.s32 v41, $0x1;
	v62 =	vnsel vm10, $0x1, v52;
	v28 =	vnsel vm15, $0x1, v61  }
0x5f: {  	v27 =	vld [tilespmem:$0x820];
	vm10 =	vlt.s32 v31, $0x1;
	vm13 =	vlt.s32 v37, $0x1;
	v2 =	vadd.s32 v2, v3  }
0x60: {  	v43 =	vld [tilespmem:$0x230];
	v3 =	vnsel vm12, $0x1, v33;
	v51 =	vnsel vm4, $0x1, v41;
	vm12 =	vlt.s32 v56, $0x1  }
0x61: {  	v59 =	vld [tilespmem:$0x630];
	vm4 =	vlt.s32 v63, $0x1;
	vm5 =	vlt.s32 v21, $0x1;
	vm14 =	vlt.s32 v39, $0x1  }
0x62: {  	v61 =	vld [tilespmem:$0x6B0];
	v1 =	vcvt.s32.f32 v1;
	v2 =	vadd.s32 v30, v2;
	v7 =	vadd.s32 v51, v53  }
0x63: {  	v33 =	vld [tilespmem:$0x9A0];
	v22 =	vnsel vm12, $0x1, v56;
	v30 =	vnsel vm4, $0x1, v63;
	vm6 =	vlt.s32 v23, $0x1  }
0x64: {  	v41 =	vld [tilespmem:$0x1B0];
	vm12 =	vlt.s32 v35, $0x1;
	v50 =	vnsel vm14, $0x1, v39;
	v2 =	vadd.s32 v32, v2  }
0x65: {  	v53 =	vld [tilespmem:$0x4B0];
	v7 =	vadd.s32 v55, v7;
	v32 =	vnsel vm5, $0x1, v21;
	vm7 =	vlt.s32 v25, $0x1  }
0x66: {  	v63 =	vld [tilespmem:$0x730];
	v46 =	vnsel vm12, $0x1, v35;
	v2 =	vadd.s32 v34, v2;
	v7 =	vadd.s32 v57, v7  }
0x67: {  	v55 =	vld [tilespmem:$0x530];
	v34 =	vnsel vm6, $0x1, v23;
	vm4 =	vlt.s32 v43, $0x1;
	vm12 =	vlt.s32 v59, $0x1  }
0x68: {  	v21 =	vld [tilespmem:$0x7B0];
	v2 =	vadd.s32 v36, v2;
	v36 =	vnsel vm7, $0x1, v25;
	v54 =	vnsel vm4, $0x1, v43  }
0x69: {  	v57 =	vld [tilespmem:$0x5B0];
	v2 =	vadd.s32 v38, v2;
	vm11 =	vlt.s32 v33, $0x1;
	vm15 =	vlt.s32 v41, $0x1  }
0x6a: {  	v23 =	vld [tilespmem:$0x830];
	v2 =	vadd.s32 v40, v2;
	v40 =	vnsel vm9, $0x1, v29;
	v44 =	vnsel vm11, $0x1, v33  }
0x6b: {  	v51 =	vld [tilespmem:$0x430];
	v52 =	vnsel vm15, $0x1, v41;
	vm9 =	vlt.s32 v53, $0x1;
	vm14 =	vlt.s32 v63, $0x1  }
0x6c: {  	v39 =	vld [tilespmem:$0x240];
	v2 =	vadd.s32 v42, v2;
	v42 =	vnsel vm10, $0x1, v31;
	vm10 =	vlt.s32 v55, $0x1  }
0x6d: {  	v35 =	vld [tilespmem:$0x140];
	vm15 =	vlt.s32 v21, $0x1;
	v2 =	vadd.s32 v3, v2;
	v3 =	vnsel vm8, $0x1, v48  }
0x6e: {  	v25 =	vld [tilespmem:$0x8B0];
	vm8 =	vlt.s32 v27, $0x1;
	v48 =	vnsel vm13, $0x1, v37;
	vm11 =	vlt.s32 v57, $0x1  }
0x6f: {  	v31 =	vld [tilespmem:$0x40];
	vm13 =	vlt.s32 v61, $0x1;
	vm4 =	vlt.s32 v23, $0x1;
	v2 =	vadd.s32 v45, v2  }
0x70: {  	v33 =	vld [tilespmem:$0xC0];
	v3 =	vadd.s32 v3, v7;
	v38 =	vnsel vm8, $0x1, v27;
	v5 =	vadd.s32 v46, v48  }
0x71: {  	v43 =	vld [tilespmem:$0x340];
	vm8 =	vlt.s32 v51, $0x1;
	v2 =	vadd.s32 v47, v2;
	v3 =	vadd.s32 v60, v3  }
0x72: {  	v45 =	vld [tilespmem:$0x2B0];
	v5 =	vadd.s32 v50, v5;
	v2 =	vadd.s32 v49, v2;
	v3 =	vadd.s32 v62, v3  }
0x73: {  	v37 =	vld [tilespmem:$0x1C0];
	v62 =	vnsel vm8, $0x1, v51;
	v5 =	vadd.s32 v52, v5;
	v3 =	vadd.s32 v20, v3  }
0x74: {  	v47 =	vld [tilespmem:$0x330];
	v20 =	vnsel vm9, $0x1, v53;
	v5 =	vadd.s32 v54, v5;
	vm8 =	vlt.s32 v31, $0x1  }
0x75: {  	v29 =	vld [tilespmem:$0x9B0];
	vm9 =	vlt.s32 v33, $0x1;
	v2 =	vcvt.s32.f32 v2;
	v3 =	vadd.s32 v22, v3  }
0x76: {  	v49 =	vld [tilespmem:$0x3B0];
	v22 =	vnsel vm10, $0x1, v55;
	vm10 =	vlt.s32 v35, $0x1;
	v3 =	vadd.s32 v24, v3  }
0x77: {  	v27 =	vld [tilespmem:$0x930];
	vm5 =	vlt.s32 v45, $0x1;
	v24 =	vnsel vm11, $0x1, v57;
	v46 =	vnsel vm10, $0x1, v35  }
0x78: {  	v41 =	vld [tilespmem:$0x2C0];
	vm11 =	vlt.s32 v37, $0x1;
	v3 =	vadd.s32 v26, v3;
	v56 =	vnsel vm5, $0x1, v45  }
0x79: {  	v51 =	vld [tilespmem:$0x540];
	vm6 =	vlt.s32 v47, $0x1;
	v26 =	vnsel vm12, $0x1, v59;
	vm5 =	vlt.s32 v25, $0x1  }
0x7a: {  	v53 =	vld [tilespmem:$0x5C0];
	v48 =	vnsel vm11, $0x1, v37;
	vm12 =	vlt.s32 v39, $0x1;
	v3 =	vadd.s32 v28, v3  }
0x7b: {  	v55 =	vld [tilespmem:$0x640];
	v58 =	vnsel vm6, $0x1, v47;
	vm7 =	vlt.s32 v49, $0x1;
	v5 =	vadd.s32 v56, v5  }
0x7c: {  	v57 =	vld [tilespmem:$0x6C0];
	v28 =	vnsel vm13, $0x1, v61;
	vm6 =	vlt.s32 v27, $0x1;
	v50 =	vnsel vm12, $0x1, v39  }
0x7d: {  	v45 =	vld [tilespmem:$0x3C0];
	vm13 =	vlt.s32 v41, $0x1;
	v3 =	vadd.s32 v30, v3;
	v60 =	vnsel vm7, $0x1, v49  }
0x7e: {  	v59 =	vld [tilespmem:$0x740];
	v4 =	vadd.s32 v58, v5;
	v30 =	vnsel vm14, $0x1, v63;
	vm7 =	vlt.s32 v29, $0x1  }
0x7f: {  	v47 =	vld [tilespmem:$0x440];
	v52 =	vnsel vm13, $0x1, v41;
	vm14 =	vlt.s32 v43, $0x1;
	v3 =	vadd.s32 v32, v3  }
0x80: {  	v61 =	vld [tilespmem:$0x7C0];
	v4 =	vadd.s32 v60, v4;
	v32 =	vnsel vm15, $0x1, v21;
	v54 =	vnsel vm14, $0x1, v43  }
0x81: {  	v35 =	vld [tilespmem:$0x250];
	v3 =	vadd.s32 v34, v3;
	v4 =	vadd.s32 v62, v4;
	v34 =	vnsel vm4, $0x1, v23  }
0x82: {  	v49 =	vld [tilespmem:$0x4C0];
	v3 =	vadd.s32 v36, v3;
	v4 =	vadd.s32 v20, v4;
	v36 =	vnsel vm5, $0x1, v25  }
0x83: {  	v63 =	vld [tilespmem:$0x840];
	vm15 =	vlt.s32 v45, $0x1;
	vm10 =	vlt.s32 v59, $0x1;
	v3 =	vadd.s32 v38, v3  }
0x84: {  	v37 =	vld [tilespmem:$0x2D0];
	v4 =	vadd.s32 v22, v4;
	v38 =	vnsel vm6, $0x1, v27;
	v56 =	vnsel vm15, $0x1, v45  }
0x85: {  	v39 =	vld [tilespmem:$0x350];
	vm4 =	vlt.s32 v47, $0x1;
	vm6 =	vlt.s32 v51, $0x1;
	vm11 =	vlt.s32 v61, $0x1  }
0x86: {  	v21 =	vld [tilespmem:$0x8C0];
	v3 =	vadd.s32 v40, v3;
	v4 =	vadd.s32 v24, v4;
	v40 =	vnsel vm7, $0x1, v29  }
0x87: {  	v41 =	vld [tilespmem:$0x3D0];
	v58 =	vnsel vm4, $0x1, v47;
	vm5 =	vlt.s32 v49, $0x1;
	v62 =	vnsel vm6, $0x1, v51  }
0x88: {  	v23 =	vld [tilespmem:$0x940];
	vm7 =	vlt.s32 v53, $0x1;
	vm12 =	vlt.s32 v63, $0x1;
	v3 =	vadd.s32 v42, v3  }
0x89: {  	v43 =	vld [tilespmem:$0x450];
	v4 =	vadd.s32 v26, v4;
	v42 =	vnsel vm8, $0x1, v31;
	v60 =	vnsel vm5, $0x1, v49  }
0x8a: {  	v25 =	vld [tilespmem:$0x9C0];
	v20 =	vnsel vm7, $0x1, v53;
	vm8 =	vlt.s32 v55, $0x1;
	v26 =	vnsel vm10, $0x1, v59  }
0x8b: {  	v27 =	vld [tilespmem:$0x50];
	vm13 =	vlt.s32 v21, $0x1;
	vm10 =	vlt.s32 v39, $0x1;
	v3 =	vadd.s32 v44, v3  }
0x8c: {  	v45 =	vld [tilespmem:$0x4D0];
	v4 =	vadd.s32 v28, v4;
	v44 =	vnsel vm9, $0x1, v33;
	v22 =	vnsel vm8, $0x1, v55  }
0x8d: {  	v29 =	vld [tilespmem:$0xD0];
	vm9 =	vlt.s32 v57, $0x1;
	v28 =	vnsel vm11, $0x1, v61;
	vm14 =	vlt.s32 v23, $0x1  }
0x8e: {  	v47 =	vld [tilespmem:$0x550];
	vm8 =	vlt.s32 v35, $0x1;
	vm11 =	vlt.s32 v41, $0x1;
	v4 =	vadd.s32 v30, v4  }
0x8f: {  	v51 =	vld [tilespmem:$0x650];
	v8 =	vadd.s32 v42, v44;
	v24 =	vnsel vm9, $0x1, v57;
	v30 =	vnsel vm12, $0x1, v63  }
0x90: {  	v31 =	vld [tilespmem:$0x150];
	vm15 =	vlt.s32 v25, $0x1;
	vm9 =	vlt.s32 v37, $0x1;
	vm12 =	vlt.s32 v43, $0x1  }
0x91: {  	v49 =	vld [tilespmem:$0x5D0];
	v3 =	vcvt.s32.f32 v3;
	v4 =	vadd.s32 v32, v4;
	v8 =	vadd.s32 v46, v8  }
0x92: {  	v59 =	vld [tilespmem:$0x850];
	v32 =	vnsel vm13, $0x1, v21;
	vm4 =	vlt.s32 v27, $0x1;
	v46 =	vnsel vm8, $0x1, v35  }
0x93: {  	v33 =	vld [tilespmem:$0x1D0];
	vm13 =	vlt.s32 v45, $0x1;
	v4 =	vadd.s32 v34, v4;
	v7 =	vadd.s32 v48, v8  }
0x94: {  	v55 =	vld [tilespmem:$0x750];
	v34 =	vnsel vm14, $0x1, v23;
	vm5 =	vlt.s32 v29, $0x1;
	v48 =	vnsel vm9, $0x1, v37  }
0x95: {  	v61 =	vld [tilespmem:$0x8D0];
	vm14 =	vlt.s32 v47, $0x1;
	v4 =	vadd.s32 v36, v4;
	v5 =	vadd.s32 v50, v7  }
0x96: {  	v53 =	vld [tilespmem:$0x6D0];
	v36 =	vnsel vm15, $0x1, v25;
	vm6 =	vlt.s32 v31, $0x1;
	v50 =	vnsel vm10, $0x1, v39  }
0x97: {  	v57 =	vld [tilespmem:$0x7D0];
	vm15 =	vlt.s32 v49, $0x1;
	vm8 =	vlt.s32 v59, $0x1;
	v4 =	vadd.s32 v38, v4  }
0x98: {  	v63 =	vld [tilespmem:$0x950];
	v5 =	vadd.s32 v52, v5;
	v38 =	vnsel vm4, $0x1, v27;
	v42 =	vnsel vm6, $0x1, v31  }
0x99: {  	v21 =	vld [tilespmem:$0x9D0];
	vm7 =	vlt.s32 v33, $0x1;
	v52 =	vnsel vm11, $0x1, v41;
	vm4 =	vlt.s32 v51, $0x1  }
0x9a: {  	vm6 =	vlt.s32 v55, $0x1;
	vm9 =	vlt.s32 v61, $0x1;
	v4 =	vadd.s32 v40, v4  }
0x9b: {  	v23 =	vld [tilespmem:$0x60];
	v5 =	vadd.s32 v54, v5;
	v40 =	vnsel vm5, $0x1, v29;
	v44 =	vnsel vm7, $0x1, v33  }
0x9c: {  	v25 =	vld [tilespmem:$0xE0];
	v54 =	vnsel vm12, $0x1, v43;
	vm5 =	vlt.s32 v53, $0x1;
	vm7 =	vlt.s32 v57, $0x1  }
0x9d: {  	v27 =	vld [tilespmem:$0x160];
	vm10 =	vlt.s32 v63, $0x1;
	v5 =	vadd.s32 v56, v5;
	v6 =	vadd.s32 v38, v40  }
0x9e: {  	[tilespmem:$0xAA10] =	vst v2;
	v31 =	vld [tilespmem:$0x260];
	v56 =	vnsel vm13, $0x1, v45;
	vm11 =	vlt.s32 v21, $0x1;
	v2 =	vcvt.s32.f32 v4  }
0x9f: {  	v29 =	vld [tilespmem:$0x1E0];
	v5 =	vadd.s32 v58, v5;
	v6 =	vadd.s32 v42, v6;
	v58 =	vnsel vm14, $0x1, v47  }
0xa0: {  	v33 =	vld [tilespmem:$0x2E0];
	vm12 =	vlt.s32 v23, $0x1;
	v5 =	vadd.s32 v60, v5;
	v6 =	vadd.s32 v44, v6  }
0xa1: {  	v35 =	vld [tilespmem:$0x360];
	v60 =	vnsel vm15, $0x1, v49;
	vm13 =	vlt.s32 v25, $0x1;
	v5 =	vadd.s32 v62, v5  }
0xa2: {  	v37 =	vld [tilespmem:$0x3E0];
	v6 =	vadd.s32 v46, v6;
	v62 =	vnsel vm4, $0x1, v51;
	vm14 =	vlt.s32 v27, $0x1  }
0xa3: {  	v39 =	vld [tilespmem:$0x460];
	vm4 =	vlt.s32 v31, $0x1;
	v5 =	vadd.s32 v20, v5;
	v6 =	vadd.s32 v48, v6  }
0xa4: {  	v41 =	vld [tilespmem:$0x4E0];
	v20 =	vnsel vm5, $0x1, v53;
	v38 =	vnsel vm14, $0x1, v27;
	vm15 =	vlt.s32 v29, $0x1  }
0xa5: {  	v43 =	vld [tilespmem:$0x560];
	v42 =	vnsel vm4, $0x1, v31;
	vm5 =	vlt.s32 v33, $0x1;
	v5 =	vadd.s32 v22, v5  }
0xa6: {  	v45 =	vld [tilespmem:$0x5E0];
	v6 =	vadd.s32 v50, v6;
	v22 =	vnsel vm6, $0x1, v55;
	v40 =	vnsel vm15, $0x1, v29  }
0xa7: {  	v51 =	vld [tilespmem:$0x760];
	v44 =	vnsel vm5, $0x1, v33;
	vm6 =	vlt.s32 v35, $0x1;
	v5 =	vadd.s32 v24, v5  }
0xa8: {  	v47 =	vld [tilespmem:$0x660];
	v6 =	vadd.s32 v52, v6;
	v24 =	vnsel vm7, $0x1, v57;
	v46 =	vnsel vm6, $0x1, v35  }
0xa9: {  	v53 =	vld [tilespmem:$0x7E0];
	vm7 =	vlt.s32 v37, $0x1;
	v5 =	vadd.s32 v26, v5;
	v6 =	vadd.s32 v54, v6  }
0xaa: {  	v49 =	vld [tilespmem:$0x6E0];
	v26 =	vnsel vm8, $0x1, v59;
	v48 =	vnsel vm7, $0x1, v37;
	vm8 =	vlt.s32 v39, $0x1  }
0xab: {  	v55 =	vld [tilespmem:$0x860];
	v5 =	vadd.s32 v28, v5;
	v6 =	vadd.s32 v56, v6;
	v28 =	vnsel vm9, $0x1, v61  }
0xac: {  	v27 =	vld [tilespmem:$0x270];
	v50 =	vnsel vm8, $0x1, v39;
	vm9 =	vlt.s32 v41, $0x1;
	vm14 =	vlt.s32 v51, $0x1  }
0xad: {  	v31 =	vld [tilespmem:$0x370];
	v5 =	vadd.s32 v30, v5;
	v6 =	vadd.s32 v58, v6;
	v30 =	vnsel vm10, $0x1, v63  }
0xae: {  	v57 =	vld [tilespmem:$0x8E0];
	v52 =	vnsel vm9, $0x1, v41;
	vm10 =	vlt.s32 v43, $0x1;
	vm15 =	vlt.s32 v53, $0x1  }
0xaf: {  	v29 =	vld [tilespmem:$0x2F0];
	v5 =	vadd.s32 v32, v5;
	v6 =	vadd.s32 v60, v6;
	v32 =	vnsel vm11, $0x1, v21  }
0xb0: {  	v59 =	vld [tilespmem:$0x960];
	v54 =	vnsel vm10, $0x1, v43;
	vm11 =	vlt.s32 v45, $0x1;
	vm4 =	vlt.s32 v55, $0x1  }
0xb1: {  	v33 =	vld [tilespmem:$0x3F0];
	v5 =	vadd.s32 v34, v5;
	v6 =	vadd.s32 v62, v6;
	v34 =	vnsel vm12, $0x1, v23  }
0xb2: {  	v35 =	vld [tilespmem:$0x470];
	v56 =	vnsel vm11, $0x1, v45;
	vm12 =	vlt.s32 v47, $0x1;
	v62 =	vnsel vm14, $0x1, v51  }
0xb3: {  	v61 =	vld [tilespmem:$0x9E0];
	vm5 =	vlt.s32 v57, $0x1;
	vm14 =	vlt.s32 v31, $0x1;
	v5 =	vadd.s32 v36, v5  }
0xb4: {  	v6 =	vadd.s32 v20, v6;
	v36 =	vnsel vm13, $0x1, v25;
	v58 =	vnsel vm12, $0x1, v47  }
0xb5: {  	v63 =	vld [tilespmem:$0x70];
	vm13 =	vlt.s32 v49, $0x1;
	v20 =	vnsel vm15, $0x1, v53;
	vm6 =	vlt.s32 v59, $0x1  }
0xb6: {  	v37 =	vld [tilespmem:$0x4F0];
	vm12 =	vlt.s32 v27, $0x1;
	vm15 =	vlt.s32 v33, $0x1;
	v6 =	vadd.s32 v22, v6  }
0xb7: {  	v21 =	vld [tilespmem:$0xF0];
	v7 =	vadd.s32 v34, v36;
	v60 =	vnsel vm13, $0x1, v49;
	v22 =	vnsel vm4, $0x1, v55  }
0xb8: {  	v39 =	vld [tilespmem:$0x570];
	vm7 =	vlt.s32 v61, $0x1;
	vm13 =	vlt.s32 v29, $0x1;
	vm4 =	vlt.s32 v35, $0x1  }
0xb9: {  	[tilespmem:$0xAA20] =	vst v3;
	v23 =	vld [tilespmem:$0x170];
	v3 =	vcvt.s32.f32 v5;
	v6 =	vadd.s32 v24, v6;
	v7 =	vadd.s32 v38, v7  }
0xba: {  	v41 =	vld [tilespmem:$0x5F0];
	v24 =	vnsel vm5, $0x1, v57;
	vm8 =	vlt.s32 v63, $0x1;
	v38 =	vnsel vm12, $0x1, v27  }
0xbb: {  	v25 =	vld [tilespmem:$0x1F0];
	vm5 =	vlt.s32 v37, $0x1;
	v6 =	vadd.s32 v26, v6;
	v7 =	vadd.s32 v40, v7  }
0xbc: {  	v26 =	vnsel vm6, $0x1, v59;
	vm9 =	vlt.s32 v21, $0x1;
	v40 =	vnsel vm13, $0x1, v29  }
0xbd: {  	v43 =	vld [tilespmem:$0x670];
	vm6 =	vlt.s32 v39, $0x1;
	v6 =	vadd.s32 v28, v6;
	v7 =	vadd.s32 v42, v7  }
0xbe: {  	v47 =	vld [tilespmem:$0x770];
	v28 =	vnsel vm7, $0x1, v61;
	vm10 =	vlt.s32 v23, $0x1;
	v42 =	vnsel vm14, $0x1, v31  }
0xbf: {  	vm7 =	vlt.s32 v41, $0x1;
	v6 =	vadd.s32 v30, v6;
	v7 =	vadd.s32 v44, v7  }
0xc0: {  	v45 =	vld [tilespmem:$0x6F0];
	v30 =	vnsel vm8, $0x1, v63;
	v34 =	vnsel vm10, $0x1, v23;
	vm11 =	vlt.s32 v25, $0x1  }
0xc1: {  	v49 =	vld [tilespmem:$0x7F0];
	v44 =	vnsel vm15, $0x1, v33;
	v6 =	vadd.s32 v32, v6;
	v32 =	vnsel vm9, $0x1, v21  }
0xc2: {  	v51 =	vnsel vm7, $0x1, v41;
	vm8 =	vlt.s32 v43, $0x1;
	v8 =	vadd.s32 v30, v32  }
0xc3: {  	v57 =	vld [tilespmem:$0x970];
	vm10 =	vlt.s32 v47, $0x1;
	v36 =	vnsel vm11, $0x1, v25;
	v8 =	vadd.s32 v34, v8  }
0xc4: {  	v7 =	vadd.s32 v46, v7;
	v46 =	vnsel vm4, $0x1, v35;
	v8 =	vadd.s32 v36, v8  }
0xc5: {  	v53 =	vnsel vm8, $0x1, v43;
	vm9 =	vlt.s32 v45, $0x1;
	v8 =	vadd.s32 v38, v8  }
0xc6: {  	v59 =	vld [tilespmem:$0x9F0];
	vm11 =	vlt.s32 v49, $0x1;
	v7 =	vadd.s32 v48, v7;
	v8 =	vadd.s32 v40, v8  }
0xc7: {  	v48 =	vnsel vm5, $0x1, v37;
	v55 =	vnsel vm9, $0x1, v45;
	v8 =	vadd.s32 v42, v8  }
0xc8: {  	vm14 =	vlt.s32 v57, $0x1;
	v7 =	vadd.s32 v50, v7;
	v8 =	vadd.s32 v44, v8  }
0xc9: {  	v63 =	vcvt.s32.f32 v6;
	v7 =	vadd.s32 v52, v7;
	v52 =	vld [tilespmem:$0x870];
	v8 =	vadd.s32 v46, v8  }
0xca: {  	v50 =	vnsel vm6, $0x1, v39;
	v7 =	vadd.s32 v54, v7;
	v8 =	vadd.s32 v48, v8  }
0xcb: {  	vm15 =	vlt.s32 v59, $0x1;
	v54 =	vld [tilespmem:$0x8F0];
	v7 =	vadd.s32 v56, v7;
	v8 =	vadd.s32 v50, v8  }
0xcc: {  	v56 =	vnsel vm10, $0x1, v47;
	v7 =	vadd.s32 v58, v7;
	v8 =	vadd.s32 v51, v8  }
0xcd: {  	v58 =	vnsel vm11, $0x1, v49;
	v7 =	vadd.s32 v60, v7;
	v8 =	vadd.s32 v53, v8  }
0xce: {  	v7 =	vadd.s32 v62, v7;
	vm12 =	vlt.s32 v52, $0x1;
	v8 =	vadd.s32 v55, v8  }
0xcf: {  	v7 =	vadd.s32 v20, v7;
	v60 =	vnsel vm12, $0x1, v52;
	v8 =	vadd.s32 v56, v8  }
0xd0: {  	vm13 =	vlt.s32 v54, $0x1;
	v7 =	vadd.s32 v22, v7;
	v8 =	vadd.s32 v58, v8  }
0xd1: {  	[tilespmem:$0xAA00] =	vst v1;
	v61 =	vnsel vm13, $0x1, v54;
	v7 =	vadd.s32 v24, v7;
	v1 =	vadd.s32 v60, v8  }
0xd2: {  	v62 =	vnsel vm14, $0x1, v57;
	v7 =	vadd.s32 v26, v7;
	v1 =	vadd.s32 v61, v1  }
0xd3: {  	[tilespmem:$0xAA30] =	vst v2;
	v2 =	vnsel vm15, $0x1, v59;
	v7 =	vadd.s32 v28, v7;
	v1 =	vadd.s32 v62, v1  }
0xd4: {  	[tilespmem:$0xAA40] =	vst v3;
	v1 =	vadd.s32 v2, v1;
	v2 =	vcvt.s32.f32 v7  }
0xd5: {  	[tilespmem:$0xAA50] =	vst v63;
	v1 =	vcvt.s32.f32 v1  }
0xd6: {  	[tilespmem:$0xAA60] =	vst v2  }
0xd7: {  	s0 =	simm.s32 $0x0;
	s1 =	simm.s32 $0x400;
	[tilespmem:$0xAA70] =	vst v1  }
.LBB2_2:
0xd8: {  	p0 =	sne.s32 s1, $0x7C00;
	[tilespmem:s0+$0x8AF0] =	vst v0  }
0xd9: {  	[tilespmem:s0+$0x8A00] =	vst v0  }
0xda: {  	[tilespmem:s0+$0x8A10] =	vst v0  }
0xdb: {  	[tilespmem:s0+$0x8A20] =	vst v0  }
0xdc: {  	[tilespmem:s0+$0x8A30] =	vst v0  }
0xdd: {  	[tilespmem:s0+$0x8A40] =	vst v0  }
0xde: {  	[tilespmem:s0+$0x8A50] =	vst v0  }
0xdf: {  	[tilespmem:s0+$0x8A60] =	vst v0  }
0xe0: {  	[tilespmem:s0+$0x8A70] =	vst v0  }
0xe1: {  	[tilespmem:s0+$0x8A80] =	vst v0  }
0xe2: {  	[tilespmem:s0+$0x8A90] =	vst v0  }
.Ltmp0:
0xe3: {  	[tilespmem:s0+$0x8AA0] =	vst v0;
	(pc) =	sbr.rel @p0 .LBB2_2-.Ltmp0, $4  }
0xe4: {  	[tilespmem:s0+$0x8AB0] =	vst v0  }
0xe5: {  	[tilespmem:s0+$0x8AC0] =	vst v0  }
0xe6: {  	[tilespmem:s0+$0x8AD0] =	vst v0  }
0xe7: {  	[tilespmem:s0+$0x8AE0] =	vst v0;
	s0 =	sshra.s32 s1, $0x2;
	s1 =	sadd.s32 $0x400, s1  }
0xe8: {  	[tilespmem:s0+$0x8AF0] =	vst v0  }
0xe9: {  	[tilespmem:s0+$0x8A00] =	vst v0  }
0xea: {  	[tilespmem:s0+$0x8A10] =	vst v0  }
0xeb: {  	[tilespmem:s0+$0x8A20] =	vst v0  }
0xec: {  	[tilespmem:s0+$0x8A30] =	vst v0  }
0xed: {  	[tilespmem:s0+$0x8A40] =	vst v0  }
0xee: {  	[tilespmem:s0+$0x8A50] =	vst v0  }
0xef: {  	[tilespmem:s0+$0x8A60] =	vst v0  }
0xf0: {  	[tilespmem:s0+$0x8A70] =	vst v0  }
0xf1: {  	[tilespmem:s0+$0x8A80] =	vst v0  }
0xf2: {  	[tilespmem:s0+$0x8A90] =	vst v0  }
0xf3: {  	[tilespmem:s0+$0x8AA0] =	vst v0  }
0xf4: {  	[tilespmem:s0+$0x8AB0] =	vst v0  }
0xf5: {  	[tilespmem:s0+$0x8AC0] =	vst v0  }
0xf6: {  	[tilespmem:s0+$0x8AD0] =	vst v0  }
0xf7: {  	s31 =	simm.s32 $0x0;
	[tilespmem:s0+$0x8AE0] =	vst v0  }
.LBB2_4:
0xf8: {  	_ =	swait.ge [sflag:s21], $0x2000;
	s0 =	sshll.u32 s31, $0x9  }
0xf9: {  	[sflag:s21] =	ssyncset.done $0x0;
	s0 =	sand.u32 $0x3FFFFE00, s0  }
0xfa: {  	[sflag:s21] =	ssyncadd.s32 $0xFFFFE000;
	s1 =	sor.u32 $0x180, s0  }
0xfb: {  	[tilespmem:s22], [sflag:$0x4] =	stream.indirect.gather [hbm4b:s3+s14], $0x40, s1, s14, $0xb8;
	[tilespmem:$0xCB00] =	vst v63  }
0xfc: {  	s12 =	simm.s32 $0x400;
	s1 =	simm.s32 $0x0  }
.LBB2_5:
0xfd: {  	p0 =	sne.s32 s12, $0x7C00;
	v1 =	vld [tilespmem:s1+$0xAF0]  }
0xfe: {  	v2 =	vld [tilespmem:s1+$0xA00]  }
0xff: {  	v3 =	vld [tilespmem:s1+$0xA10]  }
0x100: {  	v4 =	vld [tilespmem:s1+$0xA20]  }
0x101: {  	v5 =	vld [tilespmem:s1+$0xA30]  }
0x102: {  	[tilespmem:s1+$0x8AF0] =	vst.add.f32.msk $0xffff, v1  }
0x103: {  	v1 =	vld [tilespmem:s1+$0xA40]  }
0x104: {  	v6 =	vld [tilespmem:s1+$0xA50]  }
0x105: {  	v7 =	vld [tilespmem:s1+$0xA60]  }
0x106: {  	v8 =	vld [tilespmem:s1+$0xA70]  }
0x107: {  	v9 =	vld [tilespmem:s1+$0xA80]  }
0x108: {  	v10 =	vld [tilespmem:s1+$0xA90]  }
0x109: {  	v11 =	vld [tilespmem:s1+$0xAA0]  }
0x10a: {  	v12 =	vld [tilespmem:s1+$0xAB0]  }
0x10b: {  	v13 =	vld [tilespmem:s1+$0xAC0]  }
0x10c: {  	v14 =	vld [tilespmem:s1+$0xAD0]  }
0x10d: {  	v15 =	vld [tilespmem:s1+$0xAE0]  }
0x10e: {  	[tilespmem:s1+$0x8A00] =	vst.add.f32.msk $0xffff, v2  }
0x10f: {  	[tilespmem:s1+$0x8A10] =	vst.add.f32.msk $0xffff, v3  }
0x110: {  	[tilespmem:s1+$0x8A20] =	vst.add.f32.msk $0xffff, v4  }
0x111: {  	[tilespmem:s1+$0x8A30] =	vst.add.f32.msk $0xffff, v5  }
0x112: {  	[tilespmem:s1+$0x8A40] =	vst.add.f32.msk $0xffff, v1  }
0x113: {  	[tilespmem:s1+$0x8A50] =	vst.add.f32.msk $0xffff, v6  }
0x114: {  	[tilespmem:s1+$0x8A60] =	vst.add.f32.msk $0xffff, v7  }
0x115: {  	[tilespmem:s1+$0x8A70] =	vst.add.f32.msk $0xffff, v8  }
0x116: {  	[tilespmem:s1+$0x8A80] =	vst.add.f32.msk $0xffff, v9  }
0x117: {  	[tilespmem:s1+$0x8A90] =	vst.add.f32.msk $0xffff, v10  }
.Ltmp1:
0x118: {  	[tilespmem:s1+$0x8AA0] =	vst.add.f32.msk $0xffff, v11;
	(pc) =	sbr.rel @p0 .LBB2_5-.Ltmp1, $4  }
0x119: {  	[tilespmem:s1+$0x8AB0] =	vst.add.f32.msk $0xffff, v12  }
0x11a: {  	[tilespmem:s1+$0x8AC0] =	vst.add.f32.msk $0xffff, v13  }
0x11b: {  	[tilespmem:s1+$0x8AD0] =	vst.add.f32.msk $0xffff, v14  }
0x11c: {  	[tilespmem:s1+$0x8AE0] =	vst.add.f32.msk $0xffff, v15;
	s1 =	sshra.s32 s12, $0x2;
	s12 =	sadd.s32 $0x400, s12  }
0x11d: {  	v1 =	vld [tilespmem:s1+$0xAF0]  }
0x11e: {  	v2 =	vld [tilespmem:s1+$0xA00]  }
0x11f: {  	v3 =	vld [tilespmem:s1+$0xA10]  }
0x120: {  	v4 =	vld [tilespmem:s1+$0xA20]  }
0x121: {  	v5 =	vld [tilespmem:s1+$0xA30]  }
0x122: {  	v6 =	vld [tilespmem:s1+$0xA50]  }
0x123: {  	v7 =	vld [tilespmem:s1+$0xA60]  }
0x124: {  	v8 =	vld [tilespmem:s1+$0xA70]  }
0x125: {  	v9 =	vld [tilespmem:s1+$0xA80]  }
0x126: {  	v10 =	vld [tilespmem:s1+$0xA90]  }
0x127: {  	v11 =	vld [tilespmem:s1+$0xAA0]  }
0x128: {  	v12 =	vld [tilespmem:s1+$0xAB0]  }
0x129: {  	v13 =	vld [tilespmem:s1+$0xAC0]  }
0x12a: {  	v14 =	vld [tilespmem:s1+$0xAD0]  }
0x12b: {  	v15 =	vld [tilespmem:s1+$0xAE0]  }
0x12c: {  	[tilespmem:s1+$0x8AF0] =	vst.add.f32.msk $0xffff, v1  }
0x12d: {  	v1 =	vld [tilespmem:s1+$0xA40]  }
0x12e: {  	[tilespmem:s1+$0x8A00] =	vst.add.f32.msk $0xffff, v2  }
0x12f: {  	[tilespmem:s1+$0x8A10] =	vst.add.f32.msk $0xffff, v3  }
0x130: {  	[tilespmem:s1+$0x8A20] =	vst.add.f32.msk $0xffff, v4  }
0x131: {  	[tilespmem:s1+$0x8A30] =	vst.add.f32.msk $0xffff, v5  }
0x132: {  	[tilespmem:s1+$0x8A50] =	vst.add.f32.msk $0xffff, v6  }
0x133: {  	[tilespmem:s1+$0x8A60] =	vst.add.f32.msk $0xffff, v7  }
0x134: {  	[tilespmem:s1+$0x8A70] =	vst.add.f32.msk $0xffff, v8  }
0x135: {  	[tilespmem:s1+$0x8A80] =	vst.add.f32.msk $0xffff, v9  }
0x136: {  	[tilespmem:s1+$0x8A90] =	vst.add.f32.msk $0xffff, v10  }
0x137: {  	[tilespmem:s1+$0x8AA0] =	vst.add.f32.msk $0xffff, v11  }
0x138: {  	[tilespmem:s1+$0x8AB0] =	vst.add.f32.msk $0xffff, v12  }
0x139: {  	[tilespmem:s1+$0x8AC0] =	vst.add.f32.msk $0xffff, v13  }
0x13a: {  	[tilespmem:s1+$0x8AD0] =	vst.add.f32.msk $0xffff, v14  }
0x13b: {  	[tilespmem:s1+$0x8AE0] =	vst.add.f32.msk $0xffff, v15  }
0x13c: {  	[tilespmem:s1+$0x8A40] =	vst.add.f32.msk $0xffff, v1  }
0x13d: {  	p0 =	seq.s32 s31, $0x4;
	_ =	swait.ge [sflag:s23], $0x2000  }
0x13e: {  	s12 =	simm.s32 @!p0 $0x80;
	[sflag:s23] =	ssyncset.done $0x0  }
0x13f: {  	s15 =	simm.s32 @!p0 $0xA00;
	s1 =	sadd.s32 @!p0 $0x200, s0;
	[sflag:s23] =	ssyncadd.s32 $0xFFFFE000  }
0x140: {  	[tilespmem:s15], [sflag:$0x1] =	stream.indirect.gather @!p0 [hbm4b:s3+s12], $0x40, s1, s12, $0xb8;
	[tilespmem:$0xCB00] =	vst v63  }
0x141: {  	s1 =	simm.s32 $0x0;
	s12 =	simm.s32 $0x400  }
.LBB2_7:
0x142: {  	p1 =	sne.s32 s12, $0x7C00;
	v1 =	vld [tilespmem:s1+$0x2AF0]  }
0x143: {  	v2 =	vld [tilespmem:s1+$0x2A00]  }
0x144: {  	v3 =	vld [tilespmem:s1+$0x2A10]  }
0x145: {  	v4 =	vld [tilespmem:s1+$0x2A20]  }
0x146: {  	v5 =	vld [tilespmem:s1+$0x2A30]  }
0x147: {  	[tilespmem:s1+$0x8AF0] =	vst.add.f32.msk $0xffff, v1  }
0x148: {  	v1 =	vld [tilespmem:s1+$0x2A40]  }
0x149: {  	v6 =	vld [tilespmem:s1+$0x2A50]  }
0x14a: {  	v7 =	vld [tilespmem:s1+$0x2A60]  }
0x14b: {  	v8 =	vld [tilespmem:s1+$0x2A70]  }
0x14c: {  	v9 =	vld [tilespmem:s1+$0x2A80]  }
0x14d: {  	v10 =	vld [tilespmem:s1+$0x2A90]  }
0x14e: {  	v11 =	vld [tilespmem:s1+$0x2AA0]  }
0x14f: {  	v12 =	vld [tilespmem:s1+$0x2AB0]  }
0x150: {  	v13 =	vld [tilespmem:s1+$0x2AC0]  }
0x151: {  	v14 =	vld [tilespmem:s1+$0x2AD0]  }
0x152: {  	v15 =	vld [tilespmem:s1+$0x2AE0]  }
0x153: {  	[tilespmem:s1+$0x8A00] =	vst.add.f32.msk $0xffff, v2  }
0x154: {  	[tilespmem:s1+$0x8A10] =	vst.add.f32.msk $0xffff, v3  }
0x155: {  	[tilespmem:s1+$0x8A20] =	vst.add.f32.msk $0xffff, v4  }
0x156: {  	[tilespmem:s1+$0x8A30] =	vst.add.f32.msk $0xffff, v5  }
0x157: {  	[tilespmem:s1+$0x8A40] =	vst.add.f32.msk $0xffff, v1  }
0x158: {  	[tilespmem:s1+$0x8A50] =	vst.add.f32.msk $0xffff, v6  }
0x159: {  	[tilespmem:s1+$0x8A60] =	vst.add.f32.msk $0xffff, v7  }
0x15a: {  	[tilespmem:s1+$0x8A70] =	vst.add.f32.msk $0xffff, v8  }
0x15b: {  	[tilespmem:s1+$0x8A80] =	vst.add.f32.msk $0xffff, v9  }
0x15c: {  	[tilespmem:s1+$0x8A90] =	vst.add.f32.msk $0xffff, v10  }
.Ltmp2:
0x15d: {  	[tilespmem:s1+$0x8AA0] =	vst.add.f32.msk $0xffff, v11;
	(pc) =	sbr.rel @p1 .LBB2_7-.Ltmp2, $4  }
0x15e: {  	[tilespmem:s1+$0x8AB0] =	vst.add.f32.msk $0xffff, v12  }
0x15f: {  	[tilespmem:s1+$0x8AC0] =	vst.add.f32.msk $0xffff, v13  }
0x160: {  	[tilespmem:s1+$0x8AD0] =	vst.add.f32.msk $0xffff, v14  }
0x161: {  	[tilespmem:s1+$0x8AE0] =	vst.add.f32.msk $0xffff, v15;
	s1 =	sshra.s32 s12, $0x2;
	s12 =	sadd.s32 $0x400, s12  }
0x162: {  	v1 =	vld [tilespmem:s1+$0x2AF0]  }
0x163: {  	v2 =	vld [tilespmem:s1+$0x2A00]  }
0x164: {  	v3 =	vld [tilespmem:s1+$0x2A10]  }
0x165: {  	v4 =	vld [tilespmem:s1+$0x2A20]  }
0x166: {  	v5 =	vld [tilespmem:s1+$0x2A30]  }
0x167: {  	v6 =	vld [tilespmem:s1+$0x2A50]  }
0x168: {  	v7 =	vld [tilespmem:s1+$0x2A60]  }
0x169: {  	v8 =	vld [tilespmem:s1+$0x2A70]  }
0x16a: {  	v9 =	vld [tilespmem:s1+$0x2A80]  }
0x16b: {  	v10 =	vld [tilespmem:s1+$0x2A90]  }
0x16c: {  	v11 =	vld [tilespmem:s1+$0x2AA0]  }
0x16d: {  	v12 =	vld [tilespmem:s1+$0x2AB0]  }
0x16e: {  	v13 =	vld [tilespmem:s1+$0x2AC0]  }
0x16f: {  	v14 =	vld [tilespmem:s1+$0x2AD0]  }
0x170: {  	v15 =	vld [tilespmem:s1+$0x2AE0]  }
0x171: {  	[tilespmem:s1+$0x8AF0] =	vst.add.f32.msk $0xffff, v1  }
0x172: {  	v1 =	vld [tilespmem:s1+$0x2A40]  }
0x173: {  	[tilespmem:s1+$0x8A00] =	vst.add.f32.msk $0xffff, v2  }
0x174: {  	[tilespmem:s1+$0x8A10] =	vst.add.f32.msk $0xffff, v3  }
0x175: {  	[tilespmem:s1+$0x8A20] =	vst.add.f32.msk $0xffff, v4  }
0x176: {  	[tilespmem:s1+$0x8A30] =	vst.add.f32.msk $0xffff, v5  }
0x177: {  	[tilespmem:s1+$0x8A50] =	vst.add.f32.msk $0xffff, v6  }
0x178: {  	[tilespmem:s1+$0x8A60] =	vst.add.f32.msk $0xffff, v7  }
0x179: {  	[tilespmem:s1+$0x8A70] =	vst.add.f32.msk $0xffff, v8  }
0x17a: {  	[tilespmem:s1+$0x8A80] =	vst.add.f32.msk $0xffff, v9  }
0x17b: {  	[tilespmem:s1+$0x8A90] =	vst.add.f32.msk $0xffff, v10  }
0x17c: {  	[tilespmem:s1+$0x8AA0] =	vst.add.f32.msk $0xffff, v11  }
0x17d: {  	[tilespmem:s1+$0x8AB0] =	vst.add.f32.msk $0xffff, v12  }
0x17e: {  	[tilespmem:s1+$0x8AC0] =	vst.add.f32.msk $0xffff, v13  }
0x17f: {  	[tilespmem:s1+$0x8AD0] =	vst.add.f32.msk $0xffff, v14  }
0x180: {  	[tilespmem:s1+$0x8AE0] =	vst.add.f32.msk $0xffff, v15  }
0x181: {  	[tilespmem:s1+$0x8A40] =	vst.add.f32.msk $0xffff, v1  }
0x182: {  	_ =	swait.ge [sflag:s24], $0x2000  }
0x183: {  	s12 =	simm.s32 @!p0 $0x80;
	[sflag:s24] =	ssyncset.done $0x0  }
0x184: {  	s15 =	simm.s32 @!p0 $0x2A00;
	s1 =	sadd.s32 @!p0 $0x280, s0;
	[sflag:s24] =	ssyncadd.s32 $0xFFFFE000  }
0x185: {  	[tilespmem:s15], [sflag:$0x2] =	stream.indirect.gather @!p0 [hbm4b:s3+s12], $0x40, s1, s12, $0xb8;
	[tilespmem:$0xCB00] =	vst v63  }
0x186: {  	s1 =	simm.s32 $0x0;
	s12 =	simm.s32 $0x400  }
.LBB2_9:
0x187: {  	p1 =	sne.s32 s12, $0x7C00;
	v1 =	vld [tilespmem:s1+$0x4AF0]  }
0x188: {  	v2 =	vld [tilespmem:s1+$0x4A00]  }
0x189: {  	v3 =	vld [tilespmem:s1+$0x4A10]  }
0x18a: {  	v4 =	vld [tilespmem:s1+$0x4A20]  }
0x18b: {  	v5 =	vld [tilespmem:s1+$0x4A30]  }
0x18c: {  	[tilespmem:s1+$0x8AF0] =	vst.add.f32.msk $0xffff, v1  }
0x18d: {  	v1 =	vld [tilespmem:s1+$0x4A40]  }
0x18e: {  	v6 =	vld [tilespmem:s1+$0x4A50]  }
0x18f: {  	v7 =	vld [tilespmem:s1+$0x4A60]  }
0x190: {  	v8 =	vld [tilespmem:s1+$0x4A70]  }
0x191: {  	v9 =	vld [tilespmem:s1+$0x4A80]  }
0x192: {  	v10 =	vld [tilespmem:s1+$0x4A90]  }
0x193: {  	v11 =	vld [tilespmem:s1+$0x4AA0]  }
0x194: {  	v12 =	vld [tilespmem:s1+$0x4AB0]  }
0x195: {  	v13 =	vld [tilespmem:s1+$0x4AC0]  }
0x196: {  	v14 =	vld [tilespmem:s1+$0x4AD0]  }
0x197: {  	v15 =	vld [tilespmem:s1+$0x4AE0]  }
0x198: {  	[tilespmem:s1+$0x8A00] =	vst.add.f32.msk $0xffff, v2  }
0x199: {  	[tilespmem:s1+$0x8A10] =	vst.add.f32.msk $0xffff, v3  }
0x19a: {  	[tilespmem:s1+$0x8A20] =	vst.add.f32.msk $0xffff, v4  }
0x19b: {  	[tilespmem:s1+$0x8A30] =	vst.add.f32.msk $0xffff, v5  }
0x19c: {  	[tilespmem:s1+$0x8A40] =	vst.add.f32.msk $0xffff, v1  }
0x19d: {  	[tilespmem:s1+$0x8A50] =	vst.add.f32.msk $0xffff, v6  }
0x19e: {  	[tilespmem:s1+$0x8A60] =	vst.add.f32.msk $0xffff, v7  }
0x19f: {  	[tilespmem:s1+$0x8A70] =	vst.add.f32.msk $0xffff, v8  }
0x1a0: {  	[tilespmem:s1+$0x8A80] =	vst.add.f32.msk $0xffff, v9  }
0x1a1: {  	[tilespmem:s1+$0x8A90] =	vst.add.f32.msk $0xffff, v10  }
.Ltmp3:
0x1a2: {  	[tilespmem:s1+$0x8AA0] =	vst.add.f32.msk $0xffff, v11;
	(pc) =	sbr.rel @p1 .LBB2_9-.Ltmp3, $4  }
0x1a3: {  	[tilespmem:s1+$0x8AB0] =	vst.add.f32.msk $0xffff, v12  }
0x1a4: {  	[tilespmem:s1+$0x8AC0] =	vst.add.f32.msk $0xffff, v13  }
0x1a5: {  	[tilespmem:s1+$0x8AD0] =	vst.add.f32.msk $0xffff, v14  }
0x1a6: {  	[tilespmem:s1+$0x8AE0] =	vst.add.f32.msk $0xffff, v15;
	s1 =	sshra.s32 s12, $0x2;
	s12 =	sadd.s32 $0x400, s12  }
0x1a7: {  	v1 =	vld [tilespmem:s1+$0x4AF0]  }
0x1a8: {  	v2 =	vld [tilespmem:s1+$0x4A00]  }
0x1a9: {  	v3 =	vld [tilespmem:s1+$0x4A10]  }
0x1aa: {  	v4 =	vld [tilespmem:s1+$0x4A20]  }
0x1ab: {  	v5 =	vld [tilespmem:s1+$0x4A30]  }
0x1ac: {  	v6 =	vld [tilespmem:s1+$0x4A50]  }
0x1ad: {  	v7 =	vld [tilespmem:s1+$0x4A60]  }
0x1ae: {  	v8 =	vld [tilespmem:s1+$0x4A70]  }
0x1af: {  	v9 =	vld [tilespmem:s1+$0x4A80]  }
0x1b0: {  	v10 =	vld [tilespmem:s1+$0x4A90]  }
0x1b1: {  	v11 =	vld [tilespmem:s1+$0x4AA0]  }
0x1b2: {  	v12 =	vld [tilespmem:s1+$0x4AB0]  }
0x1b3: {  	v13 =	vld [tilespmem:s1+$0x4AC0]  }
0x1b4: {  	v14 =	vld [tilespmem:s1+$0x4AD0]  }
0x1b5: {  	v15 =	vld [tilespmem:s1+$0x4AE0]  }
0x1b6: {  	[tilespmem:s1+$0x8AF0] =	vst.add.f32.msk $0xffff, v1  }
0x1b7: {  	v1 =	vld [tilespmem:s1+$0x4A40]  }
0x1b8: {  	[tilespmem:s1+$0x8A00] =	vst.add.f32.msk $0xffff, v2  }
0x1b9: {  	[tilespmem:s1+$0x8A10] =	vst.add.f32.msk $0xffff, v3  }
0x1ba: {  	[tilespmem:s1+$0x8A20] =	vst.add.f32.msk $0xffff, v4  }
0x1bb: {  	[tilespmem:s1+$0x8A30] =	vst.add.f32.msk $0xffff, v5  }
0x1bc: {  	[tilespmem:s1+$0x8A50] =	vst.add.f32.msk $0xffff, v6  }
0x1bd: {  	[tilespmem:s1+$0x8A60] =	vst.add.f32.msk $0xffff, v7  }
0x1be: {  	[tilespmem:s1+$0x8A70] =	vst.add.f32.msk $0xffff, v8  }
0x1bf: {  	[tilespmem:s1+$0x8A80] =	vst.add.f32.msk $0xffff, v9  }
0x1c0: {  	[tilespmem:s1+$0x8A90] =	vst.add.f32.msk $0xffff, v10  }
0x1c1: {  	[tilespmem:s1+$0x8AA0] =	vst.add.f32.msk $0xffff, v11  }
0x1c2: {  	[tilespmem:s1+$0x8AB0] =	vst.add.f32.msk $0xffff, v12  }
0x1c3: {  	[tilespmem:s1+$0x8AC0] =	vst.add.f32.msk $0xffff, v13  }
0x1c4: {  	[tilespmem:s1+$0x8AD0] =	vst.add.f32.msk $0xffff, v14  }
0x1c5: {  	[tilespmem:s1+$0x8AE0] =	vst.add.f32.msk $0xffff, v15  }
0x1c6: {  	[tilespmem:s1+$0x8A40] =	vst.add.f32.msk $0xffff, v1  }
0x1c7: {  	_ =	swait.ge [sflag:s25], $0x2000  }
0x1c8: {  	s0 =	sadd.s32 @!p0 $0x300, s0;
	[sflag:s25] =	ssyncset.done $0x0  }
0x1c9: {  	s12 =	simm.s32 @!p0 $0x4A00;
	s1 =	simm.s32 @!p0 $0x80;
	[sflag:s25] =	ssyncadd.s32 $0xFFFFE000  }
0x1ca: {  	[tilespmem:s12], [sflag:$0x3] =	stream.indirect.gather @!p0 [hbm4b:s3+s1], $0x40, s0, s1, $0xb8;
	[tilespmem:$0xCB00] =	vst v63  }
0x1cb: {  	s0 =	simm.s32 $0x0;
	s1 =	simm.s32 $0x400  }
.LBB2_11:
0x1cc: {  	p0 =	sne.s32 s1, $0x7C00;
	v1 =	vld [tilespmem:s0+$0x6AF0]  }
0x1cd: {  	v2 =	vld [tilespmem:s0+$0x6A00]  }
0x1ce: {  	v3 =	vld [tilespmem:s0+$0x6A10]  }
0x1cf: {  	v4 =	vld [tilespmem:s0+$0x6A20]  }
0x1d0: {  	v5 =	vld [tilespmem:s0+$0x6A30]  }
0x1d1: {  	[tilespmem:s0+$0x8AF0] =	vst.add.f32.msk $0xffff, v1  }
0x1d2: {  	v1 =	vld [tilespmem:s0+$0x6A40]  }
0x1d3: {  	v6 =	vld [tilespmem:s0+$0x6A50]  }
0x1d4: {  	v7 =	vld [tilespmem:s0+$0x6A60]  }
0x1d5: {  	v8 =	vld [tilespmem:s0+$0x6A70]  }
0x1d6: {  	v9 =	vld [tilespmem:s0+$0x6A80]  }
0x1d7: {  	v10 =	vld [tilespmem:s0+$0x6A90]  }
0x1d8: {  	v11 =	vld [tilespmem:s0+$0x6AA0]  }
0x1d9: {  	v12 =	vld [tilespmem:s0+$0x6AB0]  }
0x1da: {  	v13 =	vld [tilespmem:s0+$0x6AC0]  }
0x1db: {  	v14 =	vld [tilespmem:s0+$0x6AD0]  }
0x1dc: {  	v15 =	vld [tilespmem:s0+$0x6AE0]  }
0x1dd: {  	[tilespmem:s0+$0x8A00] =	vst.add.f32.msk $0xffff, v2  }
0x1de: {  	[tilespmem:s0+$0x8A10] =	vst.add.f32.msk $0xffff, v3  }
0x1df: {  	[tilespmem:s0+$0x8A20] =	vst.add.f32.msk $0xffff, v4  }
0x1e0: {  	[tilespmem:s0+$0x8A30] =	vst.add.f32.msk $0xffff, v5  }
0x1e1: {  	[tilespmem:s0+$0x8A40] =	vst.add.f32.msk $0xffff, v1  }
0x1e2: {  	[tilespmem:s0+$0x8A50] =	vst.add.f32.msk $0xffff, v6  }
0x1e3: {  	[tilespmem:s0+$0x8A60] =	vst.add.f32.msk $0xffff, v7  }
0x1e4: {  	[tilespmem:s0+$0x8A70] =	vst.add.f32.msk $0xffff, v8  }
0x1e5: {  	[tilespmem:s0+$0x8A80] =	vst.add.f32.msk $0xffff, v9  }
0x1e6: {  	[tilespmem:s0+$0x8A90] =	vst.add.f32.msk $0xffff, v10  }
.Ltmp4:
0x1e7: {  	[tilespmem:s0+$0x8AA0] =	vst.add.f32.msk $0xffff, v11;
	(pc) =	sbr.rel @p0 .LBB2_11-.Ltmp4, $4  }
0x1e8: {  	[tilespmem:s0+$0x8AB0] =	vst.add.f32.msk $0xffff, v12  }
0x1e9: {  	[tilespmem:s0+$0x8AC0] =	vst.add.f32.msk $0xffff, v13  }
0x1ea: {  	[tilespmem:s0+$0x8AD0] =	vst.add.f32.msk $0xffff, v14  }
0x1eb: {  	[tilespmem:s0+$0x8AE0] =	vst.add.f32.msk $0xffff, v15;
	s0 =	sshra.s32 s1, $0x2;
	s1 =	sadd.s32 $0x400, s1  }
0x1ec: {  	v1 =	vld [tilespmem:s0+$0x6AF0]  }
0x1ed: {  	v2 =	vld [tilespmem:s0+$0x6A00]  }
0x1ee: {  	v3 =	vld [tilespmem:s0+$0x6A10]  }
0x1ef: {  	v4 =	vld [tilespmem:s0+$0x6A20]  }
0x1f0: {  	v5 =	vld [tilespmem:s0+$0x6A30]  }
0x1f1: {  	v6 =	vld [tilespmem:s0+$0x6A50]  }
0x1f2: {  	v7 =	vld [tilespmem:s0+$0x6A60]  }
0x1f3: {  	v8 =	vld [tilespmem:s0+$0x6A70]  }
0x1f4: {  	v9 =	vld [tilespmem:s0+$0x6A80]  }
0x1f5: {  	v10 =	vld [tilespmem:s0+$0x6A90]  }
0x1f6: {  	v11 =	vld [tilespmem:s0+$0x6AA0]  }
0x1f7: {  	v12 =	vld [tilespmem:s0+$0x6AB0]  }
0x1f8: {  	v13 =	vld [tilespmem:s0+$0x6AC0]  }
0x1f9: {  	v14 =	vld [tilespmem:s0+$0x6AD0]  }
0x1fa: {  	v15 =	vld [tilespmem:s0+$0x6AE0]  }
0x1fb: {  	[tilespmem:s0+$0x8AF0] =	vst.add.f32.msk $0xffff, v1  }
0x1fc: {  	v1 =	vld [tilespmem:s0+$0x6A40]  }
0x1fd: {  	[tilespmem:s0+$0x8A00] =	vst.add.f32.msk $0xffff, v2  }
0x1fe: {  	[tilespmem:s0+$0x8A10] =	vst.add.f32.msk $0xffff, v3  }
0x1ff: {  	[tilespmem:s0+$0x8A20] =	vst.add.f32.msk $0xffff, v4  }
0x200: {  	[tilespmem:s0+$0x8A30] =	vst.add.f32.msk $0xffff, v5  }
0x201: {  	[tilespmem:s0+$0x8A50] =	vst.add.f32.msk $0xffff, v6  }
0x202: {  	[tilespmem:s0+$0x8A60] =	vst.add.f32.msk $0xffff, v7  }
0x203: {  	[tilespmem:s0+$0x8A70] =	vst.add.f32.msk $0xffff, v8  }
0x204: {  	[tilespmem:s0+$0x8A80] =	vst.add.f32.msk $0xffff, v9  }
0x205: {  	s31 =	sadd.s32 $0x1, s31;
	[tilespmem:s0+$0x8A90] =	vst.add.f32.msk $0xffff, v10  }
0x206: {  	p0 =	sne.s32 s31, $0x5;
	[tilespmem:s0+$0x8AA0] =	vst.add.f32.msk $0xffff, v11  }
.Ltmp5:
0x207: {  	[tilespmem:s0+$0x8AB0] =	vst.add.f32.msk $0xffff, v12;
	(pc) =	sbr.rel @p0 .LBB2_4-.Ltmp5, $4  }
0x208: {  	[tilespmem:s0+$0x8AC0] =	vst.add.f32.msk $0xffff, v13  }
0x209: {  	[tilespmem:s0+$0x8AD0] =	vst.add.f32.msk $0xffff, v14  }
0x20a: {  	[tilespmem:s0+$0x8AE0] =	vst.add.f32.msk $0xffff, v15  }
0x20b: {  	[tilespmem:s0+$0x8A40] =	vst.add.f32.msk $0xffff, v1  }
0x20c: {  	s0 =	simm.s32 $0x0  }
0x20d: {  	v1 =	vmov s0  }
0x20e: {  	v1 =	vand.u32 $0xFFFFFFFE, v1  }
0x20f: {  	v1 =	vbroadcast v1, $0x0;
	_ =	sdelay $0x3  }
0x210: {  	s0 =	simm.s32 $0x8A40  }
0x211: {  	v2 =	vld [tilespmem:s0+$0xFFFFFFF0]  }
0x212: {  	v1 =	vld.idx.msk [tilespmem:v1+s26+$0x0], $0xffff  }
0x213: {  	v3 =	vld [tilespmem:s0+$0xFFFFFFC0]  }
0x214: {  	v4 =	vld [tilespmem:s0+$0xFFFFFFD0]  }
0x215: {  	v5 =	vld [tilespmem:s0+$0xFFFFFFE0];
	_ =	sdelay $0x1  }
0x216: {  	s1 =	simm.s32 $0x1;
	v2 =	vmul.f32 v2, v1  }
0x217: {  	v6 =	vmov s1;
	v3 =	vmul.f32 v3, v1  }
0x218: {  	v4 =	vmul.f32 v4, v1;
	[tilespmem:s0+$0xFFFFFFF0] =	vst v2  }
0x219: {  	v1 =	vmul.f32 v5, v1;
	[tilespmem:s0+$0xFFFFFFC0] =	vst v3  }
0x21a: {  	v5 =	vld [tilespmem:s0+$0x0];
	[tilespmem:s0+$0xFFFFFFD0] =	vst v4  }
0x21b: {  	[tilespmem:s0+$0xFFFFFFE0] =	vst v1;
	v2 =	vld [tilespmem:s0+$0x30]  }
0x21c: {  	v1 =	vld.idx.msk [tilespmem:v6+s26+$0x0], $0xffff  }
0x21d: {  	s1 =	simm.s32 $0x2;
	v4 =	vld [tilespmem:s0+$0x10]  }
0x21e: {  	s12 =	simm.s32 $0x4;
	s31 =	simm.s32 $0x8A40;
	v3 =	vld [tilespmem:s0+$0x20];
	v6 =	vmov s1  }
.LBB2_14:
0x21f: {  	p0 =	sne.s32 s12, $0x7E  }
0x220: {  	v6 =	vand.u32 $0xFFFFFFFE, v6;
	s0 =	sadd.s32 $0x80, s0;
	s15 =	smov.u32 s12;
	s12 =	sadd.s32 $0x2, s12  }
0x221: {  	v6 =	vbroadcast v6, $0x0;
	v5 =	vmul.f32 v5, v1  }
0x222: {  	v2 =	vmul.f32 v2, v1;
	v4 =	vmul.f32 v4, v1  }
0x223: {  	[tilespmem:s31+$0x0] =	vst v5;
	v1 =	vmul.f32 v3, v1  }
0x224: {  	[tilespmem:s31+$0x30] =	vst v2  }
0x225: {  	v2 =	vld [tilespmem:s0+$0xFFFFFFF0];
	[tilespmem:s31+$0x10] =	vst v4  }
0x226: {  	v3 =	vld [tilespmem:s0+$0xFFFFFFD0];
	[tilespmem:s31+$0x20] =	vst v1;
	s31 =	smov.u32 s0  }
0x227: {  	v1 =	vld.idx.msk [tilespmem:v6+s26+$0x0], $0xffff  }
0x228: {  	v4 =	vld [tilespmem:s0+$0xFFFFFFC0]  }
0x229: {  	v5 =	vld [tilespmem:s0+$0xFFFFFFE0];
	_ =	sdelay $0x3  }
0x22a: {  	s16 =	sadd.s32 $0x1, s1;
	s1 =	smov.u32 s15;
	v2 =	vmul.f32 v2, v1;
	v4 =	vmul.f32 v4, v1  }
0x22b: {  	v3 =	vmul.f32 v3, v1;
	v1 =	vmul.f32 v5, v1;
	v5 =	vmov s16  }
0x22c: {  	[tilespmem:s0+$0xFFFFFFF0] =	vst v2  }
0x22d: {  	[tilespmem:s0+$0xFFFFFFC0] =	vst v4  }
0x22e: {  	[tilespmem:s0+$0xFFFFFFD0] =	vst v3  }
0x22f: {  	[tilespmem:s0+$0xFFFFFFE0] =	vst v1;
	v2 =	vld [tilespmem:s0+$0x30]  }
.Ltmp6:
0x230: {  	v1 =	vld.idx.msk [tilespmem:v5+s26+$0x0], $0xffff;
	(pc) =	sbr.rel @p0 .LBB2_14-.Ltmp6, $4  }
0x231: {  	v5 =	vld [tilespmem:s0+$0x0]  }
0x232: {  	v4 =	vld [tilespmem:s0+$0x10]  }
0x233: {  	v3 =	vld [tilespmem:s0+$0x20]  }
0x234: {  	v6 =	vmov s1  }
0x235: {  	v6 =	vand.u32 $0xFFFFFFFE, v6  }
0x236: {  	v2 =	vmul.f32 v2, v1;
	v6 =	vbroadcast v6, $0x0  }
0x237: {  	v5 =	vmul.f32 v5, v1  }
0x238: {  	v4 =	vmul.f32 v4, v1;
	[tilespmem:s31+$0x30] =	vst v2  }
0x239: {  	s0 =	sadd.s32 $0x80, s0;
	[tilespmem:s31+$0x0] =	vst v5;
	v1 =	vmul.f32 v3, v1  }
0x23a: {  	v2 =	vld [tilespmem:s0+$0xFFFFFFF0];
	[tilespmem:s31+$0x10] =	vst v4  }
0x23b: {  	[tilespmem:s31+$0x20] =	vst v1  }
0x23c: {  	v1 =	vld.idx.msk [tilespmem:v6+s26+$0x0], $0xffff  }
0x23d: {  	v3 =	vld [tilespmem:s0+$0xFFFFFFC0]  }
0x23e: {  	v34 =	vld [tilespmem:s0+$0xFFFFFFD0]  }
0x23f: {  	v5 =	vld [tilespmem:s0+$0xFFFFFFE0];
	_ =	sdelay $0x1  }
0x240: {  	s1 =	sadd.s32 $0x1, s1;
	v2 =	vmul.f32 v2, v1  }
0x241: {  	v35 =	vmov s1;
	v3 =	vmul.f32 v3, v1  }
0x242: {  	v4 =	vmul.f32 v34, v1;
	[tilespmem:s0+$0xFFFFFFF0] =	vst v2  }
0x243: {  	v1 =	vmul.f32 v5, v1;
	[tilespmem:s0+$0xFFFFFFC0] =	vst v3  }
0x244: {  	[tilespmem:s0+$0xFFFFFFD0] =	vst v4  }
0x245: {  	[tilespmem:s0+$0xFFFFFFE0] =	vst v1;
	v2 =	vld [tilespmem:s0+$0x0]  }
0x246: {  	v1 =	vld.idx.msk [tilespmem:v35+s26+$0x0], $0xffff  }
0x247: {  	v3 =	vld [tilespmem:s0+$0x30]  }
0x248: {  	v36 =	vld [tilespmem:s0+$0x10]  }
0x249: {  	v37 =	vld [tilespmem:s0+$0x20];
	_ =	sdelay $0x1  }
0x24a: {  	v2 =	vmul.f32 v2, v1  }
0x24b: {  	v3 =	vmul.f32 v3, v1  }
0x24c: {  	v4 =	vmul.f32 v36, v1;
	[tilespmem:s0+$0x0] =	vst v2  }
0x24d: {  	v1 =	vmul.f32 v37, v1;
	[tilespmem:s0+$0x30] =	vst v3  }
0x24e: {  	[tilespmem:s0+$0x10] =	vst v4  }
0x24f: {  	s31 =	simm.s32 $0x0;
	[tilespmem:s0+$0x20] =	vst v1  }
0x250: {  	[hbm4b:s7+s31] =	stream.linear.scatter [tilespmem:s28], [sflag:$0x6], $0x2000, $0x38;
	[tilespmem:$0xCB00] =	vst v63  }
0x251: {  	_ =	swait.ge [sflag:s13], $0x2000  }
0x252: {  	[sflag:s13] =	ssyncset.done $0x0  }
0x253: {  	s16 =	simm.s32 $0x1000;
	[sflag:s13] =	ssyncadd.s32 $0xFFFFE000  }
0x254: {  	[tilespmem:s31], [sflag:$0x6] =	stream.strided.gather [hbm4b:s8+s14], $0xA00, s16, s14, $0x38;
	[tilespmem:$0xCB00] =	vst v63  }
0x255: {  	_ =	swait.ge [sflag:s13], $0xA00  }
0x256: {  	[sflag:s13] =	ssyncset.done $0x0  }
0x257: {  	[sflag:s13] =	ssyncadd.s32 $0xFFFFF600  }
0x258: {  	[tilespmem:s17], [sflag:$0x1] =	stream.indirect.gather [hbm4b:s3+s14], $0x40, s31, s14, $0xb8;
	[tilespmem:$0xCB00] =	vst v63  }
0x259: {  	_ = 	snop  }
0x25a: {  	[tilespmem:s18], [sflag:$0x2] =	stream.indirect.gather [hbm4b:s3+s14], $0x40, s14, s14, $0xb8;
	[tilespmem:$0xCB00] =	vst v63  }
0x25b: {  	_ = 	snop  }
0x25c: {  	[tilespmem:s20], [sflag:$0x3] =	stream.indirect.gather [hbm4b:s3+s14], $0x40, s19, s14, $0xb8;
	[tilespmem:$0xCB00] =	vst v63  }
0x25d: {  	v1 =	vld [tilespmem:$0x0]  }
0x25e: {  	v2 =	vld [tilespmem:$0x80]  }
0x25f: {  	v3 =	vld [tilespmem:$0x100]  }
0x260: {  	v38 =	vld [tilespmem:$0x180]  }
0x261: {  	v39 =	vld [tilespmem:$0x200]  }
0x262: {  	v40 =	vld [tilespmem:$0x280]  }
0x263: {  	v7 =	vld [tilespmem:$0x300]  }
0x264: {  	v8 =	vld [tilespmem:$0x380]  }
0x265: {  	v9 =	vld [tilespmem:$0x400]  }
0x266: {  	v10 =	vld [tilespmem:$0x480]  }
0x267: {  	v11 =	vld [tilespmem:$0x500]  }
0x268: {  	v12 =	vld [tilespmem:$0x580]  }
0x269: {  	v13 =	vld [tilespmem:$0x600]  }
0x26a: {  	v14 =	vld [tilespmem:$0x680]  }
0x26b: {  	v15 =	vld [tilespmem:$0x700]  }
0x26c: {  	v16 =	vld [tilespmem:$0x780]  }
0x26d: {  	v41 =	vld [tilespmem:$0x800]  }
0x26e: {  	v42 =	vld [tilespmem:$0x880]  }
0x26f: {  	v44 =	vld [tilespmem:$0x900]  }
0x270: {  	v46 =	vld [tilespmem:$0x980]  }
0x271: {  	v48 =	vld [tilespmem:$0x10];
	vm0 =	vlt.s32 v1, $0x1;
	vm14 =	vlt.s32 v2, $0x1;
	vm15 =	vlt.s32 v3, $0x1  }
0x272: {  	v50 =	vld [tilespmem:$0x90];
	vm1 =	vlt.s32 v38, $0x1;
	vm4 =	vlt.s32 v39, $0x1;
	vm5 =	vlt.s32 v40, $0x1  }
0x273: {  	v52 =	vld [tilespmem:$0x110];
	vm6 =	vlt.s32 v7, $0x1;
	vm7 =	vlt.s32 v8, $0x1;
	vm8 =	vlt.s32 v9, $0x1  }
0x274: {  	v54 =	vld [tilespmem:$0x190];
	vm9 =	vlt.s32 v10, $0x1;
	vm10 =	vlt.s32 v11, $0x1;
	vm11 =	vlt.s32 v12, $0x1  }
0x275: {  	v56 =	vld [tilespmem:$0x210];
	vm12 =	vlt.s32 v13, $0x1;
	vm13 =	vlt.s32 v14, $0x1;
	v1 =	vnsel vm0, $0x1, v1  }
0x276: {  	v57 =	vld [tilespmem:$0x290];
	v2 =	vnsel vm14, $0x1, v2;
	v3 =	vnsel vm15, $0x1, v3;
	v4 =	vnsel vm1, $0x1, v38  }
0x277: {  	v58 =	vld [tilespmem:$0x310];
	v5 =	vnsel vm4, $0x1, v39;
	v6 =	vnsel vm5, $0x1, v40;
	v7 =	vnsel vm6, $0x1, v7  }
0x278: {  	v60 =	vld [tilespmem:$0x390];
	v8 =	vnsel vm7, $0x1, v8;
	v9 =	vnsel vm8, $0x1, v9;
	v10 =	vnsel vm9, $0x1, v10  }
0x279: {  	v62 =	vld [tilespmem:$0x410];
	v43 =	vnsel vm12, $0x1, v13;
	v45 =	vnsel vm13, $0x1, v14;
	vm14 =	vlt.s32 v15, $0x1  }
0x27a: {  	v20 =	vld [tilespmem:$0x490];
	vm15 =	vlt.s32 v16, $0x1;
	vm4 =	vlt.s32 v41, $0x1;
	vm5 =	vlt.s32 v42, $0x1  }
0x27b: {  	v22 =	vld [tilespmem:$0x510];
	vm6 =	vlt.s32 v44, $0x1;
	vm7 =	vlt.s32 v46, $0x1;
	vm8 =	vlt.s32 v48, $0x1  }
0x27c: {  	v28 =	vld [tilespmem:$0x690];
	vm9 =	vlt.s32 v50, $0x1;
	vm12 =	vlt.s32 v56, $0x1;
	vm13 =	vlt.s32 v57, $0x1  }
0x27d: {  	v33 =	vld [tilespmem:$0x810];
	v1 =	vadd.s32 v1, v2;
	v2 =	vnsel vm10, $0x1, v11;
	v47 =	vnsel vm14, $0x1, v15  }
0x27e: {  	v35 =	vld [tilespmem:$0x890];
	v49 =	vnsel vm15, $0x1, v16;
	v51 =	vnsel vm4, $0x1, v41;
	v53 =	vnsel vm5, $0x1, v42  }
0x27f: {  	v29 =	vld [tilespmem:$0x710];
	v55 =	vnsel vm6, $0x1, v44;
	v59 =	vnsel vm9, $0x1, v50;
	vm10 =	vlt.s32 v52, $0x1  }
0x280: {  	v31 =	vld [tilespmem:$0x790];
	v21 =	vnsel vm12, $0x1, v56;
	v23 =	vnsel vm13, $0x1, v57;
	vm14 =	vlt.s32 v58, $0x1  }
0x281: {  	v37 =	vld [tilespmem:$0x910];
	vm15 =	vlt.s32 v60, $0x1;
	vm4 =	vlt.s32 v62, $0x1;
	vm5 =	vlt.s32 v20, $0x1  }
0x282: {  	v39 =	vld [tilespmem:$0x990];
	vm6 =	vlt.s32 v22, $0x1;
	vm9 =	vlt.s32 v28, $0x1;
	vm12 =	vlt.s32 v33, $0x1  }
0x283: {  	vm13 =	vlt.s32 v35, $0x1;
	v44 =	vld [tilespmem:$0x120];
	v1 =	vadd.s32 v3, v1;
	v3 =	vnsel vm11, $0x1, v12  }
0x284: {  	v50 =	vld [tilespmem:$0x2A0];
	v61 =	vnsel vm10, $0x1, v52;
	vm11 =	vlt.s32 v54, $0x1;
	v25 =	vnsel vm14, $0x1, v58  }
0x285: {  	v27 =	vnsel vm15, $0x1, v60;
	v30 =	vnsel vm5, $0x1, v20;
	v32 =	vnsel vm6, $0x1, v22;
	v52 =	vld [tilespmem:$0x320]  }
0x286: {  	vm10 =	vlt.s32 v29, $0x1;
	v1 =	vadd.s32 v4, v1;
	v63 =	vnsel vm11, $0x1, v54;
	v54 =	vld [tilespmem:$0x3A0]  }
0x287: {  	v38 =	vnsel vm9, $0x1, v28;
	v40 =	vnsel vm10, $0x1, v29;
	v29 =	vld [tilespmem:$0x8A0];
	v1 =	vadd.s32 v5, v1  }
0x288: {  	vm14 =	vlt.s32 v37, $0x1;
	vm11 =	vlt.s32 v31, $0x1;
	v1 =	vadd.s32 v6, v1  }
0x289: {  	v24 =	vld [tilespmem:$0x590];
	v42 =	vnsel vm11, $0x1, v31;
	vm15 =	vlt.s32 v39, $0x1;
	v1 =	vadd.s32 v7, v1  }
0x28a: {  	v26 =	vld [tilespmem:$0x610];
	vm6 =	vlt.s32 v44, $0x1;
	vm9 =	vlt.s32 v50, $0x1;
	v1 =	vadd.s32 v8, v1  }
0x28b: {  	v41 =	vld [tilespmem:$0x20];
	v60 =	vnsel vm9, $0x1, v50;
	vm10 =	vlt.s32 v52, $0x1;
	v1 =	vadd.s32 v9, v1  }
0x28c: {  	v58 =	vld [tilespmem:$0x4A0];
	vm11 =	vlt.s32 v54, $0x1;
	vm9 =	vlt.s32 v29, $0x1;
	v1 =	vadd.s32 v10, v1  }
0x28d: {  	v56 =	vld [tilespmem:$0x420];
	v20 =	vnsel vm11, $0x1, v54;
	v1 =	vadd.s32 v2, v1;
	v2 =	vnsel vm7, $0x1, v46  }
0x28e: {  	v31 =	vld [tilespmem:$0x920];
	vm7 =	vlt.s32 v24, $0x1;
	v1 =	vadd.s32 v3, v1;
	v3 =	vnsel vm8, $0x1, v48  }
0x28f: {  	v46 =	vld [tilespmem:$0x1A0];
	v34 =	vnsel vm7, $0x1, v24;
	vm8 =	vlt.s32 v26, $0x1;
	v1 =	vadd.s32 v43, v1  }
0x290: {  	v48 =	vld [tilespmem:$0x220];
	v3 =	vadd.s32 v3, v59;
	v36 =	vnsel vm8, $0x1, v26;
	v1 =	vadd.s32 v45, v1  }
0x291: {  	v43 =	vld [tilespmem:$0xA0];
	v3 =	vadd.s32 v61, v3;
	v45 =	vnsel vm13, $0x1, v35;
	vm13 =	vlt.s32 v58, $0x1  }
0x292: {  	v59 =	vld [tilespmem:$0x520];
	v1 =	vadd.s32 v47, v1;
	v3 =	vadd.s32 v63, v3;
	v47 =	vnsel vm14, $0x1, v37  }
0x293: {  	v61 =	vld [tilespmem:$0x5A0];
	v24 =	vnsel vm13, $0x1, v58;
	v1 =	vadd.s32 v49, v1;
	v3 =	vadd.s32 v21, v3  }
0x294: {  	v35 =	vld [tilespmem:$0x30];
	v49 =	vnsel vm15, $0x1, v39;
	vm7 =	vlt.s32 v46, $0x1;
	v1 =	vadd.s32 v51, v1  }
0x295: {  	v63 =	vld [tilespmem:$0x620];
	v3 =	vadd.s32 v23, v3;
	v57 =	vnsel vm7, $0x1, v46;
	vm8 =	vlt.s32 v48, $0x1  }
0x296: {  	v37 =	vld [tilespmem:$0xB0];
	v1 =	vadd.s32 v53, v1;
	v3 =	vadd.s32 v25, v3;
	vm5 =	vlt.s32 v43, $0x1  }
0x297: {  	v21 =	vld [tilespmem:$0x6A0];
	vm14 =	vlt.s32 v59, $0x1;
	v1 =	vadd.s32 v55, v1;
	v3 =	vadd.s32 v27, v3  }
0x298: {  	v39 =	vld [tilespmem:$0x130];
	v53 =	vnsel vm5, $0x1, v43;
	v55 =	vnsel vm6, $0x1, v44;
	v26 =	vnsel vm14, $0x1, v59  }
0x299: {  	v23 =	vld [tilespmem:$0x720];
	vm15 =	vlt.s32 v61, $0x1;
	v1 =	vadd.s32 v2, v1;
	v2 =	vnsel vm4, $0x1, v62  }
0x29a: {  	v25 =	vld [tilespmem:$0x7A0];
	vm4 =	vlt.s32 v41, $0x1;
	v62 =	vnsel vm10, $0x1, v52;
	v28 =	vnsel vm15, $0x1, v61  }
0x29b: {  	v27 =	vld [tilespmem:$0x820];
	vm10 =	vlt.s32 v31, $0x1;
	vm13 =	vlt.s32 v37, $0x1;
	v2 =	vadd.s32 v2, v3  }
0x29c: {  	v43 =	vld [tilespmem:$0x230];
	v3 =	vnsel vm12, $0x1, v33;
	v51 =	vnsel vm4, $0x1, v41;
	vm12 =	vlt.s32 v56, $0x1  }
0x29d: {  	v59 =	vld [tilespmem:$0x630];
	vm4 =	vlt.s32 v63, $0x1;
	vm5 =	vlt.s32 v21, $0x1;
	vm14 =	vlt.s32 v39, $0x1  }
0x29e: {  	v61 =	vld [tilespmem:$0x6B0];
	v1 =	vcvt.s32.f32 v1;
	v2 =	vadd.s32 v30, v2;
	v7 =	vadd.s32 v51, v53  }
0x29f: {  	v33 =	vld [tilespmem:$0x9A0];
	v22 =	vnsel vm12, $0x1, v56;
	v30 =	vnsel vm4, $0x1, v63;
	vm6 =	vlt.s32 v23, $0x1  }
0x2a0: {  	v41 =	vld [tilespmem:$0x1B0];
	vm12 =	vlt.s32 v35, $0x1;
	v50 =	vnsel vm14, $0x1, v39;
	v2 =	vadd.s32 v32, v2  }
0x2a1: {  	v53 =	vld [tilespmem:$0x4B0];
	v7 =	vadd.s32 v55, v7;
	v32 =	vnsel vm5, $0x1, v21;
	vm7 =	vlt.s32 v25, $0x1  }
0x2a2: {  	v63 =	vld [tilespmem:$0x730];
	v46 =	vnsel vm12, $0x1, v35;
	v2 =	vadd.s32 v34, v2;
	v7 =	vadd.s32 v57, v7  }
0x2a3: {  	v55 =	vld [tilespmem:$0x530];
	v34 =	vnsel vm6, $0x1, v23;
	vm4 =	vlt.s32 v43, $0x1;
	vm12 =	vlt.s32 v59, $0x1  }
0x2a4: {  	v21 =	vld [tilespmem:$0x7B0];
	v2 =	vadd.s32 v36, v2;
	v36 =	vnsel vm7, $0x1, v25;
	v54 =	vnsel vm4, $0x1, v43  }
0x2a5: {  	v57 =	vld [tilespmem:$0x5B0];
	v2 =	vadd.s32 v38, v2;
	vm11 =	vlt.s32 v33, $0x1;
	vm15 =	vlt.s32 v41, $0x1  }
0x2a6: {  	v23 =	vld [tilespmem:$0x830];
	v2 =	vadd.s32 v40, v2;
	v40 =	vnsel vm9, $0x1, v29;
	v44 =	vnsel vm11, $0x1, v33  }
0x2a7: {  	v51 =	vld [tilespmem:$0x430];
	v52 =	vnsel vm15, $0x1, v41;
	vm9 =	vlt.s32 v53, $0x1;
	vm14 =	vlt.s32 v63, $0x1  }
0x2a8: {  	v39 =	vld [tilespmem:$0x240];
	v2 =	vadd.s32 v42, v2;
	v42 =	vnsel vm10, $0x1, v31;
	vm10 =	vlt.s32 v55, $0x1  }
0x2a9: {  	v35 =	vld [tilespmem:$0x140];
	vm15 =	vlt.s32 v21, $0x1;
	v2 =	vadd.s32 v3, v2;
	v3 =	vnsel vm8, $0x1, v48  }
0x2aa: {  	v25 =	vld [tilespmem:$0x8B0];
	vm8 =	vlt.s32 v27, $0x1;
	v48 =	vnsel vm13, $0x1, v37;
	vm11 =	vlt.s32 v57, $0x1  }
0x2ab: {  	v31 =	vld [tilespmem:$0x40];
	vm13 =	vlt.s32 v61, $0x1;
	vm4 =	vlt.s32 v23, $0x1;
	v2 =	vadd.s32 v45, v2  }
0x2ac: {  	v33 =	vld [tilespmem:$0xC0];
	v3 =	vadd.s32 v3, v7;
	v38 =	vnsel vm8, $0x1, v27;
	v5 =	vadd.s32 v46, v48  }
0x2ad: {  	v43 =	vld [tilespmem:$0x340];
	vm8 =	vlt.s32 v51, $0x1;
	v2 =	vadd.s32 v47, v2;
	v3 =	vadd.s32 v60, v3  }
0x2ae: {  	v45 =	vld [tilespmem:$0x2B0];
	v5 =	vadd.s32 v50, v5;
	v2 =	vadd.s32 v49, v2;
	v3 =	vadd.s32 v62, v3  }
0x2af: {  	v37 =	vld [tilespmem:$0x1C0];
	v62 =	vnsel vm8, $0x1, v51;
	v5 =	vadd.s32 v52, v5;
	v3 =	vadd.s32 v20, v3  }
0x2b0: {  	v47 =	vld [tilespmem:$0x330];
	v20 =	vnsel vm9, $0x1, v53;
	v5 =	vadd.s32 v54, v5;
	vm8 =	vlt.s32 v31, $0x1  }
0x2b1: {  	v29 =	vld [tilespmem:$0x9B0];
	vm9 =	vlt.s32 v33, $0x1;
	v2 =	vcvt.s32.f32 v2;
	v3 =	vadd.s32 v22, v3  }
0x2b2: {  	v49 =	vld [tilespmem:$0x3B0];
	v22 =	vnsel vm10, $0x1, v55;
	vm10 =	vlt.s32 v35, $0x1;
	v3 =	vadd.s32 v24, v3  }
0x2b3: {  	v27 =	vld [tilespmem:$0x930];
	vm5 =	vlt.s32 v45, $0x1;
	v24 =	vnsel vm11, $0x1, v57;
	v46 =	vnsel vm10, $0x1, v35  }
0x2b4: {  	v41 =	vld [tilespmem:$0x2C0];
	vm11 =	vlt.s32 v37, $0x1;
	v3 =	vadd.s32 v26, v3;
	v56 =	vnsel vm5, $0x1, v45  }
0x2b5: {  	v51 =	vld [tilespmem:$0x540];
	vm6 =	vlt.s32 v47, $0x1;
	v26 =	vnsel vm12, $0x1, v59;
	vm5 =	vlt.s32 v25, $0x1  }
0x2b6: {  	v53 =	vld [tilespmem:$0x5C0];
	v48 =	vnsel vm11, $0x1, v37;
	vm12 =	vlt.s32 v39, $0x1;
	v3 =	vadd.s32 v28, v3  }
0x2b7: {  	v55 =	vld [tilespmem:$0x640];
	v58 =	vnsel vm6, $0x1, v47;
	vm7 =	vlt.s32 v49, $0x1;
	v5 =	vadd.s32 v56, v5  }
0x2b8: {  	v57 =	vld [tilespmem:$0x6C0];
	v28 =	vnsel vm13, $0x1, v61;
	vm6 =	vlt.s32 v27, $0x1;
	v50 =	vnsel vm12, $0x1, v39  }
0x2b9: {  	v45 =	vld [tilespmem:$0x3C0];
	vm13 =	vlt.s32 v41, $0x1;
	v3 =	vadd.s32 v30, v3;
	v60 =	vnsel vm7, $0x1, v49  }
0x2ba: {  	v59 =	vld [tilespmem:$0x740];
	v4 =	vadd.s32 v58, v5;
	v30 =	vnsel vm14, $0x1, v63;
	vm7 =	vlt.s32 v29, $0x1  }
0x2bb: {  	v47 =	vld [tilespmem:$0x440];
	v52 =	vnsel vm13, $0x1, v41;
	vm14 =	vlt.s32 v43, $0x1;
	v3 =	vadd.s32 v32, v3  }
0x2bc: {  	v61 =	vld [tilespmem:$0x7C0];
	v4 =	vadd.s32 v60, v4;
	v32 =	vnsel vm15, $0x1, v21;
	v54 =	vnsel vm14, $0x1, v43  }
0x2bd: {  	v35 =	vld [tilespmem:$0x250];
	v3 =	vadd.s32 v34, v3;
	v4 =	vadd.s32 v62, v4;
	v34 =	vnsel vm4, $0x1, v23  }
0x2be: {  	v49 =	vld [tilespmem:$0x4C0];
	v3 =	vadd.s32 v36, v3;
	v4 =	vadd.s32 v20, v4;
	v36 =	vnsel vm5, $0x1, v25  }
0x2bf: {  	v63 =	vld [tilespmem:$0x840];
	vm15 =	vlt.s32 v45, $0x1;
	vm10 =	vlt.s32 v59, $0x1;
	v3 =	vadd.s32 v38, v3  }
0x2c0: {  	v37 =	vld [tilespmem:$0x2D0];
	v4 =	vadd.s32 v22, v4;
	v38 =	vnsel vm6, $0x1, v27;
	v56 =	vnsel vm15, $0x1, v45  }
0x2c1: {  	v39 =	vld [tilespmem:$0x350];
	vm4 =	vlt.s32 v47, $0x1;
	vm6 =	vlt.s32 v51, $0x1;
	vm11 =	vlt.s32 v61, $0x1  }
0x2c2: {  	v21 =	vld [tilespmem:$0x8C0];
	v3 =	vadd.s32 v40, v3;
	v4 =	vadd.s32 v24, v4;
	v40 =	vnsel vm7, $0x1, v29  }
0x2c3: {  	v41 =	vld [tilespmem:$0x3D0];
	v58 =	vnsel vm4, $0x1, v47;
	vm5 =	vlt.s32 v49, $0x1;
	v62 =	vnsel vm6, $0x1, v51  }
0x2c4: {  	v23 =	vld [tilespmem:$0x940];
	vm7 =	vlt.s32 v53, $0x1;
	vm12 =	vlt.s32 v63, $0x1;
	v3 =	vadd.s32 v42, v3  }
0x2c5: {  	v43 =	vld [tilespmem:$0x450];
	v4 =	vadd.s32 v26, v4;
	v42 =	vnsel vm8, $0x1, v31;
	v60 =	vnsel vm5, $0x1, v49  }
0x2c6: {  	v25 =	vld [tilespmem:$0x9C0];
	v20 =	vnsel vm7, $0x1, v53;
	vm8 =	vlt.s32 v55, $0x1;
	v26 =	vnsel vm10, $0x1, v59  }
0x2c7: {  	v27 =	vld [tilespmem:$0x50];
	vm13 =	vlt.s32 v21, $0x1;
	vm10 =	vlt.s32 v39, $0x1;
	v3 =	vadd.s32 v44, v3  }
0x2c8: {  	v45 =	vld [tilespmem:$0x4D0];
	v4 =	vadd.s32 v28, v4;
	v44 =	vnsel vm9, $0x1, v33;
	v22 =	vnsel vm8, $0x1, v55  }
0x2c9: {  	v29 =	vld [tilespmem:$0xD0];
	vm9 =	vlt.s32 v57, $0x1;
	v28 =	vnsel vm11, $0x1, v61;
	vm14 =	vlt.s32 v23, $0x1  }
0x2ca: {  	v47 =	vld [tilespmem:$0x550];
	vm8 =	vlt.s32 v35, $0x1;
	vm11 =	vlt.s32 v41, $0x1;
	v4 =	vadd.s32 v30, v4  }
0x2cb: {  	v51 =	vld [tilespmem:$0x650];
	v8 =	vadd.s32 v42, v44;
	v24 =	vnsel vm9, $0x1, v57;
	v30 =	vnsel vm12, $0x1, v63  }
0x2cc: {  	v31 =	vld [tilespmem:$0x150];
	vm15 =	vlt.s32 v25, $0x1;
	vm9 =	vlt.s32 v37, $0x1;
	vm12 =	vlt.s32 v43, $0x1  }
0x2cd: {  	v49 =	vld [tilespmem:$0x5D0];
	v3 =	vcvt.s32.f32 v3;
	v4 =	vadd.s32 v32, v4;
	v8 =	vadd.s32 v46, v8  }
0x2ce: {  	v59 =	vld [tilespmem:$0x850];
	v32 =	vnsel vm13, $0x1, v21;
	vm4 =	vlt.s32 v27, $0x1;
	v46 =	vnsel vm8, $0x1, v35  }
0x2cf: {  	v33 =	vld [tilespmem:$0x1D0];
	vm13 =	vlt.s32 v45, $0x1;
	v4 =	vadd.s32 v34, v4;
	v7 =	vadd.s32 v48, v8  }
0x2d0: {  	v55 =	vld [tilespmem:$0x750];
	v34 =	vnsel vm14, $0x1, v23;
	vm5 =	vlt.s32 v29, $0x1;
	v48 =	vnsel vm9, $0x1, v37  }
0x2d1: {  	v61 =	vld [tilespmem:$0x8D0];
	vm14 =	vlt.s32 v47, $0x1;
	v4 =	vadd.s32 v36, v4;
	v5 =	vadd.s32 v50, v7  }
0x2d2: {  	v53 =	vld [tilespmem:$0x6D0];
	v36 =	vnsel vm15, $0x1, v25;
	vm6 =	vlt.s32 v31, $0x1;
	v50 =	vnsel vm10, $0x1, v39  }
0x2d3: {  	v57 =	vld [tilespmem:$0x7D0];
	vm15 =	vlt.s32 v49, $0x1;
	vm8 =	vlt.s32 v59, $0x1;
	v4 =	vadd.s32 v38, v4  }
0x2d4: {  	v63 =	vld [tilespmem:$0x950];
	v5 =	vadd.s32 v52, v5;
	v38 =	vnsel vm4, $0x1, v27;
	v42 =	vnsel vm6, $0x1, v31  }
0x2d5: {  	v21 =	vld [tilespmem:$0x9D0];
	vm7 =	vlt.s32 v33, $0x1;
	v52 =	vnsel vm11, $0x1, v41;
	vm4 =	vlt.s32 v51, $0x1  }
0x2d6: {  	vm6 =	vlt.s32 v55, $0x1;
	vm9 =	vlt.s32 v61, $0x1;
	v4 =	vadd.s32 v40, v4  }
0x2d7: {  	v23 =	vld [tilespmem:$0x60];
	v5 =	vadd.s32 v54, v5;
	v40 =	vnsel vm5, $0x1, v29;
	v44 =	vnsel vm7, $0x1, v33  }
0x2d8: {  	v25 =	vld [tilespmem:$0xE0];
	v54 =	vnsel vm12, $0x1, v43;
	vm5 =	vlt.s32 v53, $0x1;
	vm7 =	vlt.s32 v57, $0x1  }
0x2d9: {  	v27 =	vld [tilespmem:$0x160];
	vm10 =	vlt.s32 v63, $0x1;
	v5 =	vadd.s32 v56, v5;
	v6 =	vadd.s32 v38, v40  }
0x2da: {  	[tilespmem:$0xAA10] =	vst v2;
	v31 =	vld [tilespmem:$0x260];
	v56 =	vnsel vm13, $0x1, v45;
	vm11 =	vlt.s32 v21, $0x1;
	v2 =	vcvt.s32.f32 v4  }
0x2db: {  	v29 =	vld [tilespmem:$0x1E0];
	v5 =	vadd.s32 v58, v5;
	v6 =	vadd.s32 v42, v6;
	v58 =	vnsel vm14, $0x1, v47  }
0x2dc: {  	v33 =	vld [tilespmem:$0x2E0];
	vm12 =	vlt.s32 v23, $0x1;
	v5 =	vadd.s32 v60, v5;
	v6 =	vadd.s32 v44, v6  }
0x2dd: {  	v35 =	vld [tilespmem:$0x360];
	v60 =	vnsel vm15, $0x1, v49;
	vm13 =	vlt.s32 v25, $0x1;
	v5 =	vadd.s32 v62, v5  }
0x2de: {  	v37 =	vld [tilespmem:$0x3E0];
	v6 =	vadd.s32 v46, v6;
	v62 =	vnsel vm4, $0x1, v51;
	vm14 =	vlt.s32 v27, $0x1  }
0x2df: {  	v39 =	vld [tilespmem:$0x460];
	vm4 =	vlt.s32 v31, $0x1;
	v5 =	vadd.s32 v20, v5;
	v6 =	vadd.s32 v48, v6  }
0x2e0: {  	v41 =	vld [tilespmem:$0x4E0];
	v20 =	vnsel vm5, $0x1, v53;
	v38 =	vnsel vm14, $0x1, v27;
	vm15 =	vlt.s32 v29, $0x1  }
0x2e1: {  	v43 =	vld [tilespmem:$0x560];
	v42 =	vnsel vm4, $0x1, v31;
	vm5 =	vlt.s32 v33, $0x1;
	v5 =	vadd.s32 v22, v5  }
0x2e2: {  	v45 =	vld [tilespmem:$0x5E0];
	v6 =	vadd.s32 v50, v6;
	v22 =	vnsel vm6, $0x1, v55;
	v40 =	vnsel vm15, $0x1, v29  }
0x2e3: {  	v51 =	vld [tilespmem:$0x760];
	v44 =	vnsel vm5, $0x1, v33;
	vm6 =	vlt.s32 v35, $0x1;
	v5 =	vadd.s32 v24, v5  }
0x2e4: {  	v47 =	vld [tilespmem:$0x660];
	v6 =	vadd.s32 v52, v6;
	v24 =	vnsel vm7, $0x1, v57;
	v46 =	vnsel vm6, $0x1, v35  }
0x2e5: {  	v53 =	vld [tilespmem:$0x7E0];
	vm7 =	vlt.s32 v37, $0x1;
	v5 =	vadd.s32 v26, v5;
	v6 =	vadd.s32 v54, v6  }
0x2e6: {  	v49 =	vld [tilespmem:$0x6E0];
	v26 =	vnsel vm8, $0x1, v59;
	v48 =	vnsel vm7, $0x1, v37;
	vm8 =	vlt.s32 v39, $0x1  }
0x2e7: {  	v55 =	vld [tilespmem:$0x860];
	v5 =	vadd.s32 v28, v5;
	v6 =	vadd.s32 v56, v6;
	v28 =	vnsel vm9, $0x1, v61  }
0x2e8: {  	v27 =	vld [tilespmem:$0x270];
	v50 =	vnsel vm8, $0x1, v39;
	vm9 =	vlt.s32 v41, $0x1;
	vm14 =	vlt.s32 v51, $0x1  }
0x2e9: {  	v31 =	vld [tilespmem:$0x370];
	v5 =	vadd.s32 v30, v5;
	v6 =	vadd.s32 v58, v6;
	v30 =	vnsel vm10, $0x1, v63  }
0x2ea: {  	v57 =	vld [tilespmem:$0x8E0];
	v52 =	vnsel vm9, $0x1, v41;
	vm10 =	vlt.s32 v43, $0x1;
	vm15 =	vlt.s32 v53, $0x1  }
0x2eb: {  	v29 =	vld [tilespmem:$0x2F0];
	v5 =	vadd.s32 v32, v5;
	v6 =	vadd.s32 v60, v6;
	v32 =	vnsel vm11, $0x1, v21  }
0x2ec: {  	v59 =	vld [tilespmem:$0x960];
	v54 =	vnsel vm10, $0x1, v43;
	vm11 =	vlt.s32 v45, $0x1;
	vm4 =	vlt.s32 v55, $0x1  }
0x2ed: {  	v33 =	vld [tilespmem:$0x3F0];
	v5 =	vadd.s32 v34, v5;
	v6 =	vadd.s32 v62, v6;
	v34 =	vnsel vm12, $0x1, v23  }
0x2ee: {  	v35 =	vld [tilespmem:$0x470];
	v56 =	vnsel vm11, $0x1, v45;
	vm12 =	vlt.s32 v47, $0x1;
	v62 =	vnsel vm14, $0x1, v51  }
0x2ef: {  	v61 =	vld [tilespmem:$0x9E0];
	vm5 =	vlt.s32 v57, $0x1;
	vm14 =	vlt.s32 v31, $0x1;
	v5 =	vadd.s32 v36, v5  }
0x2f0: {  	v6 =	vadd.s32 v20, v6;
	v36 =	vnsel vm13, $0x1, v25;
	v58 =	vnsel vm12, $0x1, v47  }
0x2f1: {  	v63 =	vld [tilespmem:$0x70];
	vm13 =	vlt.s32 v49, $0x1;
	v20 =	vnsel vm15, $0x1, v53;
	vm6 =	vlt.s32 v59, $0x1  }
0x2f2: {  	v37 =	vld [tilespmem:$0x4F0];
	vm12 =	vlt.s32 v27, $0x1;
	vm15 =	vlt.s32 v33, $0x1;
	v6 =	vadd.s32 v22, v6  }
0x2f3: {  	v21 =	vld [tilespmem:$0xF0];
	v7 =	vadd.s32 v34, v36;
	v60 =	vnsel vm13, $0x1, v49;
	v22 =	vnsel vm4, $0x1, v55  }
0x2f4: {  	v39 =	vld [tilespmem:$0x570];
	vm7 =	vlt.s32 v61, $0x1;
	vm13 =	vlt.s32 v29, $0x1;
	vm4 =	vlt.s32 v35, $0x1  }
0x2f5: {  	[tilespmem:$0xAA20] =	vst v3;
	v23 =	vld [tilespmem:$0x170];
	v3 =	vcvt.s32.f32 v5;
	v6 =	vadd.s32 v24, v6;
	v7 =	vadd.s32 v38, v7  }
0x2f6: {  	v41 =	vld [tilespmem:$0x5F0];
	v24 =	vnsel vm5, $0x1, v57;
	vm8 =	vlt.s32 v63, $0x1;
	v38 =	vnsel vm12, $0x1, v27  }
0x2f7: {  	v25 =	vld [tilespmem:$0x1F0];
	vm5 =	vlt.s32 v37, $0x1;
	v6 =	vadd.s32 v26, v6;
	v7 =	vadd.s32 v40, v7  }
0x2f8: {  	v26 =	vnsel vm6, $0x1, v59;
	vm9 =	vlt.s32 v21, $0x1;
	v40 =	vnsel vm13, $0x1, v29  }
0x2f9: {  	v43 =	vld [tilespmem:$0x670];
	vm6 =	vlt.s32 v39, $0x1;
	v6 =	vadd.s32 v28, v6;
	v7 =	vadd.s32 v42, v7  }
0x2fa: {  	v47 =	vld [tilespmem:$0x770];
	v28 =	vnsel vm7, $0x1, v61;
	vm10 =	vlt.s32 v23, $0x1;
	v42 =	vnsel vm14, $0x1, v31  }
0x2fb: {  	vm7 =	vlt.s32 v41, $0x1;
	v6 =	vadd.s32 v30, v6;
	v7 =	vadd.s32 v44, v7  }
0x2fc: {  	v45 =	vld [tilespmem:$0x6F0];
	v30 =	vnsel vm8, $0x1, v63;
	v34 =	vnsel vm10, $0x1, v23;
	vm11 =	vlt.s32 v25, $0x1  }
0x2fd: {  	v49 =	vld [tilespmem:$0x7F0];
	v44 =	vnsel vm15, $0x1, v33;
	v6 =	vadd.s32 v32, v6;
	v32 =	vnsel vm9, $0x1, v21  }
0x2fe: {  	v51 =	vnsel vm7, $0x1, v41;
	vm8 =	vlt.s32 v43, $0x1;
	v8 =	vadd.s32 v30, v32  }
0x2ff: {  	v57 =	vld [tilespmem:$0x970];
	vm10 =	vlt.s32 v47, $0x1;
	v36 =	vnsel vm11, $0x1, v25;
	v8 =	vadd.s32 v34, v8  }
0x300: {  	v7 =	vadd.s32 v46, v7;
	v46 =	vnsel vm4, $0x1, v35;
	v8 =	vadd.s32 v36, v8  }
0x301: {  	v53 =	vnsel vm8, $0x1, v43;
	vm9 =	vlt.s32 v45, $0x1;
	v8 =	vadd.s32 v38, v8  }
0x302: {  	v59 =	vld [tilespmem:$0x9F0];
	vm11 =	vlt.s32 v49, $0x1;
	v7 =	vadd.s32 v48, v7;
	v8 =	vadd.s32 v40, v8  }
0x303: {  	v48 =	vnsel vm5, $0x1, v37;
	v55 =	vnsel vm9, $0x1, v45;
	v8 =	vadd.s32 v42, v8  }
0x304: {  	vm14 =	vlt.s32 v57, $0x1;
	v7 =	vadd.s32 v50, v7;
	v8 =	vadd.s32 v44, v8  }
0x305: {  	[tilespmem:$0xAA30] =	vst v2;
	v2 =	vcvt.s32.f32 v6;
	v7 =	vadd.s32 v52, v7;
	v52 =	vld [tilespmem:$0x870];
	v8 =	vadd.s32 v46, v8  }
0x306: {  	v50 =	vnsel vm6, $0x1, v39;
	v7 =	vadd.s32 v54, v7;
	v8 =	vadd.s32 v48, v8  }
0x307: {  	vm15 =	vlt.s32 v59, $0x1;
	v54 =	vld [tilespmem:$0x8F0];
	v7 =	vadd.s32 v56, v7;
	v8 =	vadd.s32 v50, v8  }
0x308: {  	v56 =	vnsel vm10, $0x1, v47;
	v7 =	vadd.s32 v58, v7;
	v8 =	vadd.s32 v51, v8  }
0x309: {  	v58 =	vnsel vm11, $0x1, v49;
	v7 =	vadd.s32 v60, v7;
	v8 =	vadd.s32 v53, v8  }
0x30a: {  	v7 =	vadd.s32 v62, v7;
	vm12 =	vlt.s32 v52, $0x1;
	v8 =	vadd.s32 v55, v8  }
0x30b: {  	v7 =	vadd.s32 v20, v7;
	v60 =	vnsel vm12, $0x1, v52;
	v8 =	vadd.s32 v56, v8  }
0x30c: {  	vm13 =	vlt.s32 v54, $0x1;
	v7 =	vadd.s32 v22, v7;
	v8 =	vadd.s32 v58, v8  }
0x30d: {  	[tilespmem:$0xAA00] =	vst v1;
	v61 =	vnsel vm13, $0x1, v54;
	v7 =	vadd.s32 v24, v7;
	v1 =	vadd.s32 v60, v8  }
0x30e: {  	v62 =	vnsel vm14, $0x1, v57;
	v7 =	vadd.s32 v26, v7;
	v1 =	vadd.s32 v61, v1  }
0x30f: {  	v63 =	vnsel vm15, $0x1, v59;
	v7 =	vadd.s32 v28, v7;
	v1 =	vadd.s32 v62, v1  }
0x310: {  	[tilespmem:$0xAA40] =	vst v3;
	v3 =	vcvt.s32.f32 v7;
	v1 =	vadd.s32 v63, v1  }
0x311: {  	[tilespmem:$0xAA50] =	vst v2;
	v1 =	vcvt.s32.f32 v1  }
0x312: {  	[tilespmem:$0xAA60] =	vst v3  }
0x313: {  	s1 =	simm.s32 $0x400;
	s0 =	simm.s32 $0x0;
	[tilespmem:$0xAA70] =	vst v1  }
.LBB2_16:
0x314: {  	p0 =	sne.s32 s1, $0x7C00;
	[tilespmem:s0+$0x8AF0] =	vst v0  }
0x315: {  	[tilespmem:s0+$0x8A00] =	vst v0  }
0x316: {  	[tilespmem:s0+$0x8A10] =	vst v0  }
0x317: {  	[tilespmem:s0+$0x8A20] =	vst v0  }
0x318: {  	[tilespmem:s0+$0x8A30] =	vst v0  }
0x319: {  	[tilespmem:s0+$0x8A40] =	vst v0  }
0x31a: {  	[tilespmem:s0+$0x8A50] =	vst v0  }
0x31b: {  	[tilespmem:s0+$0x8A60] =	vst v0  }
0x31c: {  	[tilespmem:s0+$0x8A70] =	vst v0  }
0x31d: {  	[tilespmem:s0+$0x8A80] =	vst v0  }
0x31e: {  	[tilespmem:s0+$0x8A90] =	vst v0  }
.Ltmp7:
0x31f: {  	[tilespmem:s0+$0x8AA0] =	vst v0;
	(pc) =	sbr.rel @p0 .LBB2_16-.Ltmp7, $4  }
0x320: {  	[tilespmem:s0+$0x8AB0] =	vst v0  }
0x321: {  	[tilespmem:s0+$0x8AC0] =	vst v0  }
0x322: {  	[tilespmem:s0+$0x8AD0] =	vst v0  }
0x323: {  	[tilespmem:s0+$0x8AE0] =	vst v0;
	s0 =	sshra.s32 s1, $0x2;
	s1 =	sadd.s32 $0x400, s1  }
0x324: {  	[tilespmem:s0+$0x8AF0] =	vst v0  }
0x325: {  	[tilespmem:s0+$0x8A00] =	vst v0  }
0x326: {  	[tilespmem:s0+$0x8A10] =	vst v0  }
0x327: {  	[tilespmem:s0+$0x8A20] =	vst v0  }
0x328: {  	[tilespmem:s0+$0x8A30] =	vst v0  }
0x329: {  	[tilespmem:s0+$0x8A40] =	vst v0  }
0x32a: {  	[tilespmem:s0+$0x8A50] =	vst v0  }
0x32b: {  	[tilespmem:s0+$0x8A60] =	vst v0  }
0x32c: {  	[tilespmem:s0+$0x8A70] =	vst v0  }
0x32d: {  	[tilespmem:s0+$0x8A80] =	vst v0  }
0x32e: {  	[tilespmem:s0+$0x8A90] =	vst v0  }
0x32f: {  	[tilespmem:s0+$0x8AA0] =	vst v0  }
0x330: {  	[tilespmem:s0+$0x8AB0] =	vst v0  }
0x331: {  	[tilespmem:s0+$0x8AC0] =	vst v0  }
0x332: {  	[tilespmem:s0+$0x8AD0] =	vst v0  }
0x333: {  	[tilespmem:s0+$0x8AE0] =	vst v0  }
.LBB2_18:
0x334: {  	_ =	swait.ge [sflag:s21], $0x2000;
	s0 =	sshll.u32 s31, $0x9  }
0x335: {  	[sflag:s21] =	ssyncset.done $0x0;
	s0 =	sand.u32 $0x3FFFFE00, s0  }
0x336: {  	[sflag:s21] =	ssyncadd.s32 $0xFFFFE000;
	s1 =	sor.u32 $0x180, s0  }
0x337: {  	[tilespmem:s22], [sflag:$0x4] =	stream.indirect.gather [hbm4b:s3+s14], $0x40, s1, s14, $0xb8;
	[tilespmem:$0xCB00] =	vst v63  }
0x338: {  	s12 =	simm.s32 $0x400;
	s1 =	simm.s32 $0x0  }
.LBB2_19:
0x339: {  	p0 =	sne.s32 s12, $0x7C00;
	v1 =	vld [tilespmem:s1+$0xAF0]  }
0x33a: {  	v2 =	vld [tilespmem:s1+$0xA00]  }
0x33b: {  	v3 =	vld [tilespmem:s1+$0xA10]  }
0x33c: {  	v4 =	vld [tilespmem:s1+$0xA20]  }
0x33d: {  	v5 =	vld [tilespmem:s1+$0xA30]  }
0x33e: {  	[tilespmem:s1+$0x8AF0] =	vst.add.f32.msk $0xffff, v1  }
0x33f: {  	v1 =	vld [tilespmem:s1+$0xA40]  }
0x340: {  	v6 =	vld [tilespmem:s1+$0xA50]  }
0x341: {  	v7 =	vld [tilespmem:s1+$0xA60]  }
0x342: {  	v8 =	vld [tilespmem:s1+$0xA70]  }
0x343: {  	v9 =	vld [tilespmem:s1+$0xA80]  }
0x344: {  	v10 =	vld [tilespmem:s1+$0xA90]  }
0x345: {  	v11 =	vld [tilespmem:s1+$0xAA0]  }
0x346: {  	v12 =	vld [tilespmem:s1+$0xAB0]  }
0x347: {  	v13 =	vld [tilespmem:s1+$0xAC0]  }
0x348: {  	v14 =	vld [tilespmem:s1+$0xAD0]  }
0x349: {  	v15 =	vld [tilespmem:s1+$0xAE0]  }
0x34a: {  	[tilespmem:s1+$0x8A00] =	vst.add.f32.msk $0xffff, v2  }
0x34b: {  	[tilespmem:s1+$0x8A10] =	vst.add.f32.msk $0xffff, v3  }
0x34c: {  	[tilespmem:s1+$0x8A20] =	vst.add.f32.msk $0xffff, v4  }
0x34d: {  	[tilespmem:s1+$0x8A30] =	vst.add.f32.msk $0xffff, v5  }
0x34e: {  	[tilespmem:s1+$0x8A40] =	vst.add.f32.msk $0xffff, v1  }
0x34f: {  	[tilespmem:s1+$0x8A50] =	vst.add.f32.msk $0xffff, v6  }
0x350: {  	[tilespmem:s1+$0x8A60] =	vst.add.f32.msk $0xffff, v7  }
0x351: {  	[tilespmem:s1+$0x8A70] =	vst.add.f32.msk $0xffff, v8  }
0x352: {  	[tilespmem:s1+$0x8A80] =	vst.add.f32.msk $0xffff, v9  }
0x353: {  	[tilespmem:s1+$0x8A90] =	vst.add.f32.msk $0xffff, v10  }
.Ltmp8:
0x354: {  	[tilespmem:s1+$0x8AA0] =	vst.add.f32.msk $0xffff, v11;
	(pc) =	sbr.rel @p0 .LBB2_19-.Ltmp8, $4  }
0x355: {  	[tilespmem:s1+$0x8AB0] =	vst.add.f32.msk $0xffff, v12  }
0x356: {  	[tilespmem:s1+$0x8AC0] =	vst.add.f32.msk $0xffff, v13  }
0x357: {  	[tilespmem:s1+$0x8AD0] =	vst.add.f32.msk $0xffff, v14  }
0x358: {  	[tilespmem:s1+$0x8AE0] =	vst.add.f32.msk $0xffff, v15;
	s1 =	sshra.s32 s12, $0x2;
	s12 =	sadd.s32 $0x400, s12  }
0x359: {  	v1 =	vld [tilespmem:s1+$0xAF0]  }
0x35a: {  	v2 =	vld [tilespmem:s1+$0xA00]  }
0x35b: {  	v3 =	vld [tilespmem:s1+$0xA10]  }
0x35c: {  	v4 =	vld [tilespmem:s1+$0xA20]  }
0x35d: {  	v5 =	vld [tilespmem:s1+$0xA30]  }
0x35e: {  	v6 =	vld [tilespmem:s1+$0xA50]  }
0x35f: {  	v7 =	vld [tilespmem:s1+$0xA60]  }
0x360: {  	v8 =	vld [tilespmem:s1+$0xA70]  }
0x361: {  	v9 =	vld [tilespmem:s1+$0xA80]  }
0x362: {  	v10 =	vld [tilespmem:s1+$0xA90]  }
0x363: {  	v11 =	vld [tilespmem:s1+$0xAA0]  }
0x364: {  	v12 =	vld [tilespmem:s1+$0xAB0]  }
0x365: {  	v13 =	vld [tilespmem:s1+$0xAC0]  }
0x366: {  	v14 =	vld [tilespmem:s1+$0xAD0]  }
0x367: {  	v15 =	vld [tilespmem:s1+$0xAE0]  }
0x368: {  	[tilespmem:s1+$0x8AF0] =	vst.add.f32.msk $0xffff, v1  }
0x369: {  	v1 =	vld [tilespmem:s1+$0xA40]  }
0x36a: {  	[tilespmem:s1+$0x8A00] =	vst.add.f32.msk $0xffff, v2  }
0x36b: {  	[tilespmem:s1+$0x8A10] =	vst.add.f32.msk $0xffff, v3  }
0x36c: {  	[tilespmem:s1+$0x8A20] =	vst.add.f32.msk $0xffff, v4  }
0x36d: {  	[tilespmem:s1+$0x8A30] =	vst.add.f32.msk $0xffff, v5  }
0x36e: {  	[tilespmem:s1+$0x8A50] =	vst.add.f32.msk $0xffff, v6  }
0x36f: {  	[tilespmem:s1+$0x8A60] =	vst.add.f32.msk $0xffff, v7  }
0x370: {  	[tilespmem:s1+$0x8A70] =	vst.add.f32.msk $0xffff, v8  }
0x371: {  	[tilespmem:s1+$0x8A80] =	vst.add.f32.msk $0xffff, v9  }
0x372: {  	[tilespmem:s1+$0x8A90] =	vst.add.f32.msk $0xffff, v10  }
0x373: {  	[tilespmem:s1+$0x8AA0] =	vst.add.f32.msk $0xffff, v11  }
0x374: {  	[tilespmem:s1+$0x8AB0] =	vst.add.f32.msk $0xffff, v12  }
0x375: {  	[tilespmem:s1+$0x8AC0] =	vst.add.f32.msk $0xffff, v13  }
0x376: {  	[tilespmem:s1+$0x8AD0] =	vst.add.f32.msk $0xffff, v14  }
0x377: {  	[tilespmem:s1+$0x8AE0] =	vst.add.f32.msk $0xffff, v15  }
0x378: {  	[tilespmem:s1+$0x8A40] =	vst.add.f32.msk $0xffff, v1  }
0x379: {  	p0 =	seq.s32 s31, $0x4;
	_ =	swait.ge [sflag:s23], $0x2000  }
0x37a: {  	s12 =	simm.s32 @!p0 $0x80;
	[sflag:s23] =	ssyncset.done $0x0  }
0x37b: {  	s15 =	simm.s32 @!p0 $0xA00;
	s1 =	sadd.s32 @!p0 $0x200, s0;
	[sflag:s23] =	ssyncadd.s32 $0xFFFFE000  }
0x37c: {  	[tilespmem:s15], [sflag:$0x1] =	stream.indirect.gather @!p0 [hbm4b:s3+s12], $0x40, s1, s12, $0xb8;
	[tilespmem:$0xCB00] =	vst v63  }
0x37d: {  	s1 =	simm.s32 $0x0;
	s12 =	simm.s32 $0x400  }
.LBB2_21:
0x37e: {  	p1 =	sne.s32 s12, $0x7C00;
	v1 =	vld [tilespmem:s1+$0x2AF0]  }
0x37f: {  	v2 =	vld [tilespmem:s1+$0x2A00]  }
0x380: {  	v3 =	vld [tilespmem:s1+$0x2A10]  }
0x381: {  	v4 =	vld [tilespmem:s1+$0x2A20]  }
0x382: {  	v5 =	vld [tilespmem:s1+$0x2A30]  }
0x383: {  	[tilespmem:s1+$0x8AF0] =	vst.add.f32.msk $0xffff, v1  }
0x384: {  	v1 =	vld [tilespmem:s1+$0x2A40]  }
0x385: {  	v6 =	vld [tilespmem:s1+$0x2A50]  }
0x386: {  	v7 =	vld [tilespmem:s1+$0x2A60]  }
0x387: {  	v8 =	vld [tilespmem:s1+$0x2A70]  }
0x388: {  	v9 =	vld [tilespmem:s1+$0x2A80]  }
0x389: {  	v10 =	vld [tilespmem:s1+$0x2A90]  }
0x38a: {  	v11 =	vld [tilespmem:s1+$0x2AA0]  }
0x38b: {  	v12 =	vld [tilespmem:s1+$0x2AB0]  }
0x38c: {  	v13 =	vld [tilespmem:s1+$0x2AC0]  }
0x38d: {  	v14 =	vld [tilespmem:s1+$0x2AD0]  }
0x38e: {  	v15 =	vld [tilespmem:s1+$0x2AE0]  }
0x38f: {  	[tilespmem:s1+$0x8A00] =	vst.add.f32.msk $0xffff, v2  }
0x390: {  	[tilespmem:s1+$0x8A10] =	vst.add.f32.msk $0xffff, v3  }
0x391: {  	[tilespmem:s1+$0x8A20] =	vst.add.f32.msk $0xffff, v4  }
0x392: {  	[tilespmem:s1+$0x8A30] =	vst.add.f32.msk $0xffff, v5  }
0x393: {  	[tilespmem:s1+$0x8A40] =	vst.add.f32.msk $0xffff, v1  }
0x394: {  	[tilespmem:s1+$0x8A50] =	vst.add.f32.msk $0xffff, v6  }
0x395: {  	[tilespmem:s1+$0x8A60] =	vst.add.f32.msk $0xffff, v7  }
0x396: {  	[tilespmem:s1+$0x8A70] =	vst.add.f32.msk $0xffff, v8  }
0x397: {  	[tilespmem:s1+$0x8A80] =	vst.add.f32.msk $0xffff, v9  }
0x398: {  	[tilespmem:s1+$0x8A90] =	vst.add.f32.msk $0xffff, v10  }
.Ltmp9:
0x399: {  	[tilespmem:s1+$0x8AA0] =	vst.add.f32.msk $0xffff, v11;
	(pc) =	sbr.rel @p1 .LBB2_21-.Ltmp9, $4  }
0x39a: {  	[tilespmem:s1+$0x8AB0] =	vst.add.f32.msk $0xffff, v12  }
0x39b: {  	[tilespmem:s1+$0x8AC0] =	vst.add.f32.msk $0xffff, v13  }
0x39c: {  	[tilespmem:s1+$0x8AD0] =	vst.add.f32.msk $0xffff, v14  }
0x39d: {  	[tilespmem:s1+$0x8AE0] =	vst.add.f32.msk $0xffff, v15;
	s1 =	sshra.s32 s12, $0x2;
	s12 =	sadd.s32 $0x400, s12  }
0x39e: {  	v1 =	vld [tilespmem:s1+$0x2AF0]  }
0x39f: {  	v2 =	vld [tilespmem:s1+$0x2A00]  }
0x3a0: {  	v3 =	vld [tilespmem:s1+$0x2A10]  }
0x3a1: {  	v4 =	vld [tilespmem:s1+$0x2A20]  }
0x3a2: {  	v5 =	vld [tilespmem:s1+$0x2A30]  }
0x3a3: {  	v6 =	vld [tilespmem:s1+$0x2A50]  }
0x3a4: {  	v7 =	vld [tilespmem:s1+$0x2A60]  }
0x3a5: {  	v8 =	vld [tilespmem:s1+$0x2A70]  }
0x3a6: {  	v9 =	vld [tilespmem:s1+$0x2A80]  }
0x3a7: {  	v10 =	vld [tilespmem:s1+$0x2A90]  }
0x3a8: {  	v11 =	vld [tilespmem:s1+$0x2AA0]  }
0x3a9: {  	v12 =	vld [tilespmem:s1+$0x2AB0]  }
0x3aa: {  	v13 =	vld [tilespmem:s1+$0x2AC0]  }
0x3ab: {  	v14 =	vld [tilespmem:s1+$0x2AD0]  }
0x3ac: {  	v15 =	vld [tilespmem:s1+$0x2AE0]  }
0x3ad: {  	[tilespmem:s1+$0x8AF0] =	vst.add.f32.msk $0xffff, v1  }
0x3ae: {  	v1 =	vld [tilespmem:s1+$0x2A40]  }
0x3af: {  	[tilespmem:s1+$0x8A00] =	vst.add.f32.msk $0xffff, v2  }
0x3b0: {  	[tilespmem:s1+$0x8A10] =	vst.add.f32.msk $0xffff, v3  }
0x3b1: {  	[tilespmem:s1+$0x8A20] =	vst.add.f32.msk $0xffff, v4  }
0x3b2: {  	[tilespmem:s1+$0x8A30] =	vst.add.f32.msk $0xffff, v5  }
0x3b3: {  	[tilespmem:s1+$0x8A50] =	vst.add.f32.msk $0xffff, v6  }
0x3b4: {  	[tilespmem:s1+$0x8A60] =	vst.add.f32.msk $0xffff, v7  }
0x3b5: {  	[tilespmem:s1+$0x8A70] =	vst.add.f32.msk $0xffff, v8  }
0x3b6: {  	[tilespmem:s1+$0x8A80] =	vst.add.f32.msk $0xffff, v9  }
0x3b7: {  	[tilespmem:s1+$0x8A90] =	vst.add.f32.msk $0xffff, v10  }
0x3b8: {  	[tilespmem:s1+$0x8AA0] =	vst.add.f32.msk $0xffff, v11  }
0x3b9: {  	[tilespmem:s1+$0x8AB0] =	vst.add.f32.msk $0xffff, v12  }
0x3ba: {  	[tilespmem:s1+$0x8AC0] =	vst.add.f32.msk $0xffff, v13  }
0x3bb: {  	[tilespmem:s1+$0x8AD0] =	vst.add.f32.msk $0xffff, v14  }
0x3bc: {  	[tilespmem:s1+$0x8AE0] =	vst.add.f32.msk $0xffff, v15  }
0x3bd: {  	[tilespmem:s1+$0x8A40] =	vst.add.f32.msk $0xffff, v1  }
0x3be: {  	_ =	swait.ge [sflag:s24], $0x2000  }
0x3bf: {  	s12 =	simm.s32 @!p0 $0x80;
	[sflag:s24] =	ssyncset.done $0x0  }
0x3c0: {  	s15 =	simm.s32 @!p0 $0x2A00;
	s1 =	sadd.s32 @!p0 $0x280, s0;
	[sflag:s24] =	ssyncadd.s32 $0xFFFFE000  }
0x3c1: {  	[tilespmem:s15], [sflag:$0x2] =	stream.indirect.gather @!p0 [hbm4b:s3+s12], $0x40, s1, s12, $0xb8;
	[tilespmem:$0xCB00] =	vst v63  }
0x3c2: {  	s1 =	simm.s32 $0x0;
	s12 =	simm.s32 $0x400  }
.LBB2_23:
0x3c3: {  	p1 =	sne.s32 s12, $0x7C00;
	v1 =	vld [tilespmem:s1+$0x4AF0]  }
0x3c4: {  	v2 =	vld [tilespmem:s1+$0x4A00]  }
0x3c5: {  	v3 =	vld [tilespmem:s1+$0x4A10]  }
0x3c6: {  	v4 =	vld [tilespmem:s1+$0x4A20]  }
0x3c7: {  	v5 =	vld [tilespmem:s1+$0x4A30]  }
0x3c8: {  	[tilespmem:s1+$0x8AF0] =	vst.add.f32.msk $0xffff, v1  }
0x3c9: {  	v1 =	vld [tilespmem:s1+$0x4A40]  }
0x3ca: {  	v6 =	vld [tilespmem:s1+$0x4A50]  }
0x3cb: {  	v7 =	vld [tilespmem:s1+$0x4A60]  }
0x3cc: {  	v8 =	vld [tilespmem:s1+$0x4A70]  }
0x3cd: {  	v9 =	vld [tilespmem:s1+$0x4A80]  }
0x3ce: {  	v10 =	vld [tilespmem:s1+$0x4A90]  }
0x3cf: {  	v11 =	vld [tilespmem:s1+$0x4AA0]  }
0x3d0: {  	v12 =	vld [tilespmem:s1+$0x4AB0]  }
0x3d1: {  	v13 =	vld [tilespmem:s1+$0x4AC0]  }
0x3d2: {  	v14 =	vld [tilespmem:s1+$0x4AD0]  }
0x3d3: {  	v15 =	vld [tilespmem:s1+$0x4AE0]  }
0x3d4: {  	[tilespmem:s1+$0x8A00] =	vst.add.f32.msk $0xffff, v2  }
0x3d5: {  	[tilespmem:s1+$0x8A10] =	vst.add.f32.msk $0xffff, v3  }
0x3d6: {  	[tilespmem:s1+$0x8A20] =	vst.add.f32.msk $0xffff, v4  }
0x3d7: {  	[tilespmem:s1+$0x8A30] =	vst.add.f32.msk $0xffff, v5  }
0x3d8: {  	[tilespmem:s1+$0x8A40] =	vst.add.f32.msk $0xffff, v1  }
0x3d9: {  	[tilespmem:s1+$0x8A50] =	vst.add.f32.msk $0xffff, v6  }
0x3da: {  	[tilespmem:s1+$0x8A60] =	vst.add.f32.msk $0xffff, v7  }
0x3db: {  	[tilespmem:s1+$0x8A70] =	vst.add.f32.msk $0xffff, v8  }
0x3dc: {  	[tilespmem:s1+$0x8A80] =	vst.add.f32.msk $0xffff, v9  }
0x3dd: {  	[tilespmem:s1+$0x8A90] =	vst.add.f32.msk $0xffff, v10  }
.Ltmp10:
0x3de: {  	[tilespmem:s1+$0x8AA0] =	vst.add.f32.msk $0xffff, v11;
	(pc) =	sbr.rel @p1 .LBB2_23-.Ltmp10, $4  }
0x3df: {  	[tilespmem:s1+$0x8AB0] =	vst.add.f32.msk $0xffff, v12  }
0x3e0: {  	[tilespmem:s1+$0x8AC0] =	vst.add.f32.msk $0xffff, v13  }
0x3e1: {  	[tilespmem:s1+$0x8AD0] =	vst.add.f32.msk $0xffff, v14  }
0x3e2: {  	[tilespmem:s1+$0x8AE0] =	vst.add.f32.msk $0xffff, v15;
	s1 =	sshra.s32 s12, $0x2;
	s12 =	sadd.s32 $0x400, s12  }
0x3e3: {  	v1 =	vld [tilespmem:s1+$0x4AF0]  }
0x3e4: {  	v2 =	vld [tilespmem:s1+$0x4A00]  }
0x3e5: {  	v3 =	vld [tilespmem:s1+$0x4A10]  }
0x3e6: {  	v4 =	vld [tilespmem:s1+$0x4A20]  }
0x3e7: {  	v5 =	vld [tilespmem:s1+$0x4A30]  }
0x3e8: {  	v6 =	vld [tilespmem:s1+$0x4A50]  }
0x3e9: {  	v7 =	vld [tilespmem:s1+$0x4A60]  }
0x3ea: {  	v8 =	vld [tilespmem:s1+$0x4A70]  }
0x3eb: {  	v9 =	vld [tilespmem:s1+$0x4A80]  }
0x3ec: {  	v10 =	vld [tilespmem:s1+$0x4A90]  }
0x3ed: {  	v11 =	vld [tilespmem:s1+$0x4AA0]  }
0x3ee: {  	v12 =	vld [tilespmem:s1+$0x4AB0]  }
0x3ef: {  	v13 =	vld [tilespmem:s1+$0x4AC0]  }
0x3f0: {  	v14 =	vld [tilespmem:s1+$0x4AD0]  }
0x3f1: {  	v15 =	vld [tilespmem:s1+$0x4AE0]  }
0x3f2: {  	[tilespmem:s1+$0x8AF0] =	vst.add.f32.msk $0xffff, v1  }
0x3f3: {  	v1 =	vld [tilespmem:s1+$0x4A40]  }
0x3f4: {  	[tilespmem:s1+$0x8A00] =	vst.add.f32.msk $0xffff, v2  }
0x3f5: {  	[tilespmem:s1+$0x8A10] =	vst.add.f32.msk $0xffff, v3  }
0x3f6: {  	[tilespmem:s1+$0x8A20] =	vst.add.f32.msk $0xffff, v4  }
0x3f7: {  	[tilespmem:s1+$0x8A30] =	vst.add.f32.msk $0xffff, v5  }
0x3f8: {  	[tilespmem:s1+$0x8A50] =	vst.add.f32.msk $0xffff, v6  }
0x3f9: {  	[tilespmem:s1+$0x8A60] =	vst.add.f32.msk $0xffff, v7  }
0x3fa: {  	[tilespmem:s1+$0x8A70] =	vst.add.f32.msk $0xffff, v8  }
0x3fb: {  	[tilespmem:s1+$0x8A80] =	vst.add.f32.msk $0xffff, v9  }
0x3fc: {  	[tilespmem:s1+$0x8A90] =	vst.add.f32.msk $0xffff, v10  }
0x3fd: {  	[tilespmem:s1+$0x8AA0] =	vst.add.f32.msk $0xffff, v11  }
0x3fe: {  	[tilespmem:s1+$0x8AB0] =	vst.add.f32.msk $0xffff, v12  }
0x3ff: {  	[tilespmem:s1+$0x8AC0] =	vst.add.f32.msk $0xffff, v13  }
0x400: {  	[tilespmem:s1+$0x8AD0] =	vst.add.f32.msk $0xffff, v14  }
0x401: {  	[tilespmem:s1+$0x8AE0] =	vst.add.f32.msk $0xffff, v15  }
0x402: {  	[tilespmem:s1+$0x8A40] =	vst.add.f32.msk $0xffff, v1  }
0x403: {  	_ =	swait.ge [sflag:s25], $0x2000  }
0x404: {  	s0 =	sadd.s32 @!p0 $0x300, s0;
	[sflag:s25] =	ssyncset.done $0x0  }
0x405: {  	s12 =	simm.s32 @!p0 $0x4A00;
	s1 =	simm.s32 @!p0 $0x80;
	[sflag:s25] =	ssyncadd.s32 $0xFFFFE000  }
0x406: {  	[tilespmem:s12], [sflag:$0x3] =	stream.indirect.gather @!p0 [hbm4b:s3+s1], $0x40, s0, s1, $0xb8;
	[tilespmem:$0xCB00] =	vst v63  }
0x407: {  	s0 =	simm.s32 $0x0;
	s1 =	simm.s32 $0x400  }
.LBB2_25:
0x408: {  	p0 =	sne.s32 s1, $0x7C00;
	v1 =	vld [tilespmem:s0+$0x6AF0]  }
0x409: {  	v2 =	vld [tilespmem:s0+$0x6A00]  }
0x40a: {  	v3 =	vld [tilespmem:s0+$0x6A10]  }
0x40b: {  	v4 =	vld [tilespmem:s0+$0x6A20]  }
0x40c: {  	v5 =	vld [tilespmem:s0+$0x6A30]  }
0x40d: {  	[tilespmem:s0+$0x8AF0] =	vst.add.f32.msk $0xffff, v1  }
0x40e: {  	v1 =	vld [tilespmem:s0+$0x6A40]  }
0x40f: {  	v6 =	vld [tilespmem:s0+$0x6A50]  }
0x410: {  	v7 =	vld [tilespmem:s0+$0x6A60]  }
0x411: {  	v8 =	vld [tilespmem:s0+$0x6A70]  }
0x412: {  	v9 =	vld [tilespmem:s0+$0x6A80]  }
0x413: {  	v10 =	vld [tilespmem:s0+$0x6A90]  }
0x414: {  	v11 =	vld [tilespmem:s0+$0x6AA0]  }
0x415: {  	v12 =	vld [tilespmem:s0+$0x6AB0]  }
0x416: {  	v13 =	vld [tilespmem:s0+$0x6AC0]  }
0x417: {  	v14 =	vld [tilespmem:s0+$0x6AD0]  }
0x418: {  	v15 =	vld [tilespmem:s0+$0x6AE0]  }
0x419: {  	[tilespmem:s0+$0x8A00] =	vst.add.f32.msk $0xffff, v2  }
0x41a: {  	[tilespmem:s0+$0x8A10] =	vst.add.f32.msk $0xffff, v3  }
0x41b: {  	[tilespmem:s0+$0x8A20] =	vst.add.f32.msk $0xffff, v4  }
0x41c: {  	[tilespmem:s0+$0x8A30] =	vst.add.f32.msk $0xffff, v5  }
0x41d: {  	[tilespmem:s0+$0x8A40] =	vst.add.f32.msk $0xffff, v1  }
0x41e: {  	[tilespmem:s0+$0x8A50] =	vst.add.f32.msk $0xffff, v6  }
0x41f: {  	[tilespmem:s0+$0x8A60] =	vst.add.f32.msk $0xffff, v7  }
0x420: {  	[tilespmem:s0+$0x8A70] =	vst.add.f32.msk $0xffff, v8  }
0x421: {  	[tilespmem:s0+$0x8A80] =	vst.add.f32.msk $0xffff, v9  }
0x422: {  	[tilespmem:s0+$0x8A90] =	vst.add.f32.msk $0xffff, v10  }
.Ltmp11:
0x423: {  	[tilespmem:s0+$0x8AA0] =	vst.add.f32.msk $0xffff, v11;
	(pc) =	sbr.rel @p0 .LBB2_25-.Ltmp11, $4  }
0x424: {  	[tilespmem:s0+$0x8AB0] =	vst.add.f32.msk $0xffff, v12  }
0x425: {  	[tilespmem:s0+$0x8AC0] =	vst.add.f32.msk $0xffff, v13  }
0x426: {  	[tilespmem:s0+$0x8AD0] =	vst.add.f32.msk $0xffff, v14  }
0x427: {  	[tilespmem:s0+$0x8AE0] =	vst.add.f32.msk $0xffff, v15;
	s0 =	sshra.s32 s1, $0x2;
	s1 =	sadd.s32 $0x400, s1  }
0x428: {  	v1 =	vld [tilespmem:s0+$0x6AF0]  }
0x429: {  	v2 =	vld [tilespmem:s0+$0x6A00]  }
0x42a: {  	v3 =	vld [tilespmem:s0+$0x6A10]  }
0x42b: {  	v4 =	vld [tilespmem:s0+$0x6A20]  }
0x42c: {  	v5 =	vld [tilespmem:s0+$0x6A30]  }
0x42d: {  	v6 =	vld [tilespmem:s0+$0x6A50]  }
0x42e: {  	v7 =	vld [tilespmem:s0+$0x6A60]  }
0x42f: {  	v8 =	vld [tilespmem:s0+$0x6A70]  }
0x430: {  	v9 =	vld [tilespmem:s0+$0x6A80]  }
0x431: {  	v10 =	vld [tilespmem:s0+$0x6A90]  }
0x432: {  	v11 =	vld [tilespmem:s0+$0x6AA0]  }
0x433: {  	v12 =	vld [tilespmem:s0+$0x6AB0]  }
0x434: {  	v13 =	vld [tilespmem:s0+$0x6AC0]  }
0x435: {  	v14 =	vld [tilespmem:s0+$0x6AD0]  }
0x436: {  	v15 =	vld [tilespmem:s0+$0x6AE0]  }
0x437: {  	[tilespmem:s0+$0x8AF0] =	vst.add.f32.msk $0xffff, v1  }
0x438: {  	v1 =	vld [tilespmem:s0+$0x6A40]  }
0x439: {  	[tilespmem:s0+$0x8A00] =	vst.add.f32.msk $0xffff, v2  }
0x43a: {  	[tilespmem:s0+$0x8A10] =	vst.add.f32.msk $0xffff, v3  }
0x43b: {  	[tilespmem:s0+$0x8A20] =	vst.add.f32.msk $0xffff, v4  }
0x43c: {  	[tilespmem:s0+$0x8A30] =	vst.add.f32.msk $0xffff, v5  }
0x43d: {  	[tilespmem:s0+$0x8A50] =	vst.add.f32.msk $0xffff, v6  }
0x43e: {  	[tilespmem:s0+$0x8A60] =	vst.add.f32.msk $0xffff, v7  }
0x43f: {  	[tilespmem:s0+$0x8A70] =	vst.add.f32.msk $0xffff, v8  }
0x440: {  	[tilespmem:s0+$0x8A80] =	vst.add.f32.msk $0xffff, v9  }
0x441: {  	s31 =	sadd.s32 $0x1, s31;
	[tilespmem:s0+$0x8A90] =	vst.add.f32.msk $0xffff, v10  }
0x442: {  	p0 =	sne.s32 s31, $0x5;
	[tilespmem:s0+$0x8AA0] =	vst.add.f32.msk $0xffff, v11  }
.Ltmp12:
0x443: {  	[tilespmem:s0+$0x8AB0] =	vst.add.f32.msk $0xffff, v12;
	(pc) =	sbr.rel @p0 .LBB2_18-.Ltmp12, $4  }
0x444: {  	[tilespmem:s0+$0x8AC0] =	vst.add.f32.msk $0xffff, v13  }
0x445: {  	[tilespmem:s0+$0x8AD0] =	vst.add.f32.msk $0xffff, v14  }
0x446: {  	[tilespmem:s0+$0x8AE0] =	vst.add.f32.msk $0xffff, v15  }
0x447: {  	[tilespmem:s0+$0x8A40] =	vst.add.f32.msk $0xffff, v1  }
0x448: {  	s0 =	simm.s32 $0x0  }
0x449: {  	v1 =	vmov s0  }
0x44a: {  	v1 =	vand.u32 $0xFFFFFFFE, v1  }
0x44b: {  	v1 =	vbroadcast v1, $0x0;
	_ =	sdelay $0x3  }
0x44c: {  	s0 =	simm.s32 $0x8A40  }
0x44d: {  	v2 =	vld [tilespmem:s0+$0xFFFFFFF0]  }
0x44e: {  	v1 =	vld.idx.msk [tilespmem:v1+s26+$0x0], $0xffff  }
0x44f: {  	v3 =	vld [tilespmem:s0+$0xFFFFFFC0]  }
0x450: {  	v4 =	vld [tilespmem:s0+$0xFFFFFFD0]  }
0x451: {  	v5 =	vld [tilespmem:s0+$0xFFFFFFE0];
	_ =	sdelay $0x1  }
0x452: {  	s1 =	simm.s32 $0x1;
	v2 =	vmul.f32 v2, v1  }
0x453: {  	v6 =	vmov s1;
	v3 =	vmul.f32 v3, v1  }
0x454: {  	v4 =	vmul.f32 v4, v1;
	[tilespmem:s0+$0xFFFFFFF0] =	vst v2  }
0x455: {  	v1 =	vmul.f32 v5, v1;
	[tilespmem:s0+$0xFFFFFFC0] =	vst v3  }
0x456: {  	v5 =	vld [tilespmem:s0+$0x0];
	[tilespmem:s0+$0xFFFFFFD0] =	vst v4  }
0x457: {  	[tilespmem:s0+$0xFFFFFFE0] =	vst v1;
	v2 =	vld [tilespmem:s0+$0x30]  }
0x458: {  	v1 =	vld.idx.msk [tilespmem:v6+s26+$0x0], $0xffff  }
0x459: {  	s1 =	simm.s32 $0x2;
	v4 =	vld [tilespmem:s0+$0x10]  }
0x45a: {  	s12 =	simm.s32 $0x4;
	s31 =	simm.s32 $0x8A40;
	v3 =	vld [tilespmem:s0+$0x20];
	v6 =	vmov s1  }
.LBB2_28:
0x45b: {  	p0 =	sne.s32 s12, $0x7E  }
0x45c: {  	v6 =	vand.u32 $0xFFFFFFFE, v6;
	s0 =	sadd.s32 $0x80, s0;
	s15 =	smov.u32 s12;
	s12 =	sadd.s32 $0x2, s12  }
0x45d: {  	v6 =	vbroadcast v6, $0x0;
	v5 =	vmul.f32 v5, v1  }
0x45e: {  	v2 =	vmul.f32 v2, v1;
	v4 =	vmul.f32 v4, v1  }
0x45f: {  	[tilespmem:s31+$0x0] =	vst v5;
	v1 =	vmul.f32 v3, v1  }
0x460: {  	[tilespmem:s31+$0x30] =	vst v2  }
0x461: {  	v2 =	vld [tilespmem:s0+$0xFFFFFFF0];
	[tilespmem:s31+$0x10] =	vst v4  }
0x462: {  	v3 =	vld [tilespmem:s0+$0xFFFFFFD0];
	[tilespmem:s31+$0x20] =	vst v1;
	s31 =	smov.u32 s0  }
0x463: {  	v1 =	vld.idx.msk [tilespmem:v6+s26+$0x0], $0xffff  }
0x464: {  	v4 =	vld [tilespmem:s0+$0xFFFFFFC0]  }
0x465: {  	v5 =	vld [tilespmem:s0+$0xFFFFFFE0];
	_ =	sdelay $0x3  }
0x466: {  	s16 =	sadd.s32 $0x1, s1;
	s1 =	smov.u32 s15;
	v2 =	vmul.f32 v2, v1;
	v4 =	vmul.f32 v4, v1  }
0x467: {  	v3 =	vmul.f32 v3, v1;
	v1 =	vmul.f32 v5, v1;
	v5 =	vmov s16  }
0x468: {  	[tilespmem:s0+$0xFFFFFFF0] =	vst v2  }
0x469: {  	[tilespmem:s0+$0xFFFFFFC0] =	vst v4  }
0x46a: {  	[tilespmem:s0+$0xFFFFFFD0] =	vst v3  }
0x46b: {  	[tilespmem:s0+$0xFFFFFFE0] =	vst v1;
	v2 =	vld [tilespmem:s0+$0x30]  }
.Ltmp13:
0x46c: {  	v1 =	vld.idx.msk [tilespmem:v5+s26+$0x0], $0xffff;
	(pc) =	sbr.rel @p0 .LBB2_28-.Ltmp13, $4  }
0x46d: {  	v5 =	vld [tilespmem:s0+$0x0]  }
0x46e: {  	v4 =	vld [tilespmem:s0+$0x10]  }
0x46f: {  	v3 =	vld [tilespmem:s0+$0x20]  }
0x470: {  	v6 =	vmov s1  }
0x471: {  	v6 =	vand.u32 $0xFFFFFFFE, v6  }
0x472: {  	v2 =	vmul.f32 v2, v1;
	v6 =	vbroadcast v6, $0x0  }
0x473: {  	v5 =	vmul.f32 v5, v1  }
0x474: {  	v4 =	vmul.f32 v4, v1;
	[tilespmem:s31+$0x30] =	vst v2  }
0x475: {  	s0 =	sadd.s32 $0x80, s0;
	[tilespmem:s31+$0x0] =	vst v5;
	v1 =	vmul.f32 v3, v1  }
0x476: {  	v2 =	vld [tilespmem:s0+$0xFFFFFFF0];
	[tilespmem:s31+$0x10] =	vst v4  }
0x477: {  	[tilespmem:s31+$0x20] =	vst v1  }
0x478: {  	v1 =	vld.idx.msk [tilespmem:v6+s26+$0x0], $0xffff  }
0x479: {  	v3 =	vld [tilespmem:s0+$0xFFFFFFC0]  }
0x47a: {  	v60 =	vld [tilespmem:s0+$0xFFFFFFD0]  }
0x47b: {  	v5 =	vld [tilespmem:s0+$0xFFFFFFE0];
	_ =	sdelay $0x1  }
0x47c: {  	s1 =	sadd.s32 $0x1, s1;
	v2 =	vmul.f32 v2, v1  }
0x47d: {  	v61 =	vmov s1;
	v3 =	vmul.f32 v3, v1  }
0x47e: {  	v4 =	vmul.f32 v60, v1;
	[tilespmem:s0+$0xFFFFFFF0] =	vst v2  }
0x47f: {  	v1 =	vmul.f32 v5, v1;
	[tilespmem:s0+$0xFFFFFFC0] =	vst v3  }
0x480: {  	[tilespmem:s0+$0xFFFFFFD0] =	vst v4  }
0x481: {  	[tilespmem:s0+$0xFFFFFFE0] =	vst v1;
	v2 =	vld [tilespmem:s0+$0x0]  }
0x482: {  	v1 =	vld.idx.msk [tilespmem:v61+s26+$0x0], $0xffff  }
0x483: {  	v3 =	vld [tilespmem:s0+$0x30]  }
0x484: {  	v62 =	vld [tilespmem:s0+$0x10]  }
0x485: {  	v63 =	vld [tilespmem:s0+$0x20];
	_ =	sdelay $0x1  }
0x486: {  	v2 =	vmul.f32 v2, v1  }
0x487: {  	v3 =	vmul.f32 v3, v1  }
0x488: {  	v4 =	vmul.f32 v62, v1;
	[tilespmem:s0+$0x0] =	vst v2  }
0x489: {  	v1 =	vmul.f32 v63, v1;
	[tilespmem:s0+$0x30] =	vst v3  }
0x48a: {  	[tilespmem:s0+$0x10] =	vst v4  }
0x48b: {  	[tilespmem:s0+$0x20] =	vst v1  }
0x48c: {  	[hbm4b:s9+s2] =	stream.linear.scatter [tilespmem:s28], [sflag:$0x6], $0x2000, $0x38;
	[tilespmem:$0xCB00] =	vst v63  }
0x48d: {  	_ =	swait.ge [sflag:s13], $0x2000  }
0x48e: {  	[sflag:s13] =	ssyncset.done $0x0  }
0x48f: {  	[sflag:s13] =	ssyncadd.s32 $0xFFFFE000  }
0x490: {  	s30 =	sadd.s32 $0x1, s30;
	_ =	swait.ge [sflag:s29], $0x2000  }
0x491: {  	p0 =	sne.s32 s30, s11;
	[sflag:s29] =	ssyncset.done $0x0  }
.Ltmp14:
0x492: {  	s1 =	simm.s32 $0xAB00;
	[sflag:s29] =	ssyncadd.s32 $0xFFFFE000;
	(pc) =	sbr.rel @p0 .LBB2_1-.Ltmp14, $4  }
0x493: {  	[hbm4b:s10+s2] =	stream.linear.scatter [tilespmem:s1], [sflag:$0x6], $0x2000, $0x38;
	[tilespmem:$0xCB00] =	vst v63  }
0x494: {  	_ =	swait.ge [sflag:s13], $0x2000  }
0x495: {  	[sflag:s13] =	ssyncset.done $0x0  }
0x496: {  	[sflag:s13] =	ssyncadd.s32 $0xFFFFE000  }
0x497: {  	_ =	sfence.sel $0x180000  }
0x498: {  	[bflag:$0x0] =	sbarrier.arrive $0xFFFF  }
0x499: {  	_ =	strace $0x90000047  }
0x49a: {  	s0 =	stileid.u32;
	[bflag:$0x2] =	sbarrier.arrive $0xFFFF  }
0x49b: {  	p0 =	sne.s32 s0, $0x0;
	s0 =	rddreg [dreg:$0x2]  }
0x49c: {  	s0 =	sadd.s32 @!p0 $0x100000, s0  }
0x49d: {  	[sflag:s0] =	ssyncadd.tile.s32 @!p0 $0x1;
	_ =	shalt  }
.Lfunc_end2:
_tile_overlayer_lowered:
.L_overlay_start_2:
0x49e: {  	(tag) =	ssettag $0x2  }
0x49f: {  	s0 =	rddreg [dreg:$0x0];
	s2 =	stileid.u32  }
0x4a0: {  	s1 =	rddreg [dreg:$0x1];
	p0 =	sne.s32 s2, $0x0  }
0x4a1: {  	s3 =	rddreg [dreg:$0x2];
	[bflag:$0x3] =	sbarrier.arrive $0xFFFF;
	s2 =	simm.s32 @!p0 $0x1C06  }
0x4a2: {  	[timem:s3], [sflag:s2] =	dma.local @!p0 [hbm:s0], s1  }
0x4a3: {  	s0 =	simm.s32 @!p0 $0x6  }
0x4a4: {  	_ =	swait.ge @!p0 [sflag:s0], s1  }
0x4a5: {  	s1 =	ssub.s32 @!p0 $0x0, s1;
	[sflag:s0] =	ssyncset.done @!p0 $0x0  }
0x4a6: {  	[sflag:s0] =	ssyncadd.s32 @!p0 s1  }
0x4a7: {  	[bflag:$0x3] =	sbarrier.arrive $0xFFFF  }
0x4a8: {  	_ =	shalt  }

</sc_bundles>
